<compile_context>
chip_gen: v7x
topology: tpu7x:2x2x1
jax: 0.10.2.dev20260603
libtpu: 0.0.44.dev20260713+nightly
codegen_flags: <defaults>
</compile_context>

<pallas_src>
import functools

import jax
import jax.numpy as jnp
from jax import lax
from jax.experimental import pallas as pl
from jax.experimental.pallas import tpu as pltpu
from jax.experimental.pallas import tpu_sc as plsc

_B = 128
_V = 100000
_L = 16
_NC = 2
_NS = 16
_NW = _NC * _NS
_RPW = _B // _NW

_CH = 12800
_MAIN = 99968
_TAIL = _V - _MAIN
_CHUNKS = [(c * _CH, _CH) for c in range(7)] + [(7 * _CH, _MAIN - 7 * _CH)]
_NCH = len(_CHUNKS)

_J = 25
_SEG_W = _J * _L
_NFULL = _MAIN // _SEG_W
_SHORT_J = (_MAIN - _NFULL * _SEG_W) // _L
_NSEG = _NFULL + 1

_K = 5
_NACC = 5
_UNIFORM_W = 0.1
_HARD_W = 1.0 - _UNIFORM_W
_NEG_INF = float("-inf")
_LN2 = 0.6931471805599453
_SQRT2 = 1.4142135623730951


def _vlog(x):
    bits = plsc.bitcast(x, jnp.int32)
    e = lax.shift_right_arithmetic(bits, 23) - 127
    mbits = lax.bitwise_or(lax.bitwise_and(bits, 0x7FFFFF), 0x3F800000)
    m = plsc.bitcast(mbits, jnp.float32)
    big = m > _SQRT2
    m = jnp.where(big, m * 0.5, m)
    e = e + jnp.where(big, 1, 0)
    z = (m - 1.0) / (m + 1.0)
    z2 = z * z
    p = 2.0 * z * (1.0 + z2 * (1.0 / 3.0 + z2 * (0.2 + z2 * (1.0 / 7.0))))
    return e.astype(jnp.float32) * _LN2 + p


def _insert5(state, v):
    m0, m1, m2, m3, m4 = state
    hi = jnp.maximum(m0, v)
    lo = jnp.minimum(m0, v)
    m0 = hi
    hi = jnp.maximum(m1, lo)
    lo = jnp.minimum(m1, lo)
    m1 = hi
    hi = jnp.maximum(m2, lo)
    lo = jnp.minimum(m2, lo)
    m2 = hi
    hi = jnp.maximum(m3, lo)
    lo = jnp.minimum(m3, lo)
    m3 = hi
    m4 = jnp.maximum(m4, lo)
    return m0, m1, m2, m3, m4


def _pop_max(state, ninf):
    m0, m1, m2, m3, m4 = state
    mx = jnp.full((_L,), jnp.max(m0), jnp.float32)
    eq = m0 == mx
    first = eq & (plsc.cumsum(eq.astype(jnp.int32)) == 1)
    m0 = jnp.where(first, m1, m0)
    m1 = jnp.where(first, m2, m1)
    m2 = jnp.where(first, m3, m2)
    m3 = jnp.where(first, m4, m3)
    m4 = jnp.where(first, ninf, m4)
    return mx, (m0, m1, m2, m3, m4)


def _make_sc_kernel():
    mesh = plsc.VectorSubcoreMesh(core_axis_name="c", subcore_axis_name="s")

    @functools.partial(
        pl.kernel,
        out_type=jax.ShapeDtypeStruct((_NW, _L), jnp.float32),
        mesh=mesh,
        compiler_params=pltpu.CompilerParams(
            needs_layout_passes=False, use_tc_tiling_on_sc=True),
        scratch_types=[
            pltpu.VMEM((_V,), jnp.float32),
            pltpu.VMEM((_NSEG * _L,), jnp.float32),
            pltpu.VMEM((_B,), jnp.int32),
            pltpu.VMEM((_TAIL, _B), jnp.float32),
            pltpu.VMEM((_L,), jnp.float32),
            pltpu.SemaphoreType.DMA,
            pltpu.SemaphoreType.DMA,
        ],
    )
    def sc_loss(logits_hbm, tail_hbm, labels_hbm, out_hbm, row_buf, sm_buf,
                labels_buf, tail_buf, stage, sem0, sem1):
        wid = lax.axis_index("s") * _NC + lax.axis_index("c")
        base_row = wid * _RPW
        pltpu.sync_copy(labels_hbm, labels_buf)
        pltpu.sync_copy(tail_hbm, tail_buf)
        sems = (sem0, sem1)
        ninf = jnp.full((_L,), _NEG_INF, jnp.float32)
        zero = jnp.zeros((_L,), jnp.float32)
        iota = lax.iota(jnp.int32, _L)

        def chunk_copy(row, c):
            off, ln = _CHUNKS[c]
            return pltpu.make_async_copy(
                logits_hbm.at[row].at[pl.ds(off, ln)],
                row_buf.at[pl.ds(off, ln)],
                sems[c % 2])

        chunk_copy(base_row, 0).start()
        chunk_copy(base_row, 1).start()

        def seg_update(carry, base, nj):
            ss = list(carry[:_NACC])
            a = carry[_NACC:]
            gs = [ninf] * _NACC
            for j in range(nj):
                v = row_buf[pl.ds(base + j * _L, _L)]
                ss[j % _NACC] = ss[j % _NACC] + jnp.exp(v)
                gs[j % _NACC] = jnp.maximum(gs[j % _NACC], v)
            gm = jnp.maximum(jnp.maximum(gs[0], gs[1]),
                             jnp.maximum(jnp.maximum(gs[2], gs[3]), gs[4]))
            return ss, a, gm

        def row_body(r, acc):
            row = base_row + r

            carry = (zero,) * _NACC + (ninf,) * _K
            for c in range(_NCH):
                off, ln = _CHUNKS[c]
                seg0 = off // _SEG_W
                chunk_copy(row, c).wait()
                if c + 2 < _NCH:
                    chunk_copy(row, c + 2).start()

                def seg_body(g, carry, off=off, seg0=seg0):
                    base = pl.multiple_of(off + g * _SEG_W, _L)
                    ss, a, gm = seg_update(carry, base, _J)
                    sm_buf[pl.ds(pl.multiple_of((seg0 + g) * _L, _L), _L)] = gm
                    a = _insert5(a, gm)
                    return tuple(ss) + a

                carry = lax.fori_loop(0, ln // _SEG_W, seg_body, carry)

            ss, a, gm = seg_update(carry, _NFULL * _SEG_W, _SHORT_J)
            sm_buf[pl.ds(_NFULL * _L, _L)] = gm
            sm_state = _insert5(a, gm)

            rowv = jnp.full((_L,), row, jnp.int32)
            v_t0 = plsc.load_gather(tail_buf, [iota, rowv])
            v_t1 = plsc.load_gather(tail_buf, [iota + _L, rowv])
            ss[0] = ss[0] + jnp.exp(v_t0)
            ss[1] = ss[1] + jnp.exp(v_t1)
            s_vec = (ss[0] + ss[1]) + (ss[2] + ss[3]) + ss[4]

            st = sm_state
            for _ in range(_K):
                theta, st = _pop_max(st, ninf)

            tinit = _insert5(_insert5((ninf,) * _K, v_t0), v_t1)

            def rescan_body(gi, tstate):
                smv = sm_buf[pl.ds(pl.multiple_of(gi * _L, _L), _L)]
                hit = jnp.max(jnp.where(smv >= theta, 1, 0))

                def do_scan(ts):
                    base = pl.multiple_of(gi * _SEG_W, _L)
                    for j in range(_J):
                        ts = _insert5(ts, row_buf[pl.ds(base + j * _L, _L)])
                    return ts

                return lax.cond(hit > 0, do_scan, lambda ts: ts, tstate)

            tstate = lax.fori_loop(0, _NFULL, rescan_body, tinit)

            smv = sm_buf[pl.ds(_NFULL * _L, _L)]
            hit = jnp.max(jnp.where(smv >= theta, 1, 0))

            def short_scan(ts):
                base = _NFULL * _SEG_W
                for j in range(_SHORT_J):
                    ts = _insert5(ts, row_buf[pl.ds(base + j * _L, _L)])
                return ts

            tstate = lax.cond(hit > 0, short_scan, lambda ts: ts, tstate)

            t5_sum = zero
            for _ in range(_K):
                mx, tstate = _pop_max(tstate, ninf)
                t5_sum = t5_sum + mx

            lab_vec = plsc.load_gather(labels_buf, [rowv])
            x_main = plsc.load_gather(row_buf, [lab_vec])
            lab_t = jnp.minimum(jnp.maximum(lab_vec - _MAIN, 0), _TAIL - 1)
            x_tail = plsc.load_gather(tail_buf, [lab_t, rowv])
            x_lab = jnp.where(lab_vec < _MAIN, x_main, x_tail)

            sum_exp = jnp.full((_L,), jnp.sum(s_vec), jnp.float32)
            loss = _vlog(sum_exp) - (_UNIFORM_W / _K) * t5_sum - _HARD_W * x_lab

            @pl.when(r < _RPW - 1)
            def _():
                chunk_copy(row + 1, 0).start()
                chunk_copy(row + 1, 1).start()

            return acc + loss

        acc = lax.fori_loop(0, _RPW, row_body, zero)
        stage[...] = acc
        pltpu.sync_copy(stage, out_hbm.at[wid])

    return sc_loss


_sc_loss = _make_sc_kernel()


def kernel(logits, labels):
    tail = logits[:, _MAIN:].T
    per_worker = _sc_loss(logits, tail, labels.astype(jnp.int32))
    return jnp.sum(per_worker[:, 0]) / _B

# --- scband reference (transcript-rebuilt; emitter-appended) ---
"""Pipeline reference for scband-top-ksmoothing-loss-82660940579516 (READ-ONLY COPY).

The authoritative reference and input builder live on the scoring server;
editing this copy changes nothing except your own understanding.
"""

import jax, jax.numpy as jnp
import numpy as np


def setup_inputs(seed: int = 0) -> dict:
    key = jax.random.key(seed)
    k1, k2 = jax.random.split(key)
    logits = jax.random.normal(k1, (128, 100000), dtype=jnp.float32)
    labels = jax.random.randint(k2, (128,), 0, 100000)
    return {"logits": logits, "labels": labels}


def reference(logits, labels):
    k = 5
    uniform_weight = 0.1
    hard_weight = 1.0 - uniform_weight
    B, V = logits.shape
    # top-k indices along last dim
    _, topk_idx = jax.lax.top_k(logits, k)
    # scatter 1/k into a zeros tensor at top-k positions (soft target distribution)
    uniform_labels = jnp.zeros_like(logits).at[jnp.arange(B)[:, None], topk_idx].set(1.0 / k)
    logp = jax.nn.log_softmax(logits, axis=-1)
    # CrossEntropyLoss with soft (probability) targets, reduction='mean'
    uniform_loss = jnp.mean(-jnp.sum(uniform_labels * logp, axis=-1)) * uniform_weight
    # CrossEntropyLoss with hard integer labels, reduction='mean'
    hard_loss = jnp.mean(-jnp.take_along_axis(logp, labels[:, None], axis=-1)[:, 0]) * hard_weight
    return uniform_loss + hard_loss

if __name__ == "__main__":
    import jax
    _d = setup_inputs()
    print(jax.jit(kernel)(*tuple(_d.values())))

</pallas_src>

<mosaic_0001>
#map = affine_map<(d0, d1) -> (0, 0)>
#map1 = affine_map<(d0, d1) -> (0)>
module attributes {stable_mosaic.version = 14 : i64} {
  func.func @sc_loss(%arg0: i32, %arg1: i32, %arg2: memref<128x100000xf32, #tpu.memory_space<hbm>>, %arg3: memref<32x128xf32, #tpu.memory_space<hbm>>, %arg4: memref<128xi32, #tpu.memory_space<hbm>>, %arg5: memref<32x16xf32, #tpu.memory_space<hbm>>, %arg6: memref<100000xf32, #tpu.memory_space<vmem>>, %arg7: memref<4000xf32, #tpu.memory_space<vmem>>, %arg8: memref<128xi32, #tpu.memory_space<vmem>>, %arg9: memref<32x128xf32, #tpu.memory_space<vmem>>, %arg10: memref<16xf32, #tpu.memory_space<vmem>>, %arg11: memref<!tpu.dma_semaphore, #tpu.memory_space<semaphore_mem>>, %arg12: memref<!tpu.dma_semaphore, #tpu.memory_space<semaphore_mem>>) attributes {dimension_semantics = [#tpu.dimension_semantics<core_parallel>, #tpu.dimension_semantics<subcore_parallel>], iteration_bounds = array<i64: 2, 16>, scalar_prefetch = 0 : i64, scratch_operands = 7 : i64, tpu.core_type = #tpu.core_type<sc_vector_subcore>, window_params = [{transform_indices = #map}, {transform_indices = #map}, {transform_indices = #map1}, {transform_indices = #map}]} {
    %mul3A = arith.constant 2 : i32
    %mul3A_0 = arith.muli %arg1, %mul3A : i32
    %add3A = arith.addi %mul3A_0, %arg0 : i32
    %mul3A_1 = arith.constant 4 : i32
    %mul3A_2 = arith.muli %add3A, %mul3A_1 : i32
    "tpu.region"() ({
      %run_scoped3A = tpu.sem_alloc : memref<!tpu.dma_semaphore, #tpu.memory_space<semaphore_mem>>
      tpu.enqueue_dma source(%arg4 : memref<128xi32, #tpu.memory_space<hbm>>) target(%arg8 : memref<128xi32, #tpu.memory_space<vmem>>) target_semaphore(%run_scoped3A : memref<!tpu.dma_semaphore, #tpu.memory_space<semaphore_mem>>)
      tpu.wait_dma2 semaphore(%run_scoped3A : memref<!tpu.dma_semaphore, #tpu.memory_space<semaphore_mem>>) src(%arg4 : memref<128xi32, #tpu.memory_space<hbm>>) dst(%arg8 : memref<128xi32, #tpu.memory_space<vmem>>)
      tpu.yield
    }) : () -> ()
    "tpu.region"() ({
      %run_scoped3A = tpu.sem_alloc : memref<!tpu.dma_semaphore, #tpu.memory_space<semaphore_mem>>
      tpu.enqueue_dma source(%arg3 : memref<32x128xf32, #tpu.memory_space<hbm>>) target(%arg9 : memref<32x128xf32, #tpu.memory_space<vmem>>) target_semaphore(%run_scoped3A : memref<!tpu.dma_semaphore, #tpu.memory_space<semaphore_mem>>)
      tpu.wait_dma2 semaphore(%run_scoped3A : memref<!tpu.dma_semaphore, #tpu.memory_space<semaphore_mem>>) src(%arg3 : memref<32x128xf32, #tpu.memory_space<hbm>>) dst(%arg9 : memref<32x128xf32, #tpu.memory_space<vmem>>)
      tpu.yield
    }) : () -> ()
    %broadcast_in_dim3A = arith.constant 0xFF800000 : f32
    %broadcast_in_dim3A_3 = vector.broadcast %broadcast_in_dim3A : f32 to vector<16xf32>
    %broadcast_in_dim3A_4 = arith.constant 0.000000e+00 : f32
    %broadcast_in_dim3A_5 = vector.broadcast %broadcast_in_dim3A_4 : f32 to vector<16xf32>
    %iota3A = tpu.iota {dimensions = array<i32: 0>} : vector<16xi32>
    %dma_start3A = arith.constant 0 : i32
    %dma_start3A_6 = tpu.memref_slice %arg6[%dma_start3A] : memref<100000xf32, #tpu.memory_space<vmem>> -> memref<12800xf32, #tpu.memory_space<vmem>>
    %dma_start3A_7 = arith.constant 0 : i32
    %dma_start3A_8 = tpu.memref_slice %arg2[%mul3A_2, %dma_start3A_7] : memref<128x100000xf32, #tpu.memory_space<hbm>> -> memref<1x100000xf32, #tpu.memory_space<hbm>>
    %dma_start3A_9 = tpu.memref_squeeze %dma_start3A_8 : memref<1x100000xf32, #tpu.memory_space<hbm>> -> memref<100000xf32, #tpu.memory_space<hbm>>
    %dma_start3A_10 = arith.constant 0 : i32
    %dma_start3A_11 = tpu.memref_slice %dma_start3A_9[%dma_start3A_10] : memref<100000xf32, #tpu.memory_space<hbm>> -> memref<12800xf32, #tpu.memory_space<hbm>>
    %dma_start3A_12 = arith.constant 0 : i32
    %dma_start3A_13 = tpu.memref_slice %arg6[%dma_start3A_12] : memref<100000xf32, #tpu.memory_space<vmem>> -> memref<12800xf32, #tpu.memory_space<vmem>>
    %dma_start3A_14 = arith.constant 0 : i32
    %dma_start3A_15 = tpu.memref_slice %arg2[%mul3A_2, %dma_start3A_14] : memref<128x100000xf32, #tpu.memory_space<hbm>> -> memref<1x100000xf32, #tpu.memory_space<hbm>>
    %dma_start3A_16 = tpu.memref_squeeze %dma_start3A_15 : memref<1x100000xf32, #tpu.memory_space<hbm>> -> memref<100000xf32, #tpu.memory_space<hbm>>
    %dma_start3A_17 = arith.constant 0 : i32
    %dma_start3A_18 = tpu.memref_slice %dma_start3A_16[%dma_start3A_17] : memref<100000xf32, #tpu.memory_space<hbm>> -> memref<12800xf32, #tpu.memory_space<hbm>>
    tpu.enqueue_dma source(%dma_start3A_18 : memref<12800xf32, #tpu.memory_space<hbm>>) target(%dma_start3A_13 : memref<12800xf32, #tpu.memory_space<vmem>>) target_semaphore(%arg11 : memref<!tpu.dma_semaphore, #tpu.memory_space<semaphore_mem>>)
    %dma_start3A_19 = arith.constant 12800 : i32
    %dma_start3A_20 = tpu.memref_slice %arg6[%dma_start3A_19] : memref<100000xf32, #tpu.memory_space<vmem>> -> memref<12800xf32, #tpu.memory_space<vmem>>
    %dma_start3A_21 = arith.constant 0 : i32
    %dma_start3A_22 = tpu.memref_slice %arg2[%mul3A_2, %dma_start3A_21] : memref<128x100000xf32, #tpu.memory_space<hbm>> -> memref<1x100000xf32, #tpu.memory_space<hbm>>
    %dma_start3A_23 = tpu.memref_squeeze %dma_start3A_22 : memref<1x100000xf32, #tpu.memory_space<hbm>> -> memref<100000xf32, #tpu.memory_space<hbm>>
    %dma_start3A_24 = arith.constant 12800 : i32
    %dma_start3A_25 = tpu.memref_slice %dma_start3A_23[%dma_start3A_24] : memref<100000xf32, #tpu.memory_space<hbm>> -> memref<12800xf32, #tpu.memory_space<hbm>>
    %dma_start3A_26 = arith.constant 12800 : i32
    %dma_start3A_27 = tpu.memref_slice %arg6[%dma_start3A_26] : memref<100000xf32, #tpu.memory_space<vmem>> -> memref<12800xf32, #tpu.memory_space<vmem>>
    %dma_start3A_28 = arith.constant 0 : i32
    %dma_start3A_29 = tpu.memref_slice %arg2[%mul3A_2, %dma_start3A_28] : memref<128x100000xf32, #tpu.memory_space<hbm>> -> memref<1x100000xf32, #tpu.memory_space<hbm>>
    %dma_start3A_30 = tpu.memref_squeeze %dma_start3A_29 : memref<1x100000xf32, #tpu.memory_space<hbm>> -> memref<100000xf32, #tpu.memory_space<hbm>>
    %dma_start3A_31 = arith.constant 12800 : i32
    %dma_start3A_32 = tpu.memref_slice %dma_start3A_30[%dma_start3A_31] : memref<100000xf32, #tpu.memory_space<hbm>> -> memref<12800xf32, #tpu.memory_space<hbm>>
    tpu.enqueue_dma source(%dma_start3A_32 : memref<12800xf32, #tpu.memory_space<hbm>>) target(%dma_start3A_27 : memref<12800xf32, #tpu.memory_space<vmem>>) target_semaphore(%arg12 : memref<!tpu.dma_semaphore, #tpu.memory_space<semaphore_mem>>)
    %scan3A = arith.constant 0 : i32
    %scan3A_33 = arith.constant 4 : i32
    %scan3A_34 = arith.addi %scan3A, %scan3A_33 : i32
    %scan3A_35 = arith.constant 1 : i32
    %scan3A_36 = scf.for %scan3A_39 = %scan3A to %scan3A_34 step %scan3A_35 iter_args(%scan3A_40 = %broadcast_in_dim3A_5) -> (vector<16xf32>)  : i32 {
      %add3A_41 = arith.addi %mul3A_2, %scan3A_39 : i32
      %dma_wait3A = arith.constant 0 : i32
      %dma_wait3A_42 = tpu.memref_slice %arg6[%dma_wait3A] : memref<100000xf32, #tpu.memory_space<vmem>> -> memref<12800xf32, #tpu.memory_space<vmem>>
      %dma_wait3A_43 = arith.constant 0 : i32
      %dma_wait3A_44 = tpu.memref_slice %arg2[%add3A_41, %dma_wait3A_43] : memref<128x100000xf32, #tpu.memory_space<hbm>> -> memref<1x100000xf32, #tpu.memory_space<hbm>>
      %dma_wait3A_45 = tpu.memref_squeeze %dma_wait3A_44 : memref<1x100000xf32, #tpu.memory_space<hbm>> -> memref<100000xf32, #tpu.memory_space<hbm>>
      %dma_wait3A_46 = arith.constant 0 : i32
      %dma_wait3A_47 = tpu.memref_slice %dma_wait3A_45[%dma_wait3A_46] : memref<100000xf32, #tpu.memory_space<hbm>> -> memref<12800xf32, #tpu.memory_space<hbm>>
      %dma_wait3A_48 = arith.constant 0 : i32
      %dma_wait3A_49 = tpu.memref_slice %arg6[%dma_wait3A_48] : memref<100000xf32, #tpu.memory_space<vmem>> -> memref<12800xf32, #tpu.memory_space<vmem>>
      %dma_wait3A_50 = arith.constant 0 : i32
      %dma_wait3A_51 = tpu.memref_slice %arg2[%add3A_41, %dma_wait3A_50] : memref<128x100000xf32, #tpu.memory_space<hbm>> -> memref<1x100000xf32, #tpu.memory_space<hbm>>
      %dma_wait3A_52 = tpu.memref_squeeze %dma_wait3A_51 : memref<1x100000xf32, #tpu.memory_space<hbm>> -> memref<100000xf32, #tpu.memory_space<hbm>>
      %dma_wait3A_53 = arith.constant 0 : i32
      %dma_wait3A_54 = tpu.memref_slice %dma_wait3A_52[%dma_wait3A_53] : memref<100000xf32, #tpu.memory_space<hbm>> -> memref<12800xf32, #tpu.memory_space<hbm>>
      tpu.wait_dma2 semaphore(%arg11 : memref<!tpu.dma_semaphore, #tpu.memory_space<semaphore_mem>>) src(%dma_wait3A_54 : memref<12800xf32, #tpu.memory_space<hbm>>) dst(%dma_wait3A_49 : memref<12800xf32, #tpu.memory_space<vmem>>)
      %dma_start3A_55 = arith.constant 25600 : i32
      %dma_start3A_56 = tpu.memref_slice %arg6[%dma_start3A_55] : memref<100000xf32, #tpu.memory_space<vmem>> -> memref<12800xf32, #tpu.memory_space<vmem>>
      %dma_start3A_57 = arith.constant 0 : i32
      %dma_start3A_58 = tpu.memref_slice %arg2[%add3A_41, %dma_start3A_57] : memref<128x100000xf32, #tpu.memory_space<hbm>> -> memref<1x100000xf32, #tpu.memory_space<hbm>>
      %dma_start3A_59 = tpu.memref_squeeze %dma_start3A_58 : memref<1x100000xf32, #tpu.memory_space<hbm>> -> memref<100000xf32, #tpu.memory_space<hbm>>
      %dma_start3A_60 = arith.constant 25600 : i32
      %dma_start3A_61 = tpu.memref_slice %dma_start3A_59[%dma_start3A_60] : memref<100000xf32, #tpu.memory_space<hbm>> -> memref<12800xf32, #tpu.memory_space<hbm>>
      %dma_start3A_62 = arith.constant 25600 : i32
      %dma_start3A_63 = tpu.memref_slice %arg6[%dma_start3A_62] : memref<100000xf32, #tpu.memory_space<vmem>> -> memref<12800xf32, #tpu.memory_space<vmem>>
      %dma_start3A_64 = arith.constant 0 : i32
      %dma_start3A_65 = tpu.memref_slice %arg2[%add3A_41, %dma_start3A_64] : memref<128x100000xf32, #tpu.memory_space<hbm>> -> memref<1x100000xf32, #tpu.memory_space<hbm>>
      %dma_start3A_66 = tpu.memref_squeeze %dma_start3A_65 : memref<1x100000xf32, #tpu.memory_space<hbm>> -> memref<100000xf32, #tpu.memory_space<hbm>>
      %dma_start3A_67 = arith.constant 25600 : i32
      %dma_start3A_68 = tpu.memref_slice %dma_start3A_66[%dma_start3A_67] : memref<100000xf32, #tpu.memory_space<hbm>> -> memref<12800xf32, #tpu.memory_space<hbm>>
      tpu.enqueue_dma source(%dma_start3A_68 : memref<12800xf32, #tpu.memory_space<hbm>>) target(%dma_start3A_63 : memref<12800xf32, #tpu.memory_space<vmem>>) target_semaphore(%arg11 : memref<!tpu.dma_semaphore, #tpu.memory_space<semaphore_mem>>)
      %scan3A_69 = arith.constant 0 : i32
      %scan3A_70 = arith.constant 32 : i32
      %scan3A_71 = arith.addi %scan3A_69, %scan3A_70 : i32
      %scan3A_72 = arith.constant 1 : i32
      %scan3A_73:10 = scf.for %scan3A_741 = %scan3A_69 to %scan3A_71 step %scan3A_72 iter_args(%scan3A_742 = %broadcast_in_dim3A_5, %scan3A_743 = %broadcast_in_dim3A_5, %scan3A_744 = %broadcast_in_dim3A_5, %scan3A_745 = %broadcast_in_dim3A_5, %scan3A_746 = %broadcast_in_dim3A_5, %scan3A_747 = %broadcast_in_dim3A_3, %scan3A_748 = %broadcast_in_dim3A_3, %scan3A_749 = %broadcast_in_dim3A_3, %scan3A_750 = %broadcast_in_dim3A_3, %scan3A_751 = %broadcast_in_dim3A_3) -> (vector<16xf32>, vector<16xf32>, vector<16xf32>, vector<16xf32>, vector<16xf32>, vector<16xf32>, vector<16xf32>, vector<16xf32>, vector<16xf32>, vector<16xf32>)  : i32 {
        %mul3A_752 = arith.constant 400 : i32
        %mul3A_753 = arith.muli %scan3A_741, %mul3A_752 : i32
        %add3A_754 = arith.constant 0 : i32
        %add3A_755 = arith.addi %add3A_754, %mul3A_753 : i32
        %multiple_of3A = tpu.assume_multiple %add3A_755, 16 : i32
        %add3A_756 = arith.constant 0 : i32
        %add3A_757 = arith.addi %multiple_of3A, %add3A_756 : i32
        %get3A_758 = arith.index_cast %add3A_757 : i32 to index
        %get3A_759 = tpu.vector_load %arg6[%get3A_758] {strides = array<i32>} : memref<100000xf32, #tpu.memory_space<vmem>>, vector<16xf32>,
        %exp3A_760 = math.exp %get3A_759 : vector<16xf32>
        %add3A_761 = arith.addf %scan3A_742, %exp3A_760 : vector<16xf32>
        %max3A_762 = arith.maximumf %broadcast_in_dim3A_3, %get3A_759 : vector<16xf32>
        %add3A_763 = arith.constant 16 : i32
        %add3A_764 = arith.addi %multiple_of3A, %add3A_763 : i32
        %get3A_765 = arith.index_cast %add3A_764 : i32 to index
        %get3A_766 = tpu.vector_load %arg6[%get3A_765] {strides = array<i32>} : memref<100000xf32, #tpu.memory_space<vmem>>, vector<16xf32>,
        %exp3A_767 = math.exp %get3A_766 : vector<16xf32>
        %add3A_768 = arith.addf %scan3A_743, %exp3A_767 : vector<16xf32>
        %max3A_769 = arith.maximumf %broadcast_in_dim3A_3, %get3A_766 : vector<16xf32>
        %add3A_770 = arith.constant 32 : i32
        %add3A_771 = arith.addi %multiple_of3A, %add3A_770 : i32
        %get3A_772 = arith.index_cast %add3A_771 : i32 to index
        %get3A_773 = tpu.vector_load %arg6[%get3A_772] {strides = array<i32>} : memref<100000xf32, #tpu.memory_space<vmem>>, vector<16xf32>,
        %exp3A_774 = math.exp %get3A_773 : vector<16xf32>
        %add3A_775 = arith.addf %scan3A_744, %exp3A_774 : vector<16xf32>
        %max3A_776 = arith.maximumf %broadcast_in_dim3A_3, %get3A_773 : vector<16xf32>
        %add3A_777 = arith.constant 48 : i32
        %add3A_778 = arith.addi %multiple_of3A, %add3A_777 : i32
        %get3A_779 = arith.index_cast %add3A_778 : i32 to index
        %get3A_780 = tpu.vector_load %arg6[%get3A_779] {strides = array<i32>} : memref<100000xf32, #tpu.memory_space<vmem>>, vector<16xf32>,
        %exp3A_781 = math.exp %get3A_780 : vector<16xf32>
        %add3A_782 = arith.addf %scan3A_745, %exp3A_781 : vector<16xf32>
        %max3A_783 = arith.maximumf %broadcast_in_dim3A_3, %get3A_780 : vector<16xf32>
        %add3A_784 = arith.constant 64 : i32
        %add3A_785 = arith.addi %multiple_of3A, %add3A_784 : i32
        %get3A_786 = arith.index_cast %add3A_785 : i32 to index
        %get3A_787 = tpu.vector_load %arg6[%get3A_786] {strides = array<i32>} : memref<100000xf32, #tpu.memory_space<vmem>>, vector<16xf32>,
        %exp3A_788 = math.exp %get3A_787 : vector<16xf32>
        %add3A_789 = arith.addf %scan3A_746, %exp3A_788 : vector<16xf32>
        %max3A_790 = arith.maximumf %broadcast_in_dim3A_3, %get3A_787 : vector<16xf32>
        %add3A_791 = arith.constant 80 : i32
        %add3A_792 = arith.addi %multiple_of3A, %add3A_791 : i32
        %get3A_793 = arith.index_cast %add3A_792 : i32 to index
        %get3A_794 = tpu.vector_load %arg6[%get3A_793] {strides = array<i32>} : memref<100000xf32, #tpu.memory_space<vmem>>, vector<16xf32>,
        %exp3A_795 = math.exp %get3A_794 : vector<16xf32>
        %add3A_796 = arith.addf %add3A_761, %exp3A_795 : vector<16xf32>
        %max3A_797 = arith.maximumf %max3A_762, %get3A_794 : vector<16xf32>
        %add3A_798 = arith.constant 96 : i32
        %add3A_799 = arith.addi %multiple_of3A, %add3A_798 : i32
        %get3A_800 = arith.index_cast %add3A_799 : i32 to index
        %get3A_801 = tpu.vector_load %arg6[%get3A_800] {strides = array<i32>} : memref<100000xf32, #tpu.memory_space<vmem>>, vector<16xf32>,
        %exp3A_802 = math.exp %get3A_801 : vector<16xf32>
        %add3A_803 = arith.addf %add3A_768, %exp3A_802 : vector<16xf32>
        %max3A_804 = arith.maximumf %max3A_769, %get3A_801 : vector<16xf32>
        %add3A_805 = arith.constant 112 : i32
        %add3A_806 = arith.addi %multiple_of3A, %add3A_805 : i32
        %get3A_807 = arith.index_cast %add3A_806 : i32 to index
        %get3A_808 = tpu.vector_load %arg6[%get3A_807] {strides = array<i32>} : memref<100000xf32, #tpu.memory_space<vmem>>, vector<16xf32>,
        %exp3A_809 = math.exp %get3A_808 : vector<16xf32>
        %add3A_810 = arith.addf %add3A_775, %exp3A_809 : vector<16xf32>
        %max3A_811 = arith.maximumf %max3A_776, %get3A_808 : vector<16xf32>
        %add3A_812 = arith.constant 128 : i32
        %add3A_813 = arith.addi %multiple_of3A, %add3A_812 : i32
        %get3A_814 = arith.index_cast %add3A_813 : i32 to index
        %get3A_815 = tpu.vector_load %arg6[%get3A_814] {strides = array<i32>} : memref<100000xf32, #tpu.memory_space<vmem>>, vector<16xf32>,
        %exp3A_816 = math.exp %get3A_815 : vector<16xf32>
        %add3A_817 = arith.addf %add3A_782, %exp3A_816 : vector<16xf32>
        %max3A_818 = arith.maximumf %max3A_783, %get3A_815 : vector<16xf32>
        %add3A_819 = arith.constant 144 : i32
        %add3A_820 = arith.addi %multiple_of3A, %add3A_819 : i32
        %get3A_821 = arith.index_cast %add3A_820 : i32 to index
        %get3A_822 = tpu.vector_load %arg6[%get3A_821] {strides = array<i32>} : memref<100000xf32, #tpu.memory_space<vmem>>, vector<16xf32>,
        %exp3A_823 = math.exp %get3A_822 : vector<16xf32>
        %add3A_824 = arith.addf %add3A_789, %exp3A_823 : vector<16xf32>
        %max3A_825 = arith.maximumf %max3A_790, %get3A_822 : vector<16xf32>
        %add3A_826 = arith.constant 160 : i32
        %add3A_827 = arith.addi %multiple_of3A, %add3A_826 : i32
        %get3A_828 = arith.index_cast %add3A_827 : i32 to index
        %get3A_829 = tpu.vector_load %arg6[%get3A_828] {strides = array<i32>} : memref<100000xf32, #tpu.memory_space<vmem>>, vector<16xf32>,
        %exp3A_830 = math.exp %get3A_829 : vector<16xf32>
        %add3A_831 = arith.addf %add3A_796, %exp3A_830 : vector<16xf32>
        %max3A_832 = arith.maximumf %max3A_797, %get3A_829 : vector<16xf32>
        %add3A_833 = arith.constant 176 : i32
        %add3A_834 = arith.addi %multiple_of3A, %add3A_833 : i32
        %get3A_835 = arith.index_cast %add3A_834 : i32 to index
        %get3A_836 = tpu.vector_load %arg6[%get3A_835] {strides = array<i32>} : memref<100000xf32, #tpu.memory_space<vmem>>, vector<16xf32>,
        %exp3A_837 = math.exp %get3A_836 : vector<16xf32>
        %add3A_838 = arith.addf %add3A_803, %exp3A_837 : vector<16xf32>
        %max3A_839 = arith.maximumf %max3A_804, %get3A_836 : vector<16xf32>
        %add3A_840 = arith.constant 192 : i32
        %add3A_841 = arith.addi %multiple_of3A, %add3A_840 : i32
        %get3A_842 = arith.index_cast %add3A_841 : i32 to index
        %get3A_843 = tpu.vector_load %arg6[%get3A_842] {strides = array<i32>} : memref<100000xf32, #tpu.memory_space<vmem>>, vector<16xf32>,
        %exp3A_844 = math.exp %get3A_843 : vector<16xf32>
        %add3A_845 = arith.addf %add3A_810, %exp3A_844 : vector<16xf32>
        %max3A_846 = arith.maximumf %max3A_811, %get3A_843 : vector<16xf32>
        %add3A_847 = arith.constant 208 : i32
        %add3A_848 = arith.addi %multiple_of3A, %add3A_847 : i32
        %get3A_849 = arith.index_cast %add3A_848 : i32 to index
        %get3A_850 = tpu.vector_load %arg6[%get3A_849] {strides = array<i32>} : memref<100000xf32, #tpu.memory_space<vmem>>, vector<16xf32>,
        %exp3A_851 = math.exp %get3A_850 : vector<16xf32>
        %add3A_852 = arith.addf %add3A_817, %exp3A_851 : vector<16xf32>
        %max3A_853 = arith.maximumf %max3A_818, %get3A_850 : vector<16xf32>
        %add3A_854 = arith.constant 224 : i32
        %add3A_855 = arith.addi %multiple_of3A, %add3A_854 : i32
        %get3A_856 = arith.index_cast %add3A_855 : i32 to index
        %get3A_857 = tpu.vector_load %arg6[%get3A_856] {strides = array<i32>} : memref<100000xf32, #tpu.memory_space<vmem>>, vector<16xf32>,
        %exp3A_858 = math.exp %get3A_857 : vector<16xf32>
        %add3A_859 = arith.addf %add3A_824, %exp3A_858 : vector<16xf32>
        %max3A_860 = arith.maximumf %max3A_825, %get3A_857 : vector<16xf32>
        %add3A_861 = arith.constant 240 : i32
        %add3A_862 = arith.addi %multiple_of3A, %add3A_861 : i32
        %get3A_863 = arith.index_cast %add3A_862 : i32 to index
        %get3A_864 = tpu.vector_load %arg6[%get3A_863] {strides = array<i32>} : memref<100000xf32, #tpu.memory_space<vmem>>, vector<16xf32>,
        %exp3A_865 = math.exp %get3A_864 : vector<16xf32>
        %add3A_866 = arith.addf %add3A_831, %exp3A_865 : vector<16xf32>
        %max3A_867 = arith.maximumf %max3A_832, %get3A_864 : vector<16xf32>
        %add3A_868 = arith.constant 256 : i32
        %add3A_869 = arith.addi %multiple_of3A, %add3A_868 : i32
        %get3A_870 = arith.index_cast %add3A_869 : i32 to index
        %get3A_871 = tpu.vector_load %arg6[%get3A_870] {strides = array<i32>} : memref<100000xf32, #tpu.memory_space<vmem>>, vector<16xf32>,
        %exp3A_872 = math.exp %get3A_871 : vector<16xf32>
        %add3A_873 = arith.addf %add3A_838, %exp3A_872 : vector<16xf32>
        %max3A_874 = arith.maximumf %max3A_839, %get3A_871 : vector<16xf32>
        %add3A_875 = arith.constant 272 : i32
        %add3A_876 = arith.addi %multiple_of3A, %add3A_875 : i32
        %get3A_877 = arith.index_cast %add3A_876 : i32 to index
        %get3A_878 = tpu.vector_load %arg6[%get3A_877] {strides = array<i32>} : memref<100000xf32, #tpu.memory_space<vmem>>, vector<16xf32>,
        %exp3A_879 = math.exp %get3A_878 : vector<16xf32>
        %add3A_880 = arith.addf %add3A_845, %exp3A_879 : vector<16xf32>
        %max3A_881 = arith.maximumf %max3A_846, %get3A_878 : vector<16xf32>
        %add3A_882 = arith.constant 288 : i32
        %add3A_883 = arith.addi %multiple_of3A, %add3A_882 : i32
        %get3A_884 = arith.index_cast %add3A_883 : i32 to index
        %get3A_885 = tpu.vector_load %arg6[%get3A_884] {strides = array<i32>} : memref<100000xf32, #tpu.memory_space<vmem>>, vector<16xf32>,
        %exp3A_886 = math.exp %get3A_885 : vector<16xf32>
        %add3A_887 = arith.addf %add3A_852, %exp3A_886 : vector<16xf32>
        %max3A_888 = arith.maximumf %max3A_853, %get3A_885 : vector<16xf32>
        %add3A_889 = arith.constant 304 : i32
        %add3A_890 = arith.addi %multiple_of3A, %add3A_889 : i32
        %get3A_891 = arith.index_cast %add3A_890 : i32 to index
        %get3A_892 = tpu.vector_load %arg6[%get3A_891] {strides = array<i32>} : memref<100000xf32, #tpu.memory_space<vmem>>, vector<16xf32>,
        %exp3A_893 = math.exp %get3A_892 : vector<16xf32>
        %add3A_894 = arith.addf %add3A_859, %exp3A_893 : vector<16xf32>
        %max3A_895 = arith.maximumf %max3A_860, %get3A_892 : vector<16xf32>
        %add3A_896 = arith.constant 320 : i32
        %add3A_897 = arith.addi %multiple_of3A, %add3A_896 : i32
        %get3A_898 = arith.index_cast %add3A_897 : i32 to index
        %get3A_899 = tpu.vector_load %arg6[%get3A_898] {strides = array<i32>} : memref<100000xf32, #tpu.memory_space<vmem>>, vector<16xf32>,
        %exp3A_900 = math.exp %get3A_899 : vector<16xf32>
        %add3A_901 = arith.addf %add3A_866, %exp3A_900 : vector<16xf32>
        %max3A_902 = arith.maximumf %max3A_867, %get3A_899 : vector<16xf32>
        %add3A_903 = arith.constant 336 : i32
        %add3A_904 = arith.addi %multiple_of3A, %add3A_903 : i32
        %get3A_905 = arith.index_cast %add3A_904 : i32 to index
        %get3A_906 = tpu.vector_load %arg6[%get3A_905] {strides = array<i32>} : memref<100000xf32, #tpu.memory_space<vmem>>, vector<16xf32>,
        %exp3A_907 = math.exp %get3A_906 : vector<16xf32>
        %add3A_908 = arith.addf %add3A_873, %exp3A_907 : vector<16xf32>
        %max3A_909 = arith.maximumf %max3A_874, %get3A_906 : vector<16xf32>
        %add3A_910 = arith.constant 352 : i32
        %add3A_911 = arith.addi %multiple_of3A, %add3A_910 : i32
        %get3A_912 = arith.index_cast %add3A_911 : i32 to index
        %get3A_913 = tpu.vector_load %arg6[%get3A_912] {strides = array<i32>} : memref<100000xf32, #tpu.memory_space<vmem>>, vector<16xf32>,
        %exp3A_914 = math.exp %get3A_913 : vector<16xf32>
        %add3A_915 = arith.addf %add3A_880, %exp3A_914 : vector<16xf32>
        %max3A_916 = arith.maximumf %max3A_881, %get3A_913 : vector<16xf32>
        %add3A_917 = arith.constant 368 : i32
        %add3A_918 = arith.addi %multiple_of3A, %add3A_917 : i32
        %get3A_919 = arith.index_cast %add3A_918 : i32 to index
        %get3A_920 = tpu.vector_load %arg6[%get3A_919] {strides = array<i32>} : memref<100000xf32, #tpu.memory_space<vmem>>, vector<16xf32>,
        %exp3A_921 = math.exp %get3A_920 : vector<16xf32>
        %add3A_922 = arith.addf %add3A_887, %exp3A_921 : vector<16xf32>
        %max3A_923 = arith.maximumf %max3A_888, %get3A_920 : vector<16xf32>
        %add3A_924 = arith.constant 384 : i32
        %add3A_925 = arith.addi %multiple_of3A, %add3A_924 : i32
        %get3A_926 = arith.index_cast %add3A_925 : i32 to index
        %get3A_927 = tpu.vector_load %arg6[%get3A_926] {strides = array<i32>} : memref<100000xf32, #tpu.memory_space<vmem>>, vector<16xf32>,
        %exp3A_928 = math.exp %get3A_927 : vector<16xf32>
        %add3A_929 = arith.addf %add3A_894, %exp3A_928 : vector<16xf32>
        %max3A_930 = arith.maximumf %max3A_895, %get3A_927 : vector<16xf32>
        %max3A_931 = arith.maximumf %max3A_902, %max3A_909 : vector<16xf32>
        %max3A_932 = arith.maximumf %max3A_916, %max3A_923 : vector<16xf32>
        %max3A_933 = arith.maximumf %max3A_932, %max3A_930 : vector<16xf32>
        %max3A_934 = arith.maximumf %max3A_931, %max3A_933 : vector<16xf32>
        %add3A_935 = arith.constant 0 : i32
        %add3A_936 = arith.addi %add3A_935, %scan3A_741 : i32
        %mul3A_937 = arith.constant 16 : i32
        %mul3A_938 = arith.muli %add3A_936, %mul3A_937 : i32
        %multiple_of3A_939 = tpu.assume_multiple %mul3A_938, 16 : i32
        %swap3A_940 = arith.index_cast %multiple_of3A_939 : i32 to index
        %swap3A_941 = tpu.vector_load %arg7[%swap3A_940] {strides = array<i32>} : memref<4000xf32, #tpu.memory_space<vmem>>, vector<16xf32>,
        tpu.vector_store %arg7[%swap3A_940], %max3A_934 {strides = array<i32>} : memref<4000xf32, #tpu.memory_space<vmem>>, vector<16xf32>,
        %max3A_942 = arith.maximumf %scan3A_747, %max3A_934 : vector<16xf32>
        %min3A_943 = arith.minimumf %scan3A_747, %max3A_934 : vector<16xf32>
        %max3A_944 = arith.maximumf %scan3A_748, %min3A_943 : vector<16xf32>
        %min3A_945 = arith.minimumf %scan3A_748, %min3A_943 : vector<16xf32>
        %max3A_946 = arith.maximumf %scan3A_749, %min3A_945 : vector<16xf32>
        %min3A_947 = arith.minimumf %scan3A_749, %min3A_945 : vector<16xf32>
        %max3A_948 = arith.maximumf %scan3A_750, %min3A_947 : vector<16xf32>
        %min3A_949 = arith.minimumf %scan3A_750, %min3A_947 : vector<16xf32>
        %max3A_950 = arith.maximumf %scan3A_751, %min3A_949 : vector<16xf32>
        scf.yield %add3A_901, %add3A_908, %add3A_915, %add3A_922, %add3A_929, %max3A_942, %max3A_944, %max3A_946, %max3A_948, %max3A_950 : vector<16xf32>, vector<16xf32>, vector<16xf32>, vector<16xf32>, vector<16xf32>, vector<16xf32>, vector<16xf32>, vector<16xf32>, vector<16xf32>, vector<16xf32>
      }
      %scan3A_74 = arith.constant 32 : i32
      %dma_wait3A_75 = arith.constant 12800 : i32
      %dma_wait3A_76 = tpu.memref_slice %arg6[%dma_wait3A_75] : memref<100000xf32, #tpu.memory_space<vmem>> -> memref<12800xf32, #tpu.memory_space<vmem>>
      %dma_wait3A_77 = arith.constant 0 : i32
      %dma_wait3A_78 = tpu.memref_slice %arg2[%add3A_41, %dma_wait3A_77] : memref<128x100000xf32, #tpu.memory_space<hbm>> -> memref<1x100000xf32, #tpu.memory_space<hbm>>
      %dma_wait3A_79 = tpu.memref_squeeze %dma_wait3A_78 : memref<1x100000xf32, #tpu.memory_space<hbm>> -> memref<100000xf32, #tpu.memory_space<hbm>>
      %dma_wait3A_80 = arith.constant 12800 : i32
      %dma_wait3A_81 = tpu.memref_slice %dma_wait3A_79[%dma_wait3A_80] : memref<100000xf32, #tpu.memory_space<hbm>> -> memref<12800xf32, #tpu.memory_space<hbm>>
      %dma_wait3A_82 = arith.constant 12800 : i32
      %dma_wait3A_83 = tpu.memref_slice %arg6[%dma_wait3A_82] : memref<100000xf32, #tpu.memory_space<vmem>> -> memref<12800xf32, #tpu.memory_space<vmem>>
      %dma_wait3A_84 = arith.constant 0 : i32
      %dma_wait3A_85 = tpu.memref_slice %arg2[%add3A_41, %dma_wait3A_84] : memref<128x100000xf32, #tpu.memory_space<hbm>> -> memref<1x100000xf32, #tpu.memory_space<hbm>>
      %dma_wait3A_86 = tpu.memref_squeeze %dma_wait3A_85 : memref<1x100000xf32, #tpu.memory_space<hbm>> -> memref<100000xf32, #tpu.memory_space<hbm>>
      %dma_wait3A_87 = arith.constant 12800 : i32
      %dma_wait3A_88 = tpu.memref_slice %dma_wait3A_86[%dma_wait3A_87] : memref<100000xf32, #tpu.memory_space<hbm>> -> memref<12800xf32, #tpu.memory_space<hbm>>
      tpu.wait_dma2 semaphore(%arg12 : memref<!tpu.dma_semaphore, #tpu.memory_space<semaphore_mem>>) src(%dma_wait3A_88 : memref<12800xf32, #tpu.memory_space<hbm>>) dst(%dma_wait3A_83 : memref<12800xf32, #tpu.memory_space<vmem>>)
      %dma_start3A_89 = arith.constant 38400 : i32
      %dma_start3A_90 = tpu.memref_slice %arg6[%dma_start3A_89] : memref<100000xf32, #tpu.memory_space<vmem>> -> memref<12800xf32, #tpu.memory_space<vmem>>
      %dma_start3A_91 = arith.constant 0 : i32
      %dma_start3A_92 = tpu.memref_slice %arg2[%add3A_41, %dma_start3A_91] : memref<128x100000xf32, #tpu.memory_space<hbm>> -> memref<1x100000xf32, #tpu.memory_space<hbm>>
      %dma_start3A_93 = tpu.memref_squeeze %dma_start3A_92 : memref<1x100000xf32, #tpu.memory_space<hbm>> -> memref<100000xf32, #tpu.memory_space<hbm>>
      %dma_start3A_94 = arith.constant 38400 : i32
      %dma_start3A_95 = tpu.memref_slice %dma_start3A_93[%dma_start3A_94] : memref<100000xf32, #tpu.memory_space<hbm>> -> memref<12800xf32, #tpu.memory_space<hbm>>
      %dma_start3A_96 = arith.constant 38400 : i32
      %dma_start3A_97 = tpu.memref_slice %arg6[%dma_start3A_96] : memref<100000xf32, #tpu.memory_space<vmem>> -> memref<12800xf32, #tpu.memory_space<vmem>>
      %dma_start3A_98 = arith.constant 0 : i32
      %dma_start3A_99 = tpu.memref_slice %arg2[%add3A_41, %dma_start3A_98] : memref<128x100000xf32, #tpu.memory_space<hbm>> -> memref<1x100000xf32, #tpu.memory_space<hbm>>
      %dma_start3A_100 = tpu.memref_squeeze %dma_start3A_99 : memref<1x100000xf32, #tpu.memory_space<hbm>> -> memref<100000xf32, #tpu.memory_space<hbm>>
      %dma_start3A_101 = arith.constant 38400 : i32
      %dma_start3A_102 = tpu.memref_slice %dma_start3A_100[%dma_start3A_101] : memref<100000xf32, #tpu.memory_space<hbm>> -> memref<12800xf32, #tpu.memory_space<hbm>>
      tpu.enqueue_dma source(%dma_start3A_102 : memref<12800xf32, #tpu.memory_space<hbm>>) target(%dma_start3A_97 : memref<12800xf32, #tpu.memory_space<vmem>>) target_semaphore(%arg12 : memref<!tpu.dma_semaphore, #tpu.memory_space<semaphore_mem>>)
      %scan3A_103 = arith.constant 0 : i32
      %scan3A_104 = arith.constant 32 : i32
      %scan3A_105 = arith.addi %scan3A_103, %scan3A_104 : i32
      %scan3A_106 = arith.constant 1 : i32
      %scan3A_107:10 = scf.for %scan3A_741 = %scan3A_103 to %scan3A_105 step %scan3A_106 iter_args(%scan3A_742 = %scan3A_73#0, %scan3A_743 = %scan3A_73#1, %scan3A_744 = %scan3A_73#2, %scan3A_745 = %scan3A_73#3, %scan3A_746 = %scan3A_73#4, %scan3A_747 = %scan3A_73#5, %scan3A_748 = %scan3A_73#6, %scan3A_749 = %scan3A_73#7, %scan3A_750 = %scan3A_73#8, %scan3A_751 = %scan3A_73#9) -> (vector<16xf32>, vector<16xf32>, vector<16xf32>, vector<16xf32>, vector<16xf32>, vector<16xf32>, vector<16xf32>, vector<16xf32>, vector<16xf32>, vector<16xf32>)  : i32 {
        %mul3A_752 = arith.constant 400 : i32
        %mul3A_753 = arith.muli %scan3A_741, %mul3A_752 : i32
        %add3A_754 = arith.constant 12800 : i32
        %add3A_755 = arith.addi %add3A_754, %mul3A_753 : i32
        %multiple_of3A = tpu.assume_multiple %add3A_755, 16 : i32
        %add3A_756 = arith.constant 0 : i32
        %add3A_757 = arith.addi %multiple_of3A, %add3A_756 : i32
        %get3A_758 = arith.index_cast %add3A_757 : i32 to index
        %get3A_759 = tpu.vector_load %arg6[%get3A_758] {strides = array<i32>} : memref<100000xf32, #tpu.memory_space<vmem>>, vector<16xf32>,
        %exp3A_760 = math.exp %get3A_759 : vector<16xf32>
        %add3A_761 = arith.addf %scan3A_742, %exp3A_760 : vector<16xf32>
        %max3A_762 = arith.maximumf %broadcast_in_dim3A_3, %get3A_759 : vector<16xf32>
        %add3A_763 = arith.constant 16 : i32
        %add3A_764 = arith.addi %multiple_of3A, %add3A_763 : i32
        %get3A_765 = arith.index_cast %add3A_764 : i32 to index
        %get3A_766 = tpu.vector_load %arg6[%get3A_765] {strides = array<i32>} : memref<100000xf32, #tpu.memory_space<vmem>>, vector<16xf32>,
        %exp3A_767 = math.exp %get3A_766 : vector<16xf32>
        %add3A_768 = arith.addf %scan3A_743, %exp3A_767 : vector<16xf32>
        %max3A_769 = arith.maximumf %broadcast_in_dim3A_3, %get3A_766 : vector<16xf32>
        %add3A_770 = arith.constant 32 : i32
        %add3A_771 = arith.addi %multiple_of3A, %add3A_770 : i32
        %get3A_772 = arith.index_cast %add3A_771 : i32 to index
        %get3A_773 = tpu.vector_load %arg6[%get3A_772] {strides = array<i32>} : memref<100000xf32, #tpu.memory_space<vmem>>, vector<16xf32>,
        %exp3A_774 = math.exp %get3A_773 : vector<16xf32>
        %add3A_775 = arith.addf %scan3A_744, %exp3A_774 : vector<16xf32>
        %max3A_776 = arith.maximumf %broadcast_in_dim3A_3, %get3A_773 : vector<16xf32>
        %add3A_777 = arith.constant 48 : i32
        %add3A_778 = arith.addi %multiple_of3A, %add3A_777 : i32
        %get3A_779 = arith.index_cast %add3A_778 : i32 to index
        %get3A_780 = tpu.vector_load %arg6[%get3A_779] {strides = array<i32>} : memref<100000xf32, #tpu.memory_space<vmem>>, vector<16xf32>,
        %exp3A_781 = math.exp %get3A_780 : vector<16xf32>
        %add3A_782 = arith.addf %scan3A_745, %exp3A_781 : vector<16xf32>
        %max3A_783 = arith.maximumf %broadcast_in_dim3A_3, %get3A_780 : vector<16xf32>
        %add3A_784 = arith.constant 64 : i32
        %add3A_785 = arith.addi %multiple_of3A, %add3A_784 : i32
        %get3A_786 = arith.index_cast %add3A_785 : i32 to index
        %get3A_787 = tpu.vector_load %arg6[%get3A_786] {strides = array<i32>} : memref<100000xf32, #tpu.memory_space<vmem>>, vector<16xf32>,
        %exp3A_788 = math.exp %get3A_787 : vector<16xf32>
        %add3A_789 = arith.addf %scan3A_746, %exp3A_788 : vector<16xf32>
        %max3A_790 = arith.maximumf %broadcast_in_dim3A_3, %get3A_787 : vector<16xf32>
        %add3A_791 = arith.constant 80 : i32
        %add3A_792 = arith.addi %multiple_of3A, %add3A_791 : i32
        %get3A_793 = arith.index_cast %add3A_792 : i32 to index
        %get3A_794 = tpu.vector_load %arg6[%get3A_793] {strides = array<i32>} : memref<100000xf32, #tpu.memory_space<vmem>>, vector<16xf32>,
        %exp3A_795 = math.exp %get3A_794 : vector<16xf32>
        %add3A_796 = arith.addf %add3A_761, %exp3A_795 : vector<16xf32>
        %max3A_797 = arith.maximumf %max3A_762, %get3A_794 : vector<16xf32>
        %add3A_798 = arith.constant 96 : i32
        %add3A_799 = arith.addi %multiple_of3A, %add3A_798 : i32
        %get3A_800 = arith.index_cast %add3A_799 : i32 to index
        %get3A_801 = tpu.vector_load %arg6[%get3A_800] {strides = array<i32>} : memref<100000xf32, #tpu.memory_space<vmem>>, vector<16xf32>,
        %exp3A_802 = math.exp %get3A_801 : vector<16xf32>
        %add3A_803 = arith.addf %add3A_768, %exp3A_802 : vector<16xf32>
        %max3A_804 = arith.maximumf %max3A_769, %get3A_801 : vector<16xf32>
        %add3A_805 = arith.constant 112 : i32
        %add3A_806 = arith.addi %multiple_of3A, %add3A_805 : i32
        %get3A_807 = arith.index_cast %add3A_806 : i32 to index
        %get3A_808 = tpu.vector_load %arg6[%get3A_807] {strides = array<i32>} : memref<100000xf32, #tpu.memory_space<vmem>>, vector<16xf32>,
        %exp3A_809 = math.exp %get3A_808 : vector<16xf32>
        %add3A_810 = arith.addf %add3A_775, %exp3A_809 : vector<16xf32>
        %max3A_811 = arith.maximumf %max3A_776, %get3A_808 : vector<16xf32>
        %add3A_812 = arith.constant 128 : i32
        %add3A_813 = arith.addi %multiple_of3A, %add3A_812 : i32
        %get3A_814 = arith.index_cast %add3A_813 : i32 to index
        %get3A_815 = tpu.vector_load %arg6[%get3A_814] {strides = array<i32>} : memref<100000xf32, #tpu.memory_space<vmem>>, vector<16xf32>,
        %exp3A_816 = math.exp %get3A_815 : vector<16xf32>
        %add3A_817 = arith.addf %add3A_782, %exp3A_816 : vector<16xf32>
        %max3A_818 = arith.maximumf %max3A_783, %get3A_815 : vector<16xf32>
        %add3A_819 = arith.constant 144 : i32
        %add3A_820 = arith.addi %multiple_of3A, %add3A_819 : i32
        %get3A_821 = arith.index_cast %add3A_820 : i32 to index
        %get3A_822 = tpu.vector_load %arg6[%get3A_821] {strides = array<i32>} : memref<100000xf32, #tpu.memory_space<vmem>>, vector<16xf32>,
        %exp3A_823 = math.exp %get3A_822 : vector<16xf32>
        %add3A_824 = arith.addf %add3A_789, %exp3A_823 : vector<16xf32>
        %max3A_825 = arith.maximumf %max3A_790, %get3A_822 : vector<16xf32>
        %add3A_826 = arith.constant 160 : i32
        %add3A_827 = arith.addi %multiple_of3A, %add3A_826 : i32
        %get3A_828 = arith.index_cast %add3A_827 : i32 to index
        %get3A_829 = tpu.vector_load %arg6[%get3A_828] {strides = array<i32>} : memref<100000xf32, #tpu.memory_space<vmem>>, vector<16xf32>,
        %exp3A_830 = math.exp %get3A_829 : vector<16xf32>
        %add3A_831 = arith.addf %add3A_796, %exp3A_830 : vector<16xf32>
        %max3A_832 = arith.maximumf %max3A_797, %get3A_829 : vector<16xf32>
        %add3A_833 = arith.constant 176 : i32
        %add3A_834 = arith.addi %multiple_of3A, %add3A_833 : i32
        %get3A_835 = arith.index_cast %add3A_834 : i32 to index
        %get3A_836 = tpu.vector_load %arg6[%get3A_835] {strides = array<i32>} : memref<100000xf32, #tpu.memory_space<vmem>>, vector<16xf32>,
        %exp3A_837 = math.exp %get3A_836 : vector<16xf32>
        %add3A_838 = arith.addf %add3A_803, %exp3A_837 : vector<16xf32>
        %max3A_839 = arith.maximumf %max3A_804, %get3A_836 : vector<16xf32>
        %add3A_840 = arith.constant 192 : i32
        %add3A_841 = arith.addi %multiple_of3A, %add3A_840 : i32
        %get3A_842 = arith.index_cast %add3A_841 : i32 to index
        %get3A_843 = tpu.vector_load %arg6[%get3A_842] {strides = array<i32>} : memref<100000xf32, #tpu.memory_space<vmem>>, vector<16xf32>,
        %exp3A_844 = math.exp %get3A_843 : vector<16xf32>
        %add3A_845 = arith.addf %add3A_810, %exp3A_844 : vector<16xf32>
        %max3A_846 = arith.maximumf %max3A_811, %get3A_843 : vector<16xf32>
        %add3A_847 = arith.constant 208 : i32
        %add3A_848 = arith.addi %multiple_of3A, %add3A_847 : i32
        %get3A_849 = arith.index_cast %add3A_848 : i32 to index
        %get3A_850 = tpu.vector_load %arg6[%get3A_849] {strides = array<i32>} : memref<100000xf32, #tpu.memory_space<vmem>>, vector<16xf32>,
        %exp3A_851 = math.exp %get3A_850 : vector<16xf32>
        %add3A_852 = arith.addf %add3A_817, %exp3A_851 : vector<16xf32>
        %max3A_853 = arith.maximumf %max3A_818, %get3A_850 : vector<16xf32>
        %add3A_854 = arith.constant 224 : i32
        %add3A_855 = arith.addi %multiple_of3A, %add3A_854 : i32
        %get3A_856 = arith.index_cast %add3A_855 : i32 to index
        %get3A_857 = tpu.vector_load %arg6[%get3A_856] {strides = array<i32>} : memref<100000xf32, #tpu.memory_space<vmem>>, vector<16xf32>,
        %exp3A_858 = math.exp %get3A_857 : vector<16xf32>
        %add3A_859 = arith.addf %add3A_824, %exp3A_858 : vector<16xf32>
        %max3A_860 = arith.maximumf %max3A_825, %get3A_857 : vector<16xf32>
        %add3A_861 = arith.constant 240 : i32
        %add3A_862 = arith.addi %multiple_of3A, %add3A_861 : i32
        %get3A_863 = arith.index_cast %add3A_862 : i32 to index
        %get3A_864 = tpu.vector_load %arg6[%get3A_863] {strides = array<i32>} : memref<100000xf32, #tpu.memory_space<vmem>>, vector<16xf32>,
        %exp3A_865 = math.exp %get3A_864 : vector<16xf32>
        %add3A_866 = arith.addf %add3A_831, %exp3A_865 : vector<16xf32>
        %max3A_867 = arith.maximumf %max3A_832, %get3A_864 : vector<16xf32>
        %add3A_868 = arith.constant 256 : i32
        %add3A_869 = arith.addi %multiple_of3A, %add3A_868 : i32
        %get3A_870 = arith.index_cast %add3A_869 : i32 to index
        %get3A_871 = tpu.vector_load %arg6[%get3A_870] {strides = array<i32>} : memref<100000xf32, #tpu.memory_space<vmem>>, vector<16xf32>,
        %exp3A_872 = math.exp %get3A_871 : vector<16xf32>
        %add3A_873 = arith.addf %add3A_838, %exp3A_872 : vector<16xf32>
        %max3A_874 = arith.maximumf %max3A_839, %get3A_871 : vector<16xf32>
        %add3A_875 = arith.constant 272 : i32
        %add3A_876 = arith.addi %multiple_of3A, %add3A_875 : i32
        %get3A_877 = arith.index_cast %add3A_876 : i32 to index
        %get3A_878 = tpu.vector_load %arg6[%get3A_877] {strides = array<i32>} : memref<100000xf32, #tpu.memory_space<vmem>>, vector<16xf32>,
        %exp3A_879 = math.exp %get3A_878 : vector<16xf32>
        %add3A_880 = arith.addf %add3A_845, %exp3A_879 : vector<16xf32>
        %max3A_881 = arith.maximumf %max3A_846, %get3A_878 : vector<16xf32>
        %add3A_882 = arith.constant 288 : i32
        %add3A_883 = arith.addi %multiple_of3A, %add3A_882 : i32
        %get3A_884 = arith.index_cast %add3A_883 : i32 to index
        %get3A_885 = tpu.vector_load %arg6[%get3A_884] {strides = array<i32>} : memref<100000xf32, #tpu.memory_space<vmem>>, vector<16xf32>,
        %exp3A_886 = math.exp %get3A_885 : vector<16xf32>
        %add3A_887 = arith.addf %add3A_852, %exp3A_886 : vector<16xf32>
        %max3A_888 = arith.maximumf %max3A_853, %get3A_885 : vector<16xf32>
        %add3A_889 = arith.constant 304 : i32
        %add3A_890 = arith.addi %multiple_of3A, %add3A_889 : i32
        %get3A_891 = arith.index_cast %add3A_890 : i32 to index
        %get3A_892 = tpu.vector_load %arg6[%get3A_891] {strides = array<i32>} : memref<100000xf32, #tpu.memory_space<vmem>>, vector<16xf32>,
        %exp3A_893 = math.exp %get3A_892 : vector<16xf32>
        %add3A_894 = arith.addf %add3A_859, %exp3A_893 : vector<16xf32>
        %max3A_895 = arith.maximumf %max3A_860, %get3A_892 : vector<16xf32>
        %add3A_896 = arith.constant 320 : i32
        %add3A_897 = arith.addi %multiple_of3A, %add3A_896 : i32
        %get3A_898 = arith.index_cast %add3A_897 : i32 to index
        %get3A_899 = tpu.vector_load %arg6[%get3A_898] {strides = array<i32>} : memref<100000xf32, #tpu.memory_space<vmem>>, vector<16xf32>,
        %exp3A_900 = math.exp %get3A_899 : vector<16xf32>
        %add3A_901 = arith.addf %add3A_866, %exp3A_900 : vector<16xf32>
        %max3A_902 = arith.maximumf %max3A_867, %get3A_899 : vector<16xf32>
        %add3A_903 = arith.constant 336 : i32
        %add3A_904 = arith.addi %multiple_of3A, %add3A_903 : i32
        %get3A_905 = arith.index_cast %add3A_904 : i32 to index
        %get3A_906 = tpu.vector_load %arg6[%get3A_905] {strides = array<i32>} : memref<100000xf32, #tpu.memory_space<vmem>>, vector<16xf32>,
        %exp3A_907 = math.exp %get3A_906 : vector<16xf32>
        %add3A_908 = arith.addf %add3A_873, %exp3A_907 : vector<16xf32>
        %max3A_909 = arith.maximumf %max3A_874, %get3A_906 : vector<16xf32>
        %add3A_910 = arith.constant 352 : i32
        %add3A_911 = arith.addi %multiple_of3A, %add3A_910 : i32
        %get3A_912 = arith.index_cast %add3A_911 : i32 to index
        %get3A_913 = tpu.vector_load %arg6[%get3A_912] {strides = array<i32>} : memref<100000xf32, #tpu.memory_space<vmem>>, vector<16xf32>,
        %exp3A_914 = math.exp %get3A_913 : vector<16xf32>
        %add3A_915 = arith.addf %add3A_880, %exp3A_914 : vector<16xf32>
        %max3A_916 = arith.maximumf %max3A_881, %get3A_913 : vector<16xf32>
        %add3A_917 = arith.constant 368 : i32
        %add3A_918 = arith.addi %multiple_of3A, %add3A_917 : i32
        %get3A_919 = arith.index_cast %add3A_918 : i32 to index
        %get3A_920 = tpu.vector_load %arg6[%get3A_919] {strides = array<i32>} : memref<100000xf32, #tpu.memory_space<vmem>>, vector<16xf32>,
        %exp3A_921 = math.exp %get3A_920 : vector<16xf32>
        %add3A_922 = arith.addf %add3A_887, %exp3A_921 : vector<16xf32>
        %max3A_923 = arith.maximumf %max3A_888, %get3A_920 : vector<16xf32>
        %add3A_924 = arith.constant 384 : i32
        %add3A_925 = arith.addi %multiple_of3A, %add3A_924 : i32
        %get3A_926 = arith.index_cast %add3A_925 : i32 to index
        %get3A_927 = tpu.vector_load %arg6[%get3A_926] {strides = array<i32>} : memref<100000xf32, #tpu.memory_space<vmem>>, vector<16xf32>,
        %exp3A_928 = math.exp %get3A_927 : vector<16xf32>
        %add3A_929 = arith.addf %add3A_894, %exp3A_928 : vector<16xf32>
        %max3A_930 = arith.maximumf %max3A_895, %get3A_927 : vector<16xf32>
        %max3A_931 = arith.maximumf %max3A_902, %max3A_909 : vector<16xf32>
        %max3A_932 = arith.maximumf %max3A_916, %max3A_923 : vector<16xf32>
        %max3A_933 = arith.maximumf %max3A_932, %max3A_930 : vector<16xf32>
        %max3A_934 = arith.maximumf %max3A_931, %max3A_933 : vector<16xf32>
        %add3A_935 = arith.constant 32 : i32
        %add3A_936 = arith.addi %add3A_935, %scan3A_741 : i32
        %mul3A_937 = arith.constant 16 : i32
        %mul3A_938 = arith.muli %add3A_936, %mul3A_937 : i32
        %multiple_of3A_939 = tpu.assume_multiple %mul3A_938, 16 : i32
        %swap3A_940 = arith.index_cast %multiple_of3A_939 : i32 to index
        %swap3A_941 = tpu.vector_load %arg7[%swap3A_940] {strides = array<i32>} : memref<4000xf32, #tpu.memory_space<vmem>>, vector<16xf32>,
        tpu.vector_store %arg7[%swap3A_940], %max3A_934 {strides = array<i32>} : memref<4000xf32, #tpu.memory_space<vmem>>, vector<16xf32>,
        %max3A_942 = arith.maximumf %scan3A_747, %max3A_934 : vector<16xf32>
        %min3A_943 = arith.minimumf %scan3A_747, %max3A_934 : vector<16xf32>
        %max3A_944 = arith.maximumf %scan3A_748, %min3A_943 : vector<16xf32>
        %min3A_945 = arith.minimumf %scan3A_748, %min3A_943 : vector<16xf32>
        %max3A_946 = arith.maximumf %scan3A_749, %min3A_945 : vector<16xf32>
        %min3A_947 = arith.minimumf %scan3A_749, %min3A_945 : vector<16xf32>
        %max3A_948 = arith.maximumf %scan3A_750, %min3A_947 : vector<16xf32>
        %min3A_949 = arith.minimumf %scan3A_750, %min3A_947 : vector<16xf32>
        %max3A_950 = arith.maximumf %scan3A_751, %min3A_949 : vector<16xf32>
        scf.yield %add3A_901, %add3A_908, %add3A_915, %add3A_922, %add3A_929, %max3A_942, %max3A_944, %max3A_946, %max3A_948, %max3A_950 : vector<16xf32>, vector<16xf32>, vector<16xf32>, vector<16xf32>, vector<16xf32>, vector<16xf32>, vector<16xf32>, vector<16xf32>, vector<16xf32>, vector<16xf32>
      }
      %scan3A_108 = arith.constant 32 : i32
      %dma_wait3A_109 = arith.constant 25600 : i32
      %dma_wait3A_110 = tpu.memref_slice %arg6[%dma_wait3A_109] : memref<100000xf32, #tpu.memory_space<vmem>> -> memref<12800xf32, #tpu.memory_space<vmem>>
      %dma_wait3A_111 = arith.constant 0 : i32
      %dma_wait3A_112 = tpu.memref_slice %arg2[%add3A_41, %dma_wait3A_111] : memref<128x100000xf32, #tpu.memory_space<hbm>> -> memref<1x100000xf32, #tpu.memory_space<hbm>>
      %dma_wait3A_113 = tpu.memref_squeeze %dma_wait3A_112 : memref<1x100000xf32, #tpu.memory_space<hbm>> -> memref<100000xf32, #tpu.memory_space<hbm>>
      %dma_wait3A_114 = arith.constant 25600 : i32
      %dma_wait3A_115 = tpu.memref_slice %dma_wait3A_113[%dma_wait3A_114] : memref<100000xf32, #tpu.memory_space<hbm>> -> memref<12800xf32, #tpu.memory_space<hbm>>
      %dma_wait3A_116 = arith.constant 25600 : i32
      %dma_wait3A_117 = tpu.memref_slice %arg6[%dma_wait3A_116] : memref<100000xf32, #tpu.memory_space<vmem>> -> memref<12800xf32, #tpu.memory_space<vmem>>
      %dma_wait3A_118 = arith.constant 0 : i32
      %dma_wait3A_119 = tpu.memref_slice %arg2[%add3A_41, %dma_wait3A_118] : memref<128x100000xf32, #tpu.memory_space<hbm>> -> memref<1x100000xf32, #tpu.memory_space<hbm>>
      %dma_wait3A_120 = tpu.memref_squeeze %dma_wait3A_119 : memref<1x100000xf32, #tpu.memory_space<hbm>> -> memref<100000xf32, #tpu.memory_space<hbm>>
      %dma_wait3A_121 = arith.constant 25600 : i32
      %dma_wait3A_122 = tpu.memref_slice %dma_wait3A_120[%dma_wait3A_121] : memref<100000xf32, #tpu.memory_space<hbm>> -> memref<12800xf32, #tpu.memory_space<hbm>>
      tpu.wait_dma2 semaphore(%arg11 : memref<!tpu.dma_semaphore, #tpu.memory_space<semaphore_mem>>) src(%dma_wait3A_122 : memref<12800xf32, #tpu.memory_space<hbm>>) dst(%dma_wait3A_117 : memref<12800xf32, #tpu.memory_space<vmem>>)
      %dma_start3A_123 = arith.constant 51200 : i32
      %dma_start3A_124 = tpu.memref_slice %arg6[%dma_start3A_123] : memref<100000xf32, #tpu.memory_space<vmem>> -> memref<12800xf32, #tpu.memory_space<vmem>>
      %dma_start3A_125 = arith.constant 0 : i32
      %dma_start3A_126 = tpu.memref_slice %arg2[%add3A_41, %dma_start3A_125] : memref<128x100000xf32, #tpu.memory_space<hbm>> -> memref<1x100000xf32, #tpu.memory_space<hbm>>
      %dma_start3A_127 = tpu.memref_squeeze %dma_start3A_126 : memref<1x100000xf32, #tpu.memory_space<hbm>> -> memref<100000xf32, #tpu.memory_space<hbm>>
      %dma_start3A_128 = arith.constant 51200 : i32
      %dma_start3A_129 = tpu.memref_slice %dma_start3A_127[%dma_start3A_128] : memref<100000xf32, #tpu.memory_space<hbm>> -> memref<12800xf32, #tpu.memory_space<hbm>>
      %dma_start3A_130 = arith.constant 51200 : i32
      %dma_start3A_131 = tpu.memref_slice %arg6[%dma_start3A_130] : memref<100000xf32, #tpu.memory_space<vmem>> -> memref<12800xf32, #tpu.memory_space<vmem>>
      %dma_start3A_132 = arith.constant 0 : i32
      %dma_start3A_133 = tpu.memref_slice %arg2[%add3A_41, %dma_start3A_132] : memref<128x100000xf32, #tpu.memory_space<hbm>> -> memref<1x100000xf32, #tpu.memory_space<hbm>>
      %dma_start3A_134 = tpu.memref_squeeze %dma_start3A_133 : memref<1x100000xf32, #tpu.memory_space<hbm>> -> memref<100000xf32, #tpu.memory_space<hbm>>
      %dma_start3A_135 = arith.constant 51200 : i32
      %dma_start3A_136 = tpu.memref_slice %dma_start3A_134[%dma_start3A_135] : memref<100000xf32, #tpu.memory_space<hbm>> -> memref<12800xf32, #tpu.memory_space<hbm>>
      tpu.enqueue_dma source(%dma_start3A_136 : memref<12800xf32, #tpu.memory_space<hbm>>) target(%dma_start3A_131 : memref<12800xf32, #tpu.memory_space<vmem>>) target_semaphore(%arg11 : memref<!tpu.dma_semaphore, #tpu.memory_space<semaphore_mem>>)
      %scan3A_137 = arith.constant 0 : i32
      %scan3A_138 = arith.constant 32 : i32
      %scan3A_139 = arith.addi %scan3A_137, %scan3A_138 : i32
      %scan3A_140 = arith.constant 1 : i32
      %scan3A_141:10 = scf.for %scan3A_741 = %scan3A_137 to %scan3A_139 step %scan3A_140 iter_args(%scan3A_742 = %scan3A_107#0, %scan3A_743 = %scan3A_107#1, %scan3A_744 = %scan3A_107#2, %scan3A_745 = %scan3A_107#3, %scan3A_746 = %scan3A_107#4, %scan3A_747 = %scan3A_107#5, %scan3A_748 = %scan3A_107#6, %scan3A_749 = %scan3A_107#7, %scan3A_750 = %scan3A_107#8, %scan3A_751 = %scan3A_107#9) -> (vector<16xf32>, vector<16xf32>, vector<16xf32>, vector<16xf32>, vector<16xf32>, vector<16xf32>, vector<16xf32>, vector<16xf32>, vector<16xf32>, vector<16xf32>)  : i32 {
        %mul3A_752 = arith.constant 400 : i32
        %mul3A_753 = arith.muli %scan3A_741, %mul3A_752 : i32
        %add3A_754 = arith.constant 25600 : i32
        %add3A_755 = arith.addi %add3A_754, %mul3A_753 : i32
        %multiple_of3A = tpu.assume_multiple %add3A_755, 16 : i32
        %add3A_756 = arith.constant 0 : i32
        %add3A_757 = arith.addi %multiple_of3A, %add3A_756 : i32
        %get3A_758 = arith.index_cast %add3A_757 : i32 to index
        %get3A_759 = tpu.vector_load %arg6[%get3A_758] {strides = array<i32>} : memref<100000xf32, #tpu.memory_space<vmem>>, vector<16xf32>,
        %exp3A_760 = math.exp %get3A_759 : vector<16xf32>
        %add3A_761 = arith.addf %scan3A_742, %exp3A_760 : vector<16xf32>
        %max3A_762 = arith.maximumf %broadcast_in_dim3A_3, %get3A_759 : vector<16xf32>
        %add3A_763 = arith.constant 16 : i32
        %add3A_764 = arith.addi %multiple_of3A, %add3A_763 : i32
        %get3A_765 = arith.index_cast %add3A_764 : i32 to index
        %get3A_766 = tpu.vector_load %arg6[%get3A_765] {strides = array<i32>} : memref<100000xf32, #tpu.memory_space<vmem>>, vector<16xf32>,
        %exp3A_767 = math.exp %get3A_766 : vector<16xf32>
        %add3A_768 = arith.addf %scan3A_743, %exp3A_767 : vector<16xf32>
        %max3A_769 = arith.maximumf %broadcast_in_dim3A_3, %get3A_766 : vector<16xf32>
        %add3A_770 = arith.constant 32 : i32
        %add3A_771 = arith.addi %multiple_of3A, %add3A_770 : i32
        %get3A_772 = arith.index_cast %add3A_771 : i32 to index
        %get3A_773 = tpu.vector_load %arg6[%get3A_772] {strides = array<i32>} : memref<100000xf32, #tpu.memory_space<vmem>>, vector<16xf32>,
        %exp3A_774 = math.exp %get3A_773 : vector<16xf32>
        %add3A_775 = arith.addf %scan3A_744, %exp3A_774 : vector<16xf32>
        %max3A_776 = arith.maximumf %broadcast_in_dim3A_3, %get3A_773 : vector<16xf32>
        %add3A_777 = arith.constant 48 : i32
        %add3A_778 = arith.addi %multiple_of3A, %add3A_777 : i32
        %get3A_779 = arith.index_cast %add3A_778 : i32 to index
        %get3A_780 = tpu.vector_load %arg6[%get3A_779] {strides = array<i32>} : memref<100000xf32, #tpu.memory_space<vmem>>, vector<16xf32>,
        %exp3A_781 = math.exp %get3A_780 : vector<16xf32>
        %add3A_782 = arith.addf %scan3A_745, %exp3A_781 : vector<16xf32>
        %max3A_783 = arith.maximumf %broadcast_in_dim3A_3, %get3A_780 : vector<16xf32>
        %add3A_784 = arith.constant 64 : i32
        %add3A_785 = arith.addi %multiple_of3A, %add3A_784 : i32
        %get3A_786 = arith.index_cast %add3A_785 : i32 to index
        %get3A_787 = tpu.vector_load %arg6[%get3A_786] {strides = array<i32>} : memref<100000xf32, #tpu.memory_space<vmem>>, vector<16xf32>,
        %exp3A_788 = math.exp %get3A_787 : vector<16xf32>
        %add3A_789 = arith.addf %scan3A_746, %exp3A_788 : vector<16xf32>
        %max3A_790 = arith.maximumf %broadcast_in_dim3A_3, %get3A_787 : vector<16xf32>
        %add3A_791 = arith.constant 80 : i32
        %add3A_792 = arith.addi %multiple_of3A, %add3A_791 : i32
        %get3A_793 = arith.index_cast %add3A_792 : i32 to index
        %get3A_794 = tpu.vector_load %arg6[%get3A_793] {strides = array<i32>} : memref<100000xf32, #tpu.memory_space<vmem>>, vector<16xf32>,
        %exp3A_795 = math.exp %get3A_794 : vector<16xf32>
        %add3A_796 = arith.addf %add3A_761, %exp3A_795 : vector<16xf32>
        %max3A_797 = arith.maximumf %max3A_762, %get3A_794 : vector<16xf32>
        %add3A_798 = arith.constant 96 : i32
        %add3A_799 = arith.addi %multiple_of3A, %add3A_798 : i32
        %get3A_800 = arith.index_cast %add3A_799 : i32 to index
        %get3A_801 = tpu.vector_load %arg6[%get3A_800] {strides = array<i32>} : memref<100000xf32, #tpu.memory_space<vmem>>, vector<16xf32>,
        %exp3A_802 = math.exp %get3A_801 : vector<16xf32>
        %add3A_803 = arith.addf %add3A_768, %exp3A_802 : vector<16xf32>
        %max3A_804 = arith.maximumf %max3A_769, %get3A_801 : vector<16xf32>
        %add3A_805 = arith.constant 112 : i32
        %add3A_806 = arith.addi %multiple_of3A, %add3A_805 : i32
        %get3A_807 = arith.index_cast %add3A_806 : i32 to index
        %get3A_808 = tpu.vector_load %arg6[%get3A_807] {strides = array<i32>} : memref<100000xf32, #tpu.memory_space<vmem>>, vector<16xf32>,
        %exp3A_809 = math.exp %get3A_808 : vector<16xf32>
        %add3A_810 = arith.addf %add3A_775, %exp3A_809 : vector<16xf32>
        %max3A_811 = arith.maximumf %max3A_776, %get3A_808 : vector<16xf32>
        %add3A_812 = arith.constant 128 : i32
        %add3A_813 = arith.addi %multiple_of3A, %add3A_812 : i32
        %get3A_814 = arith.index_cast %add3A_813 : i32 to index
        %get3A_815 = tpu.vector_load %arg6[%get3A_814] {strides = array<i32>} : memref<100000xf32, #tpu.memory_space<vmem>>, vector<16xf32>,
        %exp3A_816 = math.exp %get3A_815 : vector<16xf32>
        %add3A_817 = arith.addf %add3A_782, %exp3A_816 : vector<16xf32>
        %max3A_818 = arith.maximumf %max3A_783, %get3A_815 : vector<16xf32>
        %add3A_819 = arith.constant 144 : i32
        %add3A_820 = arith.addi %multiple_of3A, %add3A_819 : i32
        %get3A_821 = arith.index_cast %add3A_820 : i32 to index
        %get3A_822 = tpu.vector_load %arg6[%get3A_821] {strides = array<i32>} : memref<100000xf32, #tpu.memory_space<vmem>>, vector<16xf32>,
        %exp3A_823 = math.exp %get3A_822 : vector<16xf32>
        %add3A_824 = arith.addf %add3A_789, %exp3A_823 : vector<16xf32>
        %max3A_825 = arith.maximumf %max3A_790, %get3A_822 : vector<16xf32>
        %add3A_826 = arith.constant 160 : i32
        %add3A_827 = arith.addi %multiple_of3A, %add3A_826 : i32
        %get3A_828 = arith.index_cast %add3A_827 : i32 to index
        %get3A_829 = tpu.vector_load %arg6[%get3A_828] {strides = array<i32>} : memref<100000xf32, #tpu.memory_space<vmem>>, vector<16xf32>,
        %exp3A_830 = math.exp %get3A_829 : vector<16xf32>
        %add3A_831 = arith.addf %add3A_796, %exp3A_830 : vector<16xf32>
        %max3A_832 = arith.maximumf %max3A_797, %get3A_829 : vector<16xf32>
        %add3A_833 = arith.constant 176 : i32
        %add3A_834 = arith.addi %multiple_of3A, %add3A_833 : i32
        %get3A_835 = arith.index_cast %add3A_834 : i32 to index
        %get3A_836 = tpu.vector_load %arg6[%get3A_835] {strides = array<i32>} : memref<100000xf32, #tpu.memory_space<vmem>>, vector<16xf32>,
        %exp3A_837 = math.exp %get3A_836 : vector<16xf32>
        %add3A_838 = arith.addf %add3A_803, %exp3A_837 : vector<16xf32>
        %max3A_839 = arith.maximumf %max3A_804, %get3A_836 : vector<16xf32>
        %add3A_840 = arith.constant 192 : i32
        %add3A_841 = arith.addi %multiple_of3A, %add3A_840 : i32
        %get3A_842 = arith.index_cast %add3A_841 : i32 to index
        %get3A_843 = tpu.vector_load %arg6[%get3A_842] {strides = array<i32>} : memref<100000xf32, #tpu.memory_space<vmem>>, vector<16xf32>,
        %exp3A_844 = math.exp %get3A_843 : vector<16xf32>
        %add3A_845 = arith.addf %add3A_810, %exp3A_844 : vector<16xf32>
        %max3A_846 = arith.maximumf %max3A_811, %get3A_843 : vector<16xf32>
        %add3A_847 = arith.constant 208 : i32
        %add3A_848 = arith.addi %multiple_of3A, %add3A_847 : i32
        %get3A_849 = arith.index_cast %add3A_848 : i32 to index
        %get3A_850 = tpu.vector_load %arg6[%get3A_849] {strides = array<i32>} : memref<100000xf32, #tpu.memory_space<vmem>>, vector<16xf32>,
        %exp3A_851 = math.exp %get3A_850 : vector<16xf32>
        %add3A_852 = arith.addf %add3A_817, %exp3A_851 : vector<16xf32>
        %max3A_853 = arith.maximumf %max3A_818, %get3A_850 : vector<16xf32>
        %add3A_854 = arith.constant 224 : i32
        %add3A_855 = arith.addi %multiple_of3A, %add3A_854 : i32
        %get3A_856 = arith.index_cast %add3A_855 : i32 to index
        %get3A_857 = tpu.vector_load %arg6[%get3A_856] {strides = array<i32>} : memref<100000xf32, #tpu.memory_space<vmem>>, vector<16xf32>,
        %exp3A_858 = math.exp %get3A_857 : vector<16xf32>
        %add3A_859 = arith.addf %add3A_824, %exp3A_858 : vector<16xf32>
        %max3A_860 = arith.maximumf %max3A_825, %get3A_857 : vector<16xf32>
        %add3A_861 = arith.constant 240 : i32
        %add3A_862 = arith.addi %multiple_of3A, %add3A_861 : i32
        %get3A_863 = arith.index_cast %add3A_862 : i32 to index
        %get3A_864 = tpu.vector_load %arg6[%get3A_863] {strides = array<i32>} : memref<100000xf32, #tpu.memory_space<vmem>>, vector<16xf32>,
        %exp3A_865 = math.exp %get3A_864 : vector<16xf32>
        %add3A_866 = arith.addf %add3A_831, %exp3A_865 : vector<16xf32>
        %max3A_867 = arith.maximumf %max3A_832, %get3A_864 : vector<16xf32>
        %add3A_868 = arith.constant 256 : i32
        %add3A_869 = arith.addi %multiple_of3A, %add3A_868 : i32
        %get3A_870 = arith.index_cast %add3A_869 : i32 to index
        %get3A_871 = tpu.vector_load %arg6[%get3A_870] {strides = array<i32>} : memref<100000xf32, #tpu.memory_space<vmem>>, vector<16xf32>,
        %exp3A_872 = math.exp %get3A_871 : vector<16xf32>
        %add3A_873 = arith.addf %add3A_838, %exp3A_872 : vector<16xf32>
        %max3A_874 = arith.maximumf %max3A_839, %get3A_871 : vector<16xf32>
        %add3A_875 = arith.constant 272 : i32
        %add3A_876 = arith.addi %multiple_of3A, %add3A_875 : i32
        %get3A_877 = arith.index_cast %add3A_876 : i32 to index
        %get3A_878 = tpu.vector_load %arg6[%get3A_877] {strides = array<i32>} : memref<100000xf32, #tpu.memory_space<vmem>>, vector<16xf32>,
        %exp3A_879 = math.exp %get3A_878 : vector<16xf32>
        %add3A_880 = arith.addf %add3A_845, %exp3A_879 : vector<16xf32>
        %max3A_881 = arith.maximumf %max3A_846, %get3A_878 : vector<16xf32>
        %add3A_882 = arith.constant 288 : i32
        %add3A_883 = arith.addi %multiple_of3A, %add3A_882 : i32
        %get3A_884 = arith.index_cast %add3A_883 : i32 to index
        %get3A_885 = tpu.vector_load %arg6[%get3A_884] {strides = array<i32>} : memref<100000xf32, #tpu.memory_space<vmem>>, vector<16xf32>,
        %exp3A_886 = math.exp %get3A_885 : vector<16xf32>
        %add3A_887 = arith.addf %add3A_852, %exp3A_886 : vector<16xf32>
        %max3A_888 = arith.maximumf %max3A_853, %get3A_885 : vector<16xf32>
        %add3A_889 = arith.constant 304 : i32
        %add3A_890 = arith.addi %multiple_of3A, %add3A_889 : i32
        %get3A_891 = arith.index_cast %add3A_890 : i32 to index
        %get3A_892 = tpu.vector_load %arg6[%get3A_891] {strides = array<i32>} : memref<100000xf32, #tpu.memory_space<vmem>>, vector<16xf32>,
        %exp3A_893 = math.exp %get3A_892 : vector<16xf32>
        %add3A_894 = arith.addf %add3A_859, %exp3A_893 : vector<16xf32>
        %max3A_895 = arith.maximumf %max3A_860, %get3A_892 : vector<16xf32>
        %add3A_896 = arith.constant 320 : i32
        %add3A_897 = arith.addi %multiple_of3A, %add3A_896 : i32
        %get3A_898 = arith.index_cast %add3A_897 : i32 to index
        %get3A_899 = tpu.vector_load %arg6[%get3A_898] {strides = array<i32>} : memref<100000xf32, #tpu.memory_space<vmem>>, vector<16xf32>,
        %exp3A_900 = math.exp %get3A_899 : vector<16xf32>
        %add3A_901 = arith.addf %add3A_866, %exp3A_900 : vector<16xf32>
        %max3A_902 = arith.maximumf %max3A_867, %get3A_899 : vector<16xf32>
        %add3A_903 = arith.constant 336 : i32
        %add3A_904 = arith.addi %multiple_of3A, %add3A_903 : i32
        %get3A_905 = arith.index_cast %add3A_904 : i32 to index
        %get3A_906 = tpu.vector_load %arg6[%get3A_905] {strides = array<i32>} : memref<100000xf32, #tpu.memory_space<vmem>>, vector<16xf32>,
        %exp3A_907 = math.exp %get3A_906 : vector<16xf32>
        %add3A_908 = arith.addf %add3A_873, %exp3A_907 : vector<16xf32>
        %max3A_909 = arith.maximumf %max3A_874, %get3A_906 : vector<16xf32>
        %add3A_910 = arith.constant 352 : i32
        %add3A_911 = arith.addi %multiple_of3A, %add3A_910 : i32
        %get3A_912 = arith.index_cast %add3A_911 : i32 to index
        %get3A_913 = tpu.vector_load %arg6[%get3A_912] {strides = array<i32>} : memref<100000xf32, #tpu.memory_space<vmem>>, vector<16xf32>,
        %exp3A_914 = math.exp %get3A_913 : vector<16xf32>
        %add3A_915 = arith.addf %add3A_880, %exp3A_914 : vector<16xf32>
        %max3A_916 = arith.maximumf %max3A_881, %get3A_913 : vector<16xf32>
        %add3A_917 = arith.constant 368 : i32
        %add3A_918 = arith.addi %multiple_of3A, %add3A_917 : i32
        %get3A_919 = arith.index_cast %add3A_918 : i32 to index
        %get3A_920 = tpu.vector_load %arg6[%get3A_919] {strides = array<i32>} : memref<100000xf32, #tpu.memory_space<vmem>>, vector<16xf32>,
        %exp3A_921 = math.exp %get3A_920 : vector<16xf32>
        %add3A_922 = arith.addf %add3A_887, %exp3A_921 : vector<16xf32>
        %max3A_923 = arith.maximumf %max3A_888, %get3A_920 : vector<16xf32>
        %add3A_924 = arith.constant 384 : i32
        %add3A_925 = arith.addi %multiple_of3A, %add3A_924 : i32
        %get3A_926 = arith.index_cast %add3A_925 : i32 to index
        %get3A_927 = tpu.vector_load %arg6[%get3A_926] {strides = array<i32>} : memref<100000xf32, #tpu.memory_space<vmem>>, vector<16xf32>,
        %exp3A_928 = math.exp %get3A_927 : vector<16xf32>
        %add3A_929 = arith.addf %add3A_894, %exp3A_928 : vector<16xf32>
        %max3A_930 = arith.maximumf %max3A_895, %get3A_927 : vector<16xf32>
        %max3A_931 = arith.maximumf %max3A_902, %max3A_909 : vector<16xf32>
        %max3A_932 = arith.maximumf %max3A_916, %max3A_923 : vector<16xf32>
        %max3A_933 = arith.maximumf %max3A_932, %max3A_930 : vector<16xf32>
        %max3A_934 = arith.maximumf %max3A_931, %max3A_933 : vector<16xf32>
        %add3A_935 = arith.constant 64 : i32
        %add3A_936 = arith.addi %add3A_935, %scan3A_741 : i32
        %mul3A_937 = arith.constant 16 : i32
        %mul3A_938 = arith.muli %add3A_936, %mul3A_937 : i32
        %multiple_of3A_939 = tpu.assume_multiple %mul3A_938, 16 : i32
        %swap3A_940 = arith.index_cast %multiple_of3A_939 : i32 to index
        %swap3A_941 = tpu.vector_load %arg7[%swap3A_940] {strides = array<i32>} : memref<4000xf32, #tpu.memory_space<vmem>>, vector<16xf32>,
        tpu.vector_store %arg7[%swap3A_940], %max3A_934 {strides = array<i32>} : memref<4000xf32, #tpu.memory_space<vmem>>, vector<16xf32>,
        %max3A_942 = arith.maximumf %scan3A_747, %max3A_934 : vector<16xf32>
        %min3A_943 = arith.minimumf %scan3A_747, %max3A_934 : vector<16xf32>
        %max3A_944 = arith.maximumf %scan3A_748, %min3A_943 : vector<16xf32>
        %min3A_945 = arith.minimumf %scan3A_748, %min3A_943 : vector<16xf32>
        %max3A_946 = arith.maximumf %scan3A_749, %min3A_945 : vector<16xf32>
        %min3A_947 = arith.minimumf %scan3A_749, %min3A_945 : vector<16xf32>
        %max3A_948 = arith.maximumf %scan3A_750, %min3A_947 : vector<16xf32>
        %min3A_949 = arith.minimumf %scan3A_750, %min3A_947 : vector<16xf32>
        %max3A_950 = arith.maximumf %scan3A_751, %min3A_949 : vector<16xf32>
        scf.yield %add3A_901, %add3A_908, %add3A_915, %add3A_922, %add3A_929, %max3A_942, %max3A_944, %max3A_946, %max3A_948, %max3A_950 : vector<16xf32>, vector<16xf32>, vector<16xf32>, vector<16xf32>, vector<16xf32>, vector<16xf32>, vector<16xf32>, vector<16xf32>, vector<16xf32>, vector<16xf32>
      }
      %scan3A_142 = arith.constant 32 : i32
      %dma_wait3A_143 = arith.constant 38400 : i32
      %dma_wait3A_144 = tpu.memref_slice %arg6[%dma_wait3A_143] : memref<100000xf32, #tpu.memory_space<vmem>> -> memref<12800xf32, #tpu.memory_space<vmem>>
      %dma_wait3A_145 = arith.constant 0 : i32
      %dma_wait3A_146 = tpu.memref_slice %arg2[%add3A_41, %dma_wait3A_145] : memref<128x100000xf32, #tpu.memory_space<hbm>> -> memref<1x100000xf32, #tpu.memory_space<hbm>>
      %dma_wait3A_147 = tpu.memref_squeeze %dma_wait3A_146 : memref<1x100000xf32, #tpu.memory_space<hbm>> -> memref<100000xf32, #tpu.memory_space<hbm>>
      %dma_wait3A_148 = arith.constant 38400 : i32
      %dma_wait3A_149 = tpu.memref_slice %dma_wait3A_147[%dma_wait3A_148] : memref<100000xf32, #tpu.memory_space<hbm>> -> memref<12800xf32, #tpu.memory_space<hbm>>
      %dma_wait3A_150 = arith.constant 38400 : i32
      %dma_wait3A_151 = tpu.memref_slice %arg6[%dma_wait3A_150] : memref<100000xf32, #tpu.memory_space<vmem>> -> memref<12800xf32, #tpu.memory_space<vmem>>
      %dma_wait3A_152 = arith.constant 0 : i32
      %dma_wait3A_153 = tpu.memref_slice %arg2[%add3A_41, %dma_wait3A_152] : memref<128x100000xf32, #tpu.memory_space<hbm>> -> memref<1x100000xf32, #tpu.memory_space<hbm>>
      %dma_wait3A_154 = tpu.memref_squeeze %dma_wait3A_153 : memref<1x100000xf32, #tpu.memory_space<hbm>> -> memref<100000xf32, #tpu.memory_space<hbm>>
      %dma_wait3A_155 = arith.constant 38400 : i32
      %dma_wait3A_156 = tpu.memref_slice %dma_wait3A_154[%dma_wait3A_155] : memref<100000xf32, #tpu.memory_space<hbm>> -> memref<12800xf32, #tpu.memory_space<hbm>>
      tpu.wait_dma2 semaphore(%arg12 : memref<!tpu.dma_semaphore, #tpu.memory_space<semaphore_mem>>) src(%dma_wait3A_156 : memref<12800xf32, #tpu.memory_space<hbm>>) dst(%dma_wait3A_151 : memref<12800xf32, #tpu.memory_space<vmem>>)
      %dma_start3A_157 = arith.constant 64000 : i32
      %dma_start3A_158 = tpu.memref_slice %arg6[%dma_start3A_157] : memref<100000xf32, #tpu.memory_space<vmem>> -> memref<12800xf32, #tpu.memory_space<vmem>>
      %dma_start3A_159 = arith.constant 0 : i32
      %dma_start3A_160 = tpu.memref_slice %arg2[%add3A_41, %dma_start3A_159] : memref<128x100000xf32, #tpu.memory_space<hbm>> -> memref<1x100000xf32, #tpu.memory_space<hbm>>
      %dma_start3A_161 = tpu.memref_squeeze %dma_start3A_160 : memref<1x100000xf32, #tpu.memory_space<hbm>> -> memref<100000xf32, #tpu.memory_space<hbm>>
      %dma_start3A_162 = arith.constant 64000 : i32
      %dma_start3A_163 = tpu.memref_slice %dma_start3A_161[%dma_start3A_162] : memref<100000xf32, #tpu.memory_space<hbm>> -> memref<12800xf32, #tpu.memory_space<hbm>>
      %dma_start3A_164 = arith.constant 64000 : i32
      %dma_start3A_165 = tpu.memref_slice %arg6[%dma_start3A_164] : memref<100000xf32, #tpu.memory_space<vmem>> -> memref<12800xf32, #tpu.memory_space<vmem>>
      %dma_start3A_166 = arith.constant 0 : i32
      %dma_start3A_167 = tpu.memref_slice %arg2[%add3A_41, %dma_start3A_166] : memref<128x100000xf32, #tpu.memory_space<hbm>> -> memref<1x100000xf32, #tpu.memory_space<hbm>>
      %dma_start3A_168 = tpu.memref_squeeze %dma_start3A_167 : memref<1x100000xf32, #tpu.memory_space<hbm>> -> memref<100000xf32, #tpu.memory_space<hbm>>
      %dma_start3A_169 = arith.constant 64000 : i32
      %dma_start3A_170 = tpu.memref_slice %dma_start3A_168[%dma_start3A_169] : memref<100000xf32, #tpu.memory_space<hbm>> -> memref<12800xf32, #tpu.memory_space<hbm>>
      tpu.enqueue_dma source(%dma_start3A_170 : memref<12800xf32, #tpu.memory_space<hbm>>) target(%dma_start3A_165 : memref<12800xf32, #tpu.memory_space<vmem>>) target_semaphore(%arg12 : memref<!tpu.dma_semaphore, #tpu.memory_space<semaphore_mem>>)
      %scan3A_171 = arith.constant 0 : i32
      %scan3A_172 = arith.constant 32 : i32
      %scan3A_173 = arith.addi %scan3A_171, %scan3A_172 : i32
      %scan3A_174 = arith.constant 1 : i32
      %scan3A_175:10 = scf.for %scan3A_741 = %scan3A_171 to %scan3A_173 step %scan3A_174 iter_args(%scan3A_742 = %scan3A_141#0, %scan3A_743 = %scan3A_141#1, %scan3A_744 = %scan3A_141#2, %scan3A_745 = %scan3A_141#3, %scan3A_746 = %scan3A_141#4, %scan3A_747 = %scan3A_141#5, %scan3A_748 = %scan3A_141#6, %scan3A_749 = %scan3A_141#7, %scan3A_750 = %scan3A_141#8, %scan3A_751 = %scan3A_141#9) -> (vector<16xf32>, vector<16xf32>, vector<16xf32>, vector<16xf32>, vector<16xf32>, vector<16xf32>, vector<16xf32>, vector<16xf32>, vector<16xf32>, vector<16xf32>)  : i32 {
        %mul3A_752 = arith.constant 400 : i32
        %mul3A_753 = arith.muli %scan3A_741, %mul3A_752 : i32
        %add3A_754 = arith.constant 38400 : i32
        %add3A_755 = arith.addi %add3A_754, %mul3A_753 : i32
        %multiple_of3A = tpu.assume_multiple %add3A_755, 16 : i32
        %add3A_756 = arith.constant 0 : i32
        %add3A_757 = arith.addi %multiple_of3A, %add3A_756 : i32
        %get3A_758 = arith.index_cast %add3A_757 : i32 to index
        %get3A_759 = tpu.vector_load %arg6[%get3A_758] {strides = array<i32>} : memref<100000xf32, #tpu.memory_space<vmem>>, vector<16xf32>,
        %exp3A_760 = math.exp %get3A_759 : vector<16xf32>
        %add3A_761 = arith.addf %scan3A_742, %exp3A_760 : vector<16xf32>
        %max3A_762 = arith.maximumf %broadcast_in_dim3A_3, %get3A_759 : vector<16xf32>
        %add3A_763 = arith.constant 16 : i32
        %add3A_764 = arith.addi %multiple_of3A, %add3A_763 : i32
        %get3A_765 = arith.index_cast %add3A_764 : i32 to index
        %get3A_766 = tpu.vector_load %arg6[%get3A_765] {strides = array<i32>} : memref<100000xf32, #tpu.memory_space<vmem>>, vector<16xf32>,
        %exp3A_767 = math.exp %get3A_766 : vector<16xf32>
        %add3A_768 = arith.addf %scan3A_743, %exp3A_767 : vector<16xf32>
        %max3A_769 = arith.maximumf %broadcast_in_dim3A_3, %get3A_766 : vector<16xf32>
        %add3A_770 = arith.constant 32 : i32
        %add3A_771 = arith.addi %multiple_of3A, %add3A_770 : i32
        %get3A_772 = arith.index_cast %add3A_771 : i32 to index
        %get3A_773 = tpu.vector_load %arg6[%get3A_772] {strides = array<i32>} : memref<100000xf32, #tpu.memory_space<vmem>>, vector<16xf32>,
        %exp3A_774 = math.exp %get3A_773 : vector<16xf32>
        %add3A_775 = arith.addf %scan3A_744, %exp3A_774 : vector<16xf32>
        %max3A_776 = arith.maximumf %broadcast_in_dim3A_3, %get3A_773 : vector<16xf32>
        %add3A_777 = arith.constant 48 : i32
        %add3A_778 = arith.addi %multiple_of3A, %add3A_777 : i32
        %get3A_779 = arith.index_cast %add3A_778 : i32 to index
        %get3A_780 = tpu.vector_load %arg6[%get3A_779] {strides = array<i32>} : memref<100000xf32, #tpu.memory_space<vmem>>, vector<16xf32>,
        %exp3A_781 = math.exp %get3A_780 : vector<16xf32>
        %add3A_782 = arith.addf %scan3A_745, %exp3A_781 : vector<16xf32>
        %max3A_783 = arith.maximumf %broadcast_in_dim3A_3, %get3A_780 : vector<16xf32>
        %add3A_784 = arith.constant 64 : i32
        %add3A_785 = arith.addi %multiple_of3A, %add3A_784 : i32
        %get3A_786 = arith.index_cast %add3A_785 : i32 to index
        %get3A_787 = tpu.vector_load %arg6[%get3A_786] {strides = array<i32>} : memref<100000xf32, #tpu.memory_space<vmem>>, vector<16xf32>,
        %exp3A_788 = math.exp %get3A_787 : vector<16xf32>
        %add3A_789 = arith.addf %scan3A_746, %exp3A_788 : vector<16xf32>
        %max3A_790 = arith.maximumf %broadcast_in_dim3A_3, %get3A_787 : vector<16xf32>
        %add3A_791 = arith.constant 80 : i32
        %add3A_792 = arith.addi %multiple_of3A, %add3A_791 : i32
        %get3A_793 = arith.index_cast %add3A_792 : i32 to index
        %get3A_794 = tpu.vector_load %arg6[%get3A_793] {strides = array<i32>} : memref<100000xf32, #tpu.memory_space<vmem>>, vector<16xf32>,
        %exp3A_795 = math.exp %get3A_794 : vector<16xf32>
        %add3A_796 = arith.addf %add3A_761, %exp3A_795 : vector<16xf32>
        %max3A_797 = arith.maximumf %max3A_762, %get3A_794 : vector<16xf32>
        %add3A_798 = arith.constant 96 : i32
        %add3A_799 = arith.addi %multiple_of3A, %add3A_798 : i32
        %get3A_800 = arith.index_cast %add3A_799 : i32 to index
        %get3A_801 = tpu.vector_load %arg6[%get3A_800] {strides = array<i32>} : memref<100000xf32, #tpu.memory_space<vmem>>, vector<16xf32>,
        %exp3A_802 = math.exp %get3A_801 : vector<16xf32>
        %add3A_803 = arith.addf %add3A_768, %exp3A_802 : vector<16xf32>
        %max3A_804 = arith.maximumf %max3A_769, %get3A_801 : vector<16xf32>
        %add3A_805 = arith.constant 112 : i32
        %add3A_806 = arith.addi %multiple_of3A, %add3A_805 : i32
        %get3A_807 = arith.index_cast %add3A_806 : i32 to index
        %get3A_808 = tpu.vector_load %arg6[%get3A_807] {strides = array<i32>} : memref<100000xf32, #tpu.memory_space<vmem>>, vector<16xf32>,
        %exp3A_809 = math.exp %get3A_808 : vector<16xf32>
        %add3A_810 = arith.addf %add3A_775, %exp3A_809 : vector<16xf32>
        %max3A_811 = arith.maximumf %max3A_776, %get3A_808 : vector<16xf32>
        %add3A_812 = arith.constant 128 : i32
        %add3A_813 = arith.addi %multiple_of3A, %add3A_812 : i32
        %get3A_814 = arith.index_cast %add3A_813 : i32 to index
        %get3A_815 = tpu.vector_load %arg6[%get3A_814] {strides = array<i32>} : memref<100000xf32, #tpu.memory_space<vmem>>, vector<16xf32>,
        %exp3A_816 = math.exp %get3A_815 : vector<16xf32>
        %add3A_817 = arith.addf %add3A_782, %exp3A_816 : vector<16xf32>
        %max3A_818 = arith.maximumf %max3A_783, %get3A_815 : vector<16xf32>
        %add3A_819 = arith.constant 144 : i32
        %add3A_820 = arith.addi %multiple_of3A, %add3A_819 : i32
        %get3A_821 = arith.index_cast %add3A_820 : i32 to index
        %get3A_822 = tpu.vector_load %arg6[%get3A_821] {strides = array<i32>} : memref<100000xf32, #tpu.memory_space<vmem>>, vector<16xf32>,
        %exp3A_823 = math.exp %get3A_822 : vector<16xf32>
        %add3A_824 = arith.addf %add3A_789, %exp3A_823 : vector<16xf32>
        %max3A_825 = arith.maximumf %max3A_790, %get3A_822 : vector<16xf32>
        %add3A_826 = arith.constant 160 : i32
        %add3A_827 = arith.addi %multiple_of3A, %add3A_826 : i32
        %get3A_828 = arith.index_cast %add3A_827 : i32 to index
        %get3A_829 = tpu.vector_load %arg6[%get3A_828] {strides = array<i32>} : memref<100000xf32, #tpu.memory_space<vmem>>, vector<16xf32>,
        %exp3A_830 = math.exp %get3A_829 : vector<16xf32>
        %add3A_831 = arith.addf %add3A_796, %exp3A_830 : vector<16xf32>
        %max3A_832 = arith.maximumf %max3A_797, %get3A_829 : vector<16xf32>
        %add3A_833 = arith.constant 176 : i32
        %add3A_834 = arith.addi %multiple_of3A, %add3A_833 : i32
        %get3A_835 = arith.index_cast %add3A_834 : i32 to index
        %get3A_836 = tpu.vector_load %arg6[%get3A_835] {strides = array<i32>} : memref<100000xf32, #tpu.memory_space<vmem>>, vector<16xf32>,
        %exp3A_837 = math.exp %get3A_836 : vector<16xf32>
        %add3A_838 = arith.addf %add3A_803, %exp3A_837 : vector<16xf32>
        %max3A_839 = arith.maximumf %max3A_804, %get3A_836 : vector<16xf32>
        %add3A_840 = arith.constant 192 : i32
        %add3A_841 = arith.addi %multiple_of3A, %add3A_840 : i32
        %get3A_842 = arith.index_cast %add3A_841 : i32 to index
        %get3A_843 = tpu.vector_load %arg6[%get3A_842] {strides = array<i32>} : memref<100000xf32, #tpu.memory_space<vmem>>, vector<16xf32>,
        %exp3A_844 = math.exp %get3A_843 : vector<16xf32>
        %add3A_845 = arith.addf %add3A_810, %exp3A_844 : vector<16xf32>
        %max3A_846 = arith.maximumf %max3A_811, %get3A_843 : vector<16xf32>
        %add3A_847 = arith.constant 208 : i32
        %add3A_848 = arith.addi %multiple_of3A, %add3A_847 : i32
        %get3A_849 = arith.index_cast %add3A_848 : i32 to index
        %get3A_850 = tpu.vector_load %arg6[%get3A_849] {strides = array<i32>} : memref<100000xf32, #tpu.memory_space<vmem>>, vector<16xf32>,
        %exp3A_851 = math.exp %get3A_850 : vector<16xf32>
        %add3A_852 = arith.addf %add3A_817, %exp3A_851 : vector<16xf32>
        %max3A_853 = arith.maximumf %max3A_818, %get3A_850 : vector<16xf32>
        %add3A_854 = arith.constant 224 : i32
        %add3A_855 = arith.addi %multiple_of3A, %add3A_854 : i32
        %get3A_856 = arith.index_cast %add3A_855 : i32 to index
        %get3A_857 = tpu.vector_load %arg6[%get3A_856] {strides = array<i32>} : memref<100000xf32, #tpu.memory_space<vmem>>, vector<16xf32>,
        %exp3A_858 = math.exp %get3A_857 : vector<16xf32>
        %add3A_859 = arith.addf %add3A_824, %exp3A_858 : vector<16xf32>
        %max3A_860 = arith.maximumf %max3A_825, %get3A_857 : vector<16xf32>
        %add3A_861 = arith.constant 240 : i32
        %add3A_862 = arith.addi %multiple_of3A, %add3A_861 : i32
        %get3A_863 = arith.index_cast %add3A_862 : i32 to index
        %get3A_864 = tpu.vector_load %arg6[%get3A_863] {strides = array<i32>} : memref<100000xf32, #tpu.memory_space<vmem>>, vector<16xf32>,
        %exp3A_865 = math.exp %get3A_864 : vector<16xf32>
        %add3A_866 = arith.addf %add3A_831, %exp3A_865 : vector<16xf32>
        %max3A_867 = arith.maximumf %max3A_832, %get3A_864 : vector<16xf32>
        %add3A_868 = arith.constant 256 : i32
        %add3A_869 = arith.addi %multiple_of3A, %add3A_868 : i32
        %get3A_870 = arith.index_cast %add3A_869 : i32 to index
        %get3A_871 = tpu.vector_load %arg6[%get3A_870] {strides = array<i32>} : memref<100000xf32, #tpu.memory_space<vmem>>, vector<16xf32>,
        %exp3A_872 = math.exp %get3A_871 : vector<16xf32>
        %add3A_873 = arith.addf %add3A_838, %exp3A_872 : vector<16xf32>
        %max3A_874 = arith.maximumf %max3A_839, %get3A_871 : vector<16xf32>
        %add3A_875 = arith.constant 272 : i32
        %add3A_876 = arith.addi %multiple_of3A, %add3A_875 : i32
        %get3A_877 = arith.index_cast %add3A_876 : i32 to index
        %get3A_878 = tpu.vector_load %arg6[%get3A_877] {strides = array<i32>} : memref<100000xf32, #tpu.memory_space<vmem>>, vector<16xf32>,
        %exp3A_879 = math.exp %get3A_878 : vector<16xf32>
        %add3A_880 = arith.addf %add3A_845, %exp3A_879 : vector<16xf32>
        %max3A_881 = arith.maximumf %max3A_846, %get3A_878 : vector<16xf32>
        %add3A_882 = arith.constant 288 : i32
        %add3A_883 = arith.addi %multiple_of3A, %add3A_882 : i32
        %get3A_884 = arith.index_cast %add3A_883 : i32 to index
        %get3A_885 = tpu.vector_load %arg6[%get3A_884] {strides = array<i32>} : memref<100000xf32, #tpu.memory_space<vmem>>, vector<16xf32>,
        %exp3A_886 = math.exp %get3A_885 : vector<16xf32>
        %add3A_887 = arith.addf %add3A_852, %exp3A_886 : vector<16xf32>
        %max3A_888 = arith.maximumf %max3A_853, %get3A_885 : vector<16xf32>
        %add3A_889 = arith.constant 304 : i32
        %add3A_890 = arith.addi %multiple_of3A, %add3A_889 : i32
        %get3A_891 = arith.index_cast %add3A_890 : i32 to index
        %get3A_892 = tpu.vector_load %arg6[%get3A_891] {strides = array<i32>} : memref<100000xf32, #tpu.memory_space<vmem>>, vector<16xf32>,
        %exp3A_893 = math.exp %get3A_892 : vector<16xf32>
        %add3A_894 = arith.addf %add3A_859, %exp3A_893 : vector<16xf32>
        %max3A_895 = arith.maximumf %max3A_860, %get3A_892 : vector<16xf32>
        %add3A_896 = arith.constant 320 : i32
        %add3A_897 = arith.addi %multiple_of3A, %add3A_896 : i32
        %get3A_898 = arith.index_cast %add3A_897 : i32 to index
        %get3A_899 = tpu.vector_load %arg6[%get3A_898] {strides = array<i32>} : memref<100000xf32, #tpu.memory_space<vmem>>, vector<16xf32>,
        %exp3A_900 = math.exp %get3A_899 : vector<16xf32>
        %add3A_901 = arith.addf %add3A_866, %exp3A_900 : vector<16xf32>
        %max3A_902 = arith.maximumf %max3A_867, %get3A_899 : vector<16xf32>
        %add3A_903 = arith.constant 336 : i32
        %add3A_904 = arith.addi %multiple_of3A, %add3A_903 : i32
        %get3A_905 = arith.index_cast %add3A_904 : i32 to index
        %get3A_906 = tpu.vector_load %arg6[%get3A_905] {strides = array<i32>} : memref<100000xf32, #tpu.memory_space<vmem>>, vector<16xf32>,
        %exp3A_907 = math.exp %get3A_906 : vector<16xf32>
        %add3A_908 = arith.addf %add3A_873, %exp3A_907 : vector<16xf32>
        %max3A_909 = arith.maximumf %max3A_874, %get3A_906 : vector<16xf32>
        %add3A_910 = arith.constant 352 : i32
        %add3A_911 = arith.addi %multiple_of3A, %add3A_910 : i32
        %get3A_912 = arith.index_cast %add3A_911 : i32 to index
        %get3A_913 = tpu.vector_load %arg6[%get3A_912] {strides = array<i32>} : memref<100000xf32, #tpu.memory_space<vmem>>, vector<16xf32>,
        %exp3A_914 = math.exp %get3A_913 : vector<16xf32>
        %add3A_915 = arith.addf %add3A_880, %exp3A_914 : vector<16xf32>
        %max3A_916 = arith.maximumf %max3A_881, %get3A_913 : vector<16xf32>
        %add3A_917 = arith.constant 368 : i32
        %add3A_918 = arith.addi %multiple_of3A, %add3A_917 : i32
        %get3A_919 = arith.index_cast %add3A_918 : i32 to index
        %get3A_920 = tpu.vector_load %arg6[%get3A_919] {strides = array<i32>} : memref<100000xf32, #tpu.memory_space<vmem>>, vector<16xf32>,
        %exp3A_921 = math.exp %get3A_920 : vector<16xf32>
        %add3A_922 = arith.addf %add3A_887, %exp3A_921 : vector<16xf32>
        %max3A_923 = arith.maximumf %max3A_888, %get3A_920 : vector<16xf32>
        %add3A_924 = arith.constant 384 : i32
        %add3A_925 = arith.addi %multiple_of3A, %add3A_924 : i32
        %get3A_926 = arith.index_cast %add3A_925 : i32 to index
        %get3A_927 = tpu.vector_load %arg6[%get3A_926] {strides = array<i32>} : memref<100000xf32, #tpu.memory_space<vmem>>, vector<16xf32>,
        %exp3A_928 = math.exp %get3A_927 : vector<16xf32>
        %add3A_929 = arith.addf %add3A_894, %exp3A_928 : vector<16xf32>
        %max3A_930 = arith.maximumf %max3A_895, %get3A_927 : vector<16xf32>
        %max3A_931 = arith.maximumf %max3A_902, %max3A_909 : vector<16xf32>
        %max3A_932 = arith.maximumf %max3A_916, %max3A_923 : vector<16xf32>
        %max3A_933 = arith.maximumf %max3A_932, %max3A_930 : vector<16xf32>
        %max3A_934 = arith.maximumf %max3A_931, %max3A_933 : vector<16xf32>
        %add3A_935 = arith.constant 96 : i32
        %add3A_936 = arith.addi %add3A_935, %scan3A_741 : i32
        %mul3A_937 = arith.constant 16 : i32
        %mul3A_938 = arith.muli %add3A_936, %mul3A_937 : i32
        %multiple_of3A_939 = tpu.assume_multiple %mul3A_938, 16 : i32
        %swap3A_940 = arith.index_cast %multiple_of3A_939 : i32 to index
        %swap3A_941 = tpu.vector_load %arg7[%swap3A_940] {strides = array<i32>} : memref<4000xf32, #tpu.memory_space<vmem>>, vector<16xf32>,
        tpu.vector_store %arg7[%swap3A_940], %max3A_934 {strides = array<i32>} : memref<4000xf32, #tpu.memory_space<vmem>>, vector<16xf32>,
        %max3A_942 = arith.maximumf %scan3A_747, %max3A_934 : vector<16xf32>
        %min3A_943 = arith.minimumf %scan3A_747, %max3A_934 : vector<16xf32>
        %max3A_944 = arith.maximumf %scan3A_748, %min3A_943 : vector<16xf32>
        %min3A_945 = arith.minimumf %scan3A_748, %min3A_943 : vector<16xf32>
        %max3A_946 = arith.maximumf %scan3A_749, %min3A_945 : vector<16xf32>
        %min3A_947 = arith.minimumf %scan3A_749, %min3A_945 : vector<16xf32>
        %max3A_948 = arith.maximumf %scan3A_750, %min3A_947 : vector<16xf32>
        %min3A_949 = arith.minimumf %scan3A_750, %min3A_947 : vector<16xf32>
        %max3A_950 = arith.maximumf %scan3A_751, %min3A_949 : vector<16xf32>
        scf.yield %add3A_901, %add3A_908, %add3A_915, %add3A_922, %add3A_929, %max3A_942, %max3A_944, %max3A_946, %max3A_948, %max3A_950 : vector<16xf32>, vector<16xf32>, vector<16xf32>, vector<16xf32>, vector<16xf32>, vector<16xf32>, vector<16xf32>, vector<16xf32>, vector<16xf32>, vector<16xf32>
      }
      %scan3A_176 = arith.constant 32 : i32
      %dma_wait3A_177 = arith.constant 51200 : i32
      %dma_wait3A_178 = tpu.memref_slice %arg6[%dma_wait3A_177] : memref<100000xf32, #tpu.memory_space<vmem>> -> memref<12800xf32, #tpu.memory_space<vmem>>
      %dma_wait3A_179 = arith.constant 0 : i32
      %dma_wait3A_180 = tpu.memref_slice %arg2[%add3A_41, %dma_wait3A_179] : memref<128x100000xf32, #tpu.memory_space<hbm>> -> memref<1x100000xf32, #tpu.memory_space<hbm>>
      %dma_wait3A_181 = tpu.memref_squeeze %dma_wait3A_180 : memref<1x100000xf32, #tpu.memory_space<hbm>> -> memref<100000xf32, #tpu.memory_space<hbm>>
      %dma_wait3A_182 = arith.constant 51200 : i32
      %dma_wait3A_183 = tpu.memref_slice %dma_wait3A_181[%dma_wait3A_182] : memref<100000xf32, #tpu.memory_space<hbm>> -> memref<12800xf32, #tpu.memory_space<hbm>>
      %dma_wait3A_184 = arith.constant 51200 : i32
      %dma_wait3A_185 = tpu.memref_slice %arg6[%dma_wait3A_184] : memref<100000xf32, #tpu.memory_space<vmem>> -> memref<12800xf32, #tpu.memory_space<vmem>>
      %dma_wait3A_186 = arith.constant 0 : i32
      %dma_wait3A_187 = tpu.memref_slice %arg2[%add3A_41, %dma_wait3A_186] : memref<128x100000xf32, #tpu.memory_space<hbm>> -> memref<1x100000xf32, #tpu.memory_space<hbm>>
      %dma_wait3A_188 = tpu.memref_squeeze %dma_wait3A_187 : memref<1x100000xf32, #tpu.memory_space<hbm>> -> memref<100000xf32, #tpu.memory_space<hbm>>
      %dma_wait3A_189 = arith.constant 51200 : i32
      %dma_wait3A_190 = tpu.memref_slice %dma_wait3A_188[%dma_wait3A_189] : memref<100000xf32, #tpu.memory_space<hbm>> -> memref<12800xf32, #tpu.memory_space<hbm>>
      tpu.wait_dma2 semaphore(%arg11 : memref<!tpu.dma_semaphore, #tpu.memory_space<semaphore_mem>>) src(%dma_wait3A_190 : memref<12800xf32, #tpu.memory_space<hbm>>) dst(%dma_wait3A_185 : memref<12800xf32, #tpu.memory_space<vmem>>)
      %dma_start3A_191 = arith.constant 76800 : i32
      %dma_start3A_192 = tpu.memref_slice %arg6[%dma_start3A_191] : memref<100000xf32, #tpu.memory_space<vmem>> -> memref<12800xf32, #tpu.memory_space<vmem>>
      %dma_start3A_193 = arith.constant 0 : i32
      %dma_start3A_194 = tpu.memref_slice %arg2[%add3A_41, %dma_start3A_193] : memref<128x100000xf32, #tpu.memory_space<hbm>> -> memref<1x100000xf32, #tpu.memory_space<hbm>>
      %dma_start3A_195 = tpu.memref_squeeze %dma_start3A_194 : memref<1x100000xf32, #tpu.memory_space<hbm>> -> memref<100000xf32, #tpu.memory_space<hbm>>
      %dma_start3A_196 = arith.constant 76800 : i32
      %dma_start3A_197 = tpu.memref_slice %dma_start3A_195[%dma_start3A_196] : memref<100000xf32, #tpu.memory_space<hbm>> -> memref<12800xf32, #tpu.memory_space<hbm>>
      %dma_start3A_198 = arith.constant 76800 : i32
      %dma_start3A_199 = tpu.memref_slice %arg6[%dma_start3A_198] : memref<100000xf32, #tpu.memory_space<vmem>> -> memref<12800xf32, #tpu.memory_space<vmem>>
      %dma_start3A_200 = arith.constant 0 : i32
      %dma_start3A_201 = tpu.memref_slice %arg2[%add3A_41, %dma_start3A_200] : memref<128x100000xf32, #tpu.memory_space<hbm>> -> memref<1x100000xf32, #tpu.memory_space<hbm>>
      %dma_start3A_202 = tpu.memref_squeeze %dma_start3A_201 : memref<1x100000xf32, #tpu.memory_space<hbm>> -> memref<100000xf32, #tpu.memory_space<hbm>>
      %dma_start3A_203 = arith.constant 76800 : i32
      %dma_start3A_204 = tpu.memref_slice %dma_start3A_202[%dma_start3A_203] : memref<100000xf32, #tpu.memory_space<hbm>> -> memref<12800xf32, #tpu.memory_space<hbm>>
      tpu.enqueue_dma source(%dma_start3A_204 : memref<12800xf32, #tpu.memory_space<hbm>>) target(%dma_start3A_199 : memref<12800xf32, #tpu.memory_space<vmem>>) target_semaphore(%arg11 : memref<!tpu.dma_semaphore, #tpu.memory_space<semaphore_mem>>)
      %scan3A_205 = arith.constant 0 : i32
      %scan3A_206 = arith.constant 32 : i32
      %scan3A_207 = arith.addi %scan3A_205, %scan3A_206 : i32
      %scan3A_208 = arith.constant 1 : i32
      %scan3A_209:10 = scf.for %scan3A_741 = %scan3A_205 to %scan3A_207 step %scan3A_208 iter_args(%scan3A_742 = %scan3A_175#0, %scan3A_743 = %scan3A_175#1, %scan3A_744 = %scan3A_175#2, %scan3A_745 = %scan3A_175#3, %scan3A_746 = %scan3A_175#4, %scan3A_747 = %scan3A_175#5, %scan3A_748 = %scan3A_175#6, %scan3A_749 = %scan3A_175#7, %scan3A_750 = %scan3A_175#8, %scan3A_751 = %scan3A_175#9) -> (vector<16xf32>, vector<16xf32>, vector<16xf32>, vector<16xf32>, vector<16xf32>, vector<16xf32>, vector<16xf32>, vector<16xf32>, vector<16xf32>, vector<16xf32>)  : i32 {
        %mul3A_752 = arith.constant 400 : i32
        %mul3A_753 = arith.muli %scan3A_741, %mul3A_752 : i32
        %add3A_754 = arith.constant 51200 : i32
        %add3A_755 = arith.addi %add3A_754, %mul3A_753 : i32
        %multiple_of3A = tpu.assume_multiple %add3A_755, 16 : i32
        %add3A_756 = arith.constant 0 : i32
        %add3A_757 = arith.addi %multiple_of3A, %add3A_756 : i32
        %get3A_758 = arith.index_cast %add3A_757 : i32 to index
        %get3A_759 = tpu.vector_load %arg6[%get3A_758] {strides = array<i32>} : memref<100000xf32, #tpu.memory_space<vmem>>, vector<16xf32>,
        %exp3A_760 = math.exp %get3A_759 : vector<16xf32>
        %add3A_761 = arith.addf %scan3A_742, %exp3A_760 : vector<16xf32>
        %max3A_762 = arith.maximumf %broadcast_in_dim3A_3, %get3A_759 : vector<16xf32>
        %add3A_763 = arith.constant 16 : i32
        %add3A_764 = arith.addi %multiple_of3A, %add3A_763 : i32
        %get3A_765 = arith.index_cast %add3A_764 : i32 to index
        %get3A_766 = tpu.vector_load %arg6[%get3A_765] {strides = array<i32>} : memref<100000xf32, #tpu.memory_space<vmem>>, vector<16xf32>,
        %exp3A_767 = math.exp %get3A_766 : vector<16xf32>
        %add3A_768 = arith.addf %scan3A_743, %exp3A_767 : vector<16xf32>
        %max3A_769 = arith.maximumf %broadcast_in_dim3A_3, %get3A_766 : vector<16xf32>
        %add3A_770 = arith.constant 32 : i32
        %add3A_771 = arith.addi %multiple_of3A, %add3A_770 : i32
        %get3A_772 = arith.index_cast %add3A_771 : i32 to index
        %get3A_773 = tpu.vector_load %arg6[%get3A_772] {strides = array<i32>} : memref<100000xf32, #tpu.memory_space<vmem>>, vector<16xf32>,
        %exp3A_774 = math.exp %get3A_773 : vector<16xf32>
        %add3A_775 = arith.addf %scan3A_744, %exp3A_774 : vector<16xf32>
        %max3A_776 = arith.maximumf %broadcast_in_dim3A_3, %get3A_773 : vector<16xf32>
        %add3A_777 = arith.constant 48 : i32
        %add3A_778 = arith.addi %multiple_of3A, %add3A_777 : i32
        %get3A_779 = arith.index_cast %add3A_778 : i32 to index
        %get3A_780 = tpu.vector_load %arg6[%get3A_779] {strides = array<i32>} : memref<100000xf32, #tpu.memory_space<vmem>>, vector<16xf32>,
        %exp3A_781 = math.exp %get3A_780 : vector<16xf32>
        %add3A_782 = arith.addf %scan3A_745, %exp3A_781 : vector<16xf32>
        %max3A_783 = arith.maximumf %broadcast_in_dim3A_3, %get3A_780 : vector<16xf32>
        %add3A_784 = arith.constant 64 : i32
        %add3A_785 = arith.addi %multiple_of3A, %add3A_784 : i32
        %get3A_786 = arith.index_cast %add3A_785 : i32 to index
        %get3A_787 = tpu.vector_load %arg6[%get3A_786] {strides = array<i32>} : memref<100000xf32, #tpu.memory_space<vmem>>, vector<16xf32>,
        %exp3A_788 = math.exp %get3A_787 : vector<16xf32>
        %add3A_789 = arith.addf %scan3A_746, %exp3A_788 : vector<16xf32>
        %max3A_790 = arith.maximumf %broadcast_in_dim3A_3, %get3A_787 : vector<16xf32>
        %add3A_791 = arith.constant 80 : i32
        %add3A_792 = arith.addi %multiple_of3A, %add3A_791 : i32
        %get3A_793 = arith.index_cast %add3A_792 : i32 to index
        %get3A_794 = tpu.vector_load %arg6[%get3A_793] {strides = array<i32>} : memref<100000xf32, #tpu.memory_space<vmem>>, vector<16xf32>,
        %exp3A_795 = math.exp %get3A_794 : vector<16xf32>
        %add3A_796 = arith.addf %add3A_761, %exp3A_795 : vector<16xf32>
        %max3A_797 = arith.maximumf %max3A_762, %get3A_794 : vector<16xf32>
        %add3A_798 = arith.constant 96 : i32
        %add3A_799 = arith.addi %multiple_of3A, %add3A_798 : i32
        %get3A_800 = arith.index_cast %add3A_799 : i32 to index
        %get3A_801 = tpu.vector_load %arg6[%get3A_800] {strides = array<i32>} : memref<100000xf32, #tpu.memory_space<vmem>>, vector<16xf32>,
        %exp3A_802 = math.exp %get3A_801 : vector<16xf32>
        %add3A_803 = arith.addf %add3A_768, %exp3A_802 : vector<16xf32>
        %max3A_804 = arith.maximumf %max3A_769, %get3A_801 : vector<16xf32>
        %add3A_805 = arith.constant 112 : i32
        %add3A_806 = arith.addi %multiple_of3A, %add3A_805 : i32
        %get3A_807 = arith.index_cast %add3A_806 : i32 to index
        %get3A_808 = tpu.vector_load %arg6[%get3A_807] {strides = array<i32>} : memref<100000xf32, #tpu.memory_space<vmem>>, vector<16xf32>,
        %exp3A_809 = math.exp %get3A_808 : vector<16xf32>
        %add3A_810 = arith.addf %add3A_775, %exp3A_809 : vector<16xf32>
        %max3A_811 = arith.maximumf %max3A_776, %get3A_808 : vector<16xf32>
        %add3A_812 = arith.constant 128 : i32
        %add3A_813 = arith.addi %multiple_of3A, %add3A_812 : i32
        %get3A_814 = arith.index_cast %add3A_813 : i32 to index
        %get3A_815 = tpu.vector_load %arg6[%get3A_814] {strides = array<i32>} : memref<100000xf32, #tpu.memory_space<vmem>>, vector<16xf32>,
        %exp3A_816 = math.exp %get3A_815 : vector<16xf32>
        %add3A_817 = arith.addf %add3A_782, %exp3A_816 : vector<16xf32>
        %max3A_818 = arith.maximumf %max3A_783, %get3A_815 : vector<16xf32>
        %add3A_819 = arith.constant 144 : i32
        %add3A_820 = arith.addi %multiple_of3A, %add3A_819 : i32
        %get3A_821 = arith.index_cast %add3A_820 : i32 to index
        %get3A_822 = tpu.vector_load %arg6[%get3A_821] {strides = array<i32>} : memref<100000xf32, #tpu.memory_space<vmem>>, vector<16xf32>,
        %exp3A_823 = math.exp %get3A_822 : vector<16xf32>
        %add3A_824 = arith.addf %add3A_789, %exp3A_823 : vector<16xf32>
        %max3A_825 = arith.maximumf %max3A_790, %get3A_822 : vector<16xf32>
        %add3A_826 = arith.constant 160 : i32
        %add3A_827 = arith.addi %multiple_of3A, %add3A_826 : i32
        %get3A_828 = arith.index_cast %add3A_827 : i32 to index
        %get3A_829 = tpu.vector_load %arg6[%get3A_828] {strides = array<i32>} : memref<100000xf32, #tpu.memory_space<vmem>>, vector<16xf32>,
        %exp3A_830 = math.exp %get3A_829 : vector<16xf32>
        %add3A_831 = arith.addf %add3A_796, %exp3A_830 : vector<16xf32>
        %max3A_832 = arith.maximumf %max3A_797, %get3A_829 : vector<16xf32>
        %add3A_833 = arith.constant 176 : i32
        %add3A_834 = arith.addi %multiple_of3A, %add3A_833 : i32
        %get3A_835 = arith.index_cast %add3A_834 : i32 to index
        %get3A_836 = tpu.vector_load %arg6[%get3A_835] {strides = array<i32>} : memref<100000xf32, #tpu.memory_space<vmem>>, vector<16xf32>,
        %exp3A_837 = math.exp %get3A_836 : vector<16xf32>
        %add3A_838 = arith.addf %add3A_803, %exp3A_837 : vector<16xf32>
        %max3A_839 = arith.maximumf %max3A_804, %get3A_836 : vector<16xf32>
        %add3A_840 = arith.constant 192 : i32
        %add3A_841 = arith.addi %multiple_of3A, %add3A_840 : i32
        %get3A_842 = arith.index_cast %add3A_841 : i32 to index
        %get3A_843 = tpu.vector_load %arg6[%get3A_842] {strides = array<i32>} : memref<100000xf32, #tpu.memory_space<vmem>>, vector<16xf32>,
        %exp3A_844 = math.exp %get3A_843 : vector<16xf32>
        %add3A_845 = arith.addf %add3A_810, %exp3A_844 : vector<16xf32>
        %max3A_846 = arith.maximumf %max3A_811, %get3A_843 : vector<16xf32>
        %add3A_847 = arith.constant 208 : i32
        %add3A_848 = arith.addi %multiple_of3A, %add3A_847 : i32
        %get3A_849 = arith.index_cast %add3A_848 : i32 to index
        %get3A_850 = tpu.vector_load %arg6[%get3A_849] {strides = array<i32>} : memref<100000xf32, #tpu.memory_space<vmem>>, vector<16xf32>,
        %exp3A_851 = math.exp %get3A_850 : vector<16xf32>
        %add3A_852 = arith.addf %add3A_817, %exp3A_851 : vector<16xf32>
        %max3A_853 = arith.maximumf %max3A_818, %get3A_850 : vector<16xf32>
        %add3A_854 = arith.constant 224 : i32
        %add3A_855 = arith.addi %multiple_of3A, %add3A_854 : i32
        %get3A_856 = arith.index_cast %add3A_855 : i32 to index
        %get3A_857 = tpu.vector_load %arg6[%get3A_856] {strides = array<i32>} : memref<100000xf32, #tpu.memory_space<vmem>>, vector<16xf32>,
        %exp3A_858 = math.exp %get3A_857 : vector<16xf32>
        %add3A_859 = arith.addf %add3A_824, %exp3A_858 : vector<16xf32>
        %max3A_860 = arith.maximumf %max3A_825, %get3A_857 : vector<16xf32>
        %add3A_861 = arith.constant 240 : i32
        %add3A_862 = arith.addi %multiple_of3A, %add3A_861 : i32
        %get3A_863 = arith.index_cast %add3A_862 : i32 to index
        %get3A_864 = tpu.vector_load %arg6[%get3A_863] {strides = array<i32>} : memref<100000xf32, #tpu.memory_space<vmem>>, vector<16xf32>,
        %exp3A_865 = math.exp %get3A_864 : vector<16xf32>
        %add3A_866 = arith.addf %add3A_831, %exp3A_865 : vector<16xf32>
        %max3A_867 = arith.maximumf %max3A_832, %get3A_864 : vector<16xf32>
        %add3A_868 = arith.constant 256 : i32
        %add3A_869 = arith.addi %multiple_of3A, %add3A_868 : i32
        %get3A_870 = arith.index_cast %add3A_869 : i32 to index
        %get3A_871 = tpu.vector_load %arg6[%get3A_870] {strides = array<i32>} : memref<100000xf32, #tpu.memory_space<vmem>>, vector<16xf32>,
        %exp3A_872 = math.exp %get3A_871 : vector<16xf32>
        %add3A_873 = arith.addf %add3A_838, %exp3A_872 : vector<16xf32>
        %max3A_874 = arith.maximumf %max3A_839, %get3A_871 : vector<16xf32>
        %add3A_875 = arith.constant 272 : i32
        %add3A_876 = arith.addi %multiple_of3A, %add3A_875 : i32
        %get3A_877 = arith.index_cast %add3A_876 : i32 to index
        %get3A_878 = tpu.vector_load %arg6[%get3A_877] {strides = array<i32>} : memref<100000xf32, #tpu.memory_space<vmem>>, vector<16xf32>,
        %exp3A_879 = math.exp %get3A_878 : vector<16xf32>
        %add3A_880 = arith.addf %add3A_845, %exp3A_879 : vector<16xf32>
        %max3A_881 = arith.maximumf %max3A_846, %get3A_878 : vector<16xf32>
        %add3A_882 = arith.constant 288 : i32
        %add3A_883 = arith.addi %multiple_of3A, %add3A_882 : i32
        %get3A_884 = arith.index_cast %add3A_883 : i32 to index
        %get3A_885 = tpu.vector_load %arg6[%get3A_884] {strides = array<i32>} : memref<100000xf32, #tpu.memory_space<vmem>>, vector<16xf32>,
        %exp3A_886 = math.exp %get3A_885 : vector<16xf32>
        %add3A_887 = arith.addf %add3A_852, %exp3A_886 : vector<16xf32>
        %max3A_888 = arith.maximumf %max3A_853, %get3A_885 : vector<16xf32>
        %add3A_889 = arith.constant 304 : i32
        %add3A_890 = arith.addi %multiple_of3A, %add3A_889 : i32
        %get3A_891 = arith.index_cast %add3A_890 : i32 to index
        %get3A_892 = tpu.vector_load %arg6[%get3A_891] {strides = array<i32>} : memref<100000xf32, #tpu.memory_space<vmem>>, vector<16xf32>,
        %exp3A_893 = math.exp %get3A_892 : vector<16xf32>
        %add3A_894 = arith.addf %add3A_859, %exp3A_893 : vector<16xf32>
        %max3A_895 = arith.maximumf %max3A_860, %get3A_892 : vector<16xf32>
        %add3A_896 = arith.constant 320 : i32
        %add3A_897 = arith.addi %multiple_of3A, %add3A_896 : i32
        %get3A_898 = arith.index_cast %add3A_897 : i32 to index
        %get3A_899 = tpu.vector_load %arg6[%get3A_898] {strides = array<i32>} : memref<100000xf32, #tpu.memory_space<vmem>>, vector<16xf32>,
        %exp3A_900 = math.exp %get3A_899 : vector<16xf32>
        %add3A_901 = arith.addf %add3A_866, %exp3A_900 : vector<16xf32>
        %max3A_902 = arith.maximumf %max3A_867, %get3A_899 : vector<16xf32>
        %add3A_903 = arith.constant 336 : i32
        %add3A_904 = arith.addi %multiple_of3A, %add3A_903 : i32
        %get3A_905 = arith.index_cast %add3A_904 : i32 to index
        %get3A_906 = tpu.vector_load %arg6[%get3A_905] {strides = array<i32>} : memref<100000xf32, #tpu.memory_space<vmem>>, vector<16xf32>,
        %exp3A_907 = math.exp %get3A_906 : vector<16xf32>
        %add3A_908 = arith.addf %add3A_873, %exp3A_907 : vector<16xf32>
        %max3A_909 = arith.maximumf %max3A_874, %get3A_906 : vector<16xf32>
        %add3A_910 = arith.constant 352 : i32
        %add3A_911 = arith.addi %multiple_of3A, %add3A_910 : i32
        %get3A_912 = arith.index_cast %add3A_911 : i32 to index
        %get3A_913 = tpu.vector_load %arg6[%get3A_912] {strides = array<i32>} : memref<100000xf32, #tpu.memory_space<vmem>>, vector<16xf32>,
        %exp3A_914 = math.exp %get3A_913 : vector<16xf32>
        %add3A_915 = arith.addf %add3A_880, %exp3A_914 : vector<16xf32>
        %max3A_916 = arith.maximumf %max3A_881, %get3A_913 : vector<16xf32>
        %add3A_917 = arith.constant 368 : i32
        %add3A_918 = arith.addi %multiple_of3A, %add3A_917 : i32
        %get3A_919 = arith.index_cast %add3A_918 : i32 to index
        %get3A_920 = tpu.vector_load %arg6[%get3A_919] {strides = array<i32>} : memref<100000xf32, #tpu.memory_space<vmem>>, vector<16xf32>,
        %exp3A_921 = math.exp %get3A_920 : vector<16xf32>
        %add3A_922 = arith.addf %add3A_887, %exp3A_921 : vector<16xf32>
        %max3A_923 = arith.maximumf %max3A_888, %get3A_920 : vector<16xf32>
        %add3A_924 = arith.constant 384 : i32
        %add3A_925 = arith.addi %multiple_of3A, %add3A_924 : i32
        %get3A_926 = arith.index_cast %add3A_925 : i32 to index
        %get3A_927 = tpu.vector_load %arg6[%get3A_926] {strides = array<i32>} : memref<100000xf32, #tpu.memory_space<vmem>>, vector<16xf32>,
        %exp3A_928 = math.exp %get3A_927 : vector<16xf32>
        %add3A_929 = arith.addf %add3A_894, %exp3A_928 : vector<16xf32>
        %max3A_930 = arith.maximumf %max3A_895, %get3A_927 : vector<16xf32>
        %max3A_931 = arith.maximumf %max3A_902, %max3A_909 : vector<16xf32>
        %max3A_932 = arith.maximumf %max3A_916, %max3A_923 : vector<16xf32>
        %max3A_933 = arith.maximumf %max3A_932, %max3A_930 : vector<16xf32>
        %max3A_934 = arith.maximumf %max3A_931, %max3A_933 : vector<16xf32>
        %add3A_935 = arith.constant 128 : i32
        %add3A_936 = arith.addi %add3A_935, %scan3A_741 : i32
        %mul3A_937 = arith.constant 16 : i32
        %mul3A_938 = arith.muli %add3A_936, %mul3A_937 : i32
        %multiple_of3A_939 = tpu.assume_multiple %mul3A_938, 16 : i32
        %swap3A_940 = arith.index_cast %multiple_of3A_939 : i32 to index
        %swap3A_941 = tpu.vector_load %arg7[%swap3A_940] {strides = array<i32>} : memref<4000xf32, #tpu.memory_space<vmem>>, vector<16xf32>,
        tpu.vector_store %arg7[%swap3A_940], %max3A_934 {strides = array<i32>} : memref<4000xf32, #tpu.memory_space<vmem>>, vector<16xf32>,
        %max3A_942 = arith.maximumf %scan3A_747, %max3A_934 : vector<16xf32>
        %min3A_943 = arith.minimumf %scan3A_747, %max3A_934 : vector<16xf32>
        %max3A_944 = arith.maximumf %scan3A_748, %min3A_943 : vector<16xf32>
        %min3A_945 = arith.minimumf %scan3A_748, %min3A_943 : vector<16xf32>
        %max3A_946 = arith.maximumf %scan3A_749, %min3A_945 : vector<16xf32>
        %min3A_947 = arith.minimumf %scan3A_749, %min3A_945 : vector<16xf32>
        %max3A_948 = arith.maximumf %scan3A_750, %min3A_947 : vector<16xf32>
        %min3A_949 = arith.minimumf %scan3A_750, %min3A_947 : vector<16xf32>
        %max3A_950 = arith.maximumf %scan3A_751, %min3A_949 : vector<16xf32>
        scf.yield %add3A_901, %add3A_908, %add3A_915, %add3A_922, %add3A_929, %max3A_942, %max3A_944, %max3A_946, %max3A_948, %max3A_950 : vector<16xf32>, vector<16xf32>, vector<16xf32>, vector<16xf32>, vector<16xf32>, vector<16xf32>, vector<16xf32>, vector<16xf32>, vector<16xf32>, vector<16xf32>
      }
      %scan3A_210 = arith.constant 32 : i32
      %dma_wait3A_211 = arith.constant 64000 : i32
      %dma_wait3A_212 = tpu.memref_slice %arg6[%dma_wait3A_211] : memref<100000xf32, #tpu.memory_space<vmem>> -> memref<12800xf32, #tpu.memory_space<vmem>>
      %dma_wait3A_213 = arith.constant 0 : i32
      %dma_wait3A_214 = tpu.memref_slice %arg2[%add3A_41, %dma_wait3A_213] : memref<128x100000xf32, #tpu.memory_space<hbm>> -> memref<1x100000xf32, #tpu.memory_space<hbm>>
      %dma_wait3A_215 = tpu.memref_squeeze %dma_wait3A_214 : memref<1x100000xf32, #tpu.memory_space<hbm>> -> memref<100000xf32, #tpu.memory_space<hbm>>
      %dma_wait3A_216 = arith.constant 64000 : i32
      %dma_wait3A_217 = tpu.memref_slice %dma_wait3A_215[%dma_wait3A_216] : memref<100000xf32, #tpu.memory_space<hbm>> -> memref<12800xf32, #tpu.memory_space<hbm>>
      %dma_wait3A_218 = arith.constant 64000 : i32
      %dma_wait3A_219 = tpu.memref_slice %arg6[%dma_wait3A_218] : memref<100000xf32, #tpu.memory_space<vmem>> -> memref<12800xf32, #tpu.memory_space<vmem>>
      %dma_wait3A_220 = arith.constant 0 : i32
      %dma_wait3A_221 = tpu.memref_slice %arg2[%add3A_41, %dma_wait3A_220] : memref<128x100000xf32, #tpu.memory_space<hbm>> -> memref<1x100000xf32, #tpu.memory_space<hbm>>
      %dma_wait3A_222 = tpu.memref_squeeze %dma_wait3A_221 : memref<1x100000xf32, #tpu.memory_space<hbm>> -> memref<100000xf32, #tpu.memory_space<hbm>>
      %dma_wait3A_223 = arith.constant 64000 : i32
      %dma_wait3A_224 = tpu.memref_slice %dma_wait3A_222[%dma_wait3A_223] : memref<100000xf32, #tpu.memory_space<hbm>> -> memref<12800xf32, #tpu.memory_space<hbm>>
      tpu.wait_dma2 semaphore(%arg12 : memref<!tpu.dma_semaphore, #tpu.memory_space<semaphore_mem>>) src(%dma_wait3A_224 : memref<12800xf32, #tpu.memory_space<hbm>>) dst(%dma_wait3A_219 : memref<12800xf32, #tpu.memory_space<vmem>>)
      %dma_start3A_225 = arith.constant 89600 : i32
      %dma_start3A_226 = tpu.memref_slice %arg6[%dma_start3A_225] : memref<100000xf32, #tpu.memory_space<vmem>> -> memref<10368xf32, #tpu.memory_space<vmem>>
      %dma_start3A_227 = arith.constant 0 : i32
      %dma_start3A_228 = tpu.memref_slice %arg2[%add3A_41, %dma_start3A_227] : memref<128x100000xf32, #tpu.memory_space<hbm>> -> memref<1x100000xf32, #tpu.memory_space<hbm>>
      %dma_start3A_229 = tpu.memref_squeeze %dma_start3A_228 : memref<1x100000xf32, #tpu.memory_space<hbm>> -> memref<100000xf32, #tpu.memory_space<hbm>>
      %dma_start3A_230 = arith.constant 89600 : i32
      %dma_start3A_231 = tpu.memref_slice %dma_start3A_229[%dma_start3A_230] : memref<100000xf32, #tpu.memory_space<hbm>> -> memref<10368xf32, #tpu.memory_space<hbm>>
      %dma_start3A_232 = arith.constant 89600 : i32
      %dma_start3A_233 = tpu.memref_slice %arg6[%dma_start3A_232] : memref<100000xf32, #tpu.memory_space<vmem>> -> memref<10368xf32, #tpu.memory_space<vmem>>
      %dma_start3A_234 = arith.constant 0 : i32
      %dma_start3A_235 = tpu.memref_slice %arg2[%add3A_41, %dma_start3A_234] : memref<128x100000xf32, #tpu.memory_space<hbm>> -> memref<1x100000xf32, #tpu.memory_space<hbm>>
      %dma_start3A_236 = tpu.memref_squeeze %dma_start3A_235 : memref<1x100000xf32, #tpu.memory_space<hbm>> -> memref<100000xf32, #tpu.memory_space<hbm>>
      %dma_start3A_237 = arith.constant 89600 : i32
      %dma_start3A_238 = tpu.memref_slice %dma_start3A_236[%dma_start3A_237] : memref<100000xf32, #tpu.memory_space<hbm>> -> memref<10368xf32, #tpu.memory_space<hbm>>
      tpu.enqueue_dma source(%dma_start3A_238 : memref<10368xf32, #tpu.memory_space<hbm>>) target(%dma_start3A_233 : memref<10368xf32, #tpu.memory_space<vmem>>) target_semaphore(%arg12 : memref<!tpu.dma_semaphore, #tpu.memory_space<semaphore_mem>>)
      %scan3A_239 = arith.constant 0 : i32
      %scan3A_240 = arith.constant 32 : i32
      %scan3A_241 = arith.addi %scan3A_239, %scan3A_240 : i32
      %scan3A_242 = arith.constant 1 : i32
      %scan3A_243:10 = scf.for %scan3A_741 = %scan3A_239 to %scan3A_241 step %scan3A_242 iter_args(%scan3A_742 = %scan3A_209#0, %scan3A_743 = %scan3A_209#1, %scan3A_744 = %scan3A_209#2, %scan3A_745 = %scan3A_209#3, %scan3A_746 = %scan3A_209#4, %scan3A_747 = %scan3A_209#5, %scan3A_748 = %scan3A_209#6, %scan3A_749 = %scan3A_209#7, %scan3A_750 = %scan3A_209#8, %scan3A_751 = %scan3A_209#9) -> (vector<16xf32>, vector<16xf32>, vector<16xf32>, vector<16xf32>, vector<16xf32>, vector<16xf32>, vector<16xf32>, vector<16xf32>, vector<16xf32>, vector<16xf32>)  : i32 {
        %mul3A_752 = arith.constant 400 : i32
        %mul3A_753 = arith.muli %scan3A_741, %mul3A_752 : i32
        %add3A_754 = arith.constant 64000 : i32
        %add3A_755 = arith.addi %add3A_754, %mul3A_753 : i32
        %multiple_of3A = tpu.assume_multiple %add3A_755, 16 : i32
        %add3A_756 = arith.constant 0 : i32
        %add3A_757 = arith.addi %multiple_of3A, %add3A_756 : i32
        %get3A_758 = arith.index_cast %add3A_757 : i32 to index
        %get3A_759 = tpu.vector_load %arg6[%get3A_758] {strides = array<i32>} : memref<100000xf32, #tpu.memory_space<vmem>>, vector<16xf32>,
        %exp3A_760 = math.exp %get3A_759 : vector<16xf32>
        %add3A_761 = arith.addf %scan3A_742, %exp3A_760 : vector<16xf32>
        %max3A_762 = arith.maximumf %broadcast_in_dim3A_3, %get3A_759 : vector<16xf32>
        %add3A_763 = arith.constant 16 : i32
        %add3A_764 = arith.addi %multiple_of3A, %add3A_763 : i32
        %get3A_765 = arith.index_cast %add3A_764 : i32 to index
        %get3A_766 = tpu.vector_load %arg6[%get3A_765] {strides = array<i32>} : memref<100000xf32, #tpu.memory_space<vmem>>, vector<16xf32>,
        %exp3A_767 = math.exp %get3A_766 : vector<16xf32>
        %add3A_768 = arith.addf %scan3A_743, %exp3A_767 : vector<16xf32>
        %max3A_769 = arith.maximumf %broadcast_in_dim3A_3, %get3A_766 : vector<16xf32>
        %add3A_770 = arith.constant 32 : i32
        %add3A_771 = arith.addi %multiple_of3A, %add3A_770 : i32
        %get3A_772 = arith.index_cast %add3A_771 : i32 to index
        %get3A_773 = tpu.vector_load %arg6[%get3A_772] {strides = array<i32>} : memref<100000xf32, #tpu.memory_space<vmem>>, vector<16xf32>,
        %exp3A_774 = math.exp %get3A_773 : vector<16xf32>
        %add3A_775 = arith.addf %scan3A_744, %exp3A_774 : vector<16xf32>
        %max3A_776 = arith.maximumf %broadcast_in_dim3A_3, %get3A_773 : vector<16xf32>
        %add3A_777 = arith.constant 48 : i32
        %add3A_778 = arith.addi %multiple_of3A, %add3A_777 : i32
        %get3A_779 = arith.index_cast %add3A_778 : i32 to index
        %get3A_780 = tpu.vector_load %arg6[%get3A_779] {strides = array<i32>} : memref<100000xf32, #tpu.memory_space<vmem>>, vector<16xf32>,
        %exp3A_781 = math.exp %get3A_780 : vector<16xf32>
        %add3A_782 = arith.addf %scan3A_745, %exp3A_781 : vector<16xf32>
        %max3A_783 = arith.maximumf %broadcast_in_dim3A_3, %get3A_780 : vector<16xf32>
        %add3A_784 = arith.constant 64 : i32
        %add3A_785 = arith.addi %multiple_of3A, %add3A_784 : i32
        %get3A_786 = arith.index_cast %add3A_785 : i32 to index
        %get3A_787 = tpu.vector_load %arg6[%get3A_786] {strides = array<i32>} : memref<100000xf32, #tpu.memory_space<vmem>>, vector<16xf32>,
        %exp3A_788 = math.exp %get3A_787 : vector<16xf32>
        %add3A_789 = arith.addf %scan3A_746, %exp3A_788 : vector<16xf32>
        %max3A_790 = arith.maximumf %broadcast_in_dim3A_3, %get3A_787 : vector<16xf32>
        %add3A_791 = arith.constant 80 : i32
        %add3A_792 = arith.addi %multiple_of3A, %add3A_791 : i32
        %get3A_793 = arith.index_cast %add3A_792 : i32 to index
        %get3A_794 = tpu.vector_load %arg6[%get3A_793] {strides = array<i32>} : memref<100000xf32, #tpu.memory_space<vmem>>, vector<16xf32>,
        %exp3A_795 = math.exp %get3A_794 : vector<16xf32>
        %add3A_796 = arith.addf %add3A_761, %exp3A_795 : vector<16xf32>
        %max3A_797 = arith.maximumf %max3A_762, %get3A_794 : vector<16xf32>
        %add3A_798 = arith.constant 96 : i32
        %add3A_799 = arith.addi %multiple_of3A, %add3A_798 : i32
        %get3A_800 = arith.index_cast %add3A_799 : i32 to index
        %get3A_801 = tpu.vector_load %arg6[%get3A_800] {strides = array<i32>} : memref<100000xf32, #tpu.memory_space<vmem>>, vector<16xf32>,
        %exp3A_802 = math.exp %get3A_801 : vector<16xf32>
        %add3A_803 = arith.addf %add3A_768, %exp3A_802 : vector<16xf32>
        %max3A_804 = arith.maximumf %max3A_769, %get3A_801 : vector<16xf32>
        %add3A_805 = arith.constant 112 : i32
        %add3A_806 = arith.addi %multiple_of3A, %add3A_805 : i32
        %get3A_807 = arith.index_cast %add3A_806 : i32 to index
        %get3A_808 = tpu.vector_load %arg6[%get3A_807] {strides = array<i32>} : memref<100000xf32, #tpu.memory_space<vmem>>, vector<16xf32>,
        %exp3A_809 = math.exp %get3A_808 : vector<16xf32>
        %add3A_810 = arith.addf %add3A_775, %exp3A_809 : vector<16xf32>
        %max3A_811 = arith.maximumf %max3A_776, %get3A_808 : vector<16xf32>
        %add3A_812 = arith.constant 128 : i32
        %add3A_813 = arith.addi %multiple_of3A, %add3A_812 : i32
        %get3A_814 = arith.index_cast %add3A_813 : i32 to index
        %get3A_815 = tpu.vector_load %arg6[%get3A_814] {strides = array<i32>} : memref<100000xf32, #tpu.memory_space<vmem>>, vector<16xf32>,
        %exp3A_816 = math.exp %get3A_815 : vector<16xf32>
        %add3A_817 = arith.addf %add3A_782, %exp3A_816 : vector<16xf32>
        %max3A_818 = arith.maximumf %max3A_783, %get3A_815 : vector<16xf32>
        %add3A_819 = arith.constant 144 : i32
        %add3A_820 = arith.addi %multiple_of3A, %add3A_819 : i32
        %get3A_821 = arith.index_cast %add3A_820 : i32 to index
        %get3A_822 = tpu.vector_load %arg6[%get3A_821] {strides = array<i32>} : memref<100000xf32, #tpu.memory_space<vmem>>, vector<16xf32>,
        %exp3A_823 = math.exp %get3A_822 : vector<16xf32>
        %add3A_824 = arith.addf %add3A_789, %exp3A_823 : vector<16xf32>
        %max3A_825 = arith.maximumf %max3A_790, %get3A_822 : vector<16xf32>
        %add3A_826 = arith.constant 160 : i32
        %add3A_827 = arith.addi %multiple_of3A, %add3A_826 : i32
        %get3A_828 = arith.index_cast %add3A_827 : i32 to index
        %get3A_829 = tpu.vector_load %arg6[%get3A_828] {strides = array<i32>} : memref<100000xf32, #tpu.memory_space<vmem>>, vector<16xf32>,
        %exp3A_830 = math.exp %get3A_829 : vector<16xf32>
        %add3A_831 = arith.addf %add3A_796, %exp3A_830 : vector<16xf32>
        %max3A_832 = arith.maximumf %max3A_797, %get3A_829 : vector<16xf32>
        %add3A_833 = arith.constant 176 : i32
        %add3A_834 = arith.addi %multiple_of3A, %add3A_833 : i32
        %get3A_835 = arith.index_cast %add3A_834 : i32 to index
        %get3A_836 = tpu.vector_load %arg6[%get3A_835] {strides = array<i32>} : memref<100000xf32, #tpu.memory_space<vmem>>, vector<16xf32>,
        %exp3A_837 = math.exp %get3A_836 : vector<16xf32>
        %add3A_838 = arith.addf %add3A_803, %exp3A_837 : vector<16xf32>
        %max3A_839 = arith.maximumf %max3A_804, %get3A_836 : vector<16xf32>
        %add3A_840 = arith.constant 192 : i32
        %add3A_841 = arith.addi %multiple_of3A, %add3A_840 : i32
        %get3A_842 = arith.index_cast %add3A_841 : i32 to index
        %get3A_843 = tpu.vector_load %arg6[%get3A_842] {strides = array<i32>} : memref<100000xf32, #tpu.memory_space<vmem>>, vector<16xf32>,
        %exp3A_844 = math.exp %get3A_843 : vector<16xf32>
        %add3A_845 = arith.addf %add3A_810, %exp3A_844 : vector<16xf32>
        %max3A_846 = arith.maximumf %max3A_811, %get3A_843 : vector<16xf32>
        %add3A_847 = arith.constant 208 : i32
        %add3A_848 = arith.addi %multiple_of3A, %add3A_847 : i32
        %get3A_849 = arith.index_cast %add3A_848 : i32 to index
        %get3A_850 = tpu.vector_load %arg6[%get3A_849] {strides = array<i32>} : memref<100000xf32, #tpu.memory_space<vmem>>, vector<16xf32>,
        %exp3A_851 = math.exp %get3A_850 : vector<16xf32>
        %add3A_852 = arith.addf %add3A_817, %exp3A_851 : vector<16xf32>
        %max3A_853 = arith.maximumf %max3A_818, %get3A_850 : vector<16xf32>
        %add3A_854 = arith.constant 224 : i32
        %add3A_855 = arith.addi %multiple_of3A, %add3A_854 : i32
        %get3A_856 = arith.index_cast %add3A_855 : i32 to index
        %get3A_857 = tpu.vector_load %arg6[%get3A_856] {strides = array<i32>} : memref<100000xf32, #tpu.memory_space<vmem>>, vector<16xf32>,
        %exp3A_858 = math.exp %get3A_857 : vector<16xf32>
        %add3A_859 = arith.addf %add3A_824, %exp3A_858 : vector<16xf32>
        %max3A_860 = arith.maximumf %max3A_825, %get3A_857 : vector<16xf32>
        %add3A_861 = arith.constant 240 : i32
        %add3A_862 = arith.addi %multiple_of3A, %add3A_861 : i32
        %get3A_863 = arith.index_cast %add3A_862 : i32 to index
        %get3A_864 = tpu.vector_load %arg6[%get3A_863] {strides = array<i32>} : memref<100000xf32, #tpu.memory_space<vmem>>, vector<16xf32>,
        %exp3A_865 = math.exp %get3A_864 : vector<16xf32>
        %add3A_866 = arith.addf %add3A_831, %exp3A_865 : vector<16xf32>
        %max3A_867 = arith.maximumf %max3A_832, %get3A_864 : vector<16xf32>
        %add3A_868 = arith.constant 256 : i32
        %add3A_869 = arith.addi %multiple_of3A, %add3A_868 : i32
        %get3A_870 = arith.index_cast %add3A_869 : i32 to index
        %get3A_871 = tpu.vector_load %arg6[%get3A_870] {strides = array<i32>} : memref<100000xf32, #tpu.memory_space<vmem>>, vector<16xf32>,
        %exp3A_872 = math.exp %get3A_871 : vector<16xf32>
        %add3A_873 = arith.addf %add3A_838, %exp3A_872 : vector<16xf32>
        %max3A_874 = arith.maximumf %max3A_839, %get3A_871 : vector<16xf32>
        %add3A_875 = arith.constant 272 : i32
        %add3A_876 = arith.addi %multiple_of3A, %add3A_875 : i32
        %get3A_877 = arith.index_cast %add3A_876 : i32 to index
        %get3A_878 = tpu.vector_load %arg6[%get3A_877] {strides = array<i32>} : memref<100000xf32, #tpu.memory_space<vmem>>, vector<16xf32>,
        %exp3A_879 = math.exp %get3A_878 : vector<16xf32>
        %add3A_880 = arith.addf %add3A_845, %exp3A_879 : vector<16xf32>
        %max3A_881 = arith.maximumf %max3A_846, %get3A_878 : vector<16xf32>
        %add3A_882 = arith.constant 288 : i32
        %add3A_883 = arith.addi %multiple_of3A, %add3A_882 : i32
        %get3A_884 = arith.index_cast %add3A_883 : i32 to index
        %get3A_885 = tpu.vector_load %arg6[%get3A_884] {strides = array<i32>} : memref<100000xf32, #tpu.memory_space<vmem>>, vector<16xf32>,
        %exp3A_886 = math.exp %get3A_885 : vector<16xf32>
        %add3A_887 = arith.addf %add3A_852, %exp3A_886 : vector<16xf32>
        %max3A_888 = arith.maximumf %max3A_853, %get3A_885 : vector<16xf32>
        %add3A_889 = arith.constant 304 : i32
        %add3A_890 = arith.addi %multiple_of3A, %add3A_889 : i32
        %get3A_891 = arith.index_cast %add3A_890 : i32 to index
        %get3A_892 = tpu.vector_load %arg6[%get3A_891] {strides = array<i32>} : memref<100000xf32, #tpu.memory_space<vmem>>, vector<16xf32>,
        %exp3A_893 = math.exp %get3A_892 : vector<16xf32>
        %add3A_894 = arith.addf %add3A_859, %exp3A_893 : vector<16xf32>
        %max3A_895 = arith.maximumf %max3A_860, %get3A_892 : vector<16xf32>
        %add3A_896 = arith.constant 320 : i32
        %add3A_897 = arith.addi %multiple_of3A, %add3A_896 : i32
        %get3A_898 = arith.index_cast %add3A_897 : i32 to index
        %get3A_899 = tpu.vector_load %arg6[%get3A_898] {strides = array<i32>} : memref<100000xf32, #tpu.memory_space<vmem>>, vector<16xf32>,
        %exp3A_900 = math.exp %get3A_899 : vector<16xf32>
        %add3A_901 = arith.addf %add3A_866, %exp3A_900 : vector<16xf32>
        %max3A_902 = arith.maximumf %max3A_867, %get3A_899 : vector<16xf32>
        %add3A_903 = arith.constant 336 : i32
        %add3A_904 = arith.addi %multiple_of3A, %add3A_903 : i32
        %get3A_905 = arith.index_cast %add3A_904 : i32 to index
        %get3A_906 = tpu.vector_load %arg6[%get3A_905] {strides = array<i32>} : memref<100000xf32, #tpu.memory_space<vmem>>, vector<16xf32>,
        %exp3A_907 = math.exp %get3A_906 : vector<16xf32>
        %add3A_908 = arith.addf %add3A_873, %exp3A_907 : vector<16xf32>
        %max3A_909 = arith.maximumf %max3A_874, %get3A_906 : vector<16xf32>
        %add3A_910 = arith.constant 352 : i32
        %add3A_911 = arith.addi %multiple_of3A, %add3A_910 : i32
        %get3A_912 = arith.index_cast %add3A_911 : i32 to index
        %get3A_913 = tpu.vector_load %arg6[%get3A_912] {strides = array<i32>} : memref<100000xf32, #tpu.memory_space<vmem>>, vector<16xf32>,
        %exp3A_914 = math.exp %get3A_913 : vector<16xf32>
        %add3A_915 = arith.addf %add3A_880, %exp3A_914 : vector<16xf32>
        %max3A_916 = arith.maximumf %max3A_881, %get3A_913 : vector<16xf32>
        %add3A_917 = arith.constant 368 : i32
        %add3A_918 = arith.addi %multiple_of3A, %add3A_917 : i32
        %get3A_919 = arith.index_cast %add3A_918 : i32 to index
        %get3A_920 = tpu.vector_load %arg6[%get3A_919] {strides = array<i32>} : memref<100000xf32, #tpu.memory_space<vmem>>, vector<16xf32>,
        %exp3A_921 = math.exp %get3A_920 : vector<16xf32>
        %add3A_922 = arith.addf %add3A_887, %exp3A_921 : vector<16xf32>
        %max3A_923 = arith.maximumf %max3A_888, %get3A_920 : vector<16xf32>
        %add3A_924 = arith.constant 384 : i32
        %add3A_925 = arith.addi %multiple_of3A, %add3A_924 : i32
        %get3A_926 = arith.index_cast %add3A_925 : i32 to index
        %get3A_927 = tpu.vector_load %arg6[%get3A_926] {strides = array<i32>} : memref<100000xf32, #tpu.memory_space<vmem>>, vector<16xf32>,
        %exp3A_928 = math.exp %get3A_927 : vector<16xf32>
        %add3A_929 = arith.addf %add3A_894, %exp3A_928 : vector<16xf32>
        %max3A_930 = arith.maximumf %max3A_895, %get3A_927 : vector<16xf32>
        %max3A_931 = arith.maximumf %max3A_902, %max3A_909 : vector<16xf32>
        %max3A_932 = arith.maximumf %max3A_916, %max3A_923 : vector<16xf32>
        %max3A_933 = arith.maximumf %max3A_932, %max3A_930 : vector<16xf32>
        %max3A_934 = arith.maximumf %max3A_931, %max3A_933 : vector<16xf32>
        %add3A_935 = arith.constant 160 : i32
        %add3A_936 = arith.addi %add3A_935, %scan3A_741 : i32
        %mul3A_937 = arith.constant 16 : i32
        %mul3A_938 = arith.muli %add3A_936, %mul3A_937 : i32
        %multiple_of3A_939 = tpu.assume_multiple %mul3A_938, 16 : i32
        %swap3A_940 = arith.index_cast %multiple_of3A_939 : i32 to index
        %swap3A_941 = tpu.vector_load %arg7[%swap3A_940] {strides = array<i32>} : memref<4000xf32, #tpu.memory_space<vmem>>, vector<16xf32>,
        tpu.vector_store %arg7[%swap3A_940], %max3A_934 {strides = array<i32>} : memref<4000xf32, #tpu.memory_space<vmem>>, vector<16xf32>,
        %max3A_942 = arith.maximumf %scan3A_747, %max3A_934 : vector<16xf32>
        %min3A_943 = arith.minimumf %scan3A_747, %max3A_934 : vector<16xf32>
        %max3A_944 = arith.maximumf %scan3A_748, %min3A_943 : vector<16xf32>
        %min3A_945 = arith.minimumf %scan3A_748, %min3A_943 : vector<16xf32>
        %max3A_946 = arith.maximumf %scan3A_749, %min3A_945 : vector<16xf32>
        %min3A_947 = arith.minimumf %scan3A_749, %min3A_945 : vector<16xf32>
        %max3A_948 = arith.maximumf %scan3A_750, %min3A_947 : vector<16xf32>
        %min3A_949 = arith.minimumf %scan3A_750, %min3A_947 : vector<16xf32>
        %max3A_950 = arith.maximumf %scan3A_751, %min3A_949 : vector<16xf32>
        scf.yield %add3A_901, %add3A_908, %add3A_915, %add3A_922, %add3A_929, %max3A_942, %max3A_944, %max3A_946, %max3A_948, %max3A_950 : vector<16xf32>, vector<16xf32>, vector<16xf32>, vector<16xf32>, vector<16xf32>, vector<16xf32>, vector<16xf32>, vector<16xf32>, vector<16xf32>, vector<16xf32>
      }
      %scan3A_244 = arith.constant 32 : i32
      %dma_wait3A_245 = arith.constant 76800 : i32
      %dma_wait3A_246 = tpu.memref_slice %arg6[%dma_wait3A_245] : memref<100000xf32, #tpu.memory_space<vmem>> -> memref<12800xf32, #tpu.memory_space<vmem>>
      %dma_wait3A_247 = arith.constant 0 : i32
      %dma_wait3A_248 = tpu.memref_slice %arg2[%add3A_41, %dma_wait3A_247] : memref<128x100000xf32, #tpu.memory_space<hbm>> -> memref<1x100000xf32, #tpu.memory_space<hbm>>
      %dma_wait3A_249 = tpu.memref_squeeze %dma_wait3A_248 : memref<1x100000xf32, #tpu.memory_space<hbm>> -> memref<100000xf32, #tpu.memory_space<hbm>>
      %dma_wait3A_250 = arith.constant 76800 : i32
      %dma_wait3A_251 = tpu.memref_slice %dma_wait3A_249[%dma_wait3A_250] : memref<100000xf32, #tpu.memory_space<hbm>> -> memref<12800xf32, #tpu.memory_space<hbm>>
      %dma_wait3A_252 = arith.constant 76800 : i32
      %dma_wait3A_253 = tpu.memref_slice %arg6[%dma_wait3A_252] : memref<100000xf32, #tpu.memory_space<vmem>> -> memref<12800xf32, #tpu.memory_space<vmem>>
      %dma_wait3A_254 = arith.constant 0 : i32
      %dma_wait3A_255 = tpu.memref_slice %arg2[%add3A_41, %dma_wait3A_254] : memref<128x100000xf32, #tpu.memory_space<hbm>> -> memref<1x100000xf32, #tpu.memory_space<hbm>>
      %dma_wait3A_256 = tpu.memref_squeeze %dma_wait3A_255 : memref<1x100000xf32, #tpu.memory_space<hbm>> -> memref<100000xf32, #tpu.memory_space<hbm>>
      %dma_wait3A_257 = arith.constant 76800 : i32
      %dma_wait3A_258 = tpu.memref_slice %dma_wait3A_256[%dma_wait3A_257] : memref<100000xf32, #tpu.memory_space<hbm>> -> memref<12800xf32, #tpu.memory_space<hbm>>
      tpu.wait_dma2 semaphore(%arg11 : memref<!tpu.dma_semaphore, #tpu.memory_space<semaphore_mem>>) src(%dma_wait3A_258 : memref<12800xf32, #tpu.memory_space<hbm>>) dst(%dma_wait3A_253 : memref<12800xf32, #tpu.memory_space<vmem>>)
      %scan3A_259 = arith.constant 0 : i32
      %scan3A_260 = arith.constant 32 : i32
      %scan3A_261 = arith.addi %scan3A_259, %scan3A_260 : i32
      %scan3A_262 = arith.constant 1 : i32
      %scan3A_263:10 = scf.for %scan3A_741 = %scan3A_259 to %scan3A_261 step %scan3A_262 iter_args(%scan3A_742 = %scan3A_243#0, %scan3A_743 = %scan3A_243#1, %scan3A_744 = %scan3A_243#2, %scan3A_745 = %scan3A_243#3, %scan3A_746 = %scan3A_243#4, %scan3A_747 = %scan3A_243#5, %scan3A_748 = %scan3A_243#6, %scan3A_749 = %scan3A_243#7, %scan3A_750 = %scan3A_243#8, %scan3A_751 = %scan3A_243#9) -> (vector<16xf32>, vector<16xf32>, vector<16xf32>, vector<16xf32>, vector<16xf32>, vector<16xf32>, vector<16xf32>, vector<16xf32>, vector<16xf32>, vector<16xf32>)  : i32 {
        %mul3A_752 = arith.constant 400 : i32
        %mul3A_753 = arith.muli %scan3A_741, %mul3A_752 : i32
        %add3A_754 = arith.constant 76800 : i32
        %add3A_755 = arith.addi %add3A_754, %mul3A_753 : i32
        %multiple_of3A = tpu.assume_multiple %add3A_755, 16 : i32
        %add3A_756 = arith.constant 0 : i32
        %add3A_757 = arith.addi %multiple_of3A, %add3A_756 : i32
        %get3A_758 = arith.index_cast %add3A_757 : i32 to index
        %get3A_759 = tpu.vector_load %arg6[%get3A_758] {strides = array<i32>} : memref<100000xf32, #tpu.memory_space<vmem>>, vector<16xf32>,
        %exp3A_760 = math.exp %get3A_759 : vector<16xf32>
        %add3A_761 = arith.addf %scan3A_742, %exp3A_760 : vector<16xf32>
        %max3A_762 = arith.maximumf %broadcast_in_dim3A_3, %get3A_759 : vector<16xf32>
        %add3A_763 = arith.constant 16 : i32
        %add3A_764 = arith.addi %multiple_of3A, %add3A_763 : i32
        %get3A_765 = arith.index_cast %add3A_764 : i32 to index
        %get3A_766 = tpu.vector_load %arg6[%get3A_765] {strides = array<i32>} : memref<100000xf32, #tpu.memory_space<vmem>>, vector<16xf32>,
        %exp3A_767 = math.exp %get3A_766 : vector<16xf32>
        %add3A_768 = arith.addf %scan3A_743, %exp3A_767 : vector<16xf32>
        %max3A_769 = arith.maximumf %broadcast_in_dim3A_3, %get3A_766 : vector<16xf32>
        %add3A_770 = arith.constant 32 : i32
        %add3A_771 = arith.addi %multiple_of3A, %add3A_770 : i32
        %get3A_772 = arith.index_cast %add3A_771 : i32 to index
        %get3A_773 = tpu.vector_load %arg6[%get3A_772] {strides = array<i32>} : memref<100000xf32, #tpu.memory_space<vmem>>, vector<16xf32>,
        %exp3A_774 = math.exp %get3A_773 : vector<16xf32>
        %add3A_775 = arith.addf %scan3A_744, %exp3A_774 : vector<16xf32>
        %max3A_776 = arith.maximumf %broadcast_in_dim3A_3, %get3A_773 : vector<16xf32>
        %add3A_777 = arith.constant 48 : i32
        %add3A_778 = arith.addi %multiple_of3A, %add3A_777 : i32
        %get3A_779 = arith.index_cast %add3A_778 : i32 to index
        %get3A_780 = tpu.vector_load %arg6[%get3A_779] {strides = array<i32>} : memref<100000xf32, #tpu.memory_space<vmem>>, vector<16xf32>,
        %exp3A_781 = math.exp %get3A_780 : vector<16xf32>
        %add3A_782 = arith.addf %scan3A_745, %exp3A_781 : vector<16xf32>
        %max3A_783 = arith.maximumf %broadcast_in_dim3A_3, %get3A_780 : vector<16xf32>
        %add3A_784 = arith.constant 64 : i32
        %add3A_785 = arith.addi %multiple_of3A, %add3A_784 : i32
        %get3A_786 = arith.index_cast %add3A_785 : i32 to index
        %get3A_787 = tpu.vector_load %arg6[%get3A_786] {strides = array<i32>} : memref<100000xf32, #tpu.memory_space<vmem>>, vector<16xf32>,
        %exp3A_788 = math.exp %get3A_787 : vector<16xf32>
        %add3A_789 = arith.addf %scan3A_746, %exp3A_788 : vector<16xf32>
        %max3A_790 = arith.maximumf %broadcast_in_dim3A_3, %get3A_787 : vector<16xf32>
        %add3A_791 = arith.constant 80 : i32
        %add3A_792 = arith.addi %multiple_of3A, %add3A_791 : i32
        %get3A_793 = arith.index_cast %add3A_792 : i32 to index
        %get3A_794 = tpu.vector_load %arg6[%get3A_793] {strides = array<i32>} : memref<100000xf32, #tpu.memory_space<vmem>>, vector<16xf32>,
        %exp3A_795 = math.exp %get3A_794 : vector<16xf32>
        %add3A_796 = arith.addf %add3A_761, %exp3A_795 : vector<16xf32>
        %max3A_797 = arith.maximumf %max3A_762, %get3A_794 : vector<16xf32>
        %add3A_798 = arith.constant 96 : i32
        %add3A_799 = arith.addi %multiple_of3A, %add3A_798 : i32
        %get3A_800 = arith.index_cast %add3A_799 : i32 to index
        %get3A_801 = tpu.vector_load %arg6[%get3A_800] {strides = array<i32>} : memref<100000xf32, #tpu.memory_space<vmem>>, vector<16xf32>,
        %exp3A_802 = math.exp %get3A_801 : vector<16xf32>
        %add3A_803 = arith.addf %add3A_768, %exp3A_802 : vector<16xf32>
        %max3A_804 = arith.maximumf %max3A_769, %get3A_801 : vector<16xf32>
        %add3A_805 = arith.constant 112 : i32
        %add3A_806 = arith.addi %multiple_of3A, %add3A_805 : i32
        %get3A_807 = arith.index_cast %add3A_806 : i32 to index
        %get3A_808 = tpu.vector_load %arg6[%get3A_807] {strides = array<i32>} : memref<100000xf32, #tpu.memory_space<vmem>>, vector<16xf32>,
        %exp3A_809 = math.exp %get3A_808 : vector<16xf32>
        %add3A_810 = arith.addf %add3A_775, %exp3A_809 : vector<16xf32>
        %max3A_811 = arith.maximumf %max3A_776, %get3A_808 : vector<16xf32>
        %add3A_812 = arith.constant 128 : i32
        %add3A_813 = arith.addi %multiple_of3A, %add3A_812 : i32
        %get3A_814 = arith.index_cast %add3A_813 : i32 to index
        %get3A_815 = tpu.vector_load %arg6[%get3A_814] {strides = array<i32>} : memref<100000xf32, #tpu.memory_space<vmem>>, vector<16xf32>,
        %exp3A_816 = math.exp %get3A_815 : vector<16xf32>
        %add3A_817 = arith.addf %add3A_782, %exp3A_816 : vector<16xf32>
        %max3A_818 = arith.maximumf %max3A_783, %get3A_815 : vector<16xf32>
        %add3A_819 = arith.constant 144 : i32
        %add3A_820 = arith.addi %multiple_of3A, %add3A_819 : i32
        %get3A_821 = arith.index_cast %add3A_820 : i32 to index
        %get3A_822 = tpu.vector_load %arg6[%get3A_821] {strides = array<i32>} : memref<100000xf32, #tpu.memory_space<vmem>>, vector<16xf32>,
        %exp3A_823 = math.exp %get3A_822 : vector<16xf32>
        %add3A_824 = arith.addf %add3A_789, %exp3A_823 : vector<16xf32>
        %max3A_825 = arith.maximumf %max3A_790, %get3A_822 : vector<16xf32>
        %add3A_826 = arith.constant 160 : i32
        %add3A_827 = arith.addi %multiple_of3A, %add3A_826 : i32
        %get3A_828 = arith.index_cast %add3A_827 : i32 to index
        %get3A_829 = tpu.vector_load %arg6[%get3A_828] {strides = array<i32>} : memref<100000xf32, #tpu.memory_space<vmem>>, vector<16xf32>,
        %exp3A_830 = math.exp %get3A_829 : vector<16xf32>
        %add3A_831 = arith.addf %add3A_796, %exp3A_830 : vector<16xf32>
        %max3A_832 = arith.maximumf %max3A_797, %get3A_829 : vector<16xf32>
        %add3A_833 = arith.constant 176 : i32
        %add3A_834 = arith.addi %multiple_of3A, %add3A_833 : i32
        %get3A_835 = arith.index_cast %add3A_834 : i32 to index
        %get3A_836 = tpu.vector_load %arg6[%get3A_835] {strides = array<i32>} : memref<100000xf32, #tpu.memory_space<vmem>>, vector<16xf32>,
        %exp3A_837 = math.exp %get3A_836 : vector<16xf32>
        %add3A_838 = arith.addf %add3A_803, %exp3A_837 : vector<16xf32>
        %max3A_839 = arith.maximumf %max3A_804, %get3A_836 : vector<16xf32>
        %add3A_840 = arith.constant 192 : i32
        %add3A_841 = arith.addi %multiple_of3A, %add3A_840 : i32
        %get3A_842 = arith.index_cast %add3A_841 : i32 to index
        %get3A_843 = tpu.vector_load %arg6[%get3A_842] {strides = array<i32>} : memref<100000xf32, #tpu.memory_space<vmem>>, vector<16xf32>,
        %exp3A_844 = math.exp %get3A_843 : vector<16xf32>
        %add3A_845 = arith.addf %add3A_810, %exp3A_844 : vector<16xf32>
        %max3A_846 = arith.maximumf %max3A_811, %get3A_843 : vector<16xf32>
        %add3A_847 = arith.constant 208 : i32
        %add3A_848 = arith.addi %multiple_of3A, %add3A_847 : i32
        %get3A_849 = arith.index_cast %add3A_848 : i32 to index
        %get3A_850 = tpu.vector_load %arg6[%get3A_849] {strides = array<i32>} : memref<100000xf32, #tpu.memory_space<vmem>>, vector<16xf32>,
        %exp3A_851 = math.exp %get3A_850 : vector<16xf32>
        %add3A_852 = arith.addf %add3A_817, %exp3A_851 : vector<16xf32>
        %max3A_853 = arith.maximumf %max3A_818, %get3A_850 : vector<16xf32>
        %add3A_854 = arith.constant 224 : i32
        %add3A_855 = arith.addi %multiple_of3A, %add3A_854 : i32
        %get3A_856 = arith.index_cast %add3A_855 : i32 to index
        %get3A_857 = tpu.vector_load %arg6[%get3A_856] {strides = array<i32>} : memref<100000xf32, #tpu.memory_space<vmem>>, vector<16xf32>,
        %exp3A_858 = math.exp %get3A_857 : vector<16xf32>
        %add3A_859 = arith.addf %add3A_824, %exp3A_858 : vector<16xf32>
        %max3A_860 = arith.maximumf %max3A_825, %get3A_857 : vector<16xf32>
        %add3A_861 = arith.constant 240 : i32
        %add3A_862 = arith.addi %multiple_of3A, %add3A_861 : i32
        %get3A_863 = arith.index_cast %add3A_862 : i32 to index
        %get3A_864 = tpu.vector_load %arg6[%get3A_863] {strides = array<i32>} : memref<100000xf32, #tpu.memory_space<vmem>>, vector<16xf32>,
        %exp3A_865 = math.exp %get3A_864 : vector<16xf32>
        %add3A_866 = arith.addf %add3A_831, %exp3A_865 : vector<16xf32>
        %max3A_867 = arith.maximumf %max3A_832, %get3A_864 : vector<16xf32>
        %add3A_868 = arith.constant 256 : i32
        %add3A_869 = arith.addi %multiple_of3A, %add3A_868 : i32
        %get3A_870 = arith.index_cast %add3A_869 : i32 to index
        %get3A_871 = tpu.vector_load %arg6[%get3A_870] {strides = array<i32>} : memref<100000xf32, #tpu.memory_space<vmem>>, vector<16xf32>,
        %exp3A_872 = math.exp %get3A_871 : vector<16xf32>
        %add3A_873 = arith.addf %add3A_838, %exp3A_872 : vector<16xf32>
        %max3A_874 = arith.maximumf %max3A_839, %get3A_871 : vector<16xf32>
        %add3A_875 = arith.constant 272 : i32
        %add3A_876 = arith.addi %multiple_of3A, %add3A_875 : i32
        %get3A_877 = arith.index_cast %add3A_876 : i32 to index
        %get3A_878 = tpu.vector_load %arg6[%get3A_877] {strides = array<i32>} : memref<100000xf32, #tpu.memory_space<vmem>>, vector<16xf32>,
        %exp3A_879 = math.exp %get3A_878 : vector<16xf32>
        %add3A_880 = arith.addf %add3A_845, %exp3A_879 : vector<16xf32>
        %max3A_881 = arith.maximumf %max3A_846, %get3A_878 : vector<16xf32>
        %add3A_882 = arith.constant 288 : i32
        %add3A_883 = arith.addi %multiple_of3A, %add3A_882 : i32
        %get3A_884 = arith.index_cast %add3A_883 : i32 to index
        %get3A_885 = tpu.vector_load %arg6[%get3A_884] {strides = array<i32>} : memref<100000xf32, #tpu.memory_space<vmem>>, vector<16xf32>,
        %exp3A_886 = math.exp %get3A_885 : vector<16xf32>
        %add3A_887 = arith.addf %add3A_852, %exp3A_886 : vector<16xf32>
        %max3A_888 = arith.maximumf %max3A_853, %get3A_885 : vector<16xf32>
        %add3A_889 = arith.constant 304 : i32
        %add3A_890 = arith.addi %multiple_of3A, %add3A_889 : i32
        %get3A_891 = arith.index_cast %add3A_890 : i32 to index
        %get3A_892 = tpu.vector_load %arg6[%get3A_891] {strides = array<i32>} : memref<100000xf32, #tpu.memory_space<vmem>>, vector<16xf32>,
        %exp3A_893 = math.exp %get3A_892 : vector<16xf32>
        %add3A_894 = arith.addf %add3A_859, %exp3A_893 : vector<16xf32>
        %max3A_895 = arith.maximumf %max3A_860, %get3A_892 : vector<16xf32>
        %add3A_896 = arith.constant 320 : i32
        %add3A_897 = arith.addi %multiple_of3A, %add3A_896 : i32
        %get3A_898 = arith.index_cast %add3A_897 : i32 to index
        %get3A_899 = tpu.vector_load %arg6[%get3A_898] {strides = array<i32>} : memref<100000xf32, #tpu.memory_space<vmem>>, vector<16xf32>,
        %exp3A_900 = math.exp %get3A_899 : vector<16xf32>
        %add3A_901 = arith.addf %add3A_866, %exp3A_900 : vector<16xf32>
        %max3A_902 = arith.maximumf %max3A_867, %get3A_899 : vector<16xf32>
        %add3A_903 = arith.constant 336 : i32
        %add3A_904 = arith.addi %multiple_of3A, %add3A_903 : i32
        %get3A_905 = arith.index_cast %add3A_904 : i32 to index
        %get3A_906 = tpu.vector_load %arg6[%get3A_905] {strides = array<i32>} : memref<100000xf32, #tpu.memory_space<vmem>>, vector<16xf32>,
        %exp3A_907 = math.exp %get3A_906 : vector<16xf32>
        %add3A_908 = arith.addf %add3A_873, %exp3A_907 : vector<16xf32>
        %max3A_909 = arith.maximumf %max3A_874, %get3A_906 : vector<16xf32>
        %add3A_910 = arith.constant 352 : i32
        %add3A_911 = arith.addi %multiple_of3A, %add3A_910 : i32
        %get3A_912 = arith.index_cast %add3A_911 : i32 to index
        %get3A_913 = tpu.vector_load %arg6[%get3A_912] {strides = array<i32>} : memref<100000xf32, #tpu.memory_space<vmem>>, vector<16xf32>,
        %exp3A_914 = math.exp %get3A_913 : vector<16xf32>
        %add3A_915 = arith.addf %add3A_880, %exp3A_914 : vector<16xf32>
        %max3A_916 = arith.maximumf %max3A_881, %get3A_913 : vector<16xf32>
        %add3A_917 = arith.constant 368 : i32
        %add3A_918 = arith.addi %multiple_of3A, %add3A_917 : i32
        %get3A_919 = arith.index_cast %add3A_918 : i32 to index
        %get3A_920 = tpu.vector_load %arg6[%get3A_919] {strides = array<i32>} : memref<100000xf32, #tpu.memory_space<vmem>>, vector<16xf32>,
        %exp3A_921 = math.exp %get3A_920 : vector<16xf32>
        %add3A_922 = arith.addf %add3A_887, %exp3A_921 : vector<16xf32>
        %max3A_923 = arith.maximumf %max3A_888, %get3A_920 : vector<16xf32>
        %add3A_924 = arith.constant 384 : i32
        %add3A_925 = arith.addi %multiple_of3A, %add3A_924 : i32
        %get3A_926 = arith.index_cast %add3A_925 : i32 to index
        %get3A_927 = tpu.vector_load %arg6[%get3A_926] {strides = array<i32>} : memref<100000xf32, #tpu.memory_space<vmem>>, vector<16xf32>,
        %exp3A_928 = math.exp %get3A_927 : vector<16xf32>
        %add3A_929 = arith.addf %add3A_894, %exp3A_928 : vector<16xf32>
        %max3A_930 = arith.maximumf %max3A_895, %get3A_927 : vector<16xf32>
        %max3A_931 = arith.maximumf %max3A_902, %max3A_909 : vector<16xf32>
        %max3A_932 = arith.maximumf %max3A_916, %max3A_923 : vector<16xf32>
        %max3A_933 = arith.maximumf %max3A_932, %max3A_930 : vector<16xf32>
        %max3A_934 = arith.maximumf %max3A_931, %max3A_933 : vector<16xf32>
        %add3A_935 = arith.constant 192 : i32
        %add3A_936 = arith.addi %add3A_935, %scan3A_741 : i32
        %mul3A_937 = arith.constant 16 : i32
        %mul3A_938 = arith.muli %add3A_936, %mul3A_937 : i32
        %multiple_of3A_939 = tpu.assume_multiple %mul3A_938, 16 : i32
        %swap3A_940 = arith.index_cast %multiple_of3A_939 : i32 to index
        %swap3A_941 = tpu.vector_load %arg7[%swap3A_940] {strides = array<i32>} : memref<4000xf32, #tpu.memory_space<vmem>>, vector<16xf32>,
        tpu.vector_store %arg7[%swap3A_940], %max3A_934 {strides = array<i32>} : memref<4000xf32, #tpu.memory_space<vmem>>, vector<16xf32>,
        %max3A_942 = arith.maximumf %scan3A_747, %max3A_934 : vector<16xf32>
        %min3A_943 = arith.minimumf %scan3A_747, %max3A_934 : vector<16xf32>
        %max3A_944 = arith.maximumf %scan3A_748, %min3A_943 : vector<16xf32>
        %min3A_945 = arith.minimumf %scan3A_748, %min3A_943 : vector<16xf32>
        %max3A_946 = arith.maximumf %scan3A_749, %min3A_945 : vector<16xf32>
        %min3A_947 = arith.minimumf %scan3A_749, %min3A_945 : vector<16xf32>
        %max3A_948 = arith.maximumf %scan3A_750, %min3A_947 : vector<16xf32>
        %min3A_949 = arith.minimumf %scan3A_750, %min3A_947 : vector<16xf32>
        %max3A_950 = arith.maximumf %scan3A_751, %min3A_949 : vector<16xf32>
        scf.yield %add3A_901, %add3A_908, %add3A_915, %add3A_922, %add3A_929, %max3A_942, %max3A_944, %max3A_946, %max3A_948, %max3A_950 : vector<16xf32>, vector<16xf32>, vector<16xf32>, vector<16xf32>, vector<16xf32>, vector<16xf32>, vector<16xf32>, vector<16xf32>, vector<16xf32>, vector<16xf32>
      }
      %scan3A_264 = arith.constant 32 : i32
      %dma_wait3A_265 = arith.constant 89600 : i32
      %dma_wait3A_266 = tpu.memref_slice %arg6[%dma_wait3A_265] : memref<100000xf32, #tpu.memory_space<vmem>> -> memref<10368xf32, #tpu.memory_space<vmem>>
      %dma_wait3A_267 = arith.constant 0 : i32
      %dma_wait3A_268 = tpu.memref_slice %arg2[%add3A_41, %dma_wait3A_267] : memref<128x100000xf32, #tpu.memory_space<hbm>> -> memref<1x100000xf32, #tpu.memory_space<hbm>>
      %dma_wait3A_269 = tpu.memref_squeeze %dma_wait3A_268 : memref<1x100000xf32, #tpu.memory_space<hbm>> -> memref<100000xf32, #tpu.memory_space<hbm>>
      %dma_wait3A_270 = arith.constant 89600 : i32
      %dma_wait3A_271 = tpu.memref_slice %dma_wait3A_269[%dma_wait3A_270] : memref<100000xf32, #tpu.memory_space<hbm>> -> memref<10368xf32, #tpu.memory_space<hbm>>
      %dma_wait3A_272 = arith.constant 89600 : i32
      %dma_wait3A_273 = tpu.memref_slice %arg6[%dma_wait3A_272] : memref<100000xf32, #tpu.memory_space<vmem>> -> memref<10368xf32, #tpu.memory_space<vmem>>
      %dma_wait3A_274 = arith.constant 0 : i32
      %dma_wait3A_275 = tpu.memref_slice %arg2[%add3A_41, %dma_wait3A_274] : memref<128x100000xf32, #tpu.memory_space<hbm>> -> memref<1x100000xf32, #tpu.memory_space<hbm>>
      %dma_wait3A_276 = tpu.memref_squeeze %dma_wait3A_275 : memref<1x100000xf32, #tpu.memory_space<hbm>> -> memref<100000xf32, #tpu.memory_space<hbm>>
      %dma_wait3A_277 = arith.constant 89600 : i32
      %dma_wait3A_278 = tpu.memref_slice %dma_wait3A_276[%dma_wait3A_277] : memref<100000xf32, #tpu.memory_space<hbm>> -> memref<10368xf32, #tpu.memory_space<hbm>>
      tpu.wait_dma2 semaphore(%arg12 : memref<!tpu.dma_semaphore, #tpu.memory_space<semaphore_mem>>) src(%dma_wait3A_278 : memref<10368xf32, #tpu.memory_space<hbm>>) dst(%dma_wait3A_273 : memref<10368xf32, #tpu.memory_space<vmem>>)
      %scan3A_279 = arith.constant 0 : i32
      %scan3A_280 = arith.constant 25 : i32
      %scan3A_281 = arith.addi %scan3A_279, %scan3A_280 : i32
      %scan3A_282 = arith.constant 1 : i32
      %scan3A_283:10 = scf.for %scan3A_741 = %scan3A_279 to %scan3A_281 step %scan3A_282 iter_args(%scan3A_742 = %scan3A_263#0, %scan3A_743 = %scan3A_263#1, %scan3A_744 = %scan3A_263#2, %scan3A_745 = %scan3A_263#3, %scan3A_746 = %scan3A_263#4, %scan3A_747 = %scan3A_263#5, %scan3A_748 = %scan3A_263#6, %scan3A_749 = %scan3A_263#7, %scan3A_750 = %scan3A_263#8, %scan3A_751 = %scan3A_263#9) -> (vector<16xf32>, vector<16xf32>, vector<16xf32>, vector<16xf32>, vector<16xf32>, vector<16xf32>, vector<16xf32>, vector<16xf32>, vector<16xf32>, vector<16xf32>)  : i32 {
        %mul3A_752 = arith.constant 400 : i32
        %mul3A_753 = arith.muli %scan3A_741, %mul3A_752 : i32
        %add3A_754 = arith.constant 89600 : i32
        %add3A_755 = arith.addi %add3A_754, %mul3A_753 : i32
        %multiple_of3A = tpu.assume_multiple %add3A_755, 16 : i32
        %add3A_756 = arith.constant 0 : i32
        %add3A_757 = arith.addi %multiple_of3A, %add3A_756 : i32
        %get3A_758 = arith.index_cast %add3A_757 : i32 to index
        %get3A_759 = tpu.vector_load %arg6[%get3A_758] {strides = array<i32>} : memref<100000xf32, #tpu.memory_space<vmem>>, vector<16xf32>,
        %exp3A_760 = math.exp %get3A_759 : vector<16xf32>
        %add3A_761 = arith.addf %scan3A_742, %exp3A_760 : vector<16xf32>
        %max3A_762 = arith.maximumf %broadcast_in_dim3A_3, %get3A_759 : vector<16xf32>
        %add3A_763 = arith.constant 16 : i32
        %add3A_764 = arith.addi %multiple_of3A, %add3A_763 : i32
        %get3A_765 = arith.index_cast %add3A_764 : i32 to index
        %get3A_766 = tpu.vector_load %arg6[%get3A_765] {strides = array<i32>} : memref<100000xf32, #tpu.memory_space<vmem>>, vector<16xf32>,
        %exp3A_767 = math.exp %get3A_766 : vector<16xf32>
        %add3A_768 = arith.addf %scan3A_743, %exp3A_767 : vector<16xf32>
        %max3A_769 = arith.maximumf %broadcast_in_dim3A_3, %get3A_766 : vector<16xf32>
        %add3A_770 = arith.constant 32 : i32
        %add3A_771 = arith.addi %multiple_of3A, %add3A_770 : i32
        %get3A_772 = arith.index_cast %add3A_771 : i32 to index
        %get3A_773 = tpu.vector_load %arg6[%get3A_772] {strides = array<i32>} : memref<100000xf32, #tpu.memory_space<vmem>>, vector<16xf32>,
        %exp3A_774 = math.exp %get3A_773 : vector<16xf32>
        %add3A_775 = arith.addf %scan3A_744, %exp3A_774 : vector<16xf32>
        %max3A_776 = arith.maximumf %broadcast_in_dim3A_3, %get3A_773 : vector<16xf32>
        %add3A_777 = arith.constant 48 : i32
        %add3A_778 = arith.addi %multiple_of3A, %add3A_777 : i32
        %get3A_779 = arith.index_cast %add3A_778 : i32 to index
        %get3A_780 = tpu.vector_load %arg6[%get3A_779] {strides = array<i32>} : memref<100000xf32, #tpu.memory_space<vmem>>, vector<16xf32>,
        %exp3A_781 = math.exp %get3A_780 : vector<16xf32>
        %add3A_782 = arith.addf %scan3A_745, %exp3A_781 : vector<16xf32>
        %max3A_783 = arith.maximumf %broadcast_in_dim3A_3, %get3A_780 : vector<16xf32>
        %add3A_784 = arith.constant 64 : i32
        %add3A_785 = arith.addi %multiple_of3A, %add3A_784 : i32
        %get3A_786 = arith.index_cast %add3A_785 : i32 to index
        %get3A_787 = tpu.vector_load %arg6[%get3A_786] {strides = array<i32>} : memref<100000xf32, #tpu.memory_space<vmem>>, vector<16xf32>,
        %exp3A_788 = math.exp %get3A_787 : vector<16xf32>
        %add3A_789 = arith.addf %scan3A_746, %exp3A_788 : vector<16xf32>
        %max3A_790 = arith.maximumf %broadcast_in_dim3A_3, %get3A_787 : vector<16xf32>
        %add3A_791 = arith.constant 80 : i32
        %add3A_792 = arith.addi %multiple_of3A, %add3A_791 : i32
        %get3A_793 = arith.index_cast %add3A_792 : i32 to index
        %get3A_794 = tpu.vector_load %arg6[%get3A_793] {strides = array<i32>} : memref<100000xf32, #tpu.memory_space<vmem>>, vector<16xf32>,
        %exp3A_795 = math.exp %get3A_794 : vector<16xf32>
        %add3A_796 = arith.addf %add3A_761, %exp3A_795 : vector<16xf32>
        %max3A_797 = arith.maximumf %max3A_762, %get3A_794 : vector<16xf32>
        %add3A_798 = arith.constant 96 : i32
        %add3A_799 = arith.addi %multiple_of3A, %add3A_798 : i32
        %get3A_800 = arith.index_cast %add3A_799 : i32 to index
        %get3A_801 = tpu.vector_load %arg6[%get3A_800] {strides = array<i32>} : memref<100000xf32, #tpu.memory_space<vmem>>, vector<16xf32>,
        %exp3A_802 = math.exp %get3A_801 : vector<16xf32>
        %add3A_803 = arith.addf %add3A_768, %exp3A_802 : vector<16xf32>
        %max3A_804 = arith.maximumf %max3A_769, %get3A_801 : vector<16xf32>
        %add3A_805 = arith.constant 112 : i32
        %add3A_806 = arith.addi %multiple_of3A, %add3A_805 : i32
        %get3A_807 = arith.index_cast %add3A_806 : i32 to index
        %get3A_808 = tpu.vector_load %arg6[%get3A_807] {strides = array<i32>} : memref<100000xf32, #tpu.memory_space<vmem>>, vector<16xf32>,
        %exp3A_809 = math.exp %get3A_808 : vector<16xf32>
        %add3A_810 = arith.addf %add3A_775, %exp3A_809 : vector<16xf32>
        %max3A_811 = arith.maximumf %max3A_776, %get3A_808 : vector<16xf32>
        %add3A_812 = arith.constant 128 : i32
        %add3A_813 = arith.addi %multiple_of3A, %add3A_812 : i32
        %get3A_814 = arith.index_cast %add3A_813 : i32 to index
        %get3A_815 = tpu.vector_load %arg6[%get3A_814] {strides = array<i32>} : memref<100000xf32, #tpu.memory_space<vmem>>, vector<16xf32>,
        %exp3A_816 = math.exp %get3A_815 : vector<16xf32>
        %add3A_817 = arith.addf %add3A_782, %exp3A_816 : vector<16xf32>
        %max3A_818 = arith.maximumf %max3A_783, %get3A_815 : vector<16xf32>
        %add3A_819 = arith.constant 144 : i32
        %add3A_820 = arith.addi %multiple_of3A, %add3A_819 : i32
        %get3A_821 = arith.index_cast %add3A_820 : i32 to index
        %get3A_822 = tpu.vector_load %arg6[%get3A_821] {strides = array<i32>} : memref<100000xf32, #tpu.memory_space<vmem>>, vector<16xf32>,
        %exp3A_823 = math.exp %get3A_822 : vector<16xf32>
        %add3A_824 = arith.addf %add3A_789, %exp3A_823 : vector<16xf32>
        %max3A_825 = arith.maximumf %max3A_790, %get3A_822 : vector<16xf32>
        %add3A_826 = arith.constant 160 : i32
        %add3A_827 = arith.addi %multiple_of3A, %add3A_826 : i32
        %get3A_828 = arith.index_cast %add3A_827 : i32 to index
        %get3A_829 = tpu.vector_load %arg6[%get3A_828] {strides = array<i32>} : memref<100000xf32, #tpu.memory_space<vmem>>, vector<16xf32>,
        %exp3A_830 = math.exp %get3A_829 : vector<16xf32>
        %add3A_831 = arith.addf %add3A_796, %exp3A_830 : vector<16xf32>
        %max3A_832 = arith.maximumf %max3A_797, %get3A_829 : vector<16xf32>
        %add3A_833 = arith.constant 176 : i32
        %add3A_834 = arith.addi %multiple_of3A, %add3A_833 : i32
        %get3A_835 = arith.index_cast %add3A_834 : i32 to index
        %get3A_836 = tpu.vector_load %arg6[%get3A_835] {strides = array<i32>} : memref<100000xf32, #tpu.memory_space<vmem>>, vector<16xf32>,
        %exp3A_837 = math.exp %get3A_836 : vector<16xf32>
        %add3A_838 = arith.addf %add3A_803, %exp3A_837 : vector<16xf32>
        %max3A_839 = arith.maximumf %max3A_804, %get3A_836 : vector<16xf32>
        %add3A_840 = arith.constant 192 : i32
        %add3A_841 = arith.addi %multiple_of3A, %add3A_840 : i32
        %get3A_842 = arith.index_cast %add3A_841 : i32 to index
        %get3A_843 = tpu.vector_load %arg6[%get3A_842] {strides = array<i32>} : memref<100000xf32, #tpu.memory_space<vmem>>, vector<16xf32>,
        %exp3A_844 = math.exp %get3A_843 : vector<16xf32>
        %add3A_845 = arith.addf %add3A_810, %exp3A_844 : vector<16xf32>
        %max3A_846 = arith.maximumf %max3A_811, %get3A_843 : vector<16xf32>
        %add3A_847 = arith.constant 208 : i32
        %add3A_848 = arith.addi %multiple_of3A, %add3A_847 : i32
        %get3A_849 = arith.index_cast %add3A_848 : i32 to index
        %get3A_850 = tpu.vector_load %arg6[%get3A_849] {strides = array<i32>} : memref<100000xf32, #tpu.memory_space<vmem>>, vector<16xf32>,
        %exp3A_851 = math.exp %get3A_850 : vector<16xf32>
        %add3A_852 = arith.addf %add3A_817, %exp3A_851 : vector<16xf32>
        %max3A_853 = arith.maximumf %max3A_818, %get3A_850 : vector<16xf32>
        %add3A_854 = arith.constant 224 : i32
        %add3A_855 = arith.addi %multiple_of3A, %add3A_854 : i32
        %get3A_856 = arith.index_cast %add3A_855 : i32 to index
        %get3A_857 = tpu.vector_load %arg6[%get3A_856] {strides = array<i32>} : memref<100000xf32, #tpu.memory_space<vmem>>, vector<16xf32>,
        %exp3A_858 = math.exp %get3A_857 : vector<16xf32>
        %add3A_859 = arith.addf %add3A_824, %exp3A_858 : vector<16xf32>
        %max3A_860 = arith.maximumf %max3A_825, %get3A_857 : vector<16xf32>
        %add3A_861 = arith.constant 240 : i32
        %add3A_862 = arith.addi %multiple_of3A, %add3A_861 : i32
        %get3A_863 = arith.index_cast %add3A_862 : i32 to index
        %get3A_864 = tpu.vector_load %arg6[%get3A_863] {strides = array<i32>} : memref<100000xf32, #tpu.memory_space<vmem>>, vector<16xf32>,
        %exp3A_865 = math.exp %get3A_864 : vector<16xf32>
        %add3A_866 = arith.addf %add3A_831, %exp3A_865 : vector<16xf32>
        %max3A_867 = arith.maximumf %max3A_832, %get3A_864 : vector<16xf32>
        %add3A_868 = arith.constant 256 : i32
        %add3A_869 = arith.addi %multiple_of3A, %add3A_868 : i32
        %get3A_870 = arith.index_cast %add3A_869 : i32 to index
        %get3A_871 = tpu.vector_load %arg6[%get3A_870] {strides = array<i32>} : memref<100000xf32, #tpu.memory_space<vmem>>, vector<16xf32>,
        %exp3A_872 = math.exp %get3A_871 : vector<16xf32>
        %add3A_873 = arith.addf %add3A_838, %exp3A_872 : vector<16xf32>
        %max3A_874 = arith.maximumf %max3A_839, %get3A_871 : vector<16xf32>
        %add3A_875 = arith.constant 272 : i32
        %add3A_876 = arith.addi %multiple_of3A, %add3A_875 : i32
        %get3A_877 = arith.index_cast %add3A_876 : i32 to index
        %get3A_878 = tpu.vector_load %arg6[%get3A_877] {strides = array<i32>} : memref<100000xf32, #tpu.memory_space<vmem>>, vector<16xf32>,
        %exp3A_879 = math.exp %get3A_878 : vector<16xf32>
        %add3A_880 = arith.addf %add3A_845, %exp3A_879 : vector<16xf32>
        %max3A_881 = arith.maximumf %max3A_846, %get3A_878 : vector<16xf32>
        %add3A_882 = arith.constant 288 : i32
        %add3A_883 = arith.addi %multiple_of3A, %add3A_882 : i32
        %get3A_884 = arith.index_cast %add3A_883 : i32 to index
        %get3A_885 = tpu.vector_load %arg6[%get3A_884] {strides = array<i32>} : memref<100000xf32, #tpu.memory_space<vmem>>, vector<16xf32>,
        %exp3A_886 = math.exp %get3A_885 : vector<16xf32>
        %add3A_887 = arith.addf %add3A_852, %exp3A_886 : vector<16xf32>
        %max3A_888 = arith.maximumf %max3A_853, %get3A_885 : vector<16xf32>
        %add3A_889 = arith.constant 304 : i32
        %add3A_890 = arith.addi %multiple_of3A, %add3A_889 : i32
        %get3A_891 = arith.index_cast %add3A_890 : i32 to index
        %get3A_892 = tpu.vector_load %arg6[%get3A_891] {strides = array<i32>} : memref<100000xf32, #tpu.memory_space<vmem>>, vector<16xf32>,
        %exp3A_893 = math.exp %get3A_892 : vector<16xf32>
        %add3A_894 = arith.addf %add3A_859, %exp3A_893 : vector<16xf32>
        %max3A_895 = arith.maximumf %max3A_860, %get3A_892 : vector<16xf32>
        %add3A_896 = arith.constant 320 : i32
        %add3A_897 = arith.addi %multiple_of3A, %add3A_896 : i32
        %get3A_898 = arith.index_cast %add3A_897 : i32 to index
        %get3A_899 = tpu.vector_load %arg6[%get3A_898] {strides = array<i32>} : memref<100000xf32, #tpu.memory_space<vmem>>, vector<16xf32>,
        %exp3A_900 = math.exp %get3A_899 : vector<16xf32>
        %add3A_901 = arith.addf %add3A_866, %exp3A_900 : vector<16xf32>
        %max3A_902 = arith.maximumf %max3A_867, %get3A_899 : vector<16xf32>
        %add3A_903 = arith.constant 336 : i32
        %add3A_904 = arith.addi %multiple_of3A, %add3A_903 : i32
        %get3A_905 = arith.index_cast %add3A_904 : i32 to index
        %get3A_906 = tpu.vector_load %arg6[%get3A_905] {strides = array<i32>} : memref<100000xf32, #tpu.memory_space<vmem>>, vector<16xf32>,
        %exp3A_907 = math.exp %get3A_906 : vector<16xf32>
        %add3A_908 = arith.addf %add3A_873, %exp3A_907 : vector<16xf32>
        %max3A_909 = arith.maximumf %max3A_874, %get3A_906 : vector<16xf32>
        %add3A_910 = arith.constant 352 : i32
        %add3A_911 = arith.addi %multiple_of3A, %add3A_910 : i32
        %get3A_912 = arith.index_cast %add3A_911 : i32 to index
        %get3A_913 = tpu.vector_load %arg6[%get3A_912] {strides = array<i32>} : memref<100000xf32, #tpu.memory_space<vmem>>, vector<16xf32>,
        %exp3A_914 = math.exp %get3A_913 : vector<16xf32>
        %add3A_915 = arith.addf %add3A_880, %exp3A_914 : vector<16xf32>
        %max3A_916 = arith.maximumf %max3A_881, %get3A_913 : vector<16xf32>
        %add3A_917 = arith.constant 368 : i32
        %add3A_918 = arith.addi %multiple_of3A, %add3A_917 : i32
        %get3A_919 = arith.index_cast %add3A_918 : i32 to index
        %get3A_920 = tpu.vector_load %arg6[%get3A_919] {strides = array<i32>} : memref<100000xf32, #tpu.memory_space<vmem>>, vector<16xf32>,
        %exp3A_921 = math.exp %get3A_920 : vector<16xf32>
        %add3A_922 = arith.addf %add3A_887, %exp3A_921 : vector<16xf32>
        %max3A_923 = arith.maximumf %max3A_888, %get3A_920 : vector<16xf32>
        %add3A_924 = arith.constant 384 : i32
        %add3A_925 = arith.addi %multiple_of3A, %add3A_924 : i32
        %get3A_926 = arith.index_cast %add3A_925 : i32 to index
        %get3A_927 = tpu.vector_load %arg6[%get3A_926] {strides = array<i32>} : memref<100000xf32, #tpu.memory_space<vmem>>, vector<16xf32>,
        %exp3A_928 = math.exp %get3A_927 : vector<16xf32>
        %add3A_929 = arith.addf %add3A_894, %exp3A_928 : vector<16xf32>
        %max3A_930 = arith.maximumf %max3A_895, %get3A_927 : vector<16xf32>
        %max3A_931 = arith.maximumf %max3A_902, %max3A_909 : vector<16xf32>
        %max3A_932 = arith.maximumf %max3A_916, %max3A_923 : vector<16xf32>
        %max3A_933 = arith.maximumf %max3A_932, %max3A_930 : vector<16xf32>
        %max3A_934 = arith.maximumf %max3A_931, %max3A_933 : vector<16xf32>
        %add3A_935 = arith.constant 224 : i32
        %add3A_936 = arith.addi %add3A_935, %scan3A_741 : i32
        %mul3A_937 = arith.constant 16 : i32
        %mul3A_938 = arith.muli %add3A_936, %mul3A_937 : i32
        %multiple_of3A_939 = tpu.assume_multiple %mul3A_938, 16 : i32
        %swap3A_940 = arith.index_cast %multiple_of3A_939 : i32 to index
        %swap3A_941 = tpu.vector_load %arg7[%swap3A_940] {strides = array<i32>} : memref<4000xf32, #tpu.memory_space<vmem>>, vector<16xf32>,
        tpu.vector_store %arg7[%swap3A_940], %max3A_934 {strides = array<i32>} : memref<4000xf32, #tpu.memory_space<vmem>>, vector<16xf32>,
        %max3A_942 = arith.maximumf %scan3A_747, %max3A_934 : vector<16xf32>
        %min3A_943 = arith.minimumf %scan3A_747, %max3A_934 : vector<16xf32>
        %max3A_944 = arith.maximumf %scan3A_748, %min3A_943 : vector<16xf32>
        %min3A_945 = arith.minimumf %scan3A_748, %min3A_943 : vector<16xf32>
        %max3A_946 = arith.maximumf %scan3A_749, %min3A_945 : vector<16xf32>
        %min3A_947 = arith.minimumf %scan3A_749, %min3A_945 : vector<16xf32>
        %max3A_948 = arith.maximumf %scan3A_750, %min3A_947 : vector<16xf32>
        %min3A_949 = arith.minimumf %scan3A_750, %min3A_947 : vector<16xf32>
        %max3A_950 = arith.maximumf %scan3A_751, %min3A_949 : vector<16xf32>
        scf.yield %add3A_901, %add3A_908, %add3A_915, %add3A_922, %add3A_929, %max3A_942, %max3A_944, %max3A_946, %max3A_948, %max3A_950 : vector<16xf32>, vector<16xf32>, vector<16xf32>, vector<16xf32>, vector<16xf32>, vector<16xf32>, vector<16xf32>, vector<16xf32>, vector<16xf32>, vector<16xf32>
      }
      %scan3A_284 = arith.constant 25 : i32
      %get3A = arith.constant 99600 : index
      %get3A_285 = tpu.vector_load %arg6[%get3A] {strides = array<i32>} : memref<100000xf32, #tpu.memory_space<vmem>>, vector<16xf32>,
      %exp3A = math.exp %get3A_285 : vector<16xf32>
      %add3A_286 = arith.addf %scan3A_283#0, %exp3A : vector<16xf32>
      %max3A = arith.maximumf %broadcast_in_dim3A_3, %get3A_285 : vector<16xf32>
      %get3A_287 = arith.constant 99616 : index
      %get3A_288 = tpu.vector_load %arg6[%get3A_287] {strides = array<i32>} : memref<100000xf32, #tpu.memory_space<vmem>>, vector<16xf32>,
      %exp3A_289 = math.exp %get3A_288 : vector<16xf32>
      %add3A_290 = arith.addf %scan3A_283#1, %exp3A_289 : vector<16xf32>
      %max3A_291 = arith.maximumf %broadcast_in_dim3A_3, %get3A_288 : vector<16xf32>
      %get3A_292 = arith.constant 99632 : index
      %get3A_293 = tpu.vector_load %arg6[%get3A_292] {strides = array<i32>} : memref<100000xf32, #tpu.memory_space<vmem>>, vector<16xf32>,
      %exp3A_294 = math.exp %get3A_293 : vector<16xf32>
      %add3A_295 = arith.addf %scan3A_283#2, %exp3A_294 : vector<16xf32>
      %max3A_296 = arith.maximumf %broadcast_in_dim3A_3, %get3A_293 : vector<16xf32>
      %get3A_297 = arith.constant 99648 : index
      %get3A_298 = tpu.vector_load %arg6[%get3A_297] {strides = array<i32>} : memref<100000xf32, #tpu.memory_space<vmem>>, vector<16xf32>,
      %exp3A_299 = math.exp %get3A_298 : vector<16xf32>
      %add3A_300 = arith.addf %scan3A_283#3, %exp3A_299 : vector<16xf32>
      %max3A_301 = arith.maximumf %broadcast_in_dim3A_3, %get3A_298 : vector<16xf32>
      %get3A_302 = arith.constant 99664 : index
      %get3A_303 = tpu.vector_load %arg6[%get3A_302] {strides = array<i32>} : memref<100000xf32, #tpu.memory_space<vmem>>, vector<16xf32>,
      %exp3A_304 = math.exp %get3A_303 : vector<16xf32>
      %add3A_305 = arith.addf %scan3A_283#4, %exp3A_304 : vector<16xf32>
      %max3A_306 = arith.maximumf %broadcast_in_dim3A_3, %get3A_303 : vector<16xf32>
      %get3A_307 = arith.constant 99680 : index
      %get3A_308 = tpu.vector_load %arg6[%get3A_307] {strides = array<i32>} : memref<100000xf32, #tpu.memory_space<vmem>>, vector<16xf32>,
      %exp3A_309 = math.exp %get3A_308 : vector<16xf32>
      %add3A_310 = arith.addf %add3A_286, %exp3A_309 : vector<16xf32>
      %max3A_311 = arith.maximumf %max3A, %get3A_308 : vector<16xf32>
      %get3A_312 = arith.constant 99696 : index
      %get3A_313 = tpu.vector_load %arg6[%get3A_312] {strides = array<i32>} : memref<100000xf32, #tpu.memory_space<vmem>>, vector<16xf32>,
      %exp3A_314 = math.exp %get3A_313 : vector<16xf32>
      %add3A_315 = arith.addf %add3A_290, %exp3A_314 : vector<16xf32>
      %max3A_316 = arith.maximumf %max3A_291, %get3A_313 : vector<16xf32>
      %get3A_317 = arith.constant 99712 : index
      %get3A_318 = tpu.vector_load %arg6[%get3A_317] {strides = array<i32>} : memref<100000xf32, #tpu.memory_space<vmem>>, vector<16xf32>,
      %exp3A_319 = math.exp %get3A_318 : vector<16xf32>
      %add3A_320 = arith.addf %add3A_295, %exp3A_319 : vector<16xf32>
      %max3A_321 = arith.maximumf %max3A_296, %get3A_318 : vector<16xf32>
      %get3A_322 = arith.constant 99728 : index
      %get3A_323 = tpu.vector_load %arg6[%get3A_322] {strides = array<i32>} : memref<100000xf32, #tpu.memory_space<vmem>>, vector<16xf32>,
      %exp3A_324 = math.exp %get3A_323 : vector<16xf32>
      %add3A_325 = arith.addf %add3A_300, %exp3A_324 : vector<16xf32>
      %max3A_326 = arith.maximumf %max3A_301, %get3A_323 : vector<16xf32>
      %get3A_327 = arith.constant 99744 : index
      %get3A_328 = tpu.vector_load %arg6[%get3A_327] {strides = array<i32>} : memref<100000xf32, #tpu.memory_space<vmem>>, vector<16xf32>,
      %exp3A_329 = math.exp %get3A_328 : vector<16xf32>
      %add3A_330 = arith.addf %add3A_305, %exp3A_329 : vector<16xf32>
      %max3A_331 = arith.maximumf %max3A_306, %get3A_328 : vector<16xf32>
      %get3A_332 = arith.constant 99760 : index
      %get3A_333 = tpu.vector_load %arg6[%get3A_332] {strides = array<i32>} : memref<100000xf32, #tpu.memory_space<vmem>>, vector<16xf32>,
      %exp3A_334 = math.exp %get3A_333 : vector<16xf32>
      %add3A_335 = arith.addf %add3A_310, %exp3A_334 : vector<16xf32>
      %max3A_336 = arith.maximumf %max3A_311, %get3A_333 : vector<16xf32>
      %get3A_337 = arith.constant 99776 : index
      %get3A_338 = tpu.vector_load %arg6[%get3A_337] {strides = array<i32>} : memref<100000xf32, #tpu.memory_space<vmem>>, vector<16xf32>,
      %exp3A_339 = math.exp %get3A_338 : vector<16xf32>
      %add3A_340 = arith.addf %add3A_315, %exp3A_339 : vector<16xf32>
      %max3A_341 = arith.maximumf %max3A_316, %get3A_338 : vector<16xf32>
      %get3A_342 = arith.constant 99792 : index
      %get3A_343 = tpu.vector_load %arg6[%get3A_342] {strides = array<i32>} : memref<100000xf32, #tpu.memory_space<vmem>>, vector<16xf32>,
      %exp3A_344 = math.exp %get3A_343 : vector<16xf32>
      %add3A_345 = arith.addf %add3A_320, %exp3A_344 : vector<16xf32>
      %max3A_346 = arith.maximumf %max3A_321, %get3A_343 : vector<16xf32>
      %get3A_347 = arith.constant 99808 : index
      %get3A_348 = tpu.vector_load %arg6[%get3A_347] {strides = array<i32>} : memref<100000xf32, #tpu.memory_space<vmem>>, vector<16xf32>,
      %exp3A_349 = math.exp %get3A_348 : vector<16xf32>
      %add3A_350 = arith.addf %add3A_325, %exp3A_349 : vector<16xf32>
      %max3A_351 = arith.maximumf %max3A_326, %get3A_348 : vector<16xf32>
      %get3A_352 = arith.constant 99824 : index
      %get3A_353 = tpu.vector_load %arg6[%get3A_352] {strides = array<i32>} : memref<100000xf32, #tpu.memory_space<vmem>>, vector<16xf32>,
      %exp3A_354 = math.exp %get3A_353 : vector<16xf32>
      %add3A_355 = arith.addf %add3A_330, %exp3A_354 : vector<16xf32>
      %max3A_356 = arith.maximumf %max3A_331, %get3A_353 : vector<16xf32>
      %get3A_357 = arith.constant 99840 : index
      %get3A_358 = tpu.vector_load %arg6[%get3A_357] {strides = array<i32>} : memref<100000xf32, #tpu.memory_space<vmem>>, vector<16xf32>,
      %exp3A_359 = math.exp %get3A_358 : vector<16xf32>
      %add3A_360 = arith.addf %add3A_335, %exp3A_359 : vector<16xf32>
      %max3A_361 = arith.maximumf %max3A_336, %get3A_358 : vector<16xf32>
      %get3A_362 = arith.constant 99856 : index
      %get3A_363 = tpu.vector_load %arg6[%get3A_362] {strides = array<i32>} : memref<100000xf32, #tpu.memory_space<vmem>>, vector<16xf32>,
      %exp3A_364 = math.exp %get3A_363 : vector<16xf32>
      %add3A_365 = arith.addf %add3A_340, %exp3A_364 : vector<16xf32>
      %max3A_366 = arith.maximumf %max3A_341, %get3A_363 : vector<16xf32>
      %get3A_367 = arith.constant 99872 : index
      %get3A_368 = tpu.vector_load %arg6[%get3A_367] {strides = array<i32>} : memref<100000xf32, #tpu.memory_space<vmem>>, vector<16xf32>,
      %exp3A_369 = math.exp %get3A_368 : vector<16xf32>
      %add3A_370 = arith.addf %add3A_345, %exp3A_369 : vector<16xf32>
      %max3A_371 = arith.maximumf %max3A_346, %get3A_368 : vector<16xf32>
      %get3A_372 = arith.constant 99888 : index
      %get3A_373 = tpu.vector_load %arg6[%get3A_372] {strides = array<i32>} : memref<100000xf32, #tpu.memory_space<vmem>>, vector<16xf32>,
      %exp3A_374 = math.exp %get3A_373 : vector<16xf32>
      %add3A_375 = arith.addf %add3A_350, %exp3A_374 : vector<16xf32>
      %max3A_376 = arith.maximumf %max3A_351, %get3A_373 : vector<16xf32>
      %get3A_377 = arith.constant 99904 : index
      %get3A_378 = tpu.vector_load %arg6[%get3A_377] {strides = array<i32>} : memref<100000xf32, #tpu.memory_space<vmem>>, vector<16xf32>,
      %exp3A_379 = math.exp %get3A_378 : vector<16xf32>
      %add3A_380 = arith.addf %add3A_355, %exp3A_379 : vector<16xf32>
      %max3A_381 = arith.maximumf %max3A_356, %get3A_378 : vector<16xf32>
      %get3A_382 = arith.constant 99920 : index
      %get3A_383 = tpu.vector_load %arg6[%get3A_382] {strides = array<i32>} : memref<100000xf32, #tpu.memory_space<vmem>>, vector<16xf32>,
      %exp3A_384 = math.exp %get3A_383 : vector<16xf32>
      %add3A_385 = arith.addf %add3A_360, %exp3A_384 : vector<16xf32>
      %max3A_386 = arith.maximumf %max3A_361, %get3A_383 : vector<16xf32>
      %get3A_387 = arith.constant 99936 : index
      %get3A_388 = tpu.vector_load %arg6[%get3A_387] {strides = array<i32>} : memref<100000xf32, #tpu.memory_space<vmem>>, vector<16xf32>,
      %exp3A_389 = math.exp %get3A_388 : vector<16xf32>
      %add3A_390 = arith.addf %add3A_365, %exp3A_389 : vector<16xf32>
      %max3A_391 = arith.maximumf %max3A_366, %get3A_388 : vector<16xf32>
      %get3A_392 = arith.constant 99952 : index
      %get3A_393 = tpu.vector_load %arg6[%get3A_392] {strides = array<i32>} : memref<100000xf32, #tpu.memory_space<vmem>>, vector<16xf32>,
      %exp3A_394 = math.exp %get3A_393 : vector<16xf32>
      %add3A_395 = arith.addf %add3A_370, %exp3A_394 : vector<16xf32>
      %max3A_396 = arith.maximumf %max3A_371, %get3A_393 : vector<16xf32>
      %max3A_397 = arith.maximumf %max3A_386, %max3A_391 : vector<16xf32>
      %max3A_398 = arith.maximumf %max3A_396, %max3A_376 : vector<16xf32>
      %max3A_399 = arith.maximumf %max3A_398, %max3A_381 : vector<16xf32>
      %max3A_400 = arith.maximumf %max3A_397, %max3A_399 : vector<16xf32>
      %swap3A_401 = arith.constant 3984 : index
      %swap3A_402 = tpu.vector_load %arg7[%swap3A_401] {strides = array<i32>} : memref<4000xf32, #tpu.memory_space<vmem>>, vector<16xf32>,
      tpu.vector_store %arg7[%swap3A_401], %max3A_400 {strides = array<i32>} : memref<4000xf32, #tpu.memory_space<vmem>>, vector<16xf32>,
      %max3A_403 = arith.maximumf %scan3A_283#5, %max3A_400 : vector<16xf32>
      %min3A = arith.minimumf %scan3A_283#5, %max3A_400 : vector<16xf32>
      %max3A_404 = arith.maximumf %scan3A_283#6, %min3A : vector<16xf32>
      %min3A_405 = arith.minimumf %scan3A_283#6, %min3A : vector<16xf32>
      %max3A_406 = arith.maximumf %scan3A_283#7, %min3A_405 : vector<16xf32>
      %min3A_407 = arith.minimumf %scan3A_283#7, %min3A_405 : vector<16xf32>
      %max3A_408 = arith.maximumf %scan3A_283#8, %min3A_407 : vector<16xf32>
      %min3A_409 = arith.minimumf %scan3A_283#8, %min3A_407 : vector<16xf32>
      %max3A_410 = arith.maximumf %scan3A_283#9, %min3A_409 : vector<16xf32>
      %broadcast_in_dim3A_411 = vector.broadcast %add3A_41 : i32 to vector<16xi32>
      %gather3A = tpu.vector_load_idx %arg9[%iota3A, %broadcast_in_dim3A_411] : memref<32x128xf32, #tpu.memory_space<vmem>>[vector<16xi32>, vector<16xi32>], vector<16xf32>,
      %add3A_412 = arith.constant 16 : i32
      %add3A_413 = vector.broadcast %add3A_412 : i32 to vector<16xi32>
      %add3A_414 = arith.addi %iota3A, %add3A_413 : vector<16xi32>
      %gather3A_415 = tpu.vector_load_idx %arg9[%add3A_414, %broadcast_in_dim3A_411] : memref<32x128xf32, #tpu.memory_space<vmem>>[vector<16xi32>, vector<16xi32>], vector<16xf32>,
      %exp3A_416 = math.exp %gather3A : vector<16xf32>
      %add3A_417 = arith.addf %add3A_385, %exp3A_416 : vector<16xf32>
      %exp3A_418 = math.exp %gather3A_415 : vector<16xf32>
      %add3A_419 = arith.addf %add3A_390, %exp3A_418 : vector<16xf32>
      %add3A_420 = arith.addf %add3A_417, %add3A_419 : vector<16xf32>
      %add3A_421 = arith.addf %add3A_395, %add3A_375 : vector<16xf32>
      %add3A_422 = arith.addf %add3A_420, %add3A_421 : vector<16xf32>
      %add3A_423 = arith.addf %add3A_422, %add3A_380 : vector<16xf32>
      %reduce_max3A = arith.constant true
      %reduce_max3A_424 = vector.broadcast %reduce_max3A : i1 to vector<16xi1>
      %reduce_max3A_425 = tpu.scan <max>, %max3A_403 masked %reduce_max3A_424 : vector<16xf32>, vector<16xi1> -> vector<16xf32>
      %reduce_max3A_426 = vector.extract %reduce_max3A_425[15] : f32 from vector<16xf32>
      %broadcast_in_dim3A_427 = vector.broadcast %reduce_max3A_426 : f32 to vector<16xf32>
      %eq3A = arith.cmpf oeq, %max3A_403, %broadcast_in_dim3A_427 : vector<16xf32>
      %convert_element_type3A = arith.extui %eq3A : vector<16xi1> to vector<16xi32>
      %broadcast_in_dim3A_428 = arith.constant true
      %broadcast_in_dim3A_429 = vector.broadcast %broadcast_in_dim3A_428 : i1 to vector<16xi1>
      %masked_cumsum3A = tpu.scan <sum>, %convert_element_type3A masked %broadcast_in_dim3A_429 : vector<16xi32>, vector<16xi1> -> vector<16xi32>
      %eq3A_430 = arith.constant 1 : i32
      %eq3A_431 = vector.broadcast %eq3A_430 : i32 to vector<16xi32>
      %eq3A_432 = arith.cmpi eq, %masked_cumsum3A, %eq3A_431 : vector<16xi32>
      %and3A = arith.andi %eq3A, %eq3A_432 : vector<16xi1>
      %select_n3A = arith.select %and3A, %max3A_404, %max3A_403 : vector<16xi1>, vector<16xf32>
      %select_n3A_433 = arith.select %and3A, %max3A_406, %max3A_404 : vector<16xi1>, vector<16xf32>
      %select_n3A_434 = arith.select %and3A, %max3A_408, %max3A_406 : vector<16xi1>, vector<16xf32>
      %select_n3A_435 = arith.select %and3A, %max3A_410, %max3A_408 : vector<16xi1>, vector<16xf32>
      %select_n3A_436 = arith.select %and3A, %broadcast_in_dim3A_3, %max3A_410 : vector<16xi1>, vector<16xf32>
      %reduce_max3A_437 = arith.constant true
      %reduce_max3A_438 = vector.broadcast %reduce_max3A_437 : i1 to vector<16xi1>
      %reduce_max3A_439 = tpu.scan <max>, %select_n3A masked %reduce_max3A_438 : vector<16xf32>, vector<16xi1> -> vector<16xf32>
      %reduce_max3A_440 = vector.extract %reduce_max3A_439[15] : f32 from vector<16xf32>
      %broadcast_in_dim3A_441 = vector.broadcast %reduce_max3A_440 : f32 to vector<16xf32>
      %eq3A_442 = arith.cmpf oeq, %select_n3A, %broadcast_in_dim3A_441 : vector<16xf32>
      %convert_element_type3A_443 = arith.extui %eq3A_442 : vector<16xi1> to vector<16xi32>
      %broadcast_in_dim3A_444 = arith.constant true
      %broadcast_in_dim3A_445 = vector.broadcast %broadcast_in_dim3A_444 : i1 to vector<16xi1>
      %masked_cumsum3A_446 = tpu.scan <sum>, %convert_element_type3A_443 masked %broadcast_in_dim3A_445 : vector<16xi32>, vector<16xi1> -> vector<16xi32>
      %eq3A_447 = arith.constant 1 : i32
      %eq3A_448 = vector.broadcast %eq3A_447 : i32 to vector<16xi32>
      %eq3A_449 = arith.cmpi eq, %masked_cumsum3A_446, %eq3A_448 : vector<16xi32>
      %and3A_450 = arith.andi %eq3A_442, %eq3A_449 : vector<16xi1>
      %select_n3A_451 = arith.select %and3A_450, %select_n3A_433, %select_n3A : vector<16xi1>, vector<16xf32>
      %select_n3A_452 = arith.select %and3A_450, %select_n3A_434, %select_n3A_433 : vector<16xi1>, vector<16xf32>
      %select_n3A_453 = arith.select %and3A_450, %select_n3A_435, %select_n3A_434 : vector<16xi1>, vector<16xf32>
      %select_n3A_454 = arith.select %and3A_450, %select_n3A_436, %select_n3A_435 : vector<16xi1>, vector<16xf32>
      %select_n3A_455 = arith.select %and3A_450, %broadcast_in_dim3A_3, %select_n3A_436 : vector<16xi1>, vector<16xf32>
      %reduce_max3A_456 = arith.constant true
      %reduce_max3A_457 = vector.broadcast %reduce_max3A_456 : i1 to vector<16xi1>
      %reduce_max3A_458 = tpu.scan <max>, %select_n3A_451 masked %reduce_max3A_457 : vector<16xf32>, vector<16xi1> -> vector<16xf32>
      %reduce_max3A_459 = vector.extract %reduce_max3A_458[15] : f32 from vector<16xf32>
      %broadcast_in_dim3A_460 = vector.broadcast %reduce_max3A_459 : f32 to vector<16xf32>
      %eq3A_461 = arith.cmpf oeq, %select_n3A_451, %broadcast_in_dim3A_460 : vector<16xf32>
      %convert_element_type3A_462 = arith.extui %eq3A_461 : vector<16xi1> to vector<16xi32>
      %broadcast_in_dim3A_463 = arith.constant true
      %broadcast_in_dim3A_464 = vector.broadcast %broadcast_in_dim3A_463 : i1 to vector<16xi1>
      %masked_cumsum3A_465 = tpu.scan <sum>, %convert_element_type3A_462 masked %broadcast_in_dim3A_464 : vector<16xi32>, vector<16xi1> -> vector<16xi32>
      %eq3A_466 = arith.constant 1 : i32
      %eq3A_467 = vector.broadcast %eq3A_466 : i32 to vector<16xi32>
      %eq3A_468 = arith.cmpi eq, %masked_cumsum3A_465, %eq3A_467 : vector<16xi32>
      %and3A_469 = arith.andi %eq3A_461, %eq3A_468 : vector<16xi1>
      %select_n3A_470 = arith.select %and3A_469, %select_n3A_452, %select_n3A_451 : vector<16xi1>, vector<16xf32>
      %select_n3A_471 = arith.select %and3A_469, %select_n3A_453, %select_n3A_452 : vector<16xi1>, vector<16xf32>
      %select_n3A_472 = arith.select %and3A_469, %select_n3A_454, %select_n3A_453 : vector<16xi1>, vector<16xf32>
      %select_n3A_473 = arith.select %and3A_469, %select_n3A_455, %select_n3A_454 : vector<16xi1>, vector<16xf32>
      %select_n3A_474 = arith.select %and3A_469, %broadcast_in_dim3A_3, %select_n3A_455 : vector<16xi1>, vector<16xf32>
      %reduce_max3A_475 = arith.constant true
      %reduce_max3A_476 = vector.broadcast %reduce_max3A_475 : i1 to vector<16xi1>
      %reduce_max3A_477 = tpu.scan <max>, %select_n3A_470 masked %reduce_max3A_476 : vector<16xf32>, vector<16xi1> -> vector<16xf32>
      %reduce_max3A_478 = vector.extract %reduce_max3A_477[15] : f32 from vector<16xf32>
      %broadcast_in_dim3A_479 = vector.broadcast %reduce_max3A_478 : f32 to vector<16xf32>
      %eq3A_480 = arith.cmpf oeq, %select_n3A_470, %broadcast_in_dim3A_479 : vector<16xf32>
      %convert_element_type3A_481 = arith.extui %eq3A_480 : vector<16xi1> to vector<16xi32>
      %broadcast_in_dim3A_482 = arith.constant true
      %broadcast_in_dim3A_483 = vector.broadcast %broadcast_in_dim3A_482 : i1 to vector<16xi1>
      %masked_cumsum3A_484 = tpu.scan <sum>, %convert_element_type3A_481 masked %broadcast_in_dim3A_483 : vector<16xi32>, vector<16xi1> -> vector<16xi32>
      %eq3A_485 = arith.constant 1 : i32
      %eq3A_486 = vector.broadcast %eq3A_485 : i32 to vector<16xi32>
      %eq3A_487 = arith.cmpi eq, %masked_cumsum3A_484, %eq3A_486 : vector<16xi32>
      %and3A_488 = arith.andi %eq3A_480, %eq3A_487 : vector<16xi1>
      %select_n3A_489 = arith.select %and3A_488, %select_n3A_471, %select_n3A_470 : vector<16xi1>, vector<16xf32>
      %select_n3A_490 = arith.select %and3A_488, %select_n3A_472, %select_n3A_471 : vector<16xi1>, vector<16xf32>
      %select_n3A_491 = arith.select %and3A_488, %select_n3A_473, %select_n3A_472 : vector<16xi1>, vector<16xf32>
      %select_n3A_492 = arith.select %and3A_488, %select_n3A_474, %select_n3A_473 : vector<16xi1>, vector<16xf32>
      %select_n3A_493 = arith.select %and3A_488, %broadcast_in_dim3A_3, %select_n3A_474 : vector<16xi1>, vector<16xf32>
      %reduce_max3A_494 = arith.constant true
      %reduce_max3A_495 = vector.broadcast %reduce_max3A_494 : i1 to vector<16xi1>
      %reduce_max3A_496 = tpu.scan <max>, %select_n3A_489 masked %reduce_max3A_495 : vector<16xf32>, vector<16xi1> -> vector<16xf32>
      %reduce_max3A_497 = vector.extract %reduce_max3A_496[15] : f32 from vector<16xf32>
      %broadcast_in_dim3A_498 = vector.broadcast %reduce_max3A_497 : f32 to vector<16xf32>
      %eq3A_499 = arith.cmpf oeq, %select_n3A_489, %broadcast_in_dim3A_498 : vector<16xf32>
      %convert_element_type3A_500 = arith.extui %eq3A_499 : vector<16xi1> to vector<16xi32>
      %broadcast_in_dim3A_501 = arith.constant true
      %broadcast_in_dim3A_502 = vector.broadcast %broadcast_in_dim3A_501 : i1 to vector<16xi1>
      %masked_cumsum3A_503 = tpu.scan <sum>, %convert_element_type3A_500 masked %broadcast_in_dim3A_502 : vector<16xi32>, vector<16xi1> -> vector<16xi32>
      %eq3A_504 = arith.constant 1 : i32
      %eq3A_505 = vector.broadcast %eq3A_504 : i32 to vector<16xi32>
      %eq3A_506 = arith.cmpi eq, %masked_cumsum3A_503, %eq3A_505 : vector<16xi32>
      %and3A_507 = arith.andi %eq3A_499, %eq3A_506 : vector<16xi1>
      %select_n3A_508 = arith.select %and3A_507, %select_n3A_490, %select_n3A_489 : vector<16xi1>, vector<16xf32>
      %select_n3A_509 = arith.select %and3A_507, %select_n3A_491, %select_n3A_490 : vector<16xi1>, vector<16xf32>
      %select_n3A_510 = arith.select %and3A_507, %select_n3A_492, %select_n3A_491 : vector<16xi1>, vector<16xf32>
      %select_n3A_511 = arith.select %and3A_507, %select_n3A_493, %select_n3A_492 : vector<16xi1>, vector<16xf32>
      %select_n3A_512 = arith.select %and3A_507, %broadcast_in_dim3A_3, %select_n3A_493 : vector<16xi1>, vector<16xf32>
      %max3A_513 = arith.maximumf %broadcast_in_dim3A_3, %gather3A : vector<16xf32>
      %min3A_514 = arith.minimumf %broadcast_in_dim3A_3, %gather3A : vector<16xf32>
      %max3A_515 = arith.maximumf %broadcast_in_dim3A_3, %min3A_514 : vector<16xf32>
      %min3A_516 = arith.minimumf %broadcast_in_dim3A_3, %min3A_514 : vector<16xf32>
      %max3A_517 = arith.maximumf %broadcast_in_dim3A_3, %min3A_516 : vector<16xf32>
      %min3A_518 = arith.minimumf %broadcast_in_dim3A_3, %min3A_516 : vector<16xf32>
      %max3A_519 = arith.maximumf %broadcast_in_dim3A_3, %min3A_518 : vector<16xf32>
      %min3A_520 = arith.minimumf %broadcast_in_dim3A_3, %min3A_518 : vector<16xf32>
      %max3A_521 = arith.maximumf %broadcast_in_dim3A_3, %min3A_520 : vector<16xf32>
      %max3A_522 = arith.maximumf %max3A_513, %gather3A_415 : vector<16xf32>
      %min3A_523 = arith.minimumf %max3A_513, %gather3A_415 : vector<16xf32>
      %max3A_524 = arith.maximumf %max3A_515, %min3A_523 : vector<16xf32>
      %min3A_525 = arith.minimumf %max3A_515, %min3A_523 : vector<16xf32>
      %max3A_526 = arith.maximumf %max3A_517, %min3A_525 : vector<16xf32>
      %min3A_527 = arith.minimumf %max3A_517, %min3A_525 : vector<16xf32>
      %max3A_528 = arith.maximumf %max3A_519, %min3A_527 : vector<16xf32>
      %min3A_529 = arith.minimumf %max3A_519, %min3A_527 : vector<16xf32>
      %max3A_530 = arith.maximumf %max3A_521, %min3A_529 : vector<16xf32>
      %scan3A_531 = arith.constant 0 : i32
      %scan3A_532 = arith.constant 249 : i32
      %scan3A_533 = arith.addi %scan3A_531, %scan3A_532 : i32
      %scan3A_534 = arith.constant 1 : i32
      %scan3A_535:5 = scf.for %scan3A_741 = %scan3A_531 to %scan3A_533 step %scan3A_534 iter_args(%scan3A_742 = %max3A_522, %scan3A_743 = %max3A_524, %scan3A_744 = %max3A_526, %scan3A_745 = %max3A_528, %scan3A_746 = %max3A_530) -> (vector<16xf32>, vector<16xf32>, vector<16xf32>, vector<16xf32>, vector<16xf32>)  : i32 {
        %mul3A_747 = arith.constant 16 : i32
        %mul3A_748 = arith.muli %scan3A_741, %mul3A_747 : i32
        %multiple_of3A = tpu.assume_multiple %mul3A_748, 16 : i32
        %get3A_749 = arith.index_cast %multiple_of3A : i32 to index
        %get3A_750 = tpu.vector_load %arg7[%get3A_749] {strides = array<i32>} : memref<4000xf32, #tpu.memory_space<vmem>>, vector<16xf32>,
        %ge3A_751 = arith.cmpf oge, %get3A_750, %broadcast_in_dim3A_498 : vector<16xf32>
        %jit3A_752 = arith.constant 1 : i32
        %jit3A_753 = arith.constant 0 : i32
        %broadcast_in_dim3A_754 = vector.broadcast %jit3A_752 : i32 to vector<16xi32>
        %broadcast_in_dim3A_755 = vector.broadcast %jit3A_753 : i32 to vector<16xi32>
        %select_n3A_756 = arith.select %ge3A_751, %broadcast_in_dim3A_754, %broadcast_in_dim3A_755 : vector<16xi1>, vector<16xi32>
        %reduce_max3A_757 = arith.constant true
        %reduce_max3A_758 = vector.broadcast %reduce_max3A_757 : i1 to vector<16xi1>
        %reduce_max3A_759 = arith.constant -2147483648 : i32
        %reduce_max3A_760 = vector.broadcast %reduce_max3A_759 : i32 to vector<16xi32>
        %reduce_max3A_761 = arith.xori %select_n3A_756, %reduce_max3A_760 : vector<16xi32>
        %reduce_max3A_762 = tpu.scan <max>, %reduce_max3A_761 masked %reduce_max3A_758 : vector<16xi32>, vector<16xi1> -> vector<16xi32>
        %reduce_max3A_763 = arith.xori %reduce_max3A_762, %reduce_max3A_760 : vector<16xi32>
        %reduce_max3A_764 = vector.extract %reduce_max3A_763[15] : i32 from vector<16xi32>
        %gt3A_765 = arith.constant 0 : i32
        %gt3A_766 = arith.cmpi sgt, %reduce_max3A_764, %gt3A_765 : i32
        %convert_element_type3A_767 = arith.extui %gt3A_766 : i1 to i32
        %cond3A_768 = arith.constant 0 : i32
        %cond3A_769 = arith.cmpi ne, %convert_element_type3A_767, %cond3A_768 : i32
        %cond3A_770:5 = scf.if %cond3A_769 -> (vector<16xf32>, vector<16xf32>, vector<16xf32>, vector<16xf32>, vector<16xf32>) {
          %mul3A_771 = arith.constant 400 : i32
          %mul3A_772 = arith.muli %scan3A_741, %mul3A_771 : i32
          %multiple_of3A_773 = tpu.assume_multiple %mul3A_772, 16 : i32
          %add3A_774 = arith.constant 0 : i32
          %add3A_775 = arith.addi %multiple_of3A_773, %add3A_774 : i32
          %get3A_776 = arith.index_cast %add3A_775 : i32 to index
          %get3A_777 = tpu.vector_load %arg6[%get3A_776] {strides = array<i32>} : memref<100000xf32, #tpu.memory_space<vmem>>, vector<16xf32>,
          %max3A_778 = arith.maximumf %scan3A_742, %get3A_777 : vector<16xf32>
          %min3A_779 = arith.minimumf %scan3A_742, %get3A_777 : vector<16xf32>
          %max3A_780 = arith.maximumf %scan3A_743, %min3A_779 : vector<16xf32>
          %min3A_781 = arith.minimumf %scan3A_743, %min3A_779 : vector<16xf32>
          %max3A_782 = arith.maximumf %scan3A_744, %min3A_781 : vector<16xf32>
          %min3A_783 = arith.minimumf %scan3A_744, %min3A_781 : vector<16xf32>
          %max3A_784 = arith.maximumf %scan3A_745, %min3A_783 : vector<16xf32>
          %min3A_785 = arith.minimumf %scan3A_745, %min3A_783 : vector<16xf32>
          %max3A_786 = arith.maximumf %scan3A_746, %min3A_785 : vector<16xf32>
          %add3A_787 = arith.constant 16 : i32
          %add3A_788 = arith.addi %multiple_of3A_773, %add3A_787 : i32
          %get3A_789 = arith.index_cast %add3A_788 : i32 to index
          %get3A_790 = tpu.vector_load %arg6[%get3A_789] {strides = array<i32>} : memref<100000xf32, #tpu.memory_space<vmem>>, vector<16xf32>,
          %max3A_791 = arith.maximumf %max3A_778, %get3A_790 : vector<16xf32>
          %min3A_792 = arith.minimumf %max3A_778, %get3A_790 : vector<16xf32>
          %max3A_793 = arith.maximumf %max3A_780, %min3A_792 : vector<16xf32>
          %min3A_794 = arith.minimumf %max3A_780, %min3A_792 : vector<16xf32>
          %max3A_795 = arith.maximumf %max3A_782, %min3A_794 : vector<16xf32>
          %min3A_796 = arith.minimumf %max3A_782, %min3A_794 : vector<16xf32>
          %max3A_797 = arith.maximumf %max3A_784, %min3A_796 : vector<16xf32>
          %min3A_798 = arith.minimumf %max3A_784, %min3A_796 : vector<16xf32>
          %max3A_799 = arith.maximumf %max3A_786, %min3A_798 : vector<16xf32>
          %add3A_800 = arith.constant 32 : i32
          %add3A_801 = arith.addi %multiple_of3A_773, %add3A_800 : i32
          %get3A_802 = arith.index_cast %add3A_801 : i32 to index
          %get3A_803 = tpu.vector_load %arg6[%get3A_802] {strides = array<i32>} : memref<100000xf32, #tpu.memory_space<vmem>>, vector<16xf32>,
          %max3A_804 = arith.maximumf %max3A_791, %get3A_803 : vector<16xf32>
          %min3A_805 = arith.minimumf %max3A_791, %get3A_803 : vector<16xf32>
          %max3A_806 = arith.maximumf %max3A_793, %min3A_805 : vector<16xf32>
          %min3A_807 = arith.minimumf %max3A_793, %min3A_805 : vector<16xf32>
          %max3A_808 = arith.maximumf %max3A_795, %min3A_807 : vector<16xf32>
          %min3A_809 = arith.minimumf %max3A_795, %min3A_807 : vector<16xf32>
          %max3A_810 = arith.maximumf %max3A_797, %min3A_809 : vector<16xf32>
          %min3A_811 = arith.minimumf %max3A_797, %min3A_809 : vector<16xf32>
          %max3A_812 = arith.maximumf %max3A_799, %min3A_811 : vector<16xf32>
          %add3A_813 = arith.constant 48 : i32
          %add3A_814 = arith.addi %multiple_of3A_773, %add3A_813 : i32
          %get3A_815 = arith.index_cast %add3A_814 : i32 to index
          %get3A_816 = tpu.vector_load %arg6[%get3A_815] {strides = array<i32>} : memref<100000xf32, #tpu.memory_space<vmem>>, vector<16xf32>,
          %max3A_817 = arith.maximumf %max3A_804, %get3A_816 : vector<16xf32>
          %min3A_818 = arith.minimumf %max3A_804, %get3A_816 : vector<16xf32>
          %max3A_819 = arith.maximumf %max3A_806, %min3A_818 : vector<16xf32>
          %min3A_820 = arith.minimumf %max3A_806, %min3A_818 : vector<16xf32>
          %max3A_821 = arith.maximumf %max3A_808, %min3A_820 : vector<16xf32>
          %min3A_822 = arith.minimumf %max3A_808, %min3A_820 : vector<16xf32>
          %max3A_823 = arith.maximumf %max3A_810, %min3A_822 : vector<16xf32>
          %min3A_824 = arith.minimumf %max3A_810, %min3A_822 : vector<16xf32>
          %max3A_825 = arith.maximumf %max3A_812, %min3A_824 : vector<16xf32>
          %add3A_826 = arith.constant 64 : i32
          %add3A_827 = arith.addi %multiple_of3A_773, %add3A_826 : i32
          %get3A_828 = arith.index_cast %add3A_827 : i32 to index
          %get3A_829 = tpu.vector_load %arg6[%get3A_828] {strides = array<i32>} : memref<100000xf32, #tpu.memory_space<vmem>>, vector<16xf32>,
          %max3A_830 = arith.maximumf %max3A_817, %get3A_829 : vector<16xf32>
          %min3A_831 = arith.minimumf %max3A_817, %get3A_829 : vector<16xf32>
          %max3A_832 = arith.maximumf %max3A_819, %min3A_831 : vector<16xf32>
          %min3A_833 = arith.minimumf %max3A_819, %min3A_831 : vector<16xf32>
          %max3A_834 = arith.maximumf %max3A_821, %min3A_833 : vector<16xf32>
          %min3A_835 = arith.minimumf %max3A_821, %min3A_833 : vector<16xf32>
          %max3A_836 = arith.maximumf %max3A_823, %min3A_835 : vector<16xf32>
          %min3A_837 = arith.minimumf %max3A_823, %min3A_835 : vector<16xf32>
          %max3A_838 = arith.maximumf %max3A_825, %min3A_837 : vector<16xf32>
          %add3A_839 = arith.constant 80 : i32
          %add3A_840 = arith.addi %multiple_of3A_773, %add3A_839 : i32
          %get3A_841 = arith.index_cast %add3A_840 : i32 to index
          %get3A_842 = tpu.vector_load %arg6[%get3A_841] {strides = array<i32>} : memref<100000xf32, #tpu.memory_space<vmem>>, vector<16xf32>,
          %max3A_843 = arith.maximumf %max3A_830, %get3A_842 : vector<16xf32>
          %min3A_844 = arith.minimumf %max3A_830, %get3A_842 : vector<16xf32>
          %max3A_845 = arith.maximumf %max3A_832, %min3A_844 : vector<16xf32>
          %min3A_846 = arith.minimumf %max3A_832, %min3A_844 : vector<16xf32>
          %max3A_847 = arith.maximumf %max3A_834, %min3A_846 : vector<16xf32>
          %min3A_848 = arith.minimumf %max3A_834, %min3A_846 : vector<16xf32>
          %max3A_849 = arith.maximumf %max3A_836, %min3A_848 : vector<16xf32>
          %min3A_850 = arith.minimumf %max3A_836, %min3A_848 : vector<16xf32>
          %max3A_851 = arith.maximumf %max3A_838, %min3A_850 : vector<16xf32>
          %add3A_852 = arith.constant 96 : i32
          %add3A_853 = arith.addi %multiple_of3A_773, %add3A_852 : i32
          %get3A_854 = arith.index_cast %add3A_853 : i32 to index
          %get3A_855 = tpu.vector_load %arg6[%get3A_854] {strides = array<i32>} : memref<100000xf32, #tpu.memory_space<vmem>>, vector<16xf32>,
          %max3A_856 = arith.maximumf %max3A_843, %get3A_855 : vector<16xf32>
          %min3A_857 = arith.minimumf %max3A_843, %get3A_855 : vector<16xf32>
          %max3A_858 = arith.maximumf %max3A_845, %min3A_857 : vector<16xf32>
          %min3A_859 = arith.minimumf %max3A_845, %min3A_857 : vector<16xf32>
          %max3A_860 = arith.maximumf %max3A_847, %min3A_859 : vector<16xf32>
          %min3A_861 = arith.minimumf %max3A_847, %min3A_859 : vector<16xf32>
          %max3A_862 = arith.maximumf %max3A_849, %min3A_861 : vector<16xf32>
          %min3A_863 = arith.minimumf %max3A_849, %min3A_861 : vector<16xf32>
          %max3A_864 = arith.maximumf %max3A_851, %min3A_863 : vector<16xf32>
          %add3A_865 = arith.constant 112 : i32
          %add3A_866 = arith.addi %multiple_of3A_773, %add3A_865 : i32
          %get3A_867 = arith.index_cast %add3A_866 : i32 to index
          %get3A_868 = tpu.vector_load %arg6[%get3A_867] {strides = array<i32>} : memref<100000xf32, #tpu.memory_space<vmem>>, vector<16xf32>,
          %max3A_869 = arith.maximumf %max3A_856, %get3A_868 : vector<16xf32>
          %min3A_870 = arith.minimumf %max3A_856, %get3A_868 : vector<16xf32>
          %max3A_871 = arith.maximumf %max3A_858, %min3A_870 : vector<16xf32>
          %min3A_872 = arith.minimumf %max3A_858, %min3A_870 : vector<16xf32>
          %max3A_873 = arith.maximumf %max3A_860, %min3A_872 : vector<16xf32>
          %min3A_874 = arith.minimumf %max3A_860, %min3A_872 : vector<16xf32>
          %max3A_875 = arith.maximumf %max3A_862, %min3A_874 : vector<16xf32>
          %min3A_876 = arith.minimumf %max3A_862, %min3A_874 : vector<16xf32>
          %max3A_877 = arith.maximumf %max3A_864, %min3A_876 : vector<16xf32>
          %add3A_878 = arith.constant 128 : i32
          %add3A_879 = arith.addi %multiple_of3A_773, %add3A_878 : i32
          %get3A_880 = arith.index_cast %add3A_879 : i32 to index
          %get3A_881 = tpu.vector_load %arg6[%get3A_880] {strides = array<i32>} : memref<100000xf32, #tpu.memory_space<vmem>>, vector<16xf32>,
          %max3A_882 = arith.maximumf %max3A_869, %get3A_881 : vector<16xf32>
          %min3A_883 = arith.minimumf %max3A_869, %get3A_881 : vector<16xf32>
          %max3A_884 = arith.maximumf %max3A_871, %min3A_883 : vector<16xf32>
          %min3A_885 = arith.minimumf %max3A_871, %min3A_883 : vector<16xf32>
          %max3A_886 = arith.maximumf %max3A_873, %min3A_885 : vector<16xf32>
          %min3A_887 = arith.minimumf %max3A_873, %min3A_885 : vector<16xf32>
          %max3A_888 = arith.maximumf %max3A_875, %min3A_887 : vector<16xf32>
          %min3A_889 = arith.minimumf %max3A_875, %min3A_887 : vector<16xf32>
          %max3A_890 = arith.maximumf %max3A_877, %min3A_889 : vector<16xf32>
          %add3A_891 = arith.constant 144 : i32
          %add3A_892 = arith.addi %multiple_of3A_773, %add3A_891 : i32
          %get3A_893 = arith.index_cast %add3A_892 : i32 to index
          %get3A_894 = tpu.vector_load %arg6[%get3A_893] {strides = array<i32>} : memref<100000xf32, #tpu.memory_space<vmem>>, vector<16xf32>,
          %max3A_895 = arith.maximumf %max3A_882, %get3A_894 : vector<16xf32>
          %min3A_896 = arith.minimumf %max3A_882, %get3A_894 : vector<16xf32>
          %max3A_897 = arith.maximumf %max3A_884, %min3A_896 : vector<16xf32>
          %min3A_898 = arith.minimumf %max3A_884, %min3A_896 : vector<16xf32>
          %max3A_899 = arith.maximumf %max3A_886, %min3A_898 : vector<16xf32>
          %min3A_900 = arith.minimumf %max3A_886, %min3A_898 : vector<16xf32>
          %max3A_901 = arith.maximumf %max3A_888, %min3A_900 : vector<16xf32>
          %min3A_902 = arith.minimumf %max3A_888, %min3A_900 : vector<16xf32>
          %max3A_903 = arith.maximumf %max3A_890, %min3A_902 : vector<16xf32>
          %add3A_904 = arith.constant 160 : i32
          %add3A_905 = arith.addi %multiple_of3A_773, %add3A_904 : i32
          %get3A_906 = arith.index_cast %add3A_905 : i32 to index
          %get3A_907 = tpu.vector_load %arg6[%get3A_906] {strides = array<i32>} : memref<100000xf32, #tpu.memory_space<vmem>>, vector<16xf32>,
          %max3A_908 = arith.maximumf %max3A_895, %get3A_907 : vector<16xf32>
          %min3A_909 = arith.minimumf %max3A_895, %get3A_907 : vector<16xf32>
          %max3A_910 = arith.maximumf %max3A_897, %min3A_909 : vector<16xf32>
          %min3A_911 = arith.minimumf %max3A_897, %min3A_909 : vector<16xf32>
          %max3A_912 = arith.maximumf %max3A_899, %min3A_911 : vector<16xf32>
          %min3A_913 = arith.minimumf %max3A_899, %min3A_911 : vector<16xf32>
          %max3A_914 = arith.maximumf %max3A_901, %min3A_913 : vector<16xf32>
          %min3A_915 = arith.minimumf %max3A_901, %min3A_913 : vector<16xf32>
          %max3A_916 = arith.maximumf %max3A_903, %min3A_915 : vector<16xf32>
          %add3A_917 = arith.constant 176 : i32
          %add3A_918 = arith.addi %multiple_of3A_773, %add3A_917 : i32
          %get3A_919 = arith.index_cast %add3A_918 : i32 to index
          %get3A_920 = tpu.vector_load %arg6[%get3A_919] {strides = array<i32>} : memref<100000xf32, #tpu.memory_space<vmem>>, vector<16xf32>,
          %max3A_921 = arith.maximumf %max3A_908, %get3A_920 : vector<16xf32>
          %min3A_922 = arith.minimumf %max3A_908, %get3A_920 : vector<16xf32>
          %max3A_923 = arith.maximumf %max3A_910, %min3A_922 : vector<16xf32>
          %min3A_924 = arith.minimumf %max3A_910, %min3A_922 : vector<16xf32>
          %max3A_925 = arith.maximumf %max3A_912, %min3A_924 : vector<16xf32>
          %min3A_926 = arith.minimumf %max3A_912, %min3A_924 : vector<16xf32>
          %max3A_927 = arith.maximumf %max3A_914, %min3A_926 : vector<16xf32>
          %min3A_928 = arith.minimumf %max3A_914, %min3A_926 : vector<16xf32>
          %max3A_929 = arith.maximumf %max3A_916, %min3A_928 : vector<16xf32>
          %add3A_930 = arith.constant 192 : i32
          %add3A_931 = arith.addi %multiple_of3A_773, %add3A_930 : i32
          %get3A_932 = arith.index_cast %add3A_931 : i32 to index
          %get3A_933 = tpu.vector_load %arg6[%get3A_932] {strides = array<i32>} : memref<100000xf32, #tpu.memory_space<vmem>>, vector<16xf32>,
          %max3A_934 = arith.maximumf %max3A_921, %get3A_933 : vector<16xf32>
          %min3A_935 = arith.minimumf %max3A_921, %get3A_933 : vector<16xf32>
          %max3A_936 = arith.maximumf %max3A_923, %min3A_935 : vector<16xf32>
          %min3A_937 = arith.minimumf %max3A_923, %min3A_935 : vector<16xf32>
          %max3A_938 = arith.maximumf %max3A_925, %min3A_937 : vector<16xf32>
          %min3A_939 = arith.minimumf %max3A_925, %min3A_937 : vector<16xf32>
          %max3A_940 = arith.maximumf %max3A_927, %min3A_939 : vector<16xf32>
          %min3A_941 = arith.minimumf %max3A_927, %min3A_939 : vector<16xf32>
          %max3A_942 = arith.maximumf %max3A_929, %min3A_941 : vector<16xf32>
          %add3A_943 = arith.constant 208 : i32
          %add3A_944 = arith.addi %multiple_of3A_773, %add3A_943 : i32
          %get3A_945 = arith.index_cast %add3A_944 : i32 to index
          %get3A_946 = tpu.vector_load %arg6[%get3A_945] {strides = array<i32>} : memref<100000xf32, #tpu.memory_space<vmem>>, vector<16xf32>,
          %max3A_947 = arith.maximumf %max3A_934, %get3A_946 : vector<16xf32>
          %min3A_948 = arith.minimumf %max3A_934, %get3A_946 : vector<16xf32>
          %max3A_949 = arith.maximumf %max3A_936, %min3A_948 : vector<16xf32>
          %min3A_950 = arith.minimumf %max3A_936, %min3A_948 : vector<16xf32>
          %max3A_951 = arith.maximumf %max3A_938, %min3A_950 : vector<16xf32>
          %min3A_952 = arith.minimumf %max3A_938, %min3A_950 : vector<16xf32>
          %max3A_953 = arith.maximumf %max3A_940, %min3A_952 : vector<16xf32>
          %min3A_954 = arith.minimumf %max3A_940, %min3A_952 : vector<16xf32>
          %max3A_955 = arith.maximumf %max3A_942, %min3A_954 : vector<16xf32>
          %add3A_956 = arith.constant 224 : i32
          %add3A_957 = arith.addi %multiple_of3A_773, %add3A_956 : i32
          %get3A_958 = arith.index_cast %add3A_957 : i32 to index
          %get3A_959 = tpu.vector_load %arg6[%get3A_958] {strides = array<i32>} : memref<100000xf32, #tpu.memory_space<vmem>>, vector<16xf32>,
          %max3A_960 = arith.maximumf %max3A_947, %get3A_959 : vector<16xf32>
          %min3A_961 = arith.minimumf %max3A_947, %get3A_959 : vector<16xf32>
          %max3A_962 = arith.maximumf %max3A_949, %min3A_961 : vector<16xf32>
          %min3A_963 = arith.minimumf %max3A_949, %min3A_961 : vector<16xf32>
          %max3A_964 = arith.maximumf %max3A_951, %min3A_963 : vector<16xf32>
          %min3A_965 = arith.minimumf %max3A_951, %min3A_963 : vector<16xf32>
          %max3A_966 = arith.maximumf %max3A_953, %min3A_965 : vector<16xf32>
          %min3A_967 = arith.minimumf %max3A_953, %min3A_965 : vector<16xf32>
          %max3A_968 = arith.maximumf %max3A_955, %min3A_967 : vector<16xf32>
          %add3A_969 = arith.constant 240 : i32
          %add3A_970 = arith.addi %multiple_of3A_773, %add3A_969 : i32
          %get3A_971 = arith.index_cast %add3A_970 : i32 to index
          %get3A_972 = tpu.vector_load %arg6[%get3A_971] {strides = array<i32>} : memref<100000xf32, #tpu.memory_space<vmem>>, vector<16xf32>,
          %max3A_973 = arith.maximumf %max3A_960, %get3A_972 : vector<16xf32>
          %min3A_974 = arith.minimumf %max3A_960, %get3A_972 : vector<16xf32>
          %max3A_975 = arith.maximumf %max3A_962, %min3A_974 : vector<16xf32>
          %min3A_976 = arith.minimumf %max3A_962, %min3A_974 : vector<16xf32>
          %max3A_977 = arith.maximumf %max3A_964, %min3A_976 : vector<16xf32>
          %min3A_978 = arith.minimumf %max3A_964, %min3A_976 : vector<16xf32>
          %max3A_979 = arith.maximumf %max3A_966, %min3A_978 : vector<16xf32>
          %min3A_980 = arith.minimumf %max3A_966, %min3A_978 : vector<16xf32>
          %max3A_981 = arith.maximumf %max3A_968, %min3A_980 : vector<16xf32>
          %add3A_982 = arith.constant 256 : i32
          %add3A_983 = arith.addi %multiple_of3A_773, %add3A_982 : i32
          %get3A_984 = arith.index_cast %add3A_983 : i32 to index
          %get3A_985 = tpu.vector_load %arg6[%get3A_984] {strides = array<i32>} : memref<100000xf32, #tpu.memory_space<vmem>>, vector<16xf32>,
          %max3A_986 = arith.maximumf %max3A_973, %get3A_985 : vector<16xf32>
          %min3A_987 = arith.minimumf %max3A_973, %get3A_985 : vector<16xf32>
          %max3A_988 = arith.maximumf %max3A_975, %min3A_987 : vector<16xf32>
          %min3A_989 = arith.minimumf %max3A_975, %min3A_987 : vector<16xf32>
          %max3A_990 = arith.maximumf %max3A_977, %min3A_989 : vector<16xf32>
          %min3A_991 = arith.minimumf %max3A_977, %min3A_989 : vector<16xf32>
          %max3A_992 = arith.maximumf %max3A_979, %min3A_991 : vector<16xf32>
          %min3A_993 = arith.minimumf %max3A_979, %min3A_991 : vector<16xf32>
          %max3A_994 = arith.maximumf %max3A_981, %min3A_993 : vector<16xf32>
          %add3A_995 = arith.constant 272 : i32
          %add3A_996 = arith.addi %multiple_of3A_773, %add3A_995 : i32
          %get3A_997 = arith.index_cast %add3A_996 : i32 to index
          %get3A_998 = tpu.vector_load %arg6[%get3A_997] {strides = array<i32>} : memref<100000xf32, #tpu.memory_space<vmem>>, vector<16xf32>,
          %max3A_999 = arith.maximumf %max3A_986, %get3A_998 : vector<16xf32>
          %min3A_1000 = arith.minimumf %max3A_986, %get3A_998 : vector<16xf32>
          %max3A_1001 = arith.maximumf %max3A_988, %min3A_1000 : vector<16xf32>
          %min3A_1002 = arith.minimumf %max3A_988, %min3A_1000 : vector<16xf32>
          %max3A_1003 = arith.maximumf %max3A_990, %min3A_1002 : vector<16xf32>
          %min3A_1004 = arith.minimumf %max3A_990, %min3A_1002 : vector<16xf32>
          %max3A_1005 = arith.maximumf %max3A_992, %min3A_1004 : vector<16xf32>
          %min3A_1006 = arith.minimumf %max3A_992, %min3A_1004 : vector<16xf32>
          %max3A_1007 = arith.maximumf %max3A_994, %min3A_1006 : vector<16xf32>
          %add3A_1008 = arith.constant 288 : i32
          %add3A_1009 = arith.addi %multiple_of3A_773, %add3A_1008 : i32
          %get3A_1010 = arith.index_cast %add3A_1009 : i32 to index
          %get3A_1011 = tpu.vector_load %arg6[%get3A_1010] {strides = array<i32>} : memref<100000xf32, #tpu.memory_space<vmem>>, vector<16xf32>,
          %max3A_1012 = arith.maximumf %max3A_999, %get3A_1011 : vector<16xf32>
          %min3A_1013 = arith.minimumf %max3A_999, %get3A_1011 : vector<16xf32>
          %max3A_1014 = arith.maximumf %max3A_1001, %min3A_1013 : vector<16xf32>
          %min3A_1015 = arith.minimumf %max3A_1001, %min3A_1013 : vector<16xf32>
          %max3A_1016 = arith.maximumf %max3A_1003, %min3A_1015 : vector<16xf32>
          %min3A_1017 = arith.minimumf %max3A_1003, %min3A_1015 : vector<16xf32>
          %max3A_1018 = arith.maximumf %max3A_1005, %min3A_1017 : vector<16xf32>
          %min3A_1019 = arith.minimumf %max3A_1005, %min3A_1017 : vector<16xf32>
          %max3A_1020 = arith.maximumf %max3A_1007, %min3A_1019 : vector<16xf32>
          %add3A_1021 = arith.constant 304 : i32
          %add3A_1022 = arith.addi %multiple_of3A_773, %add3A_1021 : i32
          %get3A_1023 = arith.index_cast %add3A_1022 : i32 to index
          %get3A_1024 = tpu.vector_load %arg6[%get3A_1023] {strides = array<i32>} : memref<100000xf32, #tpu.memory_space<vmem>>, vector<16xf32>,
          %max3A_1025 = arith.maximumf %max3A_1012, %get3A_1024 : vector<16xf32>
          %min3A_1026 = arith.minimumf %max3A_1012, %get3A_1024 : vector<16xf32>
          %max3A_1027 = arith.maximumf %max3A_1014, %min3A_1026 : vector<16xf32>
          %min3A_1028 = arith.minimumf %max3A_1014, %min3A_1026 : vector<16xf32>
          %max3A_1029 = arith.maximumf %max3A_1016, %min3A_1028 : vector<16xf32>
          %min3A_1030 = arith.minimumf %max3A_1016, %min3A_1028 : vector<16xf32>
          %max3A_1031 = arith.maximumf %max3A_1018, %min3A_1030 : vector<16xf32>
          %min3A_1032 = arith.minimumf %max3A_1018, %min3A_1030 : vector<16xf32>
          %max3A_1033 = arith.maximumf %max3A_1020, %min3A_1032 : vector<16xf32>
          %add3A_1034 = arith.constant 320 : i32
          %add3A_1035 = arith.addi %multiple_of3A_773, %add3A_1034 : i32
          %get3A_1036 = arith.index_cast %add3A_1035 : i32 to index
          %get3A_1037 = tpu.vector_load %arg6[%get3A_1036] {strides = array<i32>} : memref<100000xf32, #tpu.memory_space<vmem>>, vector<16xf32>,
          %max3A_1038 = arith.maximumf %max3A_1025, %get3A_1037 : vector<16xf32>
          %min3A_1039 = arith.minimumf %max3A_1025, %get3A_1037 : vector<16xf32>
          %max3A_1040 = arith.maximumf %max3A_1027, %min3A_1039 : vector<16xf32>
          %min3A_1041 = arith.minimumf %max3A_1027, %min3A_1039 : vector<16xf32>
          %max3A_1042 = arith.maximumf %max3A_1029, %min3A_1041 : vector<16xf32>
          %min3A_1043 = arith.minimumf %max3A_1029, %min3A_1041 : vector<16xf32>
          %max3A_1044 = arith.maximumf %max3A_1031, %min3A_1043 : vector<16xf32>
          %min3A_1045 = arith.minimumf %max3A_1031, %min3A_1043 : vector<16xf32>
          %max3A_1046 = arith.maximumf %max3A_1033, %min3A_1045 : vector<16xf32>
          %add3A_1047 = arith.constant 336 : i32
          %add3A_1048 = arith.addi %multiple_of3A_773, %add3A_1047 : i32
          %get3A_1049 = arith.index_cast %add3A_1048 : i32 to index
          %get3A_1050 = tpu.vector_load %arg6[%get3A_1049] {strides = array<i32>} : memref<100000xf32, #tpu.memory_space<vmem>>, vector<16xf32>,
          %max3A_1051 = arith.maximumf %max3A_1038, %get3A_1050 : vector<16xf32>
          %min3A_1052 = arith.minimumf %max3A_1038, %get3A_1050 : vector<16xf32>
          %max3A_1053 = arith.maximumf %max3A_1040, %min3A_1052 : vector<16xf32>
          %min3A_1054 = arith.minimumf %max3A_1040, %min3A_1052 : vector<16xf32>
          %max3A_1055 = arith.maximumf %max3A_1042, %min3A_1054 : vector<16xf32>
          %min3A_1056 = arith.minimumf %max3A_1042, %min3A_1054 : vector<16xf32>
          %max3A_1057 = arith.maximumf %max3A_1044, %min3A_1056 : vector<16xf32>
          %min3A_1058 = arith.minimumf %max3A_1044, %min3A_1056 : vector<16xf32>
          %max3A_1059 = arith.maximumf %max3A_1046, %min3A_1058 : vector<16xf32>
          %add3A_1060 = arith.constant 352 : i32
          %add3A_1061 = arith.addi %multiple_of3A_773, %add3A_1060 : i32
          %get3A_1062 = arith.index_cast %add3A_1061 : i32 to index
          %get3A_1063 = tpu.vector_load %arg6[%get3A_1062] {strides = array<i32>} : memref<100000xf32, #tpu.memory_space<vmem>>, vector<16xf32>,
          %max3A_1064 = arith.maximumf %max3A_1051, %get3A_1063 : vector<16xf32>
          %min3A_1065 = arith.minimumf %max3A_1051, %get3A_1063 : vector<16xf32>
          %max3A_1066 = arith.maximumf %max3A_1053, %min3A_1065 : vector<16xf32>
          %min3A_1067 = arith.minimumf %max3A_1053, %min3A_1065 : vector<16xf32>
          %max3A_1068 = arith.maximumf %max3A_1055, %min3A_1067 : vector<16xf32>
          %min3A_1069 = arith.minimumf %max3A_1055, %min3A_1067 : vector<16xf32>
          %max3A_1070 = arith.maximumf %max3A_1057, %min3A_1069 : vector<16xf32>
          %min3A_1071 = arith.minimumf %max3A_1057, %min3A_1069 : vector<16xf32>
          %max3A_1072 = arith.maximumf %max3A_1059, %min3A_1071 : vector<16xf32>
          %add3A_1073 = arith.constant 368 : i32
          %add3A_1074 = arith.addi %multiple_of3A_773, %add3A_1073 : i32
          %get3A_1075 = arith.index_cast %add3A_1074 : i32 to index
          %get3A_1076 = tpu.vector_load %arg6[%get3A_1075] {strides = array<i32>} : memref<100000xf32, #tpu.memory_space<vmem>>, vector<16xf32>,
          %max3A_1077 = arith.maximumf %max3A_1064, %get3A_1076 : vector<16xf32>
          %min3A_1078 = arith.minimumf %max3A_1064, %get3A_1076 : vector<16xf32>
          %max3A_1079 = arith.maximumf %max3A_1066, %min3A_1078 : vector<16xf32>
          %min3A_1080 = arith.minimumf %max3A_1066, %min3A_1078 : vector<16xf32>
          %max3A_1081 = arith.maximumf %max3A_1068, %min3A_1080 : vector<16xf32>
          %min3A_1082 = arith.minimumf %max3A_1068, %min3A_1080 : vector<16xf32>
          %max3A_1083 = arith.maximumf %max3A_1070, %min3A_1082 : vector<16xf32>
          %min3A_1084 = arith.minimumf %max3A_1070, %min3A_1082 : vector<16xf32>
          %max3A_1085 = arith.maximumf %max3A_1072, %min3A_1084 : vector<16xf32>
          %add3A_1086 = arith.constant 384 : i32
          %add3A_1087 = arith.addi %multiple_of3A_773, %add3A_1086 : i32
          %get3A_1088 = arith.index_cast %add3A_1087 : i32 to index
          %get3A_1089 = tpu.vector_load %arg6[%get3A_1088] {strides = array<i32>} : memref<100000xf32, #tpu.memory_space<vmem>>, vector<16xf32>,
          %max3A_1090 = arith.maximumf %max3A_1077, %get3A_1089 : vector<16xf32>
          %min3A_1091 = arith.minimumf %max3A_1077, %get3A_1089 : vector<16xf32>
          %max3A_1092 = arith.maximumf %max3A_1079, %min3A_1091 : vector<16xf32>
          %min3A_1093 = arith.minimumf %max3A_1079, %min3A_1091 : vector<16xf32>
          %max3A_1094 = arith.maximumf %max3A_1081, %min3A_1093 : vector<16xf32>
          %min3A_1095 = arith.minimumf %max3A_1081, %min3A_1093 : vector<16xf32>
          %max3A_1096 = arith.maximumf %max3A_1083, %min3A_1095 : vector<16xf32>
          %min3A_1097 = arith.minimumf %max3A_1083, %min3A_1095 : vector<16xf32>
          %max3A_1098 = arith.maximumf %max3A_1085, %min3A_1097 : vector<16xf32>
          scf.yield %max3A_1090, %max3A_1092, %max3A_1094, %max3A_1096, %max3A_1098 : vector<16xf32>, vector<16xf32>, vector<16xf32>, vector<16xf32>, vector<16xf32>
        } else {
          scf.yield %scan3A_742, %scan3A_743, %scan3A_744, %scan3A_745, %scan3A_746 : vector<16xf32>, vector<16xf32>, vector<16xf32>, vector<16xf32>, vector<16xf32>
        }
        scf.yield %cond3A_770#0, %cond3A_770#1, %cond3A_770#2, %cond3A_770#3, %cond3A_770#4 : vector<16xf32>, vector<16xf32>, vector<16xf32>, vector<16xf32>, vector<16xf32>
      }
      %scan3A_536 = arith.constant 249 : i32
      %get3A_537 = arith.constant 3984 : index
      %get3A_538 = tpu.vector_load %arg7[%get3A_537] {strides = array<i32>} : memref<4000xf32, #tpu.memory_space<vmem>>, vector<16xf32>,
      %ge3A = arith.cmpf oge, %get3A_538, %broadcast_in_dim3A_498 : vector<16xf32>
      %jit3A = arith.constant 1 : i32
      %jit3A_539 = arith.constant 0 : i32
      %broadcast_in_dim3A_540 = vector.broadcast %jit3A : i32 to vector<16xi32>
      %broadcast_in_dim3A_541 = vector.broadcast %jit3A_539 : i32 to vector<16xi32>
      %select_n3A_542 = arith.select %ge3A, %broadcast_in_dim3A_540, %broadcast_in_dim3A_541 : vector<16xi1>, vector<16xi32>
      %reduce_max3A_543 = arith.constant true
      %reduce_max3A_544 = vector.broadcast %reduce_max3A_543 : i1 to vector<16xi1>
      %reduce_max3A_545 = arith.constant -2147483648 : i32
      %reduce_max3A_546 = vector.broadcast %reduce_max3A_545 : i32 to vector<16xi32>
      %reduce_max3A_547 = arith.xori %select_n3A_542, %reduce_max3A_546 : vector<16xi32>
      %reduce_max3A_548 = tpu.scan <max>, %reduce_max3A_547 masked %reduce_max3A_544 : vector<16xi32>, vector<16xi1> -> vector<16xi32>
      %reduce_max3A_549 = arith.xori %reduce_max3A_548, %reduce_max3A_546 : vector<16xi32>
      %reduce_max3A_550 = vector.extract %reduce_max3A_549[15] : i32 from vector<16xi32>
      %gt3A = arith.constant 0 : i32
      %gt3A_551 = arith.cmpi sgt, %reduce_max3A_550, %gt3A : i32
      %convert_element_type3A_552 = arith.extui %gt3A_551 : i1 to i32
      %cond3A = arith.constant 0 : i32
      %cond3A_553 = arith.cmpi ne, %convert_element_type3A_552, %cond3A : i32
      %cond3A_554:5 = scf.if %cond3A_553 -> (vector<16xf32>, vector<16xf32>, vector<16xf32>, vector<16xf32>, vector<16xf32>) {
        %get3A_741 = arith.constant 99600 : index
        %get3A_742 = tpu.vector_load %arg6[%get3A_741] {strides = array<i32>} : memref<100000xf32, #tpu.memory_space<vmem>>, vector<16xf32>,
        %max3A_743 = arith.maximumf %scan3A_535#0, %get3A_742 : vector<16xf32>
        %min3A_744 = arith.minimumf %scan3A_535#0, %get3A_742 : vector<16xf32>
        %max3A_745 = arith.maximumf %scan3A_535#1, %min3A_744 : vector<16xf32>
        %min3A_746 = arith.minimumf %scan3A_535#1, %min3A_744 : vector<16xf32>
        %max3A_747 = arith.maximumf %scan3A_535#2, %min3A_746 : vector<16xf32>
        %min3A_748 = arith.minimumf %scan3A_535#2, %min3A_746 : vector<16xf32>
        %max3A_749 = arith.maximumf %scan3A_535#3, %min3A_748 : vector<16xf32>
        %min3A_750 = arith.minimumf %scan3A_535#3, %min3A_748 : vector<16xf32>
        %max3A_751 = arith.maximumf %scan3A_535#4, %min3A_750 : vector<16xf32>
        %get3A_752 = arith.constant 99616 : index
        %get3A_753 = tpu.vector_load %arg6[%get3A_752] {strides = array<i32>} : memref<100000xf32, #tpu.memory_space<vmem>>, vector<16xf32>,
        %max3A_754 = arith.maximumf %max3A_743, %get3A_753 : vector<16xf32>
        %min3A_755 = arith.minimumf %max3A_743, %get3A_753 : vector<16xf32>
        %max3A_756 = arith.maximumf %max3A_745, %min3A_755 : vector<16xf32>
        %min3A_757 = arith.minimumf %max3A_745, %min3A_755 : vector<16xf32>
        %max3A_758 = arith.maximumf %max3A_747, %min3A_757 : vector<16xf32>
        %min3A_759 = arith.minimumf %max3A_747, %min3A_757 : vector<16xf32>
        %max3A_760 = arith.maximumf %max3A_749, %min3A_759 : vector<16xf32>
        %min3A_761 = arith.minimumf %max3A_749, %min3A_759 : vector<16xf32>
        %max3A_762 = arith.maximumf %max3A_751, %min3A_761 : vector<16xf32>
        %get3A_763 = arith.constant 99632 : index
        %get3A_764 = tpu.vector_load %arg6[%get3A_763] {strides = array<i32>} : memref<100000xf32, #tpu.memory_space<vmem>>, vector<16xf32>,
        %max3A_765 = arith.maximumf %max3A_754, %get3A_764 : vector<16xf32>
        %min3A_766 = arith.minimumf %max3A_754, %get3A_764 : vector<16xf32>
        %max3A_767 = arith.maximumf %max3A_756, %min3A_766 : vector<16xf32>
        %min3A_768 = arith.minimumf %max3A_756, %min3A_766 : vector<16xf32>
        %max3A_769 = arith.maximumf %max3A_758, %min3A_768 : vector<16xf32>
        %min3A_770 = arith.minimumf %max3A_758, %min3A_768 : vector<16xf32>
        %max3A_771 = arith.maximumf %max3A_760, %min3A_770 : vector<16xf32>
        %min3A_772 = arith.minimumf %max3A_760, %min3A_770 : vector<16xf32>
        %max3A_773 = arith.maximumf %max3A_762, %min3A_772 : vector<16xf32>
        %get3A_774 = arith.constant 99648 : index
        %get3A_775 = tpu.vector_load %arg6[%get3A_774] {strides = array<i32>} : memref<100000xf32, #tpu.memory_space<vmem>>, vector<16xf32>,
        %max3A_776 = arith.maximumf %max3A_765, %get3A_775 : vector<16xf32>
        %min3A_777 = arith.minimumf %max3A_765, %get3A_775 : vector<16xf32>
        %max3A_778 = arith.maximumf %max3A_767, %min3A_777 : vector<16xf32>
        %min3A_779 = arith.minimumf %max3A_767, %min3A_777 : vector<16xf32>
        %max3A_780 = arith.maximumf %max3A_769, %min3A_779 : vector<16xf32>
        %min3A_781 = arith.minimumf %max3A_769, %min3A_779 : vector<16xf32>
        %max3A_782 = arith.maximumf %max3A_771, %min3A_781 : vector<16xf32>
        %min3A_783 = arith.minimumf %max3A_771, %min3A_781 : vector<16xf32>
        %max3A_784 = arith.maximumf %max3A_773, %min3A_783 : vector<16xf32>
        %get3A_785 = arith.constant 99664 : index
        %get3A_786 = tpu.vector_load %arg6[%get3A_785] {strides = array<i32>} : memref<100000xf32, #tpu.memory_space<vmem>>, vector<16xf32>,
        %max3A_787 = arith.maximumf %max3A_776, %get3A_786 : vector<16xf32>
        %min3A_788 = arith.minimumf %max3A_776, %get3A_786 : vector<16xf32>
        %max3A_789 = arith.maximumf %max3A_778, %min3A_788 : vector<16xf32>
        %min3A_790 = arith.minimumf %max3A_778, %min3A_788 : vector<16xf32>
        %max3A_791 = arith.maximumf %max3A_780, %min3A_790 : vector<16xf32>
        %min3A_792 = arith.minimumf %max3A_780, %min3A_790 : vector<16xf32>
        %max3A_793 = arith.maximumf %max3A_782, %min3A_792 : vector<16xf32>
        %min3A_794 = arith.minimumf %max3A_782, %min3A_792 : vector<16xf32>
        %max3A_795 = arith.maximumf %max3A_784, %min3A_794 : vector<16xf32>
        %get3A_796 = arith.constant 99680 : index
        %get3A_797 = tpu.vector_load %arg6[%get3A_796] {strides = array<i32>} : memref<100000xf32, #tpu.memory_space<vmem>>, vector<16xf32>,
        %max3A_798 = arith.maximumf %max3A_787, %get3A_797 : vector<16xf32>
        %min3A_799 = arith.minimumf %max3A_787, %get3A_797 : vector<16xf32>
        %max3A_800 = arith.maximumf %max3A_789, %min3A_799 : vector<16xf32>
        %min3A_801 = arith.minimumf %max3A_789, %min3A_799 : vector<16xf32>
        %max3A_802 = arith.maximumf %max3A_791, %min3A_801 : vector<16xf32>
        %min3A_803 = arith.minimumf %max3A_791, %min3A_801 : vector<16xf32>
        %max3A_804 = arith.maximumf %max3A_793, %min3A_803 : vector<16xf32>
        %min3A_805 = arith.minimumf %max3A_793, %min3A_803 : vector<16xf32>
        %max3A_806 = arith.maximumf %max3A_795, %min3A_805 : vector<16xf32>
        %get3A_807 = arith.constant 99696 : index
        %get3A_808 = tpu.vector_load %arg6[%get3A_807] {strides = array<i32>} : memref<100000xf32, #tpu.memory_space<vmem>>, vector<16xf32>,
        %max3A_809 = arith.maximumf %max3A_798, %get3A_808 : vector<16xf32>
        %min3A_810 = arith.minimumf %max3A_798, %get3A_808 : vector<16xf32>
        %max3A_811 = arith.maximumf %max3A_800, %min3A_810 : vector<16xf32>
        %min3A_812 = arith.minimumf %max3A_800, %min3A_810 : vector<16xf32>
        %max3A_813 = arith.maximumf %max3A_802, %min3A_812 : vector<16xf32>
        %min3A_814 = arith.minimumf %max3A_802, %min3A_812 : vector<16xf32>
        %max3A_815 = arith.maximumf %max3A_804, %min3A_814 : vector<16xf32>
        %min3A_816 = arith.minimumf %max3A_804, %min3A_814 : vector<16xf32>
        %max3A_817 = arith.maximumf %max3A_806, %min3A_816 : vector<16xf32>
        %get3A_818 = arith.constant 99712 : index
        %get3A_819 = tpu.vector_load %arg6[%get3A_818] {strides = array<i32>} : memref<100000xf32, #tpu.memory_space<vmem>>, vector<16xf32>,
        %max3A_820 = arith.maximumf %max3A_809, %get3A_819 : vector<16xf32>
        %min3A_821 = arith.minimumf %max3A_809, %get3A_819 : vector<16xf32>
        %max3A_822 = arith.maximumf %max3A_811, %min3A_821 : vector<16xf32>
        %min3A_823 = arith.minimumf %max3A_811, %min3A_821 : vector<16xf32>
        %max3A_824 = arith.maximumf %max3A_813, %min3A_823 : vector<16xf32>
        %min3A_825 = arith.minimumf %max3A_813, %min3A_823 : vector<16xf32>
        %max3A_826 = arith.maximumf %max3A_815, %min3A_825 : vector<16xf32>
        %min3A_827 = arith.minimumf %max3A_815, %min3A_825 : vector<16xf32>
        %max3A_828 = arith.maximumf %max3A_817, %min3A_827 : vector<16xf32>
        %get3A_829 = arith.constant 99728 : index
        %get3A_830 = tpu.vector_load %arg6[%get3A_829] {strides = array<i32>} : memref<100000xf32, #tpu.memory_space<vmem>>, vector<16xf32>,
        %max3A_831 = arith.maximumf %max3A_820, %get3A_830 : vector<16xf32>
        %min3A_832 = arith.minimumf %max3A_820, %get3A_830 : vector<16xf32>
        %max3A_833 = arith.maximumf %max3A_822, %min3A_832 : vector<16xf32>
        %min3A_834 = arith.minimumf %max3A_822, %min3A_832 : vector<16xf32>
        %max3A_835 = arith.maximumf %max3A_824, %min3A_834 : vector<16xf32>
        %min3A_836 = arith.minimumf %max3A_824, %min3A_834 : vector<16xf32>
        %max3A_837 = arith.maximumf %max3A_826, %min3A_836 : vector<16xf32>
        %min3A_838 = arith.minimumf %max3A_826, %min3A_836 : vector<16xf32>
        %max3A_839 = arith.maximumf %max3A_828, %min3A_838 : vector<16xf32>
        %get3A_840 = arith.constant 99744 : index
        %get3A_841 = tpu.vector_load %arg6[%get3A_840] {strides = array<i32>} : memref<100000xf32, #tpu.memory_space<vmem>>, vector<16xf32>,
        %max3A_842 = arith.maximumf %max3A_831, %get3A_841 : vector<16xf32>
        %min3A_843 = arith.minimumf %max3A_831, %get3A_841 : vector<16xf32>
        %max3A_844 = arith.maximumf %max3A_833, %min3A_843 : vector<16xf32>
        %min3A_845 = arith.minimumf %max3A_833, %min3A_843 : vector<16xf32>
        %max3A_846 = arith.maximumf %max3A_835, %min3A_845 : vector<16xf32>
        %min3A_847 = arith.minimumf %max3A_835, %min3A_845 : vector<16xf32>
        %max3A_848 = arith.maximumf %max3A_837, %min3A_847 : vector<16xf32>
        %min3A_849 = arith.minimumf %max3A_837, %min3A_847 : vector<16xf32>
        %max3A_850 = arith.maximumf %max3A_839, %min3A_849 : vector<16xf32>
        %get3A_851 = arith.constant 99760 : index
        %get3A_852 = tpu.vector_load %arg6[%get3A_851] {strides = array<i32>} : memref<100000xf32, #tpu.memory_space<vmem>>, vector<16xf32>,
        %max3A_853 = arith.maximumf %max3A_842, %get3A_852 : vector<16xf32>
        %min3A_854 = arith.minimumf %max3A_842, %get3A_852 : vector<16xf32>
        %max3A_855 = arith.maximumf %max3A_844, %min3A_854 : vector<16xf32>
        %min3A_856 = arith.minimumf %max3A_844, %min3A_854 : vector<16xf32>
        %max3A_857 = arith.maximumf %max3A_846, %min3A_856 : vector<16xf32>
        %min3A_858 = arith.minimumf %max3A_846, %min3A_856 : vector<16xf32>
        %max3A_859 = arith.maximumf %max3A_848, %min3A_858 : vector<16xf32>
        %min3A_860 = arith.minimumf %max3A_848, %min3A_858 : vector<16xf32>
        %max3A_861 = arith.maximumf %max3A_850, %min3A_860 : vector<16xf32>
        %get3A_862 = arith.constant 99776 : index
        %get3A_863 = tpu.vector_load %arg6[%get3A_862] {strides = array<i32>} : memref<100000xf32, #tpu.memory_space<vmem>>, vector<16xf32>,
        %max3A_864 = arith.maximumf %max3A_853, %get3A_863 : vector<16xf32>
        %min3A_865 = arith.minimumf %max3A_853, %get3A_863 : vector<16xf32>
        %max3A_866 = arith.maximumf %max3A_855, %min3A_865 : vector<16xf32>
        %min3A_867 = arith.minimumf %max3A_855, %min3A_865 : vector<16xf32>
        %max3A_868 = arith.maximumf %max3A_857, %min3A_867 : vector<16xf32>
        %min3A_869 = arith.minimumf %max3A_857, %min3A_867 : vector<16xf32>
        %max3A_870 = arith.maximumf %max3A_859, %min3A_869 : vector<16xf32>
        %min3A_871 = arith.minimumf %max3A_859, %min3A_869 : vector<16xf32>
        %max3A_872 = arith.maximumf %max3A_861, %min3A_871 : vector<16xf32>
        %get3A_873 = arith.constant 99792 : index
        %get3A_874 = tpu.vector_load %arg6[%get3A_873] {strides = array<i32>} : memref<100000xf32, #tpu.memory_space<vmem>>, vector<16xf32>,
        %max3A_875 = arith.maximumf %max3A_864, %get3A_874 : vector<16xf32>
        %min3A_876 = arith.minimumf %max3A_864, %get3A_874 : vector<16xf32>
        %max3A_877 = arith.maximumf %max3A_866, %min3A_876 : vector<16xf32>
        %min3A_878 = arith.minimumf %max3A_866, %min3A_876 : vector<16xf32>
        %max3A_879 = arith.maximumf %max3A_868, %min3A_878 : vector<16xf32>
        %min3A_880 = arith.minimumf %max3A_868, %min3A_878 : vector<16xf32>
        %max3A_881 = arith.maximumf %max3A_870, %min3A_880 : vector<16xf32>
        %min3A_882 = arith.minimumf %max3A_870, %min3A_880 : vector<16xf32>
        %max3A_883 = arith.maximumf %max3A_872, %min3A_882 : vector<16xf32>
        %get3A_884 = arith.constant 99808 : index
        %get3A_885 = tpu.vector_load %arg6[%get3A_884] {strides = array<i32>} : memref<100000xf32, #tpu.memory_space<vmem>>, vector<16xf32>,
        %max3A_886 = arith.maximumf %max3A_875, %get3A_885 : vector<16xf32>
        %min3A_887 = arith.minimumf %max3A_875, %get3A_885 : vector<16xf32>
        %max3A_888 = arith.maximumf %max3A_877, %min3A_887 : vector<16xf32>
        %min3A_889 = arith.minimumf %max3A_877, %min3A_887 : vector<16xf32>
        %max3A_890 = arith.maximumf %max3A_879, %min3A_889 : vector<16xf32>
        %min3A_891 = arith.minimumf %max3A_879, %min3A_889 : vector<16xf32>
        %max3A_892 = arith.maximumf %max3A_881, %min3A_891 : vector<16xf32>
        %min3A_893 = arith.minimumf %max3A_881, %min3A_891 : vector<16xf32>
        %max3A_894 = arith.maximumf %max3A_883, %min3A_893 : vector<16xf32>
        %get3A_895 = arith.constant 99824 : index
        %get3A_896 = tpu.vector_load %arg6[%get3A_895] {strides = array<i32>} : memref<100000xf32, #tpu.memory_space<vmem>>, vector<16xf32>,
        %max3A_897 = arith.maximumf %max3A_886, %get3A_896 : vector<16xf32>
        %min3A_898 = arith.minimumf %max3A_886, %get3A_896 : vector<16xf32>
        %max3A_899 = arith.maximumf %max3A_888, %min3A_898 : vector<16xf32>
        %min3A_900 = arith.minimumf %max3A_888, %min3A_898 : vector<16xf32>
        %max3A_901 = arith.maximumf %max3A_890, %min3A_900 : vector<16xf32>
        %min3A_902 = arith.minimumf %max3A_890, %min3A_900 : vector<16xf32>
        %max3A_903 = arith.maximumf %max3A_892, %min3A_902 : vector<16xf32>
        %min3A_904 = arith.minimumf %max3A_892, %min3A_902 : vector<16xf32>
        %max3A_905 = arith.maximumf %max3A_894, %min3A_904 : vector<16xf32>
        %get3A_906 = arith.constant 99840 : index
        %get3A_907 = tpu.vector_load %arg6[%get3A_906] {strides = array<i32>} : memref<100000xf32, #tpu.memory_space<vmem>>, vector<16xf32>,
        %max3A_908 = arith.maximumf %max3A_897, %get3A_907 : vector<16xf32>
        %min3A_909 = arith.minimumf %max3A_897, %get3A_907 : vector<16xf32>
        %max3A_910 = arith.maximumf %max3A_899, %min3A_909 : vector<16xf32>
        %min3A_911 = arith.minimumf %max3A_899, %min3A_909 : vector<16xf32>
        %max3A_912 = arith.maximumf %max3A_901, %min3A_911 : vector<16xf32>
        %min3A_913 = arith.minimumf %max3A_901, %min3A_911 : vector<16xf32>
        %max3A_914 = arith.maximumf %max3A_903, %min3A_913 : vector<16xf32>
        %min3A_915 = arith.minimumf %max3A_903, %min3A_913 : vector<16xf32>
        %max3A_916 = arith.maximumf %max3A_905, %min3A_915 : vector<16xf32>
        %get3A_917 = arith.constant 99856 : index
        %get3A_918 = tpu.vector_load %arg6[%get3A_917] {strides = array<i32>} : memref<100000xf32, #tpu.memory_space<vmem>>, vector<16xf32>,
        %max3A_919 = arith.maximumf %max3A_908, %get3A_918 : vector<16xf32>
        %min3A_920 = arith.minimumf %max3A_908, %get3A_918 : vector<16xf32>
        %max3A_921 = arith.maximumf %max3A_910, %min3A_920 : vector<16xf32>
        %min3A_922 = arith.minimumf %max3A_910, %min3A_920 : vector<16xf32>
        %max3A_923 = arith.maximumf %max3A_912, %min3A_922 : vector<16xf32>
        %min3A_924 = arith.minimumf %max3A_912, %min3A_922 : vector<16xf32>
        %max3A_925 = arith.maximumf %max3A_914, %min3A_924 : vector<16xf32>
        %min3A_926 = arith.minimumf %max3A_914, %min3A_924 : vector<16xf32>
        %max3A_927 = arith.maximumf %max3A_916, %min3A_926 : vector<16xf32>
        %get3A_928 = arith.constant 99872 : index
        %get3A_929 = tpu.vector_load %arg6[%get3A_928] {strides = array<i32>} : memref<100000xf32, #tpu.memory_space<vmem>>, vector<16xf32>,
        %max3A_930 = arith.maximumf %max3A_919, %get3A_929 : vector<16xf32>
        %min3A_931 = arith.minimumf %max3A_919, %get3A_929 : vector<16xf32>
        %max3A_932 = arith.maximumf %max3A_921, %min3A_931 : vector<16xf32>
        %min3A_933 = arith.minimumf %max3A_921, %min3A_931 : vector<16xf32>
        %max3A_934 = arith.maximumf %max3A_923, %min3A_933 : vector<16xf32>
        %min3A_935 = arith.minimumf %max3A_923, %min3A_933 : vector<16xf32>
        %max3A_936 = arith.maximumf %max3A_925, %min3A_935 : vector<16xf32>
        %min3A_937 = arith.minimumf %max3A_925, %min3A_935 : vector<16xf32>
        %max3A_938 = arith.maximumf %max3A_927, %min3A_937 : vector<16xf32>
        %get3A_939 = arith.constant 99888 : index
        %get3A_940 = tpu.vector_load %arg6[%get3A_939] {strides = array<i32>} : memref<100000xf32, #tpu.memory_space<vmem>>, vector<16xf32>,
        %max3A_941 = arith.maximumf %max3A_930, %get3A_940 : vector<16xf32>
        %min3A_942 = arith.minimumf %max3A_930, %get3A_940 : vector<16xf32>
        %max3A_943 = arith.maximumf %max3A_932, %min3A_942 : vector<16xf32>
        %min3A_944 = arith.minimumf %max3A_932, %min3A_942 : vector<16xf32>
        %max3A_945 = arith.maximumf %max3A_934, %min3A_944 : vector<16xf32>
        %min3A_946 = arith.minimumf %max3A_934, %min3A_944 : vector<16xf32>
        %max3A_947 = arith.maximumf %max3A_936, %min3A_946 : vector<16xf32>
        %min3A_948 = arith.minimumf %max3A_936, %min3A_946 : vector<16xf32>
        %max3A_949 = arith.maximumf %max3A_938, %min3A_948 : vector<16xf32>
        %get3A_950 = arith.constant 99904 : index
        %get3A_951 = tpu.vector_load %arg6[%get3A_950] {strides = array<i32>} : memref<100000xf32, #tpu.memory_space<vmem>>, vector<16xf32>,
        %max3A_952 = arith.maximumf %max3A_941, %get3A_951 : vector<16xf32>
        %min3A_953 = arith.minimumf %max3A_941, %get3A_951 : vector<16xf32>
        %max3A_954 = arith.maximumf %max3A_943, %min3A_953 : vector<16xf32>
        %min3A_955 = arith.minimumf %max3A_943, %min3A_953 : vector<16xf32>
        %max3A_956 = arith.maximumf %max3A_945, %min3A_955 : vector<16xf32>
        %min3A_957 = arith.minimumf %max3A_945, %min3A_955 : vector<16xf32>
        %max3A_958 = arith.maximumf %max3A_947, %min3A_957 : vector<16xf32>
        %min3A_959 = arith.minimumf %max3A_947, %min3A_957 : vector<16xf32>
        %max3A_960 = arith.maximumf %max3A_949, %min3A_959 : vector<16xf32>
        %get3A_961 = arith.constant 99920 : index
        %get3A_962 = tpu.vector_load %arg6[%get3A_961] {strides = array<i32>} : memref<100000xf32, #tpu.memory_space<vmem>>, vector<16xf32>,
        %max3A_963 = arith.maximumf %max3A_952, %get3A_962 : vector<16xf32>
        %min3A_964 = arith.minimumf %max3A_952, %get3A_962 : vector<16xf32>
        %max3A_965 = arith.maximumf %max3A_954, %min3A_964 : vector<16xf32>
        %min3A_966 = arith.minimumf %max3A_954, %min3A_964 : vector<16xf32>
        %max3A_967 = arith.maximumf %max3A_956, %min3A_966 : vector<16xf32>
        %min3A_968 = arith.minimumf %max3A_956, %min3A_966 : vector<16xf32>
        %max3A_969 = arith.maximumf %max3A_958, %min3A_968 : vector<16xf32>
        %min3A_970 = arith.minimumf %max3A_958, %min3A_968 : vector<16xf32>
        %max3A_971 = arith.maximumf %max3A_960, %min3A_970 : vector<16xf32>
        %get3A_972 = arith.constant 99936 : index
        %get3A_973 = tpu.vector_load %arg6[%get3A_972] {strides = array<i32>} : memref<100000xf32, #tpu.memory_space<vmem>>, vector<16xf32>,
        %max3A_974 = arith.maximumf %max3A_963, %get3A_973 : vector<16xf32>
        %min3A_975 = arith.minimumf %max3A_963, %get3A_973 : vector<16xf32>
        %max3A_976 = arith.maximumf %max3A_965, %min3A_975 : vector<16xf32>
        %min3A_977 = arith.minimumf %max3A_965, %min3A_975 : vector<16xf32>
        %max3A_978 = arith.maximumf %max3A_967, %min3A_977 : vector<16xf32>
        %min3A_979 = arith.minimumf %max3A_967, %min3A_977 : vector<16xf32>
        %max3A_980 = arith.maximumf %max3A_969, %min3A_979 : vector<16xf32>
        %min3A_981 = arith.minimumf %max3A_969, %min3A_979 : vector<16xf32>
        %max3A_982 = arith.maximumf %max3A_971, %min3A_981 : vector<16xf32>
        %get3A_983 = arith.constant 99952 : index
        %get3A_984 = tpu.vector_load %arg6[%get3A_983] {strides = array<i32>} : memref<100000xf32, #tpu.memory_space<vmem>>, vector<16xf32>,
        %max3A_985 = arith.maximumf %max3A_974, %get3A_984 : vector<16xf32>
        %min3A_986 = arith.minimumf %max3A_974, %get3A_984 : vector<16xf32>
        %max3A_987 = arith.maximumf %max3A_976, %min3A_986 : vector<16xf32>
        %min3A_988 = arith.minimumf %max3A_976, %min3A_986 : vector<16xf32>
        %max3A_989 = arith.maximumf %max3A_978, %min3A_988 : vector<16xf32>
        %min3A_990 = arith.minimumf %max3A_978, %min3A_988 : vector<16xf32>
        %max3A_991 = arith.maximumf %max3A_980, %min3A_990 : vector<16xf32>
        %min3A_992 = arith.minimumf %max3A_980, %min3A_990 : vector<16xf32>
        %max3A_993 = arith.maximumf %max3A_982, %min3A_992 : vector<16xf32>
        scf.yield %max3A_985, %max3A_987, %max3A_989, %max3A_991, %max3A_993 : vector<16xf32>, vector<16xf32>, vector<16xf32>, vector<16xf32>, vector<16xf32>
      } else {
        scf.yield %scan3A_535#0, %scan3A_535#1, %scan3A_535#2, %scan3A_535#3, %scan3A_535#4 : vector<16xf32>, vector<16xf32>, vector<16xf32>, vector<16xf32>, vector<16xf32>
      }
      %reduce_max3A_555 = arith.constant true
      %reduce_max3A_556 = vector.broadcast %reduce_max3A_555 : i1 to vector<16xi1>
      %reduce_max3A_557 = tpu.scan <max>, %cond3A_554#0 masked %reduce_max3A_556 : vector<16xf32>, vector<16xi1> -> vector<16xf32>
      %reduce_max3A_558 = vector.extract %reduce_max3A_557[15] : f32 from vector<16xf32>
      %broadcast_in_dim3A_559 = vector.broadcast %reduce_max3A_558 : f32 to vector<16xf32>
      %eq3A_560 = arith.cmpf oeq, %cond3A_554#0, %broadcast_in_dim3A_559 : vector<16xf32>
      %convert_element_type3A_561 = arith.extui %eq3A_560 : vector<16xi1> to vector<16xi32>
      %broadcast_in_dim3A_562 = arith.constant true
      %broadcast_in_dim3A_563 = vector.broadcast %broadcast_in_dim3A_562 : i1 to vector<16xi1>
      %masked_cumsum3A_564 = tpu.scan <sum>, %convert_element_type3A_561 masked %broadcast_in_dim3A_563 : vector<16xi32>, vector<16xi1> -> vector<16xi32>
      %eq3A_565 = arith.constant 1 : i32
      %eq3A_566 = vector.broadcast %eq3A_565 : i32 to vector<16xi32>
      %eq3A_567 = arith.cmpi eq, %masked_cumsum3A_564, %eq3A_566 : vector<16xi32>
      %and3A_568 = arith.andi %eq3A_560, %eq3A_567 : vector<16xi1>
      %select_n3A_569 = arith.select %and3A_568, %cond3A_554#1, %cond3A_554#0 : vector<16xi1>, vector<16xf32>
      %select_n3A_570 = arith.select %and3A_568, %cond3A_554#2, %cond3A_554#1 : vector<16xi1>, vector<16xf32>
      %select_n3A_571 = arith.select %and3A_568, %cond3A_554#3, %cond3A_554#2 : vector<16xi1>, vector<16xf32>
      %select_n3A_572 = arith.select %and3A_568, %cond3A_554#4, %cond3A_554#3 : vector<16xi1>, vector<16xf32>
      %select_n3A_573 = arith.select %and3A_568, %broadcast_in_dim3A_3, %cond3A_554#4 : vector<16xi1>, vector<16xf32>
      %add3A_574 = arith.addf %broadcast_in_dim3A_5, %broadcast_in_dim3A_559 : vector<16xf32>
      %reduce_max3A_575 = arith.constant true
      %reduce_max3A_576 = vector.broadcast %reduce_max3A_575 : i1 to vector<16xi1>
      %reduce_max3A_577 = tpu.scan <max>, %select_n3A_569 masked %reduce_max3A_576 : vector<16xf32>, vector<16xi1> -> vector<16xf32>
      %reduce_max3A_578 = vector.extract %reduce_max3A_577[15] : f32 from vector<16xf32>
      %broadcast_in_dim3A_579 = vector.broadcast %reduce_max3A_578 : f32 to vector<16xf32>
      %eq3A_580 = arith.cmpf oeq, %select_n3A_569, %broadcast_in_dim3A_579 : vector<16xf32>
      %convert_element_type3A_581 = arith.extui %eq3A_580 : vector<16xi1> to vector<16xi32>
      %broadcast_in_dim3A_582 = arith.constant true
      %broadcast_in_dim3A_583 = vector.broadcast %broadcast_in_dim3A_582 : i1 to vector<16xi1>
      %masked_cumsum3A_584 = tpu.scan <sum>, %convert_element_type3A_581 masked %broadcast_in_dim3A_583 : vector<16xi32>, vector<16xi1> -> vector<16xi32>
      %eq3A_585 = arith.constant 1 : i32
      %eq3A_586 = vector.broadcast %eq3A_585 : i32 to vector<16xi32>
      %eq3A_587 = arith.cmpi eq, %masked_cumsum3A_584, %eq3A_586 : vector<16xi32>
      %and3A_588 = arith.andi %eq3A_580, %eq3A_587 : vector<16xi1>
      %select_n3A_589 = arith.select %and3A_588, %select_n3A_570, %select_n3A_569 : vector<16xi1>, vector<16xf32>
      %select_n3A_590 = arith.select %and3A_588, %select_n3A_571, %select_n3A_570 : vector<16xi1>, vector<16xf32>
      %select_n3A_591 = arith.select %and3A_588, %select_n3A_572, %select_n3A_571 : vector<16xi1>, vector<16xf32>
      %select_n3A_592 = arith.select %and3A_588, %select_n3A_573, %select_n3A_572 : vector<16xi1>, vector<16xf32>
      %select_n3A_593 = arith.select %and3A_588, %broadcast_in_dim3A_3, %select_n3A_573 : vector<16xi1>, vector<16xf32>
      %add3A_594 = arith.addf %add3A_574, %broadcast_in_dim3A_579 : vector<16xf32>
      %reduce_max3A_595 = arith.constant true
      %reduce_max3A_596 = vector.broadcast %reduce_max3A_595 : i1 to vector<16xi1>
      %reduce_max3A_597 = tpu.scan <max>, %select_n3A_589 masked %reduce_max3A_596 : vector<16xf32>, vector<16xi1> -> vector<16xf32>
      %reduce_max3A_598 = vector.extract %reduce_max3A_597[15] : f32 from vector<16xf32>
      %broadcast_in_dim3A_599 = vector.broadcast %reduce_max3A_598 : f32 to vector<16xf32>
      %eq3A_600 = arith.cmpf oeq, %select_n3A_589, %broadcast_in_dim3A_599 : vector<16xf32>
      %convert_element_type3A_601 = arith.extui %eq3A_600 : vector<16xi1> to vector<16xi32>
      %broadcast_in_dim3A_602 = arith.constant true
      %broadcast_in_dim3A_603 = vector.broadcast %broadcast_in_dim3A_602 : i1 to vector<16xi1>
      %masked_cumsum3A_604 = tpu.scan <sum>, %convert_element_type3A_601 masked %broadcast_in_dim3A_603 : vector<16xi32>, vector<16xi1> -> vector<16xi32>
      %eq3A_605 = arith.constant 1 : i32
      %eq3A_606 = vector.broadcast %eq3A_605 : i32 to vector<16xi32>
      %eq3A_607 = arith.cmpi eq, %masked_cumsum3A_604, %eq3A_606 : vector<16xi32>
      %and3A_608 = arith.andi %eq3A_600, %eq3A_607 : vector<16xi1>
      %select_n3A_609 = arith.select %and3A_608, %select_n3A_590, %select_n3A_589 : vector<16xi1>, vector<16xf32>
      %select_n3A_610 = arith.select %and3A_608, %select_n3A_591, %select_n3A_590 : vector<16xi1>, vector<16xf32>
      %select_n3A_611 = arith.select %and3A_608, %select_n3A_592, %select_n3A_591 : vector<16xi1>, vector<16xf32>
      %select_n3A_612 = arith.select %and3A_608, %select_n3A_593, %select_n3A_592 : vector<16xi1>, vector<16xf32>
      %select_n3A_613 = arith.select %and3A_608, %broadcast_in_dim3A_3, %select_n3A_593 : vector<16xi1>, vector<16xf32>
      %add3A_614 = arith.addf %add3A_594, %broadcast_in_dim3A_599 : vector<16xf32>
      %reduce_max3A_615 = arith.constant true
      %reduce_max3A_616 = vector.broadcast %reduce_max3A_615 : i1 to vector<16xi1>
      %reduce_max3A_617 = tpu.scan <max>, %select_n3A_609 masked %reduce_max3A_616 : vector<16xf32>, vector<16xi1> -> vector<16xf32>
      %reduce_max3A_618 = vector.extract %reduce_max3A_617[15] : f32 from vector<16xf32>
      %broadcast_in_dim3A_619 = vector.broadcast %reduce_max3A_618 : f32 to vector<16xf32>
      %eq3A_620 = arith.cmpf oeq, %select_n3A_609, %broadcast_in_dim3A_619 : vector<16xf32>
      %convert_element_type3A_621 = arith.extui %eq3A_620 : vector<16xi1> to vector<16xi32>
      %broadcast_in_dim3A_622 = arith.constant true
      %broadcast_in_dim3A_623 = vector.broadcast %broadcast_in_dim3A_622 : i1 to vector<16xi1>
      %masked_cumsum3A_624 = tpu.scan <sum>, %convert_element_type3A_621 masked %broadcast_in_dim3A_623 : vector<16xi32>, vector<16xi1> -> vector<16xi32>
      %eq3A_625 = arith.constant 1 : i32
      %eq3A_626 = vector.broadcast %eq3A_625 : i32 to vector<16xi32>
      %eq3A_627 = arith.cmpi eq, %masked_cumsum3A_624, %eq3A_626 : vector<16xi32>
      %and3A_628 = arith.andi %eq3A_620, %eq3A_627 : vector<16xi1>
      %select_n3A_629 = arith.select %and3A_628, %select_n3A_610, %select_n3A_609 : vector<16xi1>, vector<16xf32>
      %select_n3A_630 = arith.select %and3A_628, %select_n3A_611, %select_n3A_610 : vector<16xi1>, vector<16xf32>
      %select_n3A_631 = arith.select %and3A_628, %select_n3A_612, %select_n3A_611 : vector<16xi1>, vector<16xf32>
      %select_n3A_632 = arith.select %and3A_628, %select_n3A_613, %select_n3A_612 : vector<16xi1>, vector<16xf32>
      %select_n3A_633 = arith.select %and3A_628, %broadcast_in_dim3A_3, %select_n3A_613 : vector<16xi1>, vector<16xf32>
      %add3A_634 = arith.addf %add3A_614, %broadcast_in_dim3A_619 : vector<16xf32>
      %reduce_max3A_635 = arith.constant true
      %reduce_max3A_636 = vector.broadcast %reduce_max3A_635 : i1 to vector<16xi1>
      %reduce_max3A_637 = tpu.scan <max>, %select_n3A_629 masked %reduce_max3A_636 : vector<16xf32>, vector<16xi1> -> vector<16xf32>
      %reduce_max3A_638 = vector.extract %reduce_max3A_637[15] : f32 from vector<16xf32>
      %broadcast_in_dim3A_639 = vector.broadcast %reduce_max3A_638 : f32 to vector<16xf32>
      %eq3A_640 = arith.cmpf oeq, %select_n3A_629, %broadcast_in_dim3A_639 : vector<16xf32>
      %convert_element_type3A_641 = arith.extui %eq3A_640 : vector<16xi1> to vector<16xi32>
      %broadcast_in_dim3A_642 = arith.constant true
      %broadcast_in_dim3A_643 = vector.broadcast %broadcast_in_dim3A_642 : i1 to vector<16xi1>
      %masked_cumsum3A_644 = tpu.scan <sum>, %convert_element_type3A_641 masked %broadcast_in_dim3A_643 : vector<16xi32>, vector<16xi1> -> vector<16xi32>
      %eq3A_645 = arith.constant 1 : i32
      %eq3A_646 = vector.broadcast %eq3A_645 : i32 to vector<16xi32>
      %eq3A_647 = arith.cmpi eq, %masked_cumsum3A_644, %eq3A_646 : vector<16xi32>
      %and3A_648 = arith.andi %eq3A_640, %eq3A_647 : vector<16xi1>
      %select_n3A_649 = arith.select %and3A_648, %select_n3A_630, %select_n3A_629 : vector<16xi1>, vector<16xf32>
      %select_n3A_650 = arith.select %and3A_648, %select_n3A_631, %select_n3A_630 : vector<16xi1>, vector<16xf32>
      %select_n3A_651 = arith.select %and3A_648, %select_n3A_632, %select_n3A_631 : vector<16xi1>, vector<16xf32>
      %select_n3A_652 = arith.select %and3A_648, %select_n3A_633, %select_n3A_632 : vector<16xi1>, vector<16xf32>
      %select_n3A_653 = arith.select %and3A_648, %broadcast_in_dim3A_3, %select_n3A_633 : vector<16xi1>, vector<16xf32>
      %add3A_654 = arith.addf %add3A_634, %broadcast_in_dim3A_639 : vector<16xf32>
      %gather3A_655 = tpu.vector_load_idx %arg8[%broadcast_in_dim3A_411] : memref<128xi32, #tpu.memory_space<vmem>>[vector<16xi32>], vector<16xi32>,
      %gather3A_656 = tpu.vector_load_idx %arg6[%gather3A_655] : memref<100000xf32, #tpu.memory_space<vmem>>[vector<16xi32>], vector<16xf32>,
      %sub3A = arith.constant 99968 : i32
      %sub3A_657 = vector.broadcast %sub3A : i32 to vector<16xi32>
      %sub3A_658 = arith.subi %gather3A_655, %sub3A_657 : vector<16xi32>
      %max3A_659 = arith.constant 0 : i32
      %max3A_660 = vector.broadcast %max3A_659 : i32 to vector<16xi32>
      %max3A_661 = arith.maxsi %sub3A_658, %max3A_660 : vector<16xi32>
      %min3A_662 = arith.constant 31 : i32
      %min3A_663 = vector.broadcast %min3A_662 : i32 to vector<16xi32>
      %min3A_664 = arith.minsi %max3A_661, %min3A_663 : vector<16xi32>
      %gather3A_665 = tpu.vector_load_idx %arg9[%min3A_664, %broadcast_in_dim3A_411] : memref<32x128xf32, #tpu.memory_space<vmem>>[vector<16xi32>, vector<16xi32>], vector<16xf32>,
      %lt3A = arith.constant 99968 : i32
      %lt3A_666 = vector.broadcast %lt3A : i32 to vector<16xi32>
      %lt3A_667 = arith.cmpi slt, %gather3A_655, %lt3A_666 : vector<16xi32>
      %select_n3A_668 = arith.select %lt3A_667, %gather3A_656, %gather3A_665 : vector<16xi1>, vector<16xf32>
      %reduce_sum3A = arith.constant true
      %reduce_sum3A_669 = vector.broadcast %reduce_sum3A : i1 to vector<16xi1>
      %reduce_sum3A_670 = tpu.scan <sum>, %add3A_423 masked %reduce_sum3A_669 : vector<16xf32>, vector<16xi1> -> vector<16xf32>
      %reduce_sum3A_671 = vector.extract %reduce_sum3A_670[15] : f32 from vector<16xf32>
      %broadcast_in_dim3A_672 = vector.broadcast %reduce_sum3A_671 : f32 to vector<16xf32>
      %bitcast3A = vector.bitcast %broadcast_in_dim3A_672 : vector<16xf32> to vector<16xi32>
      %shift_right_arithmetic3A = arith.constant 23 : i32
      %shift_right_arithmetic3A_673 = vector.broadcast %shift_right_arithmetic3A : i32 to vector<16xi32>
      %shift_right_arithmetic3A_674 = arith.shrsi %bitcast3A, %shift_right_arithmetic3A_673 : vector<16xi32>
      %sub3A_675 = arith.constant 127 : i32
      %sub3A_676 = vector.broadcast %sub3A_675 : i32 to vector<16xi32>
      %sub3A_677 = arith.subi %shift_right_arithmetic3A_674, %sub3A_676 : vector<16xi32>
      %and3A_678 = arith.constant 8388607 : i32
      %and3A_679 = vector.broadcast %and3A_678 : i32 to vector<16xi32>
      %and3A_680 = arith.andi %bitcast3A, %and3A_679 : vector<16xi32>
      %or3A = arith.constant 1065353216 : i32
      %or3A_681 = vector.broadcast %or3A : i32 to vector<16xi32>
      %or3A_682 = arith.ori %and3A_680, %or3A_681 : vector<16xi32>
      %bitcast3A_683 = vector.bitcast %or3A_682 : vector<16xi32> to vector<16xf32>
      %gt3A_684 = arith.constant 1.41421354 : f32
      %gt3A_685 = vector.broadcast %gt3A_684 : f32 to vector<16xf32>
      %gt3A_686 = arith.cmpf ogt, %bitcast3A_683, %gt3A_685 : vector<16xf32>
      %mul3A_687 = arith.constant 5.000000e-01 : f32
      %mul3A_688 = vector.broadcast %mul3A_687 : f32 to vector<16xf32>
      %mul3A_689 = arith.mulf %bitcast3A_683, %mul3A_688 : vector<16xf32>
      %select_n3A_690 = arith.select %gt3A_686, %mul3A_689, %bitcast3A_683 : vector<16xi1>, vector<16xf32>
      %jit3A_691 = arith.constant 1 : i32
      %jit3A_692 = arith.constant 0 : i32
      %broadcast_in_dim3A_693 = vector.broadcast %jit3A_691 : i32 to vector<16xi32>
      %broadcast_in_dim3A_694 = vector.broadcast %jit3A_692 : i32 to vector<16xi32>
      %select_n3A_695 = arith.select %gt3A_686, %broadcast_in_dim3A_693, %broadcast_in_dim3A_694 : vector<16xi1>, vector<16xi32>
      %add3A_696 = arith.addi %sub3A_677, %select_n3A_695 : vector<16xi32>
      %sub3A_697 = arith.constant 1.000000e+00 : f32
      %sub3A_698 = vector.broadcast %sub3A_697 : f32 to vector<16xf32>
      %sub3A_699 = arith.subf %select_n3A_690, %sub3A_698 : vector<16xf32>
      %add3A_700 = arith.constant 1.000000e+00 : f32
      %add3A_701 = vector.broadcast %add3A_700 : f32 to vector<16xf32>
      %add3A_702 = arith.addf %select_n3A_690, %add3A_701 : vector<16xf32>
      %div3A = arith.divf %sub3A_699, %add3A_702 : vector<16xf32>
      %mul3A_703 = arith.mulf %div3A, %div3A : vector<16xf32>
      %mul3A_704 = arith.constant 2.000000e+00 : f32
      %mul3A_705 = vector.broadcast %mul3A_704 : f32 to vector<16xf32>
      %mul3A_706 = arith.mulf %mul3A_705, %div3A : vector<16xf32>
      %mul3A_707 = arith.constant 0.142857149 : f32
      %mul3A_708 = vector.broadcast %mul3A_707 : f32 to vector<16xf32>
      %mul3A_709 = arith.mulf %mul3A_703, %mul3A_708 : vector<16xf32>
      %add3A_710 = arith.constant 2.000000e-01 : f32
      %add3A_711 = vector.broadcast %add3A_710 : f32 to vector<16xf32>
      %add3A_712 = arith.addf %add3A_711, %mul3A_709 : vector<16xf32>
      %mul3A_713 = arith.mulf %mul3A_703, %add3A_712 : vector<16xf32>
      %add3A_714 = arith.constant 0.333333343 : f32
      %add3A_715 = vector.broadcast %add3A_714 : f32 to vector<16xf32>
      %add3A_716 = arith.addf %add3A_715, %mul3A_713 : vector<16xf32>
      %mul3A_717 = arith.mulf %mul3A_703, %add3A_716 : vector<16xf32>
      %add3A_718 = arith.constant 1.000000e+00 : f32
      %add3A_719 = vector.broadcast %add3A_718 : f32 to vector<16xf32>
      %add3A_720 = arith.addf %add3A_719, %mul3A_717 : vector<16xf32>
      %mul3A_721 = arith.mulf %mul3A_706, %add3A_720 : vector<16xf32>
      %convert_element_type3A_722 = arith.sitofp %add3A_696 : vector<16xi32> to vector<16xf32>
      %mul3A_723 = arith.constant 0.693147182 : f32
      %mul3A_724 = vector.broadcast %mul3A_723 : f32 to vector<16xf32>
      %mul3A_725 = arith.mulf %convert_element_type3A_722, %mul3A_724 : vector<16xf32>
      %add3A_726 = arith.addf %mul3A_725, %mul3A_721 : vector<16xf32>
      %mul3A_727 = arith.constant 2.000000e-02 : f32
      %mul3A_728 = vector.broadcast %mul3A_727 : f32 to vector<16xf32>
      %mul3A_729 = arith.mulf %mul3A_728, %add3A_654 : vector<16xf32>
      %sub3A_730 = arith.subf %add3A_726, %mul3A_729 : vector<16xf32>
      %mul3A_731 = arith.constant 0.899999976 : f32
      %mul3A_732 = vector.broadcast %mul3A_731 : f32 to vector<16xf32>
      %mul3A_733 = arith.mulf %mul3A_732, %select_n3A_668 : vector<16xf32>
      %sub3A_734 = arith.subf %sub3A_730, %mul3A_733 : vector<16xf32>
      %lt3A_735 = arith.constant 3 : i32
      %lt3A_736 = arith.cmpi slt, %scan3A_39, %lt3A_735 : i32
      %convert_element_type3A_737 = arith.extui %lt3A_736 : i1 to i32
      %cond3A_738 = arith.constant 0 : i32
      %cond3A_739 = arith.cmpi ne, %convert_element_type3A_737, %cond3A_738 : i32
      scf.if %cond3A_739 {
        %add3A_741 = arith.constant 1 : i32
        %add3A_742 = arith.addi %add3A_41, %add3A_741 : i32
        %dma_start3A_743 = arith.constant 0 : i32
        %dma_start3A_744 = tpu.memref_slice %arg6[%dma_start3A_743] : memref<100000xf32, #tpu.memory_space<vmem>> -> memref<12800xf32, #tpu.memory_space<vmem>>
        %dma_start3A_745 = arith.constant 0 : i32
        %dma_start3A_746 = tpu.memref_slice %arg2[%add3A_742, %dma_start3A_745] : memref<128x100000xf32, #tpu.memory_space<hbm>> -> memref<1x100000xf32, #tpu.memory_space<hbm>>
        %dma_start3A_747 = tpu.memref_squeeze %dma_start3A_746 : memref<1x100000xf32, #tpu.memory_space<hbm>> -> memref<100000xf32, #tpu.memory_space<hbm>>
        %dma_start3A_748 = arith.constant 0 : i32
        %dma_start3A_749 = tpu.memref_slice %dma_start3A_747[%dma_start3A_748] : memref<100000xf32, #tpu.memory_space<hbm>> -> memref<12800xf32, #tpu.memory_space<hbm>>
        %dma_start3A_750 = arith.constant 0 : i32
        %dma_start3A_751 = tpu.memref_slice %arg6[%dma_start3A_750] : memref<100000xf32, #tpu.memory_space<vmem>> -> memref<12800xf32, #tpu.memory_space<vmem>>
        %dma_start3A_752 = arith.constant 0 : i32
        %dma_start3A_753 = tpu.memref_slice %arg2[%add3A_742, %dma_start3A_752] : memref<128x100000xf32, #tpu.memory_space<hbm>> -> memref<1x100000xf32, #tpu.memory_space<hbm>>
        %dma_start3A_754 = tpu.memref_squeeze %dma_start3A_753 : memref<1x100000xf32, #tpu.memory_space<hbm>> -> memref<100000xf32, #tpu.memory_space<hbm>>
        %dma_start3A_755 = arith.constant 0 : i32
        %dma_start3A_756 = tpu.memref_slice %dma_start3A_754[%dma_start3A_755] : memref<100000xf32, #tpu.memory_space<hbm>> -> memref<12800xf32, #tpu.memory_space<hbm>>
        tpu.enqueue_dma source(%dma_start3A_756 : memref<12800xf32, #tpu.memory_space<hbm>>) target(%dma_start3A_751 : memref<12800xf32, #tpu.memory_space<vmem>>) target_semaphore(%arg11 : memref<!tpu.dma_semaphore, #tpu.memory_space<semaphore_mem>>)
        %add3A_757 = arith.constant 1 : i32
        %add3A_758 = arith.addi %add3A_41, %add3A_757 : i32
        %dma_start3A_759 = arith.constant 12800 : i32
        %dma_start3A_760 = tpu.memref_slice %arg6[%dma_start3A_759] : memref<100000xf32, #tpu.memory_space<vmem>> -> memref<12800xf32, #tpu.memory_space<vmem>>
        %dma_start3A_761 = arith.constant 0 : i32
        %dma_start3A_762 = tpu.memref_slice %arg2[%add3A_758, %dma_start3A_761] : memref<128x100000xf32, #tpu.memory_space<hbm>> -> memref<1x100000xf32, #tpu.memory_space<hbm>>
        %dma_start3A_763 = tpu.memref_squeeze %dma_start3A_762 : memref<1x100000xf32, #tpu.memory_space<hbm>> -> memref<100000xf32, #tpu.memory_space<hbm>>
        %dma_start3A_764 = arith.constant 12800 : i32
        %dma_start3A_765 = tpu.memref_slice %dma_start3A_763[%dma_start3A_764] : memref<100000xf32, #tpu.memory_space<hbm>> -> memref<12800xf32, #tpu.memory_space<hbm>>
        %dma_start3A_766 = arith.constant 12800 : i32
        %dma_start3A_767 = tpu.memref_slice %arg6[%dma_start3A_766] : memref<100000xf32, #tpu.memory_space<vmem>> -> memref<12800xf32, #tpu.memory_space<vmem>>
        %dma_start3A_768 = arith.constant 0 : i32
        %dma_start3A_769 = tpu.memref_slice %arg2[%add3A_758, %dma_start3A_768] : memref<128x100000xf32, #tpu.memory_space<hbm>> -> memref<1x100000xf32, #tpu.memory_space<hbm>>
        %dma_start3A_770 = tpu.memref_squeeze %dma_start3A_769 : memref<1x100000xf32, #tpu.memory_space<hbm>> -> memref<100000xf32, #tpu.memory_space<hbm>>
        %dma_start3A_771 = arith.constant 12800 : i32
        %dma_start3A_772 = tpu.memref_slice %dma_start3A_770[%dma_start3A_771] : memref<100000xf32, #tpu.memory_space<hbm>> -> memref<12800xf32, #tpu.memory_space<hbm>>
        tpu.enqueue_dma source(%dma_start3A_772 : memref<12800xf32, #tpu.memory_space<hbm>>) target(%dma_start3A_767 : memref<12800xf32, #tpu.memory_space<vmem>>) target_semaphore(%arg12 : memref<!tpu.dma_semaphore, #tpu.memory_space<semaphore_mem>>)
      } else {
      }
      %add3A_740 = arith.addf %scan3A_40, %sub3A_734 : vector<16xf32>
      scf.yield %add3A_740 : vector<16xf32>
    }
    %scan3A_37 = arith.constant 4 : i32
    %swap3A = arith.constant 0 : index
    %swap3A_38 = tpu.vector_load %arg10[%swap3A] {strides = array<i32>} : memref<16xf32, #tpu.memory_space<vmem>>, vector<16xf32>,
    tpu.vector_store %arg10[%swap3A], %scan3A_36 {strides = array<i32>} : memref<16xf32, #tpu.memory_space<vmem>>, vector<16xf32>,
    "tpu.region"() ({
      %run_scoped3A = tpu.sem_alloc : memref<!tpu.dma_semaphore, #tpu.memory_space<semaphore_mem>>
      %dma_start3A_39 = arith.constant 0 : i32
      %dma_start3A_40 = tpu.memref_slice %arg5[%add3A, %dma_start3A_39] : memref<32x16xf32, #tpu.memory_space<hbm>> -> memref<1x16xf32, #tpu.memory_space<hbm>>
      %dma_start3A_41 = tpu.memref_squeeze %dma_start3A_40 : memref<1x16xf32, #tpu.memory_space<hbm>> -> memref<16xf32, #tpu.memory_space<hbm>>
      %dma_start3A_42 = arith.constant 0 : i32
      %dma_start3A_43 = tpu.memref_slice %arg5[%add3A, %dma_start3A_42] : memref<32x16xf32, #tpu.memory_space<hbm>> -> memref<1x16xf32, #tpu.memory_space<hbm>>
      %dma_start3A_44 = tpu.memref_squeeze %dma_start3A_43 : memref<1x16xf32, #tpu.memory_space<hbm>> -> memref<16xf32, #tpu.memory_space<hbm>>
      tpu.enqueue_dma source(%arg10 : memref<16xf32, #tpu.memory_space<vmem>>) target(%dma_start3A_44 : memref<16xf32, #tpu.memory_space<hbm>>) target_semaphore(%run_scoped3A : memref<!tpu.dma_semaphore, #tpu.memory_space<semaphore_mem>>)
      %dma_wait3A = arith.constant 0 : i32
      %dma_wait3A_45 = tpu.memref_slice %arg5[%add3A, %dma_wait3A] : memref<32x16xf32, #tpu.memory_space<hbm>> -> memref<1x16xf32, #tpu.memory_space<hbm>>
      %dma_wait3A_46 = tpu.memref_squeeze %dma_wait3A_45 : memref<1x16xf32, #tpu.memory_space<hbm>> -> memref<16xf32, #tpu.memory_space<hbm>>
      %dma_wait3A_47 = arith.constant 0 : i32
      %dma_wait3A_48 = tpu.memref_slice %arg5[%add3A, %dma_wait3A_47] : memref<32x16xf32, #tpu.memory_space<hbm>> -> memref<1x16xf32, #tpu.memory_space<hbm>>
      %dma_wait3A_49 = tpu.memref_squeeze %dma_wait3A_48 : memref<1x16xf32, #tpu.memory_space<hbm>> -> memref<16xf32, #tpu.memory_space<hbm>>
      tpu.wait_dma2 semaphore(%run_scoped3A : memref<!tpu.dma_semaphore, #tpu.memory_space<semaphore_mem>>) src(%arg10 : memref<16xf32, #tpu.memory_space<vmem>>) dst(%dma_wait3A_49 : memref<16xf32, #tpu.memory_space<hbm>>)
      tpu.yield
    }) : () -> ()
    return
  }
}

</mosaic_0001>

<sc_bundles>
// kernel: kernel.3.cloned.1.call-start
scs
__scs_entry_jumppad:
0x0: {  	(pc) =	sbr.rel $0x88, $3  }
0x1: {  	(tag) =	ssettag $0x0;
	lr =	simm.s32 $0x1  }
0x2: {  	[smem:$0x3F9F] =	sst lr;
	_ =	strace $0xD0000000  }
0x3: {  	_ = 	snop  }
0x4: {  	_ = 	snop  }
0x5: {  	_ = 	snop  }
0x6: {  	_ = 	snop  }
0x7: {  	_ = 	snop  }
__scs_overlays_trampoline_lowered:
0x8: {  	[smem:$0x3FAE] =	sst s0  }
0x9: {  	[smem:$0x3FAF] =	sst s1  }
0xa: {  	[smem:$0x3FB0] =	sst s2  }
0xb: {  	[smem:$0x3FB1] =	sst s3  }
0xc: {  	[smem:$0x3FB2] =	sst s4  }
0xd: {  	[smem:$0x3FB3] =	sst s5  }
0xe: {  	[smem:$0x3FB4] =	sst s6  }
0xf: {  	[smem:$0x3FB5] =	sst s7  }
0x10: {  	[smem:$0x3FB6] =	sst s8  }
0x11: {  	[smem:$0x3FB7] =	sst s9;
	s0 =	simm.s32 @!p0 $0x0  }
0x12: {  	s1 =	sld [smem:$0x3F9D];
	s0 =	simm.s32 @p0 $0x1  }
0x13: {  	[smem:$0x3FB8] =	sst s0;
	s0 =	simm.s32 @!p1 $0x0  }
0x14: {  	s2 =	sld [smem:$0x3F9C];
	s0 =	simm.s32 @p1 $0x1  }
0x15: {  	[smem:$0x3FB9] =	sst s0;
	s0 =	simm.s32 @!p2 $0x0  }
0x16: {  	s3 =	sld [smem:$0x3FDB];
	s0 =	simm.s32 @p2 $0x1  }
0x17: {  	s4 =	simm.s32 $0x1BF5;
	[smem:$0x3FBB] =	sst s0  }
0x18: {  	s0 =	sld [smem:$0x3F9E];
	_ =	swait.ge [sflag:s4], $0x0  }
0x19: {  	s7 =	sld [smem:$0x3F9F]  }
0x1a: {  	s8 =	sadd.s32 $0xFFFFE003, lr  }
0x1b: {  	s9 =	sadd.s32 $0xFFFFFEF7, lr;
	s5 =	simm.s32 $0xFFFFFFFF;
	p2 =	slt.u32 s8, $0xFFFFF086  }
0x1c: {  	p1 =	slt.u32 s9, $0xF7A;
	s5 =	simm.s32 @!p2 $0x0  }
0x1d: {  	s5 =	simm.s32 @p1 $0x1;
	p0 =	seq.s32 s7, s2  }
0x1e: {  	s7 =	smul.u32 @!p0 $0xF7A, s2;
	p2 =	seq.s32 @!p0 s5, $0x0  }
0x1f: {  	s9 =	smul.u32 $0xF7A, s1;
	s8 =	simm.s32 @!p0 $0x1BF5;
	p2 =	por !p2, p0  }
0x20: {  	[sflag:s8] =	ssyncset.s32 @!p0 $0xFFFFF086;
	s6 =	sadd.s32 @!p0 s3, s7;
	s7 =	simm.s32 @!p0 $0x108  }
0x21: {  	s3 =	sadd.s32 s3, s9;
	s6 =	sadd.s32 @!p0 $0x88, s6;
	s7 =	simm.s32 @p2 $0x1082  }
0x22: {  	[simem:s7], [sflag:s8] =	dma.local @!p0 [hbm:s6], $0xF7A  }
0x23: {  	s9 =	sor.u32 $0xD0000000, s2;
	s6 =	simm.s32 $0x108;
	_ =	swait.ge @!p0 [sflag:s8], $0x0  }
0x24: {  	s3 =	sadd.s32 $0x88, s3;
	s6 =	simm.s32 @!p1 $0x1082;
	[sflag:s4] =	ssyncset.s32 $0xFFFFF086  }
0x25: {  	[simem:s6], [sflag:s4] =	dma.local [hbm:s3], $0xF7A  }
0x26: {  	[smem:$0x3F9F] =	sst s1;
	(tag) =	ssettag s2;
	_ =	strace s9  }
0x27: {  	s1 =	sld [smem:$0x3FAF]  }
0x28: {  	s2 =	sld [smem:$0x3FB0]  }
0x29: {  	s4 =	sld [smem:$0x3FB2]  }
0x2a: {  	p0 =	seq.s32 s5, $0x0;
	s5 =	sld [smem:$0x3FB3]  }
0x2b: {  	s6 =	sld [smem:$0x3FB4]  }
0x2c: {  	s7 =	sld [smem:$0x3FB5]  }
0x2d: {  	s3 =	simm.s32 $0x108;
	s8 =	sld [smem:$0x3FB6]  }
0x2e: {  	s3 =	simm.s32 @!p0 $0x1082;
	s9 =	sld [smem:$0x3FB7]  }
0x2f: {  	lr =	sadd.s32 s0, s3;
	s0 =	sld [smem:$0x3FAE]  }
0x30: {  	s3 =	sld [smem:$0x3FB1]  }
0x31: {  	[smem:$0x3FBA] =	sst s10  }
0x32: {  	s10 =	sld [smem:$0x3FB8];
	_ =	sdelay $0x3  }
0x33: {  	p0 =	seq.s32 s10, $0x1;
	s10 =	sld [smem:$0x3FBA];
	_ =	sdelay $0x3  }
0x34: {  	[smem:$0x3FBA] =	sst s10  }
0x35: {  	s10 =	sld [smem:$0x3FB9];
	_ =	sdelay $0x3  }
0x36: {  	p1 =	seq.s32 s10, $0x1;
	s10 =	sld [smem:$0x3FBA];
	_ =	sdelay $0x3  }
0x37: {  	[smem:$0x3FBA] =	sst s10  }
0x38: {  	s10 =	sld [smem:$0x3FBB]  }
0x39: {  	_ = 	snop;
	(pc) =	sbr.ind lr, $3  }
0x3a: {  	_ = 	snop  }
0x3b: {  	_ = 	snop  }
0x3c: {  	p2 =	seq.s32 s10, $0x1;
	s10 =	sld [smem:$0x3FBA]  }
0x3d: {  	_ =	shalt  }
0x3e: {  	_ =	shalt  }
0x3f: {  	_ =	shalt  }
0x40: {  	_ =	shalt  }
0x41: {  	_ =	shalt  }
0x42: {  	_ =	shalt  }
0x43: {  	_ =	shalt  }
0x44: {  	_ =	shalt  }
0x45: {  	_ =	shalt  }
0x46: {  	_ =	shalt  }
0x47: {  	_ =	shalt  }
0x48: {  	_ =	shalt  }
0x49: {  	_ =	shalt  }
0x4a: {  	_ =	shalt  }
0x4b: {  	_ =	shalt  }
0x4c: {  	_ =	shalt  }
0x4d: {  	_ =	shalt  }
0x4e: {  	_ =	shalt  }
0x4f: {  	_ =	shalt  }
0x50: {  	_ =	shalt  }
0x51: {  	_ =	shalt  }
0x52: {  	_ =	shalt  }
0x53: {  	_ =	shalt  }
0x54: {  	_ =	shalt  }
0x55: {  	_ =	shalt  }
0x56: {  	_ =	shalt  }
0x57: {  	_ =	shalt  }
0x58: {  	_ =	shalt  }
0x59: {  	_ =	shalt  }
0x5a: {  	_ =	shalt  }
0x5b: {  	_ =	shalt  }
0x5c: {  	_ =	shalt  }
0x5d: {  	_ =	shalt  }
0x5e: {  	_ =	shalt  }
0x5f: {  	_ =	shalt  }
0x60: {  	_ =	shalt  }
0x61: {  	_ =	shalt  }
0x62: {  	_ =	shalt  }
0x63: {  	_ =	shalt  }
0x64: {  	_ =	shalt  }
0x65: {  	_ =	shalt  }
0x66: {  	_ =	shalt  }
0x67: {  	_ =	shalt  }
0x68: {  	_ =	shalt  }
0x69: {  	_ =	shalt  }
0x6a: {  	_ =	shalt  }
0x6b: {  	_ =	shalt  }
0x6c: {  	_ =	shalt  }
0x6d: {  	_ =	shalt  }
0x6e: {  	_ =	shalt  }
0x6f: {  	_ =	shalt  }
0x70: {  	_ =	shalt  }
0x71: {  	_ =	shalt  }
0x72: {  	_ =	shalt  }
0x73: {  	_ =	shalt  }
0x74: {  	_ =	shalt  }
0x75: {  	_ =	shalt  }
0x76: {  	_ =	shalt  }
0x77: {  	_ =	shalt  }
0x78: {  	_ =	shalt  }
0x79: {  	_ =	shalt  }
0x7a: {  	_ =	shalt  }
0x7b: {  	_ =	shalt  }
0x7c: {  	_ =	shalt  }
0x7d: {  	_ =	shalt  }
0x7e: {  	_ =	shalt  }
0x7f: {  	_ =	shalt  }
0x80: {  	_ =	shalt  }
0x81: {  	_ =	shalt  }
0x82: {  	_ =	shalt  }
0x83: {  	_ =	shalt  }
0x84: {  	_ =	shalt  }
0x85: {  	_ =	shalt  }
0x86: {  	_ =	shalt  }
0x87: {  	_ =	shalt  }
.Lfunc_end0:
.L_simem_size_0:
called_computation_lowered:
.L_overlay_start_0:
0x88: {  	s2 =	sld [smem:$0x3FD9]  }
0x89: {  	s3 =	sld [smem:$0x3FFE];
	_ =	sdelay $0x1  }
0x8a: {  	s1 =	srdreg.scid  }
0x8b: {  	s0 =	sand.u32 $0x1, s1  }
0x8c: {  	s17 =	sshll.u32 s0, $0xA;
	s2 =	sadd.s32 s3, s2  }
0x8d: {  	s2 =	sadd.s32 s2, s17  }
0x8e: {  	[smem:$0x3FC6] =	sst s2  }
0x8f: {  	_ = 	snop  }
0x90: {  	s2 =	sld [smem:$0x3FC8];
	(tm) =	ssettm $0x1  }
0x91: {  	s18 =	sld [smem:$0x3FFB];
	_ =	sdelay $0x3  }
0x92: {  	_ =	strace s18  }
0x93: {  	s3 =	sld [smem:$0x3FFC];
	_ =	sdelay $0x3  }
0x94: {  	_ =	strace s3  }
0x95: {  	s3 =	sld [smem:$0x3FFD];
	_ =	sdelay $0x3  }
0x96: {  	_ =	strace s3  }
0x97: {  	_ =	strace $0x8FFFFFFF  }
0x98: {  	s19 =	sld [smem:$0x3FDB];
	_ =	sdelay $0x1  }
0x99: {  	s4 =	simm.s32 $_scs_section_size  }
0x9a: {  	s5 =	simm.s32 $_size__tile_overlayer_lowered;
	s6 =	simm.s32 $_tile_overlayer_lowered  }
0x9b: {  	s22 =	simm.s32 $0x1BFF;
	s21 =	sshll.u32 s6, $0x1;
	s3 =	sadd.s32 s4, s19  }
0x9c: {  	s7 =	simm.s32 $0x0;
	s20 =	sshll.u32 s5, $0x1;
	s5 =	sadd.s32 s21, s3  }
0x9d: {  	[timem:s7], [sflag:s22] =	dma.local [hbm:s5], s20  }
0x9e: {  	_ =	swait.ge [sflag:s22], s20  }
0x9f: {  	s4 =	ssub.s32 $0x0, s20;
	[sflag:s22] =	ssyncset.done $0x0  }
0xa0: {  	[sflag:s22] =	ssyncadd.s32 s4;
	_ =	sdelay $0x1  }
0xa1: {  	s23 =	simm.s32 $0x1B8B  }
0xa2: {  	_ =	swait.ge [sflag:s23], $0x1  }
0xa3: {  	[sflag:s23] =	ssyncset.done $0x0  }
0xa4: {  	s25 =	simm.s32 $0x1B8E;
	s24 =	sld [smem:$0x3FFE];
	[sflag:s23] =	ssyncadd.s32 $0xFFFFFFFF  }
0xa5: {  	s26 =	simm.s32 $execute0_lowered;
	[smem:$0x3FD2] =	sst s25  }
0xa6: {  	s5 =	sshll.u32 s26, $0x1;
	_ =	strace $0x80000046;
	[dreg:$0x1] =	wrdreg $0xFFFFFFFF  }
0xa7: {  	s28 =	simm.s32 $_size_execute0_lowered;
	s3 =	sadd.s32 s3, s5;
	[dreg:$0x0] =	wrdreg $0x0  }
0xa8: {  	s5 =	sshll.u32 s28, $0x1;
	[dreg:$0x2] =	wrdreg s3  }
0xa9: {  	[dreg:$0x3] =	wrdreg s5  }
0xaa: {  	[dreg:$0x4] =	wrdreg $0xC0  }
0xab: {  	_ =	task [dreg:s7], $0x5FFFF  }
0xac: {  	[dreg:$0x1] =	wrdreg $0xFFFFFFFF  }
0xad: {  	[dreg:$0x0] =	wrdreg $0x60  }
0xae: {  	[dreg:$0x2] =	wrdreg s24  }
0xaf: {  	[dreg:$0x3] =	wrdreg s2  }
0xb0: {  	[dreg:$0x4] =	wrdreg $0x9  }
0xb1: {  	_ =	task.clear_ibuf [dreg:s7], $0x5FFFF;
	_ =	strace $0x90000046  }
0xb2: {  	s29 =	simm.s32 $0x9;
	_ =	strace $0x80000048  }
0xb3: {  	_ =	swait.ge [sflag:s29], $0x1  }
0xb4: {  	[sflag:s29] =	ssyncadd.s32 $0xFFFFFFFF  }
0xb5: {  	_ =	strace $0x90000048  }
0xb6: {  	_ =	sfence  }
0xb7: {  	s30 =	sld [smem:$0x0];
	_ =	sdelay $0x2  }
0xb8: {  	s31 =	sshll.u32 s1, $0xD;
	s1 =	sshrl.u32 s1, $0x2  }
0xb9: {  	s3 =	sand.u32 $0x4000, s31;
	s1 =	sadd.s32 s1, s30  }
0xba: {  	s0 =	sor.u32 s3, s0;
	s1 =	sshll.u32 s1, $0x11  }
0xbb: {  	s0 =	sor.u32 s1, s0  }
0xbc: {  	s0 =	sadd.s32 $0x8F2B, s0  }
0xbd: {  	[sflag:s0] =	ssyncadd.remote.s32 $0x1  }
0xbe: {  	_ =	sfence.sel $0xFFFF  }
0xbf: {  	[dreg:$0x0] =	wrdreg $0xFFFFFFFF;
	(pc) =	sbr.abs _section_cstart, $3  }
0xc0: {  	[dreg:$0x1] =	wrdreg $0xFFFFFFFF  }
0xc1: {  	_ =	task.clear_ibuf [dreg:s7], $0x2FFFF;
	_ =	strace $0x9FFFFFFF  }
0xc2: {  	(tm) =	ssettm $0x7FFFFFFF  }
0xc3: {  	_ =	shalt  }
tec
execute0_lowered:
.L_overlay_start_1:
0x0: {  	(tag) =	ssettag $0x1  }
0x1: {  	s8 =	rddreg [dreg:$0x0];
	s3 =	simm.s32 $0x0;
	s0 =	srdreg.scid  }
0x2: {  	s2 =	stileid.u32;
	s11 =	simm.s32 $0x19700;
	s12 =	simm.s32 $0x3  }
0x3: {  	s13 =	simm.s32 $0x19780;
	s14 =	simm.s32 $0x80;
	s15 =	simm.s32 $0x400  }
0x4: {  	s17 =	simm.s32 $0x3200;
	s18 =	simm.s32 $0x1;
	s19 =	simm.s32 $0x6400  }
0x5: {  	s20 =	simm.s32 $0x2;
	s21 =	simm.s32 $0x9600;
	s22 =	simm.s32 $0xC800  }
0x6: {  	s23 =	simm.s32 $0xFA00;
	s24 =	simm.s32 $0x12C00;
	s25 =	simm.s32 $0x15E00  }
0x7: {  	s28 =	simm.s32 $0x0;
	[smem:$0x7FF] =	sst s3;
	s5 =	sadd.s32 $0x200, s8  }
0x8: {  	s0 =	sand.u32 $0x1, s0;
	s1 =	sshll.u32 s2, $0x1;
	s6 =	smul.u32 $0xC3800, s2  }
0x9: {  	_ =	strace $0x80000047;
	s1 =	sor.u32 s0, s1;
	s29 =	ssub.s32 $0x2, s0  }
.Ltmp0:
0xa: {  	s0 =	sshll.u32 s0, $0x9;
	s4 =	sshll.u32 s1, $0x4;
	(pc) =	sbr.rel .LBB2_1-.Ltmp0, $4  }
0xb: {  	s7 =	sshrl.u32 s29, $0x1;
	s0 =	sor.u32 s0, s6;
	s4 =	sadd.s32 s4, s8  }
0xc: {  	s2 =	ssub.s32 s29, s7;
	s0 =	sshrl.u32 s0, $0x3;
	s30 =	sadd.s32 $0x187200, s4  }
0xd: {  	v0 =	vlaneseq.u32;
	s8 =	sadd.s32 s5, s0;
	s31 =	smax.u32 s2, $0x1;
	[dreg:$0x3] =	wrdreg s30  }
0xe: {  	v1 =	vimm.s32 $0x0;
	v0 =	vmul.u32 $0x80, v0;
	s7 =	sshll.u32 s1, $0x2;
	[dreg:$0x4] =	wrdreg s31;
	s16 =	sadd.s32 $0x3200, s8  }
.LBB2_26:
0xf: {  	v2 =	vadd.f32 v5, v3;
	_ =	sdelay $0x1  }
0x10: {  	s0 =	rddreg [dreg:$0x3];
	s1 =	simm.s32 $0x1A780;
	[tilespmem:$0x1A780] =	vst v2  }
0x11: {  	[hbm4b:s0+s3] =	stream.linear.scatter [tilespmem:s1], [sflag:$0x3], $0x80, $0x38;
	[tilespmem:$0x1A800] =	vst v63  }
0x12: {  	_ =	swait.ge [sflag:s12], $0x80  }
0x13: {  	s28 =	sadd.s32 $0x1, s28;
	s31 =	rddreg [dreg:$0x4]  }
0x14: {  	p0 =	sne.s32 s28, s31  }
.Ltmp1:
0x15: {  	_ = 	snop;
	(pc) =	sbr.rel @!p0 .LBB2_27-.Ltmp1, $3  }
0x16: {  	_ =	sdelay $0x1  }
0x17: {  	[sflag:s12] =	ssyncset.done $0x0  }
0x18: {  	[sflag:s12] =	ssyncadd.s32 $0xFFFFFF80  }
.LBB2_1:
0x19: {  	s0 =	rddreg [dreg:$0x1]  }
0x1a: {  	[tilespmem:s11], [sflag:$0x3] =	stream.linear.gather [hbm4b:s0+s3], $0x80, $0x38;
	[tilespmem:$0x1A800] =	vst v63  }
0x1b: {  	_ =	swait.ge [sflag:s12], $0x80  }
0x1c: {  	[sflag:s12] =	ssyncset.done $0x0  }
0x1d: {  	[sflag:s12] =	ssyncadd.s32 $0xFFFFFF80  }
0x1e: {  	s31 =	rddreg [dreg:$0x0]  }
0x1f: {  	[tilespmem:s13], [sflag:$0x3] =	stream.linear.gather [hbm4b:s31+s3], $0x1000, $0x38;
	[tilespmem:$0x1A800] =	vst v63  }
0x20: {  	_ =	swait.ge [sflag:s12], $0x1000  }
0x21: {  	[sflag:s12] =	ssyncset.done $0x0  }
0x22: {  	[sflag:s12] =	ssyncadd.s32 $0xFFFFF000  }
0x23: {  	[tilespmem:s3], [sflag:$0x1] =	stream.strided.gather [hbm4b:s8+s14], $0x3200, s15, s14, $0x38;
	[tilespmem:$0x1A800] =	vst v63  }
0x24: {  	s29 =	simm.s32 $0x0  }
0x25: {  	v2 =	vimm.f32 $0.0e+00;
	v3 =	vimm.f32 $0.0e+00;
	[tilespmem:s17], [sflag:$0x2] =	stream.strided.gather [hbm4b:s16+s14], $0x3200, s15, s14, $0x38;
	[tilespmem:$0x1A800] =	vst v63  }
.LBB2_2:
0x26: {  	s30 =	sadd.s32 s7, s29  }
0x27: {  	s0 =	sshll.u32 s30, $0x7  }
0x28: {  	s0 =	sand.u32 $0x380, s0  }
0x29: {  	s0 =	sor.u32 s6, s0  }
0x2a: {  	_ =	swait.ge [sflag:s18], $0x3200;
	s0 =	sshrl.u32 s0, $0x3  }
0x2b: {  	[sflag:s18] =	ssyncset.done $0x0;
	s31 =	sadd.s32 s5, s0  }
0x2c: {  	s26 =	simm.s32 $0xC0;
	[sflag:s18] =	ssyncadd.s32 $0xFFFFCE00;
	s0 =	sadd.s32 $0x6400, s31  }
0x2d: {  	[tilespmem:s19], [sflag:$0x1] =	stream.strided.gather [hbm4b:s0+s14], $0x3200, s15, s14, $0x38;
	[tilespmem:$0x1A800] =	vst v63  }
0x2e: {  	v6 =	vld [tilespmem:s26+$0xFFFFFF40]  }
0x2f: {  	s1 =	simm.s32 $0x0;
	v7 =	vld [tilespmem:s26+$0x50]  }
0x30: {  	s1 =	sand.u32 $0x3FF0, s1;
	v8 =	vld [tilespmem:s26+$0x90]  }
0x31: {  	v11 =	vld [tilespmem:s1+$0x180]  }
0x32: {  	v15 =	vld [tilespmem:s26+$0x80]  }
0x33: {  	v13 =	vld [tilespmem:s26+$0x70]  }
0x34: {  	v16 =	vld [tilespmem:s1+$0x100]  }
0x35: {  	v18 =	vld [tilespmem:s26+$0x60]  }
0x36: {  	v14 =	vld [tilespmem:s26+$0x0]  }
0x37: {  	v19 =	vld [tilespmem:s26+$0x10]  }
0x38: {  	v23 =	vld [tilespmem:s26+$0xFFFFFFB0]  }
0x39: {  	v26 =	vld [tilespmem:s26+$0xFFFFFFD0]  }
0x3a: {  	v20 =	vld [tilespmem:s26+$0x30]  }
0x3b: {  	v27 =	vld [tilespmem:s26+$0xFFFFFF70];
	v4 =	vmul.f32 $1.442695020e+00, v7;
	v5 =	vmul.f32 $1.442695020e+00, v15  }
0x3c: {  	v24 =	vld [tilespmem:s26+$0xFFFFFFE0];
	v10 =	vmul.f32 $1.442695020e+00, v6;
	v25 =	vmul.f32 $1.442695020e+00, v8  }
0x3d: {  	v28 =	vld [tilespmem:s26+$0xFFFFFF50];
	v9 =	vmul.f32 $1.442695020e+00, v11;
	v32 =	vmul.f32 $1.442695020e+00, v23  }
0x3e: {  	v31 =	vld [tilespmem:s26+$0xFFFFFFA0];
	v35 =	vmul.f32 $1.442695020e+00, v26;
	v12 =	vmul.f32 $1.442695020e+00, v13  }
0x3f: {  	v30 =	vld [tilespmem:s1+$0x80];
	v17 =	vmul.f32 $1.442695020e+00, v20;
	v22 =	vmul.f32 $1.442695020e+00, v16  }
0x40: {  	v33 =	vld [tilespmem:s26+$0xFFFFFF60];
	v37 =	vmul.f32 $1.442695020e+00, v27;
	(erf) = vpow2.f32 v5  }
0x41: {  	v29 =	vld [tilespmem:s26+$0xFFFFFF90];
	(erf) = vpow2.f32 v4;
	v4 =	vmul.f32 $1.442695020e+00, v14  }
0x42: {  	v36 =	vld [tilespmem:s26+$0xFFFFFF80];
	v5 =	vmul.f32 $1.442695020e+00, v18;
	(erf) = vpow2.f32 v10  }
0x43: {  	(erf) = vpow2.f32 v4;
	v4 =	vmul.f32 $1.442695020e+00, v19  }
0x44: {  	v21 =	vld [tilespmem:s26+$0xFFFFFFF0];
	v38 =	vmax.f32 v28, v31;
	(erf) = vpow2.f32 v5;
	v5 =	vmul.f32 $1.442695020e+00, v24  }
0x45: {  	v27 =	vmax.f32 v27, v30;
	v34 =	vmul.f32 $1.442695020e+00, v33;
	(erf) = vpow2.f32 v4  }
0x46: {  	v23 =	vmax.f32 v33, v23;
	v6 =	vmax.f32 v6, v29;
	(erf) = vpow2.f32 v5  }
0x47: {  	v63 =	vmul.f32 $1.442695020e+00, v36;
	v6 =	vmax.f32 v6, v24;
	(erf) = vpow2.f32 v25;
	v25 =	vld [tilespmem:s26+$0x20]  }
0x48: {  	v39 =	vld [tilespmem:s26+$0xB0];
	v40 =	vmul.f32 $1.442695020e+00, v30;
	v33 =	vimm.f32 $0.0e+00;
	v6 =	vmax.f32 v6, v20  }
0x49: {  	v30 =	vld [tilespmem:s26+$0xA0];
	v20 =	vimm.f32 $0.0e+00;
	v14 =	vmax.f32 v23, v14;
	v23 =	vmax.f32 v38, v21  }
0x4a: {  	v6 =	vmax.f32 v6, v15;
	v7 =	vmax.f32 v14, v7;
	v19 =	vmax.f32 v27, v19  }
0x4b: {  	v16 =	vmax.f32 v23, v16;
	v18 =	vmax.f32 v19, v18;
	v19 =	vmax.f32 v36, v26  }
0x4c: {  	v23 =	vmul.f32 $1.442695020e+00, v28;
	v8 =	vmax.f32 v16, v8;
	v16 =	vmax.f32 v19, v25  }
0x4d: {  	v28 =	vmul.f32 $1.442695020e+00, v31;
	v5 =	vpop (erf);
	(erf) = vpow2.f32 v32;
	v13 =	vmax.f32 v16, v13  }
0x4e: {  	v7 =	vmax.f32 v7, v30;
	v26 =	vmul.f32 $1.442695020e+00, v39;
	v24 =	vimm.f32 $0.0e+00;
	v10 =	vpop (erf)  }
0x4f: {  	v4 =	vimm.f32 $-Inf;
	v18 =	vmax.f32 v18, v39;
	(erf) = vpow2.f32 v37;
	v27 =	vpop (erf)  }
0x50: {  	v7 =	vmax.f32 v7, v18;
	(erf) = vpow2.f32 v35;
	v11 =	vmax.f32 v13, v11;
	v13 =	vpop (erf)  }
0x51: {  	v14 =	vadd.f32 v27, v2;
	v32 =	vmul.f32 $1.442695020e+00, v25;
	(erf) = vpow2.f32 v40;
	v16 =	vpop (erf)  }
0x52: {  	v27 =	vmax.f32 v6, v8;
	v8 =	vimm.f32 $-Inf;
	(erf) = vpow2.f32 v23;
	v23 =	vpop (erf)  }
0x53: {  	s4 =	simm.s32 $0x18700;
	v6 =	vimm.f32 $-Inf;
	v19 =	vimm.f32 $0.0e+00;
	v25 =	vmax.f32 v7, v11;
	v18 =	vpop (erf)  }
0x54: {  	s9 =	simm.s32 $0x190;
	s2 =	simm.s32 $0x250;
	s0 =	simm.s32 $0x18700;
	v7 =	vimm.f32 $-Inf;
	v11 =	vimm.f32 $-Inf;
	(erf) = vpow2.f32 v63;
	v15 =	vpop (erf)  }
.LBB2_3:
0x55: {  	s1 =	sand.u32 $0x3FF0, s9  }
0x56: {  	v29 =	vmul.f32 $1.442695020e+00, v29;
	v25 =	vmax.f32 v27, v25;
	s4 =	sadd.s32 $0x10, s4;
	(erf) = vpow2.f32 v34;
	v34 =	vpop (erf);
	s10 =	smov.u32 s9;
	s26 =	sadd.s32 $0x190, s9  }
0x57: {  	p0 =	sne.s32 s9, $0x3070;
	v35 =	vmul.f32 $1.442695020e+00, v30;
	[tilespmem:s0+$0x0] =	vst v25;
	v36 =	vmin.f32 v4, v25;
	(erf) = vpow2.f32 v28;
	s0 =	smov.u32 s4  }
0x58: {  	v21 =	vmul.f32 $1.442695020e+00, v21;
	v30 =	vld [tilespmem:s2+$0xFFFFFF40];
	v27 =	vmin.f32 v8, v36;
	(erf) = vpow2.f32 v29  }
0x59: {  	v4 =	vmax.f32 v4, v25;
	v31 =	vld [tilespmem:s2+$0x50];
	v25 =	vmin.f32 v6, v27;
	(erf) = vpow2.f32 v9  }
0x5a: {  	v6 =	vmax.f32 v6, v27;
	v28 =	vld [tilespmem:s2+$0x90];
	v37 =	vmin.f32 v7, v25;
	v29 =	vpop (erf);
	(erf) = vpow2.f32 v21  }
0x5b: {  	v7 =	vmax.f32 v7, v25;
	v27 =	vld [tilespmem:s1+$0x180];
	v29 =	vadd.f32 v29, v24;
	v24 =	vpop (erf);
	(erf) = vpow2.f32 v32  }
0x5c: {  	v8 =	vmax.f32 v8, v36;
	v11 =	vmax.f32 v11, v37;
	v25 =	vld [tilespmem:s2+$0x80];
	v9 =	vpop (erf);
	(erf) = vpow2.f32 v22  }
0x5d: {  	v32 =	vld [tilespmem:s2+$0x70];
	v9 =	vadd.f32 v9, v29;
	v21 =	vpop (erf);
	(erf) = vpow2.f32 v17  }
0x5e: {  	v36 =	vld [tilespmem:s1+$0x100];
	v17 =	vmul.f32 $1.442695020e+00, v31;
	v22 =	vpop (erf);
	(erf) = vpow2.f32 v12  }
0x5f: {  	v12 =	vmul.f32 $1.442695020e+00, v30;
	v19 =	vadd.f32 v21, v19;
	v37 =	vld [tilespmem:s2+$0x60];
	v20 =	vadd.f32 v22, v20;
	v21 =	vpop (erf)  }
0x60: {  	v39 =	vmul.f32 $1.442695020e+00, v28;
	v9 =	vadd.f32 v23, v9;
	v38 =	vld [tilespmem:s2+$0x0];
	v21 =	vadd.f32 v21, v33;
	v22 =	vpop (erf)  }
0x61: {  	v23 =	vld [tilespmem:s2+$0x10];
	v29 =	vmul.f32 $1.442695020e+00, v25;
	v41 =	vadd.f32 v22, v19;
	v20 =	vadd.f32 v24, v20;
	v22 =	vpop (erf)  }
0x62: {  	v16 =	vadd.f32 v16, v9;
	v33 =	vld [tilespmem:s2+$0x30];
	v21 =	vadd.f32 v34, v21;
	(erf) = vpow2.f32 v26;
	v24 =	vpop (erf)  }
0x63: {  	v9 =	vmul.f32 $1.442695020e+00, v27;
	v26 =	vld [tilespmem:s2+$0xFFFFFFB0];
	(erf) = vpow2.f32 v29;
	v29 =	vadd.f32 v22, v14;
	v22 =	vpop (erf)  }
0x64: {  	v40 =	vld [tilespmem:s2+$0xFFFFFFE0];
	(erf) = vpow2.f32 v17;
	v17 =	vadd.f32 v22, v41;
	v34 =	vadd.f32 v13, v21;
	v19 =	vpop (erf)  }
0x65: {  	v41 =	vld [tilespmem:s2+$0xFFFFFFD0];
	v22 =	vmul.f32 $1.442695020e+00, v38;
	(erf) = vpow2.f32 v12;
	v12 =	vadd.f32 v18, v29;
	v14 =	vpop (erf)  }
0x66: {  	v29 =	vmul.f32 $1.442695020e+00, v37;
	v19 =	vadd.f32 v19, v20;
	v18 =	vld [tilespmem:s2+$0xFFFFFF70];
	v42 =	vadd.f32 v10, v34;
	v10 =	vpop (erf)  }
0x67: {  	v21 =	vld [tilespmem:s2+$0xFFFFFFF0];
	(erf) = vpow2.f32 v22;
	v10 =	vadd.f32 v10, v12;
	v12 =	vadd.f32 v14, v17;
	v13 =	vpop (erf)  }
0x68: {  	v43 =	vld [tilespmem:s2+$0xFFFFFF50];
	v44 =	vmul.f32 $1.442695020e+00, v26;
	(erf) = vpow2.f32 v29;
	v13 =	vadd.f32 v13, v19  }
0x69: {  	v14 =	vmul.f32 $1.442695020e+00, v23;
	v45 =	vld [tilespmem:s2+$0xFFFFFFA0];
	v46 =	vadd.f32 v5, v10;
	v19 =	vadd.f32 v15, v12  }
0x6a: {  	v12 =	vmul.f32 $1.442695020e+00, v32;
	v15 =	vld [tilespmem:s1+$0x80];
	v47 =	vmul.f32 $1.442695020e+00, v41;
	v20 =	vadd.f32 v24, v13  }
0x6b: {  	v13 =	vld [tilespmem:s2+$0xFFFFFF60];
	(erf) = vpow2.f32 v14;
	v10 =	vpop (erf)  }
0x6c: {  	v17 =	vmul.f32 $1.442695020e+00, v33;
	v14 =	vmul.f32 $1.442695020e+00, v40;
	v48 =	vld [tilespmem:s2+$0xFFFFFF80];
	v5 =	vpop (erf);
	v24 =	vadd.f32 v10, v16  }
0x6d: {  	v22 =	vmul.f32 $1.442695020e+00, v36;
	v29 =	vld [tilespmem:s2+$0xFFFFFF90];
	v10 =	vpop (erf);
	(erf) = vpow2.f32 v35  }
0x6e: {  	v35 =	vmul.f32 $1.442695020e+00, v18;
	v49 =	vld [tilespmem:s2+$0xB0];
	v50 =	vpop (erf);
	(erf) = vpow2.f32 v14  }
0x6f: {  	v14 =	vmax.f32 v43, v45;
	v53 =	vmax.f32 v18, v15;
	v51 =	vld [tilespmem:s2+$0x20];
	(erf) = vpow2.f32 v39  }
0x70: {  	v34 =	vmul.f32 $1.442695020e+00, v13;
	v18 =	vmax.f32 v13, v26;
	v23 =	vmax.f32 v53, v23;
	v13 =	vpop (erf)  }
0x71: {  	v52 =	vmul.f32 $1.442695020e+00, v15;
	v39 =	vmul.f32 $1.442695020e+00, v48;
	v15 =	vmax.f32 v18, v38;
	v16 =	vpop (erf)  }
0x72: {  	v26 =	vmax.f32 v14, v21;
	v18 =	vmax.f32 v30, v29;
	v15 =	vmax.f32 v15, v31;
	v30 =	vld [tilespmem:s2+$0xA0]  }
0x73: {  	v14 =	vadd.f32 v50, v46;
	v37 =	vmax.f32 v23, v37;
	(erf) = vpow2.f32 v44  }
0x74: {  	v26 =	vmax.f32 v26, v36;
	v31 =	vmax.f32 v48, v41;
	v36 =	vmax.f32 v37, v49;
	v23 =	vpop (erf)  }
0x75: {  	v38 =	vmax.f32 v26, v28;
	v37 =	vmul.f32 $1.442695020e+00, v43;
	v40 =	vmax.f32 v18, v40  }
0x76: {  	v26 =	vmul.f32 $1.442695020e+00, v49;
	v28 =	vmax.f32 v31, v51;
	v31 =	vmax.f32 v40, v33;
	v33 =	vpop (erf)  }
.Ltmp2:
0x77: {  	v28 =	vmax.f32 v28, v32;
	v32 =	vmax.f32 v15, v30;
	(erf) = vpow2.f32 v35;
	v18 =	vpop (erf);
	(pc) =	sbr.rel @p0 .LBB2_3-.Ltmp2, $4  }
0x78: {  	v27 =	vmax.f32 v28, v27;
	v28 =	vmax.f32 v32, v36;
	(erf) = vpow2.f32 v47;
	v15 =	vpop (erf)  }
0x79: {  	v33 =	vadd.f32 v33, v42;
	v32 =	vmul.f32 $1.442695020e+00, v51;
	(erf) = vpow2.f32 v52  }
0x7a: {  	v31 =	vmax.f32 v31, v25;
	v25 =	vmax.f32 v28, v27;
	(erf) = vpow2.f32 v37  }
0x7b: {  	s9 =	smov.u32 s26;
	s2 =	sadd.s32 $0x190, s2;
	v28 =	vmul.f32 $1.442695020e+00, v45;
	v27 =	vmax.f32 v31, v38;
	(erf) = vpow2.f32 v39  }
0x7c: {  	v29 =	vmul.f32 $1.442695020e+00, v29;
	(erf) = vpow2.f32 v34  }
0x7d: {  	v21 =	vmul.f32 $1.442695020e+00, v21;
	(erf) = vpow2.f32 v28  }
0x7e: {  	(erf) = vpow2.f32 v29  }
0x7f: {  	v28 =	vpop (erf);
	(erf) = vpow2.f32 v9  }
0x80: {  	v9 =	vpop (erf);
	(erf) = vpow2.f32 v21  }
0x81: {  	v21 =	vpop (erf);
	(erf) = vpow2.f32 v32  }
0x82: {  	v29 =	vpop (erf);
	(erf) = vpow2.f32 v22  }
0x83: {  	v22 =	vpop (erf);
	(erf) = vpow2.f32 v17;
	v17 =	vmul.f32 $1.442695020e+00, v30  }
0x84: {  	v30 =	vpop (erf);
	(erf) = vpow2.f32 v12  }
0x85: {  	v31 =	vpop (erf);
	(erf) = vpow2.f32 v26  }
0x86: {  	v26 =	vpop (erf);
	(erf) = vpow2.f32 v17  }
0x87: {  	v17 =	vpop (erf)  }
0x88: {  	v53 =	vpop (erf)  }
0x89: {  	v54 =	vpop (erf)  }
0x8a: {  	v35 =	vpop (erf)  }
0x8b: {  	v36 =	vpop (erf)  }
0x8c: {  	v37 =	vpop (erf)  }
0x8d: {  	v38 =	vpop (erf)  }
0x8e: {  	v25 =	vmax.f32 v27, v25;
	v39 =	vpop (erf)  }
0x8f: {  	[tilespmem:s0+$0x0] =	vst v25;
	v40 =	vpop (erf)  }
0x90: {  	_ =	swait.ge [sflag:s20], $0x3200  }
0x91: {  	[sflag:s20] =	ssyncset.done $0x0  }
0x92: {  	s26 =	sadd.s32 $0x9600, s31;
	s1 =	simm.s32 $0x3370;
	[sflag:s20] =	ssyncadd.s32 $0xFFFFCE00  }
0x93: {  	[tilespmem:s21], [sflag:$0x2] =	stream.strided.gather [hbm4b:s26+s14], $0x3200, s15, s14, $0x38;
	[tilespmem:$0x1A800] =	vst v63  }
0x94: {  	v12 =	vld [tilespmem:s1+$0xFFFFFFD0]  }
0x95: {  	v41 =	vld [tilespmem:s1+$0xFFFFFFF0]  }
0x96: {  	v42 =	vld [tilespmem:s1+$0xFFFFFEA0]  }
0x97: {  	v9 =	vadd.f32 v9, v24;
	v43 =	vld [tilespmem:s1+$0x0]  }
0x98: {  	v27 =	vmin.f32 v4, v25;
	s0 =	simm.s32 $0x0;
	v4 =	vmax.f32 v4, v25;
	v44 =	vld [tilespmem:s1+$0xFFFFFF80]  }
0x99: {  	s2 =	sand.u32 $0x3FF0, s0;
	v24 =	vmin.f32 v8, v27;
	v9 =	vadd.f32 v29, v9;
	v19 =	vadd.f32 v22, v19;
	v22 =	vld [tilespmem:s1+$0xFFFFFFE0]  }
0x9a: {  	v25 =	vmin.f32 v6, v24;
	v20 =	vadd.f32 v30, v20;
	v29 =	vadd.f32 v31, v33;
	v30 =	vld [tilespmem:s2+$0x3380]  }
0x9b: {  	v6 =	vmax.f32 v6, v24;
	v9 =	vadd.f32 v23, v9;
	v19 =	vadd.f32 v26, v19;
	v55 =	vld [tilespmem:s1+$0xFFFFFF60]  }
0x9c: {  	v23 =	vmin.f32 v7, v25;
	v20 =	vadd.f32 v21, v20;
	v21 =	vadd.f32 v28, v29;
	v28 =	vld [tilespmem:s1+$0xFFFFFF30]  }
0x9d: {  	v16 =	vadd.f32 v16, v9;
	v9 =	vmax.f32 v8, v27;
	v14 =	vadd.f32 v17, v14;
	v24 =	vld [tilespmem:s1+$0xFFFFFF50]  }
0x9e: {  	v8 =	vmax.f32 v11, v23;
	v17 =	vadd.f32 v54, v19;
	v13 =	vadd.f32 v13, v21;
	v57 =	vld [tilespmem:s1+$0xFFFFFF20]  }
0x9f: {  	v11 =	vadd.f32 v18, v14;
	v18 =	vadd.f32 v35, v20;
	v56 =	vld [tilespmem:s1+$0xFFFFFFB0];
	v31 =	vmul.f32 $1.442695020e+00, v41  }
0xa0: {  	v10 =	vadd.f32 v10, v13;
	v20 =	vld [tilespmem:s1+$0xFFFFFEE0];
	v13 =	vmul.f32 $1.442695020e+00, v12;
	v19 =	vmul.f32 $1.442695020e+00, v42  }
0xa1: {  	v7 =	vmax.f32 v7, v25;
	v59 =	vld [tilespmem:s1+$0xFFFFFF00];
	v14 =	vmul.f32 $1.442695020e+00, v44;
	v21 =	vmul.f32 $1.442695020e+00, v43  }
0xa2: {  	v11 =	vadd.f32 v37, v11;
	v45 =	vld [tilespmem:s1+$0xFFFFFF70];
	v26 =	vmul.f32 $1.442695020e+00, v22;
	v23 =	vmul.f32 $1.442695020e+00, v24  }
0xa3: {  	v29 =	vadd.f32 v39, v16;
	v46 =	vld [tilespmem:s1+$0xFFFFFEB0];
	v16 =	vmul.f32 $1.442695020e+00, v57;
	(erf) = vpow2.f32 v13  }
0xa4: {  	v58 =	vld [tilespmem:s1+$0xFFFFFEC0];
	v13 =	vadd.f32 v5, v11;
	v5 =	vmul.f32 $1.442695020e+00, v30;
	(erf) = vpow2.f32 v19  }
0xa5: {  	v17 =	vadd.f32 v36, v17;
	v25 =	vld [tilespmem:s2+$0x3280];
	v11 =	vmul.f32 $1.442695020e+00, v56;
	(erf) = vpow2.f32 v21  }
0xa6: {  	v18 =	vadd.f32 v38, v18;
	v35 =	vld [tilespmem:s1+$0xFFFFFEF0];
	v47 =	vmul.f32 $1.442695020e+00, v59;
	(erf) = vpow2.f32 v5  }
0xa7: {  	v19 =	vadd.f32 v15, v17;
	v15 =	vld [tilespmem:s1+$0xFFFFFED0];
	v5 =	vmul.f32 $1.442695020e+00, v28;
	(erf) = vpow2.f32 v11  }
0xa8: {  	v18 =	vadd.f32 v53, v18;
	v27 =	vld [tilespmem:s2+$0x3200];
	v39 =	vmul.f32 $1.442695020e+00, v46;
	(erf) = vpow2.f32 v26  }
0xa9: {  	v32 =	vld [tilespmem:s1+$0xFFFFFF40];
	v17 =	vadd.f32 v40, v10;
	v10 =	vmax.f32 v46, v59;
	(erf) = vpow2.f32 v5  }
0xaa: {  	v48 =	vld [tilespmem:s2+$0x3300];
	v36 =	vmax.f32 v58, v25;
	v5 =	vmul.f32 $1.442695020e+00, v55;
	(erf) = vpow2.f32 v31  }
0xab: {  	v42 =	vmax.f32 v42, v35;
	v21 =	vmul.f32 $1.442695020e+00, v20;
	v11 =	vmul.f32 $1.442695020e+00, v58;
	v31 =	vld [tilespmem:s1+$0xFFFFFFC0]  }
0xac: {  	v60 =	vld [tilespmem:s1+$0xFFFFFFA0];
	v61 =	vmax.f32 v10, v24;
	v37 =	vmax.f32 v15, v57;
	v10 =	vpop (erf);
	(erf) = vpow2.f32 v5  }
0xad: {  	v20 =	vmax.f32 v27, v20;
	v24 =	vpop (erf);
	(erf) = vpow2.f32 v11;
	v11 =	vmax.f32 v37, v45  }
0xae: {  	v33 =	vmax.f32 v36, v55;
	v42 =	vmax.f32 v42, v32;
	v20 =	vmax.f32 v20, v28;
	v5 =	vpop (erf)  }
0xaf: {  	v42 =	vmax.f32 v42, v48;
	v63 =	vmax.f32 v33, v56;
	v38 =	vmul.f32 $1.442695020e+00, v15;
	v15 =	vpop (erf)  }
0xb0: {  	v33 =	vmax.f32 v42, v22;
	(erf) = vpow2.f32 v47;
	v62 =	vmax.f32 v11, v31;
	v11 =	vpop (erf)  }
0xb1: {  	v40 =	vmul.f32 $1.442695020e+00, v48;
	v28 =	vmax.f32 v61, v60;
	v36 =	vmax.f32 v20, v44;
	v20 =	vpop (erf)  }
0xb2: {  	v28 =	vmax.f32 v28, v41;
	v26 =	vmul.f32 $1.442695020e+00, v45;
	(erf) = vpow2.f32 v16;
	v16 =	vpop (erf)  }
0xb3: {  	s9 =	simm.s32 $0x190;
	s4 =	simm.s32 $0x0;
	s2 =	simm.s32 $0x3500;
	v37 =	vmul.f32 $1.442695020e+00, v60;
	v34 =	vmax.f32 v62, v30;
	v30 =	vmax.f32 v63, v43;
	v22 =	vpop (erf)  }
.LBB2_5:
0xb4: {  	s1 =	sand.u32 $0x3FF0, s9  }
0xb5: {  	v35 =	vmul.f32 $1.442695020e+00, v35;
	v12 =	vmax.f32 v36, v12;
	s0 =	sadd.s32 $0x10, s0;
	(erf) = vpow2.f32 v38;
	s10 =	smov.u32 s9;
	s26 =	sadd.s32 $0x190, s9  }
0xb6: {  	p0 =	sne.s32 s9, $0x3070;
	v36 =	vmul.f32 $1.442695020e+00, v32;
	v28 =	vmax.f32 v28, v30;
	(erf) = vpow2.f32 v39;
	v32 =	vpop (erf)  }
0xb7: {  	v12 =	vmax.f32 v12, v33;
	v28 =	vmax.f32 v28, v34;
	v30 =	vpop (erf);
	(erf) = vpow2.f32 v40  }
0xb8: {  	v27 =	vmul.f32 $1.442695020e+00, v27;
	s9 =	sand.u32 $0x1F0, s4;
	s4 =	smov.u32 s0;
	v34 =	vmax.f32 v12, v28;
	(erf) = vpow2.f32 v35  }
0xb9: {  	v35 =	vadd.f32 v30, v29;
	v28 =	vmin.f32 v4, v34;
	[tilespmem:s9+$0x18900] =	vst v34;
	v38 =	vpop (erf);
	(erf) = vpow2.f32 v23  }
0xba: {  	v23 =	vmin.f32 v9, v28;
	v9 =	vmax.f32 v9, v28;
	v12 =	vld [tilespmem:s2+$0xFFFFFFD0];
	(erf) = vpow2.f32 v37  }
0xbb: {  	v25 =	vmul.f32 $1.442695020e+00, v25;
	v29 =	vmin.f32 v6, v23;
	v28 =	vld [tilespmem:s2+$0xFFFFFFF0];
	v37 =	vpop (erf);
	(erf) = vpow2.f32 v26  }
0xbc: {  	v19 =	vadd.f32 v24, v19;
	v24 =	vmul.f32 $1.442695020e+00, v31;
	v39 =	vld [tilespmem:s2+$0xFFFFFEA0];
	(erf) = vpow2.f32 v36  }
0xbd: {  	v26 =	vmin.f32 v7, v29;
	v7 =	vmax.f32 v7, v29;
	v30 =	vld [tilespmem:s2+$0x0];
	(erf) = vpow2.f32 v25  }
0xbe: {  	v6 =	vmax.f32 v6, v23;
	v8 =	vmax.f32 v8, v26;
	v29 =	vld [tilespmem:s2+$0xFFFFFF80];
	v23 =	vpop (erf);
	(erf) = vpow2.f32 v24  }
0xbf: {  	v4 =	vmax.f32 v4, v34;
	v33 =	vld [tilespmem:s2+$0xFFFFFFE0];
	v18 =	vadd.f32 v23, v18;
	(erf) = vpow2.f32 v27;
	v23 =	vpop (erf)  }
0xc0: {  	v34 =	vld [tilespmem:s1+$0x3380];
	v17 =	vadd.f32 v23, v17;
	(erf) = vpow2.f32 v21;
	v21 =	vpop (erf)  }
0xc1: {  	v31 =	vmul.f32 $1.442695020e+00, v28;
	v36 =	vld [tilespmem:s2+$0xFFFFFF60];
	v18 =	vadd.f32 v37, v18;
	v23 =	vpop (erf)  }
0xc2: {  	v42 =	vmul.f32 $1.442695020e+00, v12;
	v24 =	vmul.f32 $1.442695020e+00, v39;
	v37 =	vld [tilespmem:s2+$0xFFFFFF30];
	v19 =	vadd.f32 v23, v19;
	v23 =	vpop (erf)  }
0xc3: {  	v17 =	vadd.f32 v38, v17;
	v40 =	vld [tilespmem:s2+$0xFFFFFF50];
	(erf) = vpow2.f32 v14;
	v14 =	vmul.f32 $1.442695020e+00, v29;
	v26 =	vpop (erf)  }
0xc4: {  	v27 =	vmul.f32 $1.442695020e+00, v30;
	v41 =	vld [tilespmem:s2+$0xFFFFFFB0];
	(erf) = vpow2.f32 v42;
	v25 =	vpop (erf)  }
0xc5: {  	v17 =	vadd.f32 v23, v17;
	v38 =	vld [tilespmem:s2+$0xFFFFFEE0];
	(erf) = vpow2.f32 v24;
	v18 =	vadd.f32 v25, v18;
	v23 =	vpop (erf)  }
0xc6: {  	v43 =	vmul.f32 $1.442695020e+00, v33;
	v42 =	vld [tilespmem:s2+$0xFFFFFF70];
	(erf) = vpow2.f32 v27;
	v19 =	vadd.f32 v23, v19;
	v24 =	vpop (erf)  }
0xc7: {  	v25 =	vmul.f32 $1.442695020e+00, v34;
	v17 =	vadd.f32 v26, v17;
	v44 =	vld [tilespmem:s2+$0xFFFFFF20];
	v26 =	vpop (erf)  }
0xc8: {  	v45 =	vld [tilespmem:s2+$0xFFFFFEC0];
	v23 =	vmul.f32 $1.442695020e+00, v40;
	v19 =	vadd.f32 v21, v19;
	v21 =	vpop (erf)  }
0xc9: {  	v18 =	vadd.f32 v26, v18;
	v46 =	vld [tilespmem:s2+$0xFFFFFF00];
	v27 =	vmul.f32 $1.442695020e+00, v41;
	v13 =	vadd.f32 v21, v13;
	v26 =	vpop (erf)  }
0xca: {  	v17 =	vadd.f32 v22, v17;
	v47 =	vld [tilespmem:s2+$0xFFFFFEB0];
	(erf) = vpow2.f32 v25;
	v19 =	vadd.f32 v20, v19  }
0xcb: {  	v21 =	vmul.f32 $1.442695020e+00, v38;
	v20 =	vmul.f32 $1.442695020e+00, v37;
	v25 =	vld [tilespmem:s1+$0x3280];
	v13 =	vadd.f32 v26, v13  }
0xcc: {  	v18 =	vadd.f32 v15, v18;
	v22 =	vld [tilespmem:s2+$0xFFFFFED0];
	v48 =	vmul.f32 $1.442695020e+00, v44;
	(erf) = vpow2.f32 v27;
	v15 =	vpop (erf)  }
0xcd: {  	v50 =	vadd.f32 v24, v35;
	v26 =	vmul.f32 $1.442695020e+00, v42;
	v27 =	vld [tilespmem:s1+$0x3200];
	v49 =	vpop (erf);
	v13 =	vadd.f32 v16, v13  }
0xce: {  	v16 =	vmul.f32 $1.442695020e+00, v45;
	v35 =	vld [tilespmem:s2+$0xFFFFFEF0];
	v24 =	vpop (erf);
	(erf) = vpow2.f32 v43  }
0xcf: {  	v43 =	vmax.f32 v47, v46;
	v51 =	vld [tilespmem:s2+$0xFFFFFFA0];
	(erf) = vpow2.f32 v20;
	v52 =	vpop (erf);
	v13 =	vadd.f32 v15, v13  }
0xd0: {  	v20 =	vmax.f32 v43, v40;
	(erf) = vpow2.f32 v31;
	v40 =	vadd.f32 v32, v50  }
0xd1: {  	v43 =	vmax.f32 v45, v25;
	v50 =	vmul.f32 $1.442695020e+00, v36;
	v31 =	vld [tilespmem:s2+$0xFFFFFFC0];
	v13 =	vadd.f32 v10, v13;
	v10 =	vmovc v49  }
0xd2: {  	v46 =	vmul.f32 $1.442695020e+00, v46;
	v44 =	vmax.f32 v22, v44;
	v45 =	vmax.f32 v27, v38;
	v32 =	vld [tilespmem:s2+$0xFFFFFF40]  }
0xd3: {  	v38 =	vmul.f32 $1.442695020e+00, v22;
	v22 =	vmax.f32 v39, v35;
	v49 =	vld [tilespmem:s1+$0x3300];
	(erf) = vpow2.f32 v50;
	v15 =	vpop (erf)  }
0xd4: {  	v37 =	vmax.f32 v45, v37;
	v45 =	vmax.f32 v20, v51;
	(erf) = vpow2.f32 v16  }
0xd5: {  	v42 =	vmax.f32 v44, v42;
	v39 =	vadd.f32 v11, v40;
	v16 =	vmax.f32 v43, v36;
	v11 =	vpop (erf)  }
.Ltmp3:
0xd6: {  	v36 =	vmax.f32 v37, v29;
	v40 =	vmax.f32 v42, v31;
	(erf) = vpow2.f32 v46;
	(pc) =	sbr.rel @p0 .LBB2_5-.Ltmp3, $4  }
0xd7: {  	v37 =	vmul.f32 $1.442695020e+00, v51;
	v29 =	vadd.f32 v5, v39;
	v42 =	vmax.f32 v22, v32;
	v20 =	vpop (erf)  }
0xd8: {  	v41 =	vmax.f32 v16, v41;
	v42 =	vmax.f32 v42, v49;
	(erf) = vpow2.f32 v48;
	v16 =	vpop (erf)  }
0xd9: {  	v39 =	vmul.f32 $1.442695020e+00, v47;
	v34 =	vmax.f32 v40, v34;
	v33 =	vmax.f32 v42, v33;
	v22 =	vpop (erf)  }
0xda: {  	s9 =	smov.u32 s26;
	s2 =	sadd.s32 $0x190, s2;
	v28 =	vmax.f32 v45, v28;
	v5 =	vmovc v52;
	v30 =	vmax.f32 v41, v30;
	v40 =	vmul.f32 $1.442695020e+00, v49  }
0xdb: {  	(erf) = vpow2.f32 v38  }
0xdc: {  	v35 =	vmul.f32 $1.442695020e+00, v35;
	(erf) = vpow2.f32 v39  }
0xdd: {  	(erf) = vpow2.f32 v40  }
0xde: {  	(erf) = vpow2.f32 v35  }
0xdf: {  	(erf) = vpow2.f32 v23  }
0xe0: {  	v47 =	vpop (erf);
	v23 =	vmul.f32 $1.442695020e+00, v32;
	(erf) = vpow2.f32 v37  }
0xe1: {  	v25 =	vmul.f32 $1.442695020e+00, v25;
	v48 =	vpop (erf);
	(erf) = vpow2.f32 v26  }
0xe2: {  	v26 =	vpop (erf);
	(erf) = vpow2.f32 v23;
	v23 =	vmul.f32 $1.442695020e+00, v27  }
0xe3: {  	v31 =	vmul.f32 $1.442695020e+00, v31  }
0xe4: {  	v27 =	vpop (erf);
	(erf) = vpow2.f32 v25  }
0xe5: {  	v25 =	vpop (erf);
	(erf) = vpow2.f32 v31  }
0xe6: {  	(erf) = vpow2.f32 v23;
	v23 =	vpop (erf)  }
0xe7: {  	(erf) = vpow2.f32 v21;
	v21 =	vpop (erf)  }
0xe8: {  	v31 =	vpop (erf);
	(erf) = vpow2.f32 v14  }
0xe9: {  	v14 =	vpop (erf)  }
0xea: {  	v37 =	vpop (erf)  }
0xeb: {  	v49 =	vpop (erf)  }
0xec: {  	v50 =	vpop (erf)  }
0xed: {  	v51 =	vpop (erf)  }
0xee: {  	v12 =	vmax.f32 v36, v12;
	v28 =	vmax.f32 v28, v30;
	v30 =	vpop (erf)  }
0xef: {  	v12 =	vmax.f32 v12, v33;
	v28 =	vmax.f32 v28, v34;
	v52 =	vpop (erf)  }
0xf0: {  	s0 =	sand.u32 $0x1F0, s4;
	v28 =	vmax.f32 v12, v28;
	v53 =	vpop (erf)  }
0xf1: {  	[tilespmem:s0+$0x18900] =	vst v28;
	v54 =	vpop (erf)  }
0xf2: {  	_ =	swait.ge [sflag:s18], $0x3200  }
0xf3: {  	s10 =	sadd.s32 $0xC800, s31;
	[sflag:s18] =	ssyncset.done $0x0  }
0xf4: {  	s26 =	simm.s32 $0x0;
	s1 =	simm.s32 $0x0;
	[sflag:s18] =	ssyncadd.s32 $0xFFFFCE00  }
0xf5: {  	[tilespmem:s22], [sflag:$0x1] =	stream.strided.gather [hbm4b:s10+s14], $0x3200, s15, s14, $0x38;
	[tilespmem:$0x1A800] =	vst v63  }
0xf6: {  	s2 =	sand.u32 $0x3FF0, s26;
	v41 =	vld [tilespmem:s1+$0x6550]  }
0xf7: {  	v42 =	vld [tilespmem:s2+$0x6500]  }
0xf8: {  	v18 =	vadd.f32 v25, v18;
	v17 =	vadd.f32 v23, v17;
	v43 =	vld [tilespmem:s1+$0x64B0]  }
0xf9: {  	v12 =	vadd.f32 v24, v19;
	v24 =	vadd.f32 v48, v29;
	v23 =	vld [tilespmem:s1+$0x6520]  }
0xfa: {  	v19 =	vmin.f32 v4, v28;
	v18 =	vadd.f32 v27, v18;
	v17 =	vadd.f32 v26, v17;
	v25 =	vld [tilespmem:s1+$0x6530]  }
0xfb: {  	v29 =	vadd.f32 v31, v12;
	v12 =	vmax.f32 v9, v19;
	v9 =	vmin.f32 v9, v19;
	v26 =	vld [tilespmem:s1+$0x64C0]  }
0xfc: {  	v31 =	vmin.f32 v6, v9;
	v6 =	vmax.f32 v6, v9;
	v14 =	vadd.f32 v14, v17;
	v27 =	vld [tilespmem:s1+$0x64F0]  }
0xfd: {  	v19 =	vmax.f32 v7, v31;
	v17 =	vadd.f32 v50, v29;
	v13 =	vadd.f32 v52, v13;
	v29 =	vld [tilespmem:s1+$0x64A0]  }
0xfe: {  	v7 =	vmin.f32 v7, v31;
	v18 =	vadd.f32 v49, v18;
	v9 =	vadd.f32 v37, v14;
	v31 =	vld [tilespmem:s1+$0x6460]  }
0xff: {  	v14 =	vadd.f32 v21, v17;
	v13 =	vadd.f32 v53, v13;
	v21 =	vld [tilespmem:s1+$0x64D0]  }
0x100: {  	v7 =	vmax.f32 v8, v7;
	v8 =	vmax.f32 v4, v28;
	v30 =	vadd.f32 v30, v18;
	v4 =	vld [tilespmem:s1+$0x6450]  }
0x101: {  	v9 =	vadd.f32 v22, v9;
	v13 =	vadd.f32 v16, v13;
	v62 =	vld [tilespmem:s1+$0x6420]  }
0x102: {  	v17 =	vadd.f32 v20, v14;
	v60 =	vld [tilespmem:s1+$0x6410];
	v18 =	vmul.f32 $1.442695020e+00, v41;
	v14 =	vmul.f32 $1.442695020e+00, v42  }
0x103: {  	v13 =	vadd.f32 v54, v13;
	v22 =	vmul.f32 $1.442695020e+00, v43;
	v28 =	vmul.f32 $1.442695020e+00, v26  }
0x104: {  	v24 =	vadd.f32 v51, v24;
	v55 =	vld [tilespmem:s2+$0x6480];
	v56 =	vmul.f32 $1.442695020e+00, v27;
	v16 =	vmul.f32 $1.442695020e+00, v25  }
0x105: {  	v20 =	vld [tilespmem:s1+$0x6470];
	v13 =	vadd.f32 v10, v13;
	v59 =	vmul.f32 $1.442695020e+00, v21;
	v10 =	vmul.f32 $1.442695020e+00, v23  }
0x106: {  	v15 =	vadd.f32 v15, v30;
	v30 =	vld [tilespmem:s1+$0x6430];
	v63 =	vmul.f32 $1.442695020e+00, v4;
	v52 =	vmul.f32 $1.442695020e+00, v62  }
0x107: {  	v58 =	vld [tilespmem:s1+$0x6490];
	v49 =	vmax.f32 v60, v31;
	(erf) = vpow2.f32 v22;
	v22 =	vmul.f32 $1.442695020e+00, v29  }
0x108: {  	v57 =	vld [tilespmem:s1+$0x6440];
	v31 =	vmul.f32 $1.442695020e+00, v31;
	(erf) = vpow2.f32 v16;
	v16 =	vadd.f32 v47, v24  }
0x109: {  	v61 =	vld [tilespmem:s1+$0x64E0];
	v24 =	vmul.f32 $1.442695020e+00, v55;
	(erf) = vpow2.f32 v22  }
0x10a: {  	v22 =	vld [tilespmem:s2+$0x6400];
	(erf) = vpow2.f32 v28;
	v11 =	vadd.f32 v11, v16;
	v28 =	vmul.f32 $1.442695020e+00, v20  }
0x10b: {  	v16 =	vmax.f32 v30, v55;
	v30 =	vmul.f32 $1.442695020e+00, v30;
	(erf) = vpow2.f32 v59  }
0x10c: {  	v50 =	vld [tilespmem:s2+$0x6580];
	(erf) = vpow2.f32 v10;
	v10 =	vmul.f32 $1.442695020e+00, v58  }
0x10d: {  	v48 =	vld [tilespmem:s1+$0x6570];
	v20 =	vmax.f32 v62, v20;
	v21 =	vmax.f32 v16, v21;
	v16 =	vmax.f32 v57, v58  }
0x10e: {  	v20 =	vmax.f32 v20, v26;
	v44 =	vmax.f32 v16, v61;
	v16 =	vld [tilespmem:s1+$0x6510];
	(erf) = vpow2.f32 v10  }
0x10f: {  	v25 =	vmax.f32 v44, v25;
	v4 =	vmax.f32 v22, v4;
	(erf) = vpow2.f32 v24;
	v24 =	vld [tilespmem:s1+$0x6560]  }
0x110: {  	v10 =	vmax.f32 v21, v23;
	v21 =	vmul.f32 $1.442695020e+00, v57;
	v23 =	vld [tilespmem:s1+$0x6540];
	v22 =	vmul.f32 $1.442695020e+00, v22  }
0x111: {  	v25 =	vmax.f32 v25, v50;
	v4 =	vmax.f32 v4, v29;
	v29 =	vmax.f32 v49, v43  }
0x112: {  	(erf) = vpow2.f32 v30;
	v29 =	vmax.f32 v29, v42;
	v30 =	vmax.f32 v10, v48  }
0x113: {  	v26 =	vpop (erf);
	v4 =	vmax.f32 v4, v27;
	v20 =	vmax.f32 v20, v16;
	(erf) = vpow2.f32 v21  }
0x114: {  	v51 =	vpop (erf);
	v27 =	vmax.f32 v29, v41;
	(erf) = vpow2.f32 v63;
	v20 =	vmax.f32 v20, v24  }
0x115: {  	v21 =	vpop (erf);
	v4 =	vmax.f32 v4, v23;
	(erf) = vpow2.f32 v22;
	v20 =	vmax.f32 v20, v30  }
0x116: {  	v10 =	vpop (erf);
	v4 =	vmax.f32 v4, v27;
	v27 =	vmul.f32 $1.442695020e+00, v61;
	v20 =	vmax.f32 v20, v25  }
0x117: {  	s4 =	sand.u32 $0x1F0, s26;
	v23 =	vmul.f32 $1.442695020e+00, v23;
	v22 =	vpop (erf);
	(erf) = vpow2.f32 v56;
	v20 =	vmax.f32 v4, v20  }
0x118: {  	s10 =	simm.s32 $0x190;
	v29 =	vpop (erf);
	v30 =	vmul.f32 $1.442695020e+00, v48;
	(erf) = vpow2.f32 v27;
	[tilespmem:s4+$0x18B00] =	vst v20  }
0x119: {  	v25 =	vpop (erf);
	v4 =	vadd.f32 v5, v11;
	(erf) = vpow2.f32 v23;
	v11 =	vmul.f32 $1.442695020e+00, v60;
	v27 =	vld [tilespmem:s10+$0x6550]  }
0x11a: {  	v16 =	vmul.f32 $1.442695020e+00, v16;
	v5 =	vpop (erf);
	(erf) = vpow2.f32 v30;
	v38 =	vld [tilespmem:s10+$0x64B0]  }
0x11b: {  	s9 =	simm.s32 $0x190;
	v23 =	vmin.f32 v8, v20;
	v30 =	vmul.f32 $1.442695020e+00, v50;
	v53 =	vpop (erf);
	(erf) = vpow2.f32 v52;
	v59 =	vld [tilespmem:s10+$0x6530]  }
0x11c: {  	s26 =	sand.u32 $0x3FF0, s9;
	v54 =	vmin.f32 v12, v23;
	v60 =	vld [tilespmem:s10+$0x64C0];
	v55 =	vadd.f32 v53, v4;
	(erf) = vpow2.f32 v11  }
0x11d: {  	v62 =	vld [tilespmem:s26+$0x6480];
	v56 =	vmin.f32 v6, v54;
	v4 =	vmax.f32 v6, v54;
	v11 =	vpop (erf);
	(erf) = vpow2.f32 v30  }
0x11e: {  	v45 =	vld [tilespmem:s26+$0x6400];
	v57 =	vmin.f32 v19, v56;
	v58 =	vpop (erf);
	v11 =	vadd.f32 v11, v15;
	(erf) = vpow2.f32 v28  }
0x11f: {  	v36 =	vld [tilespmem:s26+$0x6500];
	v6 =	vmax.f32 v19, v56;
	v5 =	vadd.f32 v5, v55;
	v15 =	vpop (erf);
	(erf) = vpow2.f32 v31  }
0x120: {  	v54 =	vld [tilespmem:s10+$0x6490];
	v13 =	vadd.f32 v15, v13;
	v15 =	vadd.f32 v25, v11;
	v11 =	vmul.f32 $1.442695020e+00, v27  }
0x121: {  	v19 =	vpop (erf);
	v22 =	vadd.f32 v22, v5;
	(erf) = vpow2.f32 v18;
	v28 =	vmul.f32 $1.442695020e+00, v38  }
0x122: {  	v61 =	vld [tilespmem:s10+$0x64F0];
	v5 =	vmax.f32 v12, v23;
	v63 =	vmul.f32 $1.442695020e+00, v60;
	v49 =	vmul.f32 $1.442695020e+00, v59;
	v12 =	vpop (erf)  }
0x123: {  	v8 =	vmax.f32 v8, v20;
	v20 =	vld [tilespmem:s10+$0x64A0];
	v53 =	vmul.f32 $1.442695020e+00, v62;
	v37 =	vmul.f32 $1.442695020e+00, v45;
	v25 =	vpop (erf)  }
0x124: {  	(erf) = vpow2.f32 v14;
	v23 =	vadd.f32 v58, v13;
	v22 =	vadd.f32 v29, v22;
	v18 =	vpop (erf)  }
0x125: {  	v56 =	vmul.f32 $1.442695020e+00, v54;
	v15 =	vadd.f32 v12, v15;
	v12 =	vmul.f32 $1.442695020e+00, v36;
	v29 =	vld [tilespmem:s10+$0x64D0];
	v31 =	vpop (erf)  }
0x126: {  	v30 =	vld [tilespmem:s10+$0x6520];
	(erf) = vpow2.f32 v28;
	v23 =	vadd.f32 v21, v23;
	v14 =	vadd.f32 v18, v22;
	v18 =	vpop (erf)  }
0x127: {  	v15 =	vadd.f32 v51, v15;
	v21 =	vmul.f32 $1.442695020e+00, v61;
	v51 =	vld [tilespmem:s10+$0x6430];
	v9 =	vadd.f32 v31, v9;
	v28 =	vpop (erf)  }
0x128: {  	v48 =	vld [tilespmem:s10+$0x6470];
	v19 =	vadd.f32 v19, v23;
	v23 =	vmul.f32 $1.442695020e+00, v20;
	v17 =	vadd.f32 v18, v17;
	v50 =	vpop (erf)  }
0x129: {  	v18 =	vmul.f32 $1.442695020e+00, v24;
	v24 =	vld [tilespmem:s10+$0x6440];
	v15 =	vadd.f32 v28, v15;
	(erf) = vpow2.f32 v49;
	v28 =	vpop (erf)  }
0x12a: {  	v13 =	vld [tilespmem:s10+$0x6460];
	v52 =	vmul.f32 $1.442695020e+00, v29;
	(erf) = vpow2.f32 v23;
	v23 =	vadd.f32 v28, v17  }
0x12b: {  	v22 =	vld [tilespmem:s10+$0x6450];
	v17 =	vadd.f32 v25, v19;
	v19 =	vmul.f32 $1.442695020e+00, v30;
	(erf) = vpow2.f32 v18  }
0x12c: {  	v28 =	vld [tilespmem:s10+$0x64E0];
	v31 =	vmax.f32 v51, v62;
	(erf) = vpow2.f32 v63;
	v18 =	vadd.f32 v26, v23;
	v26 =	vpop (erf)  }
0x12d: {  	v41 =	vadd.f32 v50, v9;
	v31 =	vmax.f32 v31, v29;
	v29 =	vld [tilespmem:s10+$0x6420];
	(erf) = vpow2.f32 v52;
	v55 =	vpop (erf)  }
0x12e: {  	v25 =	vld [tilespmem:s10+$0x6410];
	v9 =	vmax.f32 v24, v54;
	(erf) = vpow2.f32 v19;
	v18 =	vadd.f32 v55, v18  }
0x12f: {  	v34 =	vld [tilespmem:s10+$0x6570];
	v7 =	vmax.f32 v7, v57;
	v42 =	vmul.f32 $1.442695020e+00, v51;
	(erf) = vpow2.f32 v16  }
0x130: {  	v32 =	vld [tilespmem:s26+$0x6580];
	v57 =	vmul.f32 $1.442695020e+00, v22;
	v22 =	vmax.f32 v45, v22;
	v41 =	vadd.f32 v10, v41  }
0x131: {  	v58 =	vmax.f32 v22, v20;
	v24 =	vmul.f32 $1.442695020e+00, v24;
	v19 =	vld [tilespmem:s10+$0x6510];
	v47 =	vmax.f32 v9, v28;
	v9 =	vpop (erf)  }
0x132: {  	v35 =	vld [tilespmem:s10+$0x6540];
	(erf) = vpow2.f32 v56;
	v16 =	vadd.f32 v26, v18;
	v10 =	vmax.f32 v29, v48;
	v18 =	vpop (erf)  }
0x133: {  	v22 =	vld [tilespmem:s10+$0x6560];
	v46 =	vmax.f32 v25, v13;
	v26 =	vmax.f32 v31, v30;
	(erf) = vpow2.f32 v53;
	v20 =	vpop (erf)  }
0x134: {  	v23 =	vmul.f32 $1.442695020e+00, v48;
	v30 =	vmax.f32 v47, v59;
	v38 =	vmax.f32 v46, v38;
	v31 =	vpop (erf)  }
0x135: {  	v33 =	vmax.f32 v10, v60;
	v36 =	vmax.f32 v38, v36;
	v59 =	vmax.f32 v26, v34;
	v10 =	vpop (erf)  }
0x136: {  	v60 =	vmax.f32 v58, v61;
	v33 =	vmax.f32 v33, v19;
	v26 =	vpop (erf);
	(erf) = vpow2.f32 v42  }
0x137: {  	v62 =	vmax.f32 v60, v35;
	v27 =	vmax.f32 v36, v27;
	(erf) = vpow2.f32 v24;
	v24 =	vpop (erf)  }
0x138: {  	s0 =	simm.s32 $0x10;
	v30 =	vmax.f32 v30, v32;
	v61 =	vmax.f32 v33, v22;
	v33 =	vmax.f32 v62, v27;
	v63 =	vpop (erf)  }
0x139: {  	s2 =	simm.s32 $0x320;
	s4 =	simm.s32 $0x20;
	s26 =	simm.s32 $0xC80;
	v36 =	vmax.f32 v61, v59;
	(erf) = vpow2.f32 v57;
	v27 =	vadd.f32 v63, v41  }
.LBB2_7:
0x13a: {  	s10 =	smov.u32 s26  }
0x13b: {  	s9 =	sand.u32 $0x3FF0, s2;
	s1 =	sshra.s32 s26, $0x2;
	v28 =	vmul.f32 $1.442695020e+00, v28;
	(erf) = vpow2.f32 v37;
	v37 =	vpop (erf);
	s10 =	sadd.s32 $0x640, s26  }
0x13c: {  	p0 =	sne.s32 s26, $0xC1C0;
	v35 =	vmul.f32 $1.442695020e+00, v35;
	v31 =	vadd.f32 v31, v27;
	v38 =	vpop (erf);
	(erf) = vpow2.f32 v21  }
0x13d: {  	v27 =	vmax.f32 v36, v30;
	v21 =	vmul.f32 $1.442695020e+00, v34;
	(erf) = vpow2.f32 v28  }
0x13e: {  	v30 =	vmul.f32 $1.442695020e+00, v29;
	s26 =	sand.u32 $0x1F0, s0;
	s0 =	smov.u32 s4;
	v29 =	vmax.f32 v33, v27;
	(erf) = vpow2.f32 v35  }
0x13f: {  	v33 =	vmul.f32 $1.442695020e+00, v25;
	v34 =	vmin.f32 v8, v29;
	[tilespmem:s26+$0x18B00] =	vst v29;
	(erf) = vpow2.f32 v21  }
0x140: {  	v21 =	vmul.f32 $1.442695020e+00, v32;
	v32 =	vmin.f32 v5, v34;
	v27 =	vld [tilespmem:s1+$0x6550];
	(erf) = vpow2.f32 v30;
	v28 =	vpop (erf)  }
0x141: {  	v30 =	vld [tilespmem:s9+$0x6500];
	v14 =	vadd.f32 v28, v14;
	v28 =	vmin.f32 v4, v32;
	(erf) = vpow2.f32 v33;
	v25 =	vpop (erf)  }
0x142: {  	v4 =	vmax.f32 v4, v32;
	v33 =	vld [tilespmem:s1+$0x64B0];
	v32 =	vmin.f32 v6, v28;
	v35 =	vpop (erf);
	(erf) = vpow2.f32 v21  }
0x143: {  	v15 =	vadd.f32 v25, v15;
	v25 =	vmul.f32 $1.442695020e+00, v13;
	v36 =	vld [tilespmem:s1+$0x6520];
	(erf) = vpow2.f32 v23  }
0x144: {  	v6 =	vmax.f32 v6, v28;
	v14 =	vadd.f32 v38, v14;
	v7 =	vmax.f32 v7, v32;
	v39 =	vld [tilespmem:s1+$0x6530];
	v21 =	vpop (erf)  }
0x145: {  	v15 =	vadd.f32 v37, v15;
	v38 =	vld [tilespmem:s1+$0x64C0];
	v17 =	vadd.f32 v21, v17;
	(erf) = vpow2.f32 v25;
	v23 =	vpop (erf)  }
0x146: {  	v8 =	vmax.f32 v8, v29;
	v5 =	vmax.f32 v5, v34;
	v14 =	vadd.f32 v26, v14;
	v40 =	vld [tilespmem:s1+$0x64F0];
	v13 =	vpop (erf)  }
0x147: {  	v25 =	vmul.f32 $1.442695020e+00, v27;
	v26 =	vld [tilespmem:s1+$0x64A0];
	v21 =	vadd.f32 v35, v17;
	v15 =	vadd.f32 v13, v15;
	v28 =	vpop (erf)  }
0x148: {  	v29 =	vmul.f32 $1.442695020e+00, v30;
	v14 =	vadd.f32 v24, v14;
	v13 =	vld [tilespmem:s1+$0x6460];
	(erf) = vpow2.f32 v11;
	v11 =	vpop (erf)  }
0x149: {  	v37 =	vmul.f32 $1.442695020e+00, v33;
	v32 =	vld [tilespmem:s1+$0x64D0];
	v15 =	vadd.f32 v18, v15;
	v18 =	vpop (erf);
	(erf) = vpow2.f32 v12  }
0x14a: {  	v43 =	vadd.f32 v20, v21;
	v14 =	vadd.f32 v11, v14;
	v34 =	vld [tilespmem:s9+$0x6480];
	v35 =	vmul.f32 $1.442695020e+00, v38;
	v17 =	vpop (erf)  }
0x14b: {  	v11 =	vmov v25;
	v20 =	vld [tilespmem:s1+$0x6450];
	v21 =	vmul.f32 $1.442695020e+00, v40;
	(erf) = vpow2.f32 v37;
	v24 =	vpop (erf)  }
0x14c: {  	v25 =	vmul.f32 $1.442695020e+00, v39;
	v44 =	vadd.f32 v23, v43;
	v37 =	vld [tilespmem:s1+$0x6470];
	v15 =	vadd.f32 v24, v15;
	v24 =	vpop (erf)  }
0x14d: {  	v22 =	vmul.f32 $1.442695020e+00, v22;
	v12 =	vmovc v29;
	v16 =	vadd.f32 v17, v16;
	v42 =	vmul.f32 $1.442695020e+00, v26;
	v41 =	vld [tilespmem:s1+$0x6430]  }
0x14e: {  	v17 =	vadd.f32 v28, v44;
	v43 =	vld [tilespmem:s1+$0x6440];
	v29 =	vmul.f32 $1.442695020e+00, v32;
	(erf) = vpow2.f32 v25;
	v23 =	vpop (erf)  }
0x14f: {  	v44 =	vmul.f32 $1.442695020e+00, v34;
	v45 =	vld [tilespmem:s1+$0x6490];
	(erf) = vpow2.f32 v42;
	v16 =	vadd.f32 v23, v16  }
0x150: {  	v18 =	vadd.f32 v18, v31;
	v42 =	vmul.f32 $1.442695020e+00, v36;
	v28 =	vld [tilespmem:s1+$0x64E0];
	(erf) = vpow2.f32 v22  }
0x151: {  	v19 =	vmul.f32 $1.442695020e+00, v19;
	v25 =	vld [tilespmem:s1+$0x6410];
	(erf) = vpow2.f32 v35;
	v16 =	vadd.f32 v9, v16;
	v22 =	vpop (erf)  }
0x152: {  	v23 =	vmul.f32 $1.442695020e+00, v37;
	v46 =	vld [tilespmem:s9+$0x6400];
	v34 =	vmax.f32 v41, v34;
	(erf) = vpow2.f32 v29;
	v31 =	vpop (erf)  }
0x153: {  	v24 =	vadd.f32 v24, v18;
	v41 =	vmul.f32 $1.442695020e+00, v41;
	v29 =	vld [tilespmem:s1+$0x6420];
	v35 =	vmax.f32 v34, v32  }
0x154: {  	v47 =	vmul.f32 $1.442695020e+00, v20;
	v16 =	vadd.f32 v31, v16;
	v9 =	vpop (erf);
	(erf) = vpow2.f32 v42  }
0x155: {  	v48 =	vmul.f32 $1.442695020e+00, v45;
	v31 =	vmax.f32 v43, v45;
	v34 =	vld [tilespmem:s1+$0x6570];
	(erf) = vpow2.f32 v19  }
0x156: {  	v31 =	vmax.f32 v31, v28;
	v16 =	vadd.f32 v22, v16;
	v42 =	vmax.f32 v25, v13;
	v32 =	vld [tilespmem:s9+$0x6580]  }
0x157: {  	v45 =	vadd.f32 v10, v24;
	v49 =	vmax.f32 v46, v20;
	v19 =	vld [tilespmem:s1+$0x6510];
	(erf) = vpow2.f32 v48;
	v18 =	vpop (erf)  }
0x158: {  	v24 =	vmax.f32 v49, v26;
	v26 =	vmax.f32 v35, v36;
	v22 =	vld [tilespmem:s1+$0x6560];
	(erf) = vpow2.f32 v44;
	v20 =	vpop (erf)  }
0x159: {  	v39 =	vmax.f32 v31, v39;
	v36 =	vmul.f32 $1.442695020e+00, v43;
	v43 =	vmax.f32 v29, v37;
	v35 =	vld [tilespmem:s1+$0x6540];
	v31 =	vpop (erf)  }
0x15a: {  	v33 =	vmax.f32 v42, v33;
	v37 =	vmul.f32 $1.442695020e+00, v46;
	v38 =	vmax.f32 v43, v38;
	v10 =	vpop (erf)  }
.Ltmp4:
0x15b: {  	v33 =	vmax.f32 v33, v30;
	v42 =	vmax.f32 v26, v34;
	v30 =	vmax.f32 v39, v32;
	v26 =	vpop (erf);
	(pc) =	sbr.rel @p0 .LBB2_7-.Ltmp4, $4  }
0x15c: {  	v43 =	vmax.f32 v24, v40;
	v40 =	vmax.f32 v38, v19;
	(erf) = vpow2.f32 v41  }
0x15d: {  	v38 =	vmax.f32 v40, v22;
	(erf) = vpow2.f32 v36;
	v24 =	vpop (erf)  }
0x15e: {  	v27 =	vmax.f32 v33, v27;
	v36 =	vmax.f32 v43, v35;
	(erf) = vpow2.f32 v47;
	v39 =	vpop (erf)  }
0x15f: {  	s2 =	sadd.s32 $0x190, s2;
	s4 =	sadd.s32 $0x10, s4;
	s26 =	smov.u32 s10;
	v33 =	vmax.f32 v36, v27;
	v36 =	vmax.f32 v38, v42;
	v27 =	vadd.f32 v39, v45  }
0x160: {  	v28 =	vmul.f32 $1.442695020e+00, v28  }
0x161: {  	(erf) = vpow2.f32 v37;
	v35 =	vmul.f32 $1.442695020e+00, v35  }
0x162: {  	(erf) = vpow2.f32 v21;
	v21 =	vmul.f32 $1.442695020e+00, v34  }
0x163: {  	(erf) = vpow2.f32 v28;
	v28 =	vmul.f32 $1.442695020e+00, v29  }
0x164: {  	v25 =	vmul.f32 $1.442695020e+00, v25;
	(erf) = vpow2.f32 v35  }
0x165: {  	v29 =	vpop (erf);
	(erf) = vpow2.f32 v21  }
0x166: {  	v32 =	vmul.f32 $1.442695020e+00, v32;
	v21 =	vpop (erf);
	(erf) = vpow2.f32 v28  }
0x167: {  	v13 =	vmul.f32 $1.442695020e+00, v13;
	v28 =	vpop (erf);
	(erf) = vpow2.f32 v25  }
0x168: {  	v25 =	vpop (erf);
	(erf) = vpow2.f32 v32  }
0x169: {  	v46 =	vpop (erf);
	(erf) = vpow2.f32 v23  }
0x16a: {  	v23 =	vpop (erf);
	(erf) = vpow2.f32 v13  }
0x16b: {  	v13 =	vpop (erf);
	(erf) = vpow2.f32 v11;
	v11 =	vmul.f32 $1.442695020e+00, v22  }
0x16c: {  	v22 =	vpop (erf);
	(erf) = vpow2.f32 v12;
	v12 =	vmul.f32 $1.442695020e+00, v19;
	_ =	sdelay $0x1  }
0x16d: {  	v19 =	vpop (erf);
	(erf) = vpow2.f32 v11  }
0x16e: {  	v47 =	vpop (erf);
	(erf) = vpow2.f32 v12  }
0x16f: {  	v12 =	vpop (erf)  }
0x170: {  	v48 =	vpop (erf)  }
0x171: {  	v49 =	vpop (erf)  }
0x172: {  	v38 =	vpop (erf)  }
0x173: {  	v11 =	vmax.f32 v36, v30;
	v39 =	vpop (erf)  }
0x174: {  	v40 =	vpop (erf)  }
0x175: {  	v30 =	vpop (erf)  }
0x176: {  	s0 =	sand.u32 $0x1F0, s0;
	v33 =	vmax.f32 v33, v11;
	v11 =	vpop (erf)  }
0x177: {  	[tilespmem:s0+$0x18B00] =	vst v33;
	v50 =	vpop (erf)  }
0x178: {  	_ =	swait.ge [sflag:s20], $0x3200  }
0x179: {  	s10 =	sadd.s32 $0xFA00, s31;
	[sflag:s20] =	ssyncset.done $0x0  }
0x17a: {  	s26 =	simm.s32 $0x0;
	s1 =	simm.s32 $0x0;
	[sflag:s20] =	ssyncadd.s32 $0xFFFFCE00  }
0x17b: {  	[tilespmem:s23], [sflag:$0x2] =	stream.strided.gather [hbm4b:s10+s14], $0x3200, s15, s14, $0x38;
	[tilespmem:$0x1A800] =	vst v63  }
0x17c: {  	s2 =	sand.u32 $0x3FF0, s26;
	v14 =	vadd.f32 v28, v14;
	v41 =	vld [tilespmem:s1+$0x9750]  }
0x17d: {  	v15 =	vadd.f32 v25, v15;
	v42 =	vld [tilespmem:s2+$0x9700]  }
0x17e: {  	v14 =	vadd.f32 v21, v14;
	v28 =	vld [tilespmem:s1+$0x96B0]  }
0x17f: {  	v17 =	vadd.f32 v23, v17;
	v15 =	vadd.f32 v29, v15;
	v23 =	vld [tilespmem:s1+$0x9720]  }
0x180: {  	v14 =	vadd.f32 v26, v14;
	v21 =	vld [tilespmem:s1+$0x9730]  }
0x181: {  	v17 =	vadd.f32 v46, v17;
	v15 =	vadd.f32 v22, v15;
	v29 =	vld [tilespmem:s1+$0x96C0]  }
0x182: {  	v27 =	vadd.f32 v31, v27;
	v14 =	vadd.f32 v24, v14;
	v25 =	vmin.f32 v8, v33;
	v26 =	vld [tilespmem:s1+$0x96F0]  }
0x183: {  	v17 =	vadd.f32 v20, v17;
	v15 =	vadd.f32 v18, v15;
	v43 =	vmin.f32 v5, v25;
	v20 =	vld [tilespmem:s1+$0x96A0]  }
0x184: {  	v18 =	vadd.f32 v47, v14;
	v5 =	vmax.f32 v5, v25;
	v31 =	vmin.f32 v4, v43;
	v24 =	vld [tilespmem:s1+$0x9660]  }
0x185: {  	v13 =	vadd.f32 v13, v17;
	v22 =	vmin.f32 v6, v31;
	v14 =	vadd.f32 v48, v16;
	v17 =	vld [tilespmem:s1+$0x96D0]  }
0x186: {  	v12 =	vadd.f32 v12, v27;
	v7 =	vmax.f32 v7, v22;
	v22 =	vadd.f32 v49, v15;
	v16 =	vld [tilespmem:s2+$0x9680]  }
0x187: {  	v6 =	vmax.f32 v6, v31;
	v13 =	vadd.f32 v19, v13;
	v25 =	vadd.f32 v39, v14;
	v19 =	vld [tilespmem:s1+$0x9650]  }
0x188: {  	v12 =	vadd.f32 v38, v12;
	v31 =	vld [tilespmem:s1+$0x9670];
	v15 =	vmul.f32 $1.442695020e+00, v41;
	v14 =	vmul.f32 $1.442695020e+00, v42  }
0x189: {  	v9 =	vadd.f32 v9, v25;
	v52 =	vld [tilespmem:s1+$0x9630];
	v27 =	vmul.f32 $1.442695020e+00, v28;
	v51 =	vmul.f32 $1.442695020e+00, v29  }
0x18a: {  	v10 =	vadd.f32 v10, v12;
	v54 =	vld [tilespmem:s1+$0x9640];
	v25 =	vmul.f32 $1.442695020e+00, v26;
	v53 =	vmul.f32 $1.442695020e+00, v21  }
0x18b: {  	v9 =	vadd.f32 v30, v9;
	v55 =	vld [tilespmem:s1+$0x9690];
	v30 =	vmul.f32 $1.442695020e+00, v17;
	v12 =	vmul.f32 $1.442695020e+00, v16  }
0x18c: {  	v8 =	vmax.f32 v8, v33;
	v56 =	vld [tilespmem:s1+$0x9610];
	(erf) = vpow2.f32 v27;
	v27 =	vmul.f32 $1.442695020e+00, v20  }
0x18d: {  	v4 =	vmax.f32 v4, v43;
	v57 =	vld [tilespmem:s1+$0x96E0];
	v58 =	vmul.f32 $1.442695020e+00, v23;
	(erf) = vpow2.f32 v53  }
0x18e: {  	v59 =	vadd.f32 v50, v10;
	v60 =	vmul.f32 $1.442695020e+00, v31;
	(erf) = vpow2.f32 v27;
	v27 =	vld [tilespmem:s2+$0x9600]  }
0x18f: {  	v10 =	vmax.f32 v52, v16;
	v33 =	vmul.f32 $1.442695020e+00, v52;
	(erf) = vpow2.f32 v51  }
0x190: {  	v61 =	vmul.f32 $1.442695020e+00, v19;
	v16 =	vmax.f32 v54, v55;
	(erf) = vpow2.f32 v30;
	v30 =	vld [tilespmem:s1+$0x9620]  }
0x191: {  	v62 =	vld [tilespmem:s1+$0x9770];
	v63 =	vmax.f32 v56, v24;
	v24 =	vmul.f32 $1.442695020e+00, v24;
	v10 =	vmax.f32 v10, v17  }
0x192: {  	v48 =	vld [tilespmem:s2+$0x9780];
	v17 =	vmul.f32 $1.442695020e+00, v55;
	v44 =	vmax.f32 v16, v57;
	v28 =	vmax.f32 v63, v28  }
0x193: {  	v16 =	vld [tilespmem:s1+$0x9710];
	v10 =	vmax.f32 v10, v23;
	(erf) = vpow2.f32 v58;
	v19 =	vmax.f32 v27, v19  }
0x194: {  	v21 =	vmax.f32 v44, v21;
	(erf) = vpow2.f32 v17;
	v17 =	vmax.f32 v19, v20;
	v19 =	vld [tilespmem:s1+$0x9740]  }
0x195: {  	v28 =	vmax.f32 v28, v42;
	(erf) = vpow2.f32 v12;
	v20 =	vld [tilespmem:s1+$0x9760];
	v23 =	vmax.f32 v30, v31  }
0x196: {  	v12 =	vmul.f32 $1.442695020e+00, v54;
	(erf) = vpow2.f32 v33;
	v23 =	vmax.f32 v23, v29  }
0x197: {  	v21 =	vmax.f32 v21, v48;
	v31 =	vmax.f32 v10, v62;
	v10 =	vmax.f32 v17, v26;
	v29 =	vpop (erf)  }
0x198: {  	v27 =	vmul.f32 $1.442695020e+00, v27;
	v26 =	vmax.f32 v28, v41;
	(erf) = vpow2.f32 v12;
	v49 =	vpop (erf)  }
0x199: {  	v30 =	vmul.f32 $1.442695020e+00, v30;
	v17 =	vmax.f32 v23, v16;
	(erf) = vpow2.f32 v61;
	v23 =	vpop (erf)  }
0x19a: {  	v16 =	vmul.f32 $1.442695020e+00, v16;
	v12 =	vmax.f32 v10, v19;
	v17 =	vmax.f32 v17, v20;
	v10 =	vpop (erf)  }
0x19b: {  	(erf) = vpow2.f32 v27;
	v12 =	vmax.f32 v12, v26;
	v17 =	vmax.f32 v17, v31;
	v26 =	vpop (erf)  }
0x19c: {  	v27 =	vmul.f32 $1.442695020e+00, v57;
	v19 =	vmul.f32 $1.442695020e+00, v19;
	v17 =	vmax.f32 v17, v21;
	v28 =	vpop (erf)  }
0x19d: {  	s4 =	sand.u32 $0x1F0, s26;
	(erf) = vpow2.f32 v25;
	v25 =	vmul.f32 $1.442695020e+00, v62;
	v12 =	vmax.f32 v12, v17;
	v21 =	vpop (erf)  }
0x19e: {  	s10 =	simm.s32 $0x190;
	v31 =	vadd.f32 v11, v59;
	(erf) = vpow2.f32 v27;
	v17 =	vmul.f32 $1.442695020e+00, v56;
	[tilespmem:s4+$0x18D00] =	vst v12;
	v11 =	vpop (erf)  }
0x19f: {  	s9 =	simm.s32 $0x190;
	v9 =	vadd.f32 v40, v9;
	v20 =	vmul.f32 $1.442695020e+00, v20;
	(erf) = vpow2.f32 v19;
	v27 =	vld [tilespmem:s10+$0x9750];
	v50 =	vpop (erf)  }
0x1a0: {  	s26 =	sand.u32 $0x3FF0, s9;
	v19 =	vmin.f32 v8, v12;
	(erf) = vpow2.f32 v25;
	v55 =	vld [tilespmem:s10+$0x96D0];
	v18 =	vadd.f32 v50, v18  }
0x1a1: {  	v25 =	vmul.f32 $1.442695020e+00, v48;
	v51 =	vmin.f32 v5, v19;
	(erf) = vpow2.f32 v30;
	v57 =	vld [tilespmem:s26+$0x9680]  }
0x1a2: {  	v8 =	vmax.f32 v8, v12;
	v30 =	vld [tilespmem:s26+$0x9700];
	v52 =	vmin.f32 v4, v51;
	(erf) = vpow2.f32 v17;
	v17 =	vpop (erf)  }
0x1a3: {  	v38 =	vld [tilespmem:s10+$0x96B0];
	v5 =	vmax.f32 v5, v19;
	v53 =	vmin.f32 v6, v52;
	(erf) = vpow2.f32 v25;
	v54 =	vpop (erf)  }
0x1a4: {  	v36 =	vld [tilespmem:s10+$0x9730];
	v17 =	vadd.f32 v17, v22;
	(erf) = vpow2.f32 v60;
	v11 =	vadd.f32 v11, v18;
	v18 =	vpop (erf)  }
0x1a5: {  	v6 =	vmax.f32 v6, v52;
	v22 =	vld [tilespmem:s10+$0x96A0];
	(erf) = vpow2.f32 v24;
	v13 =	vadd.f32 v18, v13  }
0x1a6: {  	v60 =	vld [tilespmem:s10+$0x9630];
	v17 =	vadd.f32 v21, v17;
	v62 =	vmul.f32 $1.442695020e+00, v55;
	v63 =	vmul.f32 $1.442695020e+00, v57;
	v18 =	vpop (erf)  }
0x1a7: {  	v39 =	vld [tilespmem:s10+$0x96C0];
	v21 =	vadd.f32 v26, v11;
	v11 =	vmul.f32 $1.442695020e+00, v27;
	v12 =	vpop (erf);
	v19 =	vadd.f32 v54, v13  }
0x1a8: {  	v26 =	vmul.f32 $1.442695020e+00, v38;
	(erf) = vpow2.f32 v15;
	v17 =	vadd.f32 v12, v17;
	v25 =	vpop (erf)  }
0x1a9: {  	v24 =	vld [tilespmem:s10+$0x96F0];
	v21 =	vadd.f32 v28, v21;
	(erf) = vpow2.f32 v14;
	v15 =	vpop (erf);
	v19 =	vadd.f32 v23, v19  }
0x1aa: {  	v37 =	vld [tilespmem:s10+$0x9720];
	v28 =	vmul.f32 $1.442695020e+00, v36;
	v61 =	vmul.f32 $1.442695020e+00, v22;
	v17 =	vadd.f32 v49, v17;
	v56 =	vpop (erf)  }
0x1ab: {  	v58 =	vld [tilespmem:s10+$0x9650];
	v41 =	vmul.f32 $1.442695020e+00, v60;
	v12 =	vmul.f32 $1.442695020e+00, v30;
	v14 =	vadd.f32 v15, v21;
	v15 =	vpop (erf)  }
0x1ac: {  	v59 =	vld [tilespmem:s10+$0x9670];
	v7 =	vmax.f32 v7, v53;
	(erf) = vpow2.f32 v26;
	v23 =	vmul.f32 $1.442695020e+00, v39;
	v26 =	vpop (erf)  }
0x1ad: {  	v45 =	vld [tilespmem:s10+$0x9690];
	v18 =	vadd.f32 v18, v19;
	v9 =	vadd.f32 v15, v9;
	v19 =	vpop (erf);
	(erf) = vpow2.f32 v28  }
0x1ae: {  	v21 =	vmul.f32 $1.442695020e+00, v24;
	v15 =	vadd.f32 v26, v17;
	v26 =	vld [tilespmem:s10+$0x9640];
	v17 =	vpop (erf);
	(erf) = vpow2.f32 v61  }
0x1af: {  	v34 =	vld [tilespmem:s10+$0x9770];
	v9 =	vadd.f32 v17, v9;
	v17 =	vadd.f32 v25, v18;
	v18 =	vmul.f32 $1.442695020e+00, v37  }
0x1b0: {  	v52 =	vld [tilespmem:s26+$0x9600];
	(erf) = vpow2.f32 v20;
	v20 =	vadd.f32 v56, v31;
	v56 =	vmul.f32 $1.442695020e+00, v58  }
0x1b1: {  	v28 =	vld [tilespmem:s10+$0x96E0];
	v31 =	vpop (erf);
	(erf) = vpow2.f32 v23;
	v9 =	vadd.f32 v29, v9;
	v29 =	vmax.f32 v60, v57  }
0x1b2: {  	v53 =	vpop (erf);
	(erf) = vpow2.f32 v62;
	v20 =	vadd.f32 v19, v20;
	v54 =	vmax.f32 v29, v55;
	v29 =	vld [tilespmem:s10+$0x9620]  }
0x1b3: {  	v13 =	vld [tilespmem:s10+$0x9660];
	(erf) = vpow2.f32 v18;
	v18 =	vadd.f32 v53, v9;
	v9 =	vmax.f32 v26, v45  }
0x1b4: {  	v4 =	vmax.f32 v4, v51;
	v25 =	vld [tilespmem:s10+$0x9610];
	v23 =	vmul.f32 $1.442695020e+00, v59;
	(erf) = vpow2.f32 v16  }
0x1b5: {  	v32 =	vld [tilespmem:s26+$0x9780];
	v55 =	vmul.f32 $1.442695020e+00, v45;
	v57 =	vadd.f32 v10, v20;
	v42 =	vmax.f32 v54, v37  }
0x1b6: {  	v35 =	vld [tilespmem:s10+$0x9740];
	v47 =	vmax.f32 v9, v28;
	v16 =	vadd.f32 v31, v18;
	v31 =	vmax.f32 v52, v58;
	v9 =	vpop (erf)  }
0x1b7: {  	v19 =	vld [tilespmem:s10+$0x9710];
	(erf) = vpow2.f32 v55;
	v58 =	vmul.f32 $1.442695020e+00, v26;
	v18 =	vpop (erf);
	v10 =	vmax.f32 v29, v59  }
0x1b8: {  	v26 =	vmax.f32 v47, v36;
	v48 =	vmax.f32 v31, v22;
	v22 =	vld [tilespmem:s10+$0x9760];
	(erf) = vpow2.f32 v63;
	v20 =	vpop (erf)  }
0x1b9: {  	v37 =	vmul.f32 $1.442695020e+00, v52;
	v46 =	vmax.f32 v25, v13;
	v61 =	vmax.f32 v42, v34;
	v31 =	vpop (erf)  }
0x1ba: {  	v59 =	vmax.f32 v46, v38;
	v62 =	vmax.f32 v48, v24;
	v60 =	vmax.f32 v10, v39;
	v10 =	vpop (erf)  }
0x1bb: {  	v33 =	vmax.f32 v59, v30;
	v30 =	vmax.f32 v26, v32;
	v39 =	vmax.f32 v62, v35;
	v26 =	vpop (erf)  }
0x1bc: {  	v36 =	vmax.f32 v60, v19;
	v27 =	vmax.f32 v33, v27;
	(erf) = vpow2.f32 v41;
	v24 =	vpop (erf)  }
0x1bd: {  	s0 =	simm.s32 $0x10;
	v33 =	vmax.f32 v39, v27;
	v36 =	vmax.f32 v36, v22;
	(erf) = vpow2.f32 v58;
	v63 =	vpop (erf)  }
0x1be: {  	s2 =	simm.s32 $0x320;
	s4 =	simm.s32 $0x20;
	s10 =	simm.s32 $0xC80;
	v36 =	vmax.f32 v36, v61;
	(erf) = vpow2.f32 v56;
	v27 =	vadd.f32 v63, v57  }
.LBB2_9:
0x1bf: {  	s26 =	smov.u32 s10  }
0x1c0: {  	s9 =	sand.u32 $0x3FF0, s2;
	s1 =	sshra.s32 s10, $0x2;
	v28 =	vmul.f32 $1.442695020e+00, v28;
	(erf) = vpow2.f32 v37;
	v37 =	vpop (erf);
	s26 =	sadd.s32 $0x640, s10  }
0x1c1: {  	p0 =	sne.s32 s10, $0xC1C0;
	v35 =	vmul.f32 $1.442695020e+00, v35;
	v31 =	vadd.f32 v31, v27;
	v38 =	vpop (erf);
	(erf) = vpow2.f32 v21  }
0x1c2: {  	v27 =	vmax.f32 v36, v30;
	v21 =	vmul.f32 $1.442695020e+00, v34;
	(erf) = vpow2.f32 v28  }
0x1c3: {  	v30 =	vmul.f32 $1.442695020e+00, v29;
	s10 =	sand.u32 $0x1F0, s0;
	s0 =	smov.u32 s4;
	v29 =	vmax.f32 v33, v27;
	(erf) = vpow2.f32 v35  }
0x1c4: {  	v33 =	vmul.f32 $1.442695020e+00, v25;
	v34 =	vmin.f32 v8, v29;
	[tilespmem:s10+$0x18D00] =	vst v29;
	(erf) = vpow2.f32 v21  }
0x1c5: {  	v21 =	vmul.f32 $1.442695020e+00, v32;
	v32 =	vmin.f32 v5, v34;
	v27 =	vld [tilespmem:s1+$0x9750];
	(erf) = vpow2.f32 v30;
	v28 =	vpop (erf)  }
0x1c6: {  	v30 =	vld [tilespmem:s9+$0x9700];
	v14 =	vadd.f32 v28, v14;
	v28 =	vmin.f32 v4, v32;
	(erf) = vpow2.f32 v33;
	v25 =	vpop (erf)  }
0x1c7: {  	v4 =	vmax.f32 v4, v32;
	v33 =	vld [tilespmem:s1+$0x96B0];
	v32 =	vmin.f32 v6, v28;
	v35 =	vpop (erf);
	(erf) = vpow2.f32 v21  }
0x1c8: {  	v15 =	vadd.f32 v25, v15;
	v25 =	vmul.f32 $1.442695020e+00, v13;
	v36 =	vld [tilespmem:s1+$0x9720];
	(erf) = vpow2.f32 v23  }
0x1c9: {  	v6 =	vmax.f32 v6, v28;
	v14 =	vadd.f32 v38, v14;
	v7 =	vmax.f32 v7, v32;
	v39 =	vld [tilespmem:s1+$0x9730];
	v21 =	vpop (erf)  }
0x1ca: {  	v15 =	vadd.f32 v37, v15;
	v38 =	vld [tilespmem:s1+$0x96C0];
	v17 =	vadd.f32 v21, v17;
	(erf) = vpow2.f32 v25;
	v23 =	vpop (erf)  }
0x1cb: {  	v8 =	vmax.f32 v8, v29;
	v5 =	vmax.f32 v5, v34;
	v14 =	vadd.f32 v26, v14;
	v40 =	vld [tilespmem:s1+$0x96F0];
	v13 =	vpop (erf)  }
0x1cc: {  	v25 =	vmul.f32 $1.442695020e+00, v27;
	v26 =	vld [tilespmem:s1+$0x96A0];
	v21 =	vadd.f32 v35, v17;
	v15 =	vadd.f32 v13, v15;
	v28 =	vpop (erf)  }
0x1cd: {  	v29 =	vmul.f32 $1.442695020e+00, v30;
	v14 =	vadd.f32 v24, v14;
	v13 =	vld [tilespmem:s1+$0x9660];
	(erf) = vpow2.f32 v11;
	v11 =	vpop (erf)  }
0x1ce: {  	v37 =	vmul.f32 $1.442695020e+00, v33;
	v32 =	vld [tilespmem:s1+$0x96D0];
	v15 =	vadd.f32 v18, v15;
	v18 =	vpop (erf);
	(erf) = vpow2.f32 v12  }
0x1cf: {  	v43 =	vadd.f32 v20, v21;
	v14 =	vadd.f32 v11, v14;
	v34 =	vld [tilespmem:s9+$0x9680];
	v35 =	vmul.f32 $1.442695020e+00, v38;
	v17 =	vpop (erf)  }
0x1d0: {  	v11 =	vmov v25;
	v20 =	vld [tilespmem:s1+$0x9650];
	v21 =	vmul.f32 $1.442695020e+00, v40;
	(erf) = vpow2.f32 v37;
	v24 =	vpop (erf)  }
0x1d1: {  	v25 =	vmul.f32 $1.442695020e+00, v39;
	v44 =	vadd.f32 v23, v43;
	v37 =	vld [tilespmem:s1+$0x9670];
	v15 =	vadd.f32 v24, v15;
	v24 =	vpop (erf)  }
0x1d2: {  	v22 =	vmul.f32 $1.442695020e+00, v22;
	v12 =	vmovc v29;
	v16 =	vadd.f32 v17, v16;
	v42 =	vmul.f32 $1.442695020e+00, v26;
	v41 =	vld [tilespmem:s1+$0x9630]  }
0x1d3: {  	v17 =	vadd.f32 v28, v44;
	v43 =	vld [tilespmem:s1+$0x9640];
	v29 =	vmul.f32 $1.442695020e+00, v32;
	(erf) = vpow2.f32 v25;
	v23 =	vpop (erf)  }
0x1d4: {  	v44 =	vmul.f32 $1.442695020e+00, v34;
	v45 =	vld [tilespmem:s1+$0x9690];
	(erf) = vpow2.f32 v42;
	v16 =	vadd.f32 v23, v16  }
0x1d5: {  	v18 =	vadd.f32 v18, v31;
	v42 =	vmul.f32 $1.442695020e+00, v36;
	v28 =	vld [tilespmem:s1+$0x96E0];
	(erf) = vpow2.f32 v22  }
0x1d6: {  	v19 =	vmul.f32 $1.442695020e+00, v19;
	v25 =	vld [tilespmem:s1+$0x9610];
	(erf) = vpow2.f32 v35;
	v16 =	vadd.f32 v9, v16;
	v22 =	vpop (erf)  }
0x1d7: {  	v23 =	vmul.f32 $1.442695020e+00, v37;
	v46 =	vld [tilespmem:s9+$0x9600];
	v34 =	vmax.f32 v41, v34;
	(erf) = vpow2.f32 v29;
	v31 =	vpop (erf)  }
0x1d8: {  	v24 =	vadd.f32 v24, v18;
	v41 =	vmul.f32 $1.442695020e+00, v41;
	v29 =	vld [tilespmem:s1+$0x9620];
	v35 =	vmax.f32 v34, v32  }
0x1d9: {  	v47 =	vmul.f32 $1.442695020e+00, v20;
	v16 =	vadd.f32 v31, v16;
	v9 =	vpop (erf);
	(erf) = vpow2.f32 v42  }
0x1da: {  	v48 =	vmul.f32 $1.442695020e+00, v45;
	v31 =	vmax.f32 v43, v45;
	v34 =	vld [tilespmem:s1+$0x9770];
	(erf) = vpow2.f32 v19  }
0x1db: {  	v31 =	vmax.f32 v31, v28;
	v16 =	vadd.f32 v22, v16;
	v42 =	vmax.f32 v25, v13;
	v32 =	vld [tilespmem:s9+$0x9780]  }
0x1dc: {  	v45 =	vadd.f32 v10, v24;
	v49 =	vmax.f32 v46, v20;
	v19 =	vld [tilespmem:s1+$0x9710];
	(erf) = vpow2.f32 v48;
	v18 =	vpop (erf)  }
0x1dd: {  	v24 =	vmax.f32 v49, v26;
	v26 =	vmax.f32 v35, v36;
	v22 =	vld [tilespmem:s1+$0x9760];
	(erf) = vpow2.f32 v44;
	v20 =	vpop (erf)  }
0x1de: {  	v39 =	vmax.f32 v31, v39;
	v36 =	vmul.f32 $1.442695020e+00, v43;
	v43 =	vmax.f32 v29, v37;
	v35 =	vld [tilespmem:s1+$0x9740];
	v31 =	vpop (erf)  }
0x1df: {  	v33 =	vmax.f32 v42, v33;
	v37 =	vmul.f32 $1.442695020e+00, v46;
	v38 =	vmax.f32 v43, v38;
	v10 =	vpop (erf)  }
.Ltmp5:
0x1e0: {  	v33 =	vmax.f32 v33, v30;
	v42 =	vmax.f32 v26, v34;
	v30 =	vmax.f32 v39, v32;
	v26 =	vpop (erf);
	(pc) =	sbr.rel @p0 .LBB2_9-.Ltmp5, $4  }
0x1e1: {  	v43 =	vmax.f32 v24, v40;
	v40 =	vmax.f32 v38, v19;
	(erf) = vpow2.f32 v41  }
0x1e2: {  	v38 =	vmax.f32 v40, v22;
	(erf) = vpow2.f32 v36;
	v24 =	vpop (erf)  }
0x1e3: {  	v27 =	vmax.f32 v33, v27;
	v36 =	vmax.f32 v43, v35;
	(erf) = vpow2.f32 v47;
	v39 =	vpop (erf)  }
0x1e4: {  	s2 =	sadd.s32 $0x190, s2;
	s4 =	sadd.s32 $0x10, s4;
	s10 =	smov.u32 s26;
	v33 =	vmax.f32 v36, v27;
	v36 =	vmax.f32 v38, v42;
	v27 =	vadd.f32 v39, v45  }
0x1e5: {  	v28 =	vmul.f32 $1.442695020e+00, v28  }
0x1e6: {  	(erf) = vpow2.f32 v37;
	v35 =	vmul.f32 $1.442695020e+00, v35  }
0x1e7: {  	(erf) = vpow2.f32 v21;
	v21 =	vmul.f32 $1.442695020e+00, v34  }
0x1e8: {  	(erf) = vpow2.f32 v28;
	v28 =	vmul.f32 $1.442695020e+00, v29  }
0x1e9: {  	v25 =	vmul.f32 $1.442695020e+00, v25;
	(erf) = vpow2.f32 v35  }
0x1ea: {  	v29 =	vpop (erf);
	(erf) = vpow2.f32 v21  }
0x1eb: {  	v32 =	vmul.f32 $1.442695020e+00, v32;
	v21 =	vpop (erf);
	(erf) = vpow2.f32 v28  }
0x1ec: {  	v13 =	vmul.f32 $1.442695020e+00, v13;
	v28 =	vpop (erf);
	(erf) = vpow2.f32 v25  }
0x1ed: {  	v25 =	vpop (erf);
	(erf) = vpow2.f32 v32  }
0x1ee: {  	v46 =	vpop (erf);
	(erf) = vpow2.f32 v23  }
0x1ef: {  	v23 =	vpop (erf);
	(erf) = vpow2.f32 v13  }
0x1f0: {  	v13 =	vpop (erf);
	(erf) = vpow2.f32 v11;
	v11 =	vmul.f32 $1.442695020e+00, v22  }
0x1f1: {  	v22 =	vpop (erf);
	(erf) = vpow2.f32 v12;
	v12 =	vmul.f32 $1.442695020e+00, v19;
	_ =	sdelay $0x1  }
0x1f2: {  	v19 =	vpop (erf);
	(erf) = vpow2.f32 v11  }
0x1f3: {  	v47 =	vpop (erf);
	(erf) = vpow2.f32 v12  }
0x1f4: {  	v12 =	vpop (erf)  }
0x1f5: {  	v48 =	vpop (erf)  }
0x1f6: {  	v49 =	vpop (erf)  }
0x1f7: {  	v38 =	vpop (erf)  }
0x1f8: {  	v11 =	vmax.f32 v36, v30;
	v39 =	vpop (erf)  }
0x1f9: {  	v40 =	vpop (erf)  }
0x1fa: {  	v30 =	vpop (erf)  }
0x1fb: {  	s0 =	sand.u32 $0x1F0, s0;
	v33 =	vmax.f32 v33, v11;
	v11 =	vpop (erf)  }
0x1fc: {  	[tilespmem:s0+$0x18D00] =	vst v33;
	v50 =	vpop (erf)  }
0x1fd: {  	_ =	swait.ge [sflag:s18], $0x3200  }
0x1fe: {  	s10 =	sadd.s32 $0x12C00, s31;
	[sflag:s18] =	ssyncset.done $0x0  }
0x1ff: {  	s26 =	simm.s32 $0x0;
	s1 =	simm.s32 $0x0;
	[sflag:s18] =	ssyncadd.s32 $0xFFFFCE00  }
0x200: {  	[tilespmem:s24], [sflag:$0x1] =	stream.strided.gather [hbm4b:s10+s14], $0x3200, s15, s14, $0x38;
	[tilespmem:$0x1A800] =	vst v63  }
0x201: {  	s2 =	sand.u32 $0x3FF0, s26;
	v14 =	vadd.f32 v28, v14;
	v41 =	vld [tilespmem:s1+$0xC950]  }
0x202: {  	v15 =	vadd.f32 v25, v15;
	v42 =	vld [tilespmem:s2+$0xC900]  }
0x203: {  	v14 =	vadd.f32 v21, v14;
	v28 =	vld [tilespmem:s1+$0xC8B0]  }
0x204: {  	v17 =	vadd.f32 v23, v17;
	v15 =	vadd.f32 v29, v15;
	v23 =	vld [tilespmem:s1+$0xC920]  }
0x205: {  	v14 =	vadd.f32 v26, v14;
	v21 =	vld [tilespmem:s1+$0xC930]  }
0x206: {  	v17 =	vadd.f32 v46, v17;
	v15 =	vadd.f32 v22, v15;
	v29 =	vld [tilespmem:s1+$0xC8C0]  }
0x207: {  	v27 =	vadd.f32 v31, v27;
	v14 =	vadd.f32 v24, v14;
	v25 =	vmin.f32 v8, v33;
	v26 =	vld [tilespmem:s1+$0xC8F0]  }
0x208: {  	v17 =	vadd.f32 v20, v17;
	v15 =	vadd.f32 v18, v15;
	v43 =	vmin.f32 v5, v25;
	v20 =	vld [tilespmem:s1+$0xC8A0]  }
0x209: {  	v18 =	vadd.f32 v47, v14;
	v5 =	vmax.f32 v5, v25;
	v31 =	vmin.f32 v4, v43;
	v24 =	vld [tilespmem:s1+$0xC860]  }
0x20a: {  	v13 =	vadd.f32 v13, v17;
	v22 =	vmin.f32 v6, v31;
	v14 =	vadd.f32 v48, v16;
	v17 =	vld [tilespmem:s1+$0xC8D0]  }
0x20b: {  	v12 =	vadd.f32 v12, v27;
	v7 =	vmax.f32 v7, v22;
	v22 =	vadd.f32 v49, v15;
	v16 =	vld [tilespmem:s2+$0xC880]  }
0x20c: {  	v6 =	vmax.f32 v6, v31;
	v13 =	vadd.f32 v19, v13;
	v25 =	vadd.f32 v39, v14;
	v19 =	vld [tilespmem:s1+$0xC850]  }
0x20d: {  	v12 =	vadd.f32 v38, v12;
	v31 =	vld [tilespmem:s1+$0xC870];
	v15 =	vmul.f32 $1.442695020e+00, v41;
	v14 =	vmul.f32 $1.442695020e+00, v42  }
0x20e: {  	v9 =	vadd.f32 v9, v25;
	v52 =	vld [tilespmem:s1+$0xC830];
	v27 =	vmul.f32 $1.442695020e+00, v28;
	v51 =	vmul.f32 $1.442695020e+00, v29  }
0x20f: {  	v10 =	vadd.f32 v10, v12;
	v54 =	vld [tilespmem:s1+$0xC840];
	v25 =	vmul.f32 $1.442695020e+00, v26;
	v53 =	vmul.f32 $1.442695020e+00, v21  }
0x210: {  	v9 =	vadd.f32 v30, v9;
	v55 =	vld [tilespmem:s1+$0xC890];
	v30 =	vmul.f32 $1.442695020e+00, v17;
	v12 =	vmul.f32 $1.442695020e+00, v16  }
0x211: {  	v8 =	vmax.f32 v8, v33;
	v56 =	vld [tilespmem:s1+$0xC810];
	(erf) = vpow2.f32 v27;
	v27 =	vmul.f32 $1.442695020e+00, v20  }
0x212: {  	v4 =	vmax.f32 v4, v43;
	v57 =	vld [tilespmem:s1+$0xC8E0];
	v58 =	vmul.f32 $1.442695020e+00, v23;
	(erf) = vpow2.f32 v53  }
0x213: {  	v59 =	vadd.f32 v50, v10;
	v60 =	vmul.f32 $1.442695020e+00, v31;
	(erf) = vpow2.f32 v27;
	v27 =	vld [tilespmem:s2+$0xC800]  }
0x214: {  	v10 =	vmax.f32 v52, v16;
	v33 =	vmul.f32 $1.442695020e+00, v52;
	(erf) = vpow2.f32 v51  }
0x215: {  	v61 =	vmul.f32 $1.442695020e+00, v19;
	v16 =	vmax.f32 v54, v55;
	(erf) = vpow2.f32 v30;
	v30 =	vld [tilespmem:s1+$0xC820]  }
0x216: {  	v62 =	vld [tilespmem:s1+$0xC970];
	v63 =	vmax.f32 v56, v24;
	v24 =	vmul.f32 $1.442695020e+00, v24;
	v10 =	vmax.f32 v10, v17  }
0x217: {  	v48 =	vld [tilespmem:s2+$0xC980];
	v17 =	vmul.f32 $1.442695020e+00, v55;
	v44 =	vmax.f32 v16, v57;
	v28 =	vmax.f32 v63, v28  }
0x218: {  	v16 =	vld [tilespmem:s1+$0xC910];
	v10 =	vmax.f32 v10, v23;
	(erf) = vpow2.f32 v58;
	v19 =	vmax.f32 v27, v19  }
0x219: {  	v21 =	vmax.f32 v44, v21;
	(erf) = vpow2.f32 v17;
	v17 =	vmax.f32 v19, v20;
	v19 =	vld [tilespmem:s1+$0xC940]  }
0x21a: {  	v28 =	vmax.f32 v28, v42;
	(erf) = vpow2.f32 v12;
	v20 =	vld [tilespmem:s1+$0xC960];
	v23 =	vmax.f32 v30, v31  }
0x21b: {  	v12 =	vmul.f32 $1.442695020e+00, v54;
	(erf) = vpow2.f32 v33;
	v23 =	vmax.f32 v23, v29  }
0x21c: {  	v21 =	vmax.f32 v21, v48;
	v31 =	vmax.f32 v10, v62;
	v10 =	vmax.f32 v17, v26;
	v29 =	vpop (erf)  }
0x21d: {  	v27 =	vmul.f32 $1.442695020e+00, v27;
	v26 =	vmax.f32 v28, v41;
	(erf) = vpow2.f32 v12;
	v49 =	vpop (erf)  }
0x21e: {  	v30 =	vmul.f32 $1.442695020e+00, v30;
	v17 =	vmax.f32 v23, v16;
	(erf) = vpow2.f32 v61;
	v23 =	vpop (erf)  }
0x21f: {  	v16 =	vmul.f32 $1.442695020e+00, v16;
	v12 =	vmax.f32 v10, v19;
	v17 =	vmax.f32 v17, v20;
	v10 =	vpop (erf)  }
0x220: {  	(erf) = vpow2.f32 v27;
	v12 =	vmax.f32 v12, v26;
	v17 =	vmax.f32 v17, v31;
	v26 =	vpop (erf)  }
0x221: {  	v27 =	vmul.f32 $1.442695020e+00, v57;
	v19 =	vmul.f32 $1.442695020e+00, v19;
	v17 =	vmax.f32 v17, v21;
	v28 =	vpop (erf)  }
0x222: {  	s4 =	sand.u32 $0x1F0, s26;
	(erf) = vpow2.f32 v25;
	v25 =	vmul.f32 $1.442695020e+00, v62;
	v12 =	vmax.f32 v12, v17;
	v21 =	vpop (erf)  }
0x223: {  	s10 =	simm.s32 $0x190;
	v31 =	vadd.f32 v11, v59;
	(erf) = vpow2.f32 v27;
	v17 =	vmul.f32 $1.442695020e+00, v56;
	[tilespmem:s4+$0x18F00] =	vst v12;
	v11 =	vpop (erf)  }
0x224: {  	s9 =	simm.s32 $0x190;
	v9 =	vadd.f32 v40, v9;
	v20 =	vmul.f32 $1.442695020e+00, v20;
	(erf) = vpow2.f32 v19;
	v27 =	vld [tilespmem:s10+$0xC950];
	v50 =	vpop (erf)  }
0x225: {  	s26 =	sand.u32 $0x3FF0, s9;
	v19 =	vmin.f32 v8, v12;
	(erf) = vpow2.f32 v25;
	v55 =	vld [tilespmem:s10+$0xC8D0];
	v18 =	vadd.f32 v50, v18  }
0x226: {  	v25 =	vmul.f32 $1.442695020e+00, v48;
	v51 =	vmin.f32 v5, v19;
	(erf) = vpow2.f32 v30;
	v57 =	vld [tilespmem:s26+$0xC880]  }
0x227: {  	v8 =	vmax.f32 v8, v12;
	v30 =	vld [tilespmem:s26+$0xC900];
	v52 =	vmin.f32 v4, v51;
	(erf) = vpow2.f32 v17;
	v17 =	vpop (erf)  }
0x228: {  	v38 =	vld [tilespmem:s10+$0xC8B0];
	v5 =	vmax.f32 v5, v19;
	v53 =	vmin.f32 v6, v52;
	(erf) = vpow2.f32 v25;
	v54 =	vpop (erf)  }
0x229: {  	v36 =	vld [tilespmem:s10+$0xC930];
	v17 =	vadd.f32 v17, v22;
	(erf) = vpow2.f32 v60;
	v11 =	vadd.f32 v11, v18;
	v18 =	vpop (erf)  }
0x22a: {  	v6 =	vmax.f32 v6, v52;
	v22 =	vld [tilespmem:s10+$0xC8A0];
	(erf) = vpow2.f32 v24;
	v13 =	vadd.f32 v18, v13  }
0x22b: {  	v60 =	vld [tilespmem:s10+$0xC830];
	v17 =	vadd.f32 v21, v17;
	v62 =	vmul.f32 $1.442695020e+00, v55;
	v63 =	vmul.f32 $1.442695020e+00, v57;
	v18 =	vpop (erf)  }
0x22c: {  	v39 =	vld [tilespmem:s10+$0xC8C0];
	v21 =	vadd.f32 v26, v11;
	v11 =	vmul.f32 $1.442695020e+00, v27;
	v12 =	vpop (erf);
	v19 =	vadd.f32 v54, v13  }
0x22d: {  	v26 =	vmul.f32 $1.442695020e+00, v38;
	(erf) = vpow2.f32 v15;
	v17 =	vadd.f32 v12, v17;
	v25 =	vpop (erf)  }
0x22e: {  	v24 =	vld [tilespmem:s10+$0xC8F0];
	v21 =	vadd.f32 v28, v21;
	(erf) = vpow2.f32 v14;
	v15 =	vpop (erf);
	v19 =	vadd.f32 v23, v19  }
0x22f: {  	v37 =	vld [tilespmem:s10+$0xC920];
	v28 =	vmul.f32 $1.442695020e+00, v36;
	v61 =	vmul.f32 $1.442695020e+00, v22;
	v17 =	vadd.f32 v49, v17;
	v56 =	vpop (erf)  }
0x230: {  	v58 =	vld [tilespmem:s10+$0xC850];
	v41 =	vmul.f32 $1.442695020e+00, v60;
	v12 =	vmul.f32 $1.442695020e+00, v30;
	v14 =	vadd.f32 v15, v21;
	v15 =	vpop (erf)  }
0x231: {  	v59 =	vld [tilespmem:s10+$0xC870];
	v7 =	vmax.f32 v7, v53;
	(erf) = vpow2.f32 v26;
	v23 =	vmul.f32 $1.442695020e+00, v39;
	v26 =	vpop (erf)  }
0x232: {  	v45 =	vld [tilespmem:s10+$0xC890];
	v18 =	vadd.f32 v18, v19;
	v9 =	vadd.f32 v15, v9;
	v19 =	vpop (erf);
	(erf) = vpow2.f32 v28  }
0x233: {  	v21 =	vmul.f32 $1.442695020e+00, v24;
	v15 =	vadd.f32 v26, v17;
	v26 =	vld [tilespmem:s10+$0xC840];
	v17 =	vpop (erf);
	(erf) = vpow2.f32 v61  }
0x234: {  	v34 =	vld [tilespmem:s10+$0xC970];
	v9 =	vadd.f32 v17, v9;
	v17 =	vadd.f32 v25, v18;
	v18 =	vmul.f32 $1.442695020e+00, v37  }
0x235: {  	v52 =	vld [tilespmem:s26+$0xC800];
	(erf) = vpow2.f32 v20;
	v20 =	vadd.f32 v56, v31;
	v56 =	vmul.f32 $1.442695020e+00, v58  }
0x236: {  	v28 =	vld [tilespmem:s10+$0xC8E0];
	v31 =	vpop (erf);
	(erf) = vpow2.f32 v23;
	v9 =	vadd.f32 v29, v9;
	v29 =	vmax.f32 v60, v57  }
0x237: {  	v53 =	vpop (erf);
	(erf) = vpow2.f32 v62;
	v20 =	vadd.f32 v19, v20;
	v54 =	vmax.f32 v29, v55;
	v29 =	vld [tilespmem:s10+$0xC820]  }
0x238: {  	v13 =	vld [tilespmem:s10+$0xC860];
	(erf) = vpow2.f32 v18;
	v18 =	vadd.f32 v53, v9;
	v9 =	vmax.f32 v26, v45  }
0x239: {  	v4 =	vmax.f32 v4, v51;
	v25 =	vld [tilespmem:s10+$0xC810];
	v23 =	vmul.f32 $1.442695020e+00, v59;
	(erf) = vpow2.f32 v16  }
0x23a: {  	v32 =	vld [tilespmem:s26+$0xC980];
	v55 =	vmul.f32 $1.442695020e+00, v45;
	v57 =	vadd.f32 v10, v20;
	v42 =	vmax.f32 v54, v37  }
0x23b: {  	v35 =	vld [tilespmem:s10+$0xC940];
	v47 =	vmax.f32 v9, v28;
	v16 =	vadd.f32 v31, v18;
	v31 =	vmax.f32 v52, v58;
	v9 =	vpop (erf)  }
0x23c: {  	v19 =	vld [tilespmem:s10+$0xC910];
	(erf) = vpow2.f32 v55;
	v58 =	vmul.f32 $1.442695020e+00, v26;
	v18 =	vpop (erf);
	v10 =	vmax.f32 v29, v59  }
0x23d: {  	v26 =	vmax.f32 v47, v36;
	v48 =	vmax.f32 v31, v22;
	v22 =	vld [tilespmem:s10+$0xC960];
	(erf) = vpow2.f32 v63;
	v20 =	vpop (erf)  }
0x23e: {  	v37 =	vmul.f32 $1.442695020e+00, v52;
	v46 =	vmax.f32 v25, v13;
	v61 =	vmax.f32 v42, v34;
	v31 =	vpop (erf)  }
0x23f: {  	v59 =	vmax.f32 v46, v38;
	v62 =	vmax.f32 v48, v24;
	v60 =	vmax.f32 v10, v39;
	v10 =	vpop (erf)  }
0x240: {  	v33 =	vmax.f32 v59, v30;
	v30 =	vmax.f32 v26, v32;
	v39 =	vmax.f32 v62, v35;
	v26 =	vpop (erf)  }
0x241: {  	v36 =	vmax.f32 v60, v19;
	v27 =	vmax.f32 v33, v27;
	(erf) = vpow2.f32 v41;
	v24 =	vpop (erf)  }
0x242: {  	s0 =	simm.s32 $0x10;
	v33 =	vmax.f32 v39, v27;
	v36 =	vmax.f32 v36, v22;
	(erf) = vpow2.f32 v58;
	v63 =	vpop (erf)  }
0x243: {  	s2 =	simm.s32 $0x320;
	s4 =	simm.s32 $0x20;
	s10 =	simm.s32 $0xC80;
	v36 =	vmax.f32 v36, v61;
	(erf) = vpow2.f32 v56;
	v27 =	vadd.f32 v63, v57  }
.LBB2_11:
0x244: {  	s26 =	smov.u32 s10  }
0x245: {  	s9 =	sand.u32 $0x3FF0, s2;
	s1 =	sshra.s32 s10, $0x2;
	v28 =	vmul.f32 $1.442695020e+00, v28;
	(erf) = vpow2.f32 v37;
	v37 =	vpop (erf);
	s26 =	sadd.s32 $0x640, s10  }
0x246: {  	p0 =	sne.s32 s10, $0xC1C0;
	v35 =	vmul.f32 $1.442695020e+00, v35;
	v31 =	vadd.f32 v31, v27;
	v38 =	vpop (erf);
	(erf) = vpow2.f32 v21  }
0x247: {  	v27 =	vmax.f32 v36, v30;
	v21 =	vmul.f32 $1.442695020e+00, v34;
	(erf) = vpow2.f32 v28  }
0x248: {  	v30 =	vmul.f32 $1.442695020e+00, v29;
	s10 =	sand.u32 $0x1F0, s0;
	s0 =	smov.u32 s4;
	v29 =	vmax.f32 v33, v27;
	(erf) = vpow2.f32 v35  }
0x249: {  	v33 =	vmul.f32 $1.442695020e+00, v25;
	v34 =	vmin.f32 v8, v29;
	[tilespmem:s10+$0x18F00] =	vst v29;
	(erf) = vpow2.f32 v21  }
0x24a: {  	v21 =	vmul.f32 $1.442695020e+00, v32;
	v32 =	vmin.f32 v5, v34;
	v27 =	vld [tilespmem:s1+$0xC950];
	(erf) = vpow2.f32 v30;
	v28 =	vpop (erf)  }
0x24b: {  	v30 =	vld [tilespmem:s9+$0xC900];
	v14 =	vadd.f32 v28, v14;
	v28 =	vmin.f32 v4, v32;
	(erf) = vpow2.f32 v33;
	v25 =	vpop (erf)  }
0x24c: {  	v4 =	vmax.f32 v4, v32;
	v33 =	vld [tilespmem:s1+$0xC8B0];
	v32 =	vmin.f32 v6, v28;
	v35 =	vpop (erf);
	(erf) = vpow2.f32 v21  }
0x24d: {  	v15 =	vadd.f32 v25, v15;
	v25 =	vmul.f32 $1.442695020e+00, v13;
	v36 =	vld [tilespmem:s1+$0xC920];
	(erf) = vpow2.f32 v23  }
0x24e: {  	v6 =	vmax.f32 v6, v28;
	v14 =	vadd.f32 v38, v14;
	v7 =	vmax.f32 v7, v32;
	v39 =	vld [tilespmem:s1+$0xC930];
	v21 =	vpop (erf)  }
0x24f: {  	v15 =	vadd.f32 v37, v15;
	v38 =	vld [tilespmem:s1+$0xC8C0];
	v17 =	vadd.f32 v21, v17;
	(erf) = vpow2.f32 v25;
	v23 =	vpop (erf)  }
0x250: {  	v8 =	vmax.f32 v8, v29;
	v5 =	vmax.f32 v5, v34;
	v14 =	vadd.f32 v26, v14;
	v40 =	vld [tilespmem:s1+$0xC8F0];
	v13 =	vpop (erf)  }
0x251: {  	v25 =	vmul.f32 $1.442695020e+00, v27;
	v26 =	vld [tilespmem:s1+$0xC8A0];
	v21 =	vadd.f32 v35, v17;
	v15 =	vadd.f32 v13, v15;
	v28 =	vpop (erf)  }
0x252: {  	v29 =	vmul.f32 $1.442695020e+00, v30;
	v14 =	vadd.f32 v24, v14;
	v13 =	vld [tilespmem:s1+$0xC860];
	(erf) = vpow2.f32 v11;
	v11 =	vpop (erf)  }
0x253: {  	v37 =	vmul.f32 $1.442695020e+00, v33;
	v32 =	vld [tilespmem:s1+$0xC8D0];
	v15 =	vadd.f32 v18, v15;
	v18 =	vpop (erf);
	(erf) = vpow2.f32 v12  }
0x254: {  	v43 =	vadd.f32 v20, v21;
	v14 =	vadd.f32 v11, v14;
	v34 =	vld [tilespmem:s9+$0xC880];
	v35 =	vmul.f32 $1.442695020e+00, v38;
	v17 =	vpop (erf)  }
0x255: {  	v11 =	vmov v25;
	v20 =	vld [tilespmem:s1+$0xC850];
	v21 =	vmul.f32 $1.442695020e+00, v40;
	(erf) = vpow2.f32 v37;
	v24 =	vpop (erf)  }
0x256: {  	v25 =	vmul.f32 $1.442695020e+00, v39;
	v44 =	vadd.f32 v23, v43;
	v37 =	vld [tilespmem:s1+$0xC870];
	v15 =	vadd.f32 v24, v15;
	v24 =	vpop (erf)  }
0x257: {  	v22 =	vmul.f32 $1.442695020e+00, v22;
	v12 =	vmovc v29;
	v16 =	vadd.f32 v17, v16;
	v42 =	vmul.f32 $1.442695020e+00, v26;
	v41 =	vld [tilespmem:s1+$0xC830]  }
0x258: {  	v17 =	vadd.f32 v28, v44;
	v43 =	vld [tilespmem:s1+$0xC840];
	v29 =	vmul.f32 $1.442695020e+00, v32;
	(erf) = vpow2.f32 v25;
	v23 =	vpop (erf)  }
0x259: {  	v44 =	vmul.f32 $1.442695020e+00, v34;
	v45 =	vld [tilespmem:s1+$0xC890];
	(erf) = vpow2.f32 v42;
	v16 =	vadd.f32 v23, v16  }
0x25a: {  	v18 =	vadd.f32 v18, v31;
	v42 =	vmul.f32 $1.442695020e+00, v36;
	v28 =	vld [tilespmem:s1+$0xC8E0];
	(erf) = vpow2.f32 v22  }
0x25b: {  	v19 =	vmul.f32 $1.442695020e+00, v19;
	v25 =	vld [tilespmem:s1+$0xC810];
	(erf) = vpow2.f32 v35;
	v16 =	vadd.f32 v9, v16;
	v22 =	vpop (erf)  }
0x25c: {  	v23 =	vmul.f32 $1.442695020e+00, v37;
	v46 =	vld [tilespmem:s9+$0xC800];
	v34 =	vmax.f32 v41, v34;
	(erf) = vpow2.f32 v29;
	v31 =	vpop (erf)  }
0x25d: {  	v24 =	vadd.f32 v24, v18;
	v41 =	vmul.f32 $1.442695020e+00, v41;
	v29 =	vld [tilespmem:s1+$0xC820];
	v35 =	vmax.f32 v34, v32  }
0x25e: {  	v47 =	vmul.f32 $1.442695020e+00, v20;
	v16 =	vadd.f32 v31, v16;
	v9 =	vpop (erf);
	(erf) = vpow2.f32 v42  }
0x25f: {  	v48 =	vmul.f32 $1.442695020e+00, v45;
	v31 =	vmax.f32 v43, v45;
	v34 =	vld [tilespmem:s1+$0xC970];
	(erf) = vpow2.f32 v19  }
0x260: {  	v31 =	vmax.f32 v31, v28;
	v16 =	vadd.f32 v22, v16;
	v42 =	vmax.f32 v25, v13;
	v32 =	vld [tilespmem:s9+$0xC980]  }
0x261: {  	v45 =	vadd.f32 v10, v24;
	v49 =	vmax.f32 v46, v20;
	v19 =	vld [tilespmem:s1+$0xC910];
	(erf) = vpow2.f32 v48;
	v18 =	vpop (erf)  }
0x262: {  	v24 =	vmax.f32 v49, v26;
	v26 =	vmax.f32 v35, v36;
	v22 =	vld [tilespmem:s1+$0xC960];
	(erf) = vpow2.f32 v44;
	v20 =	vpop (erf)  }
0x263: {  	v39 =	vmax.f32 v31, v39;
	v36 =	vmul.f32 $1.442695020e+00, v43;
	v43 =	vmax.f32 v29, v37;
	v35 =	vld [tilespmem:s1+$0xC940];
	v31 =	vpop (erf)  }
0x264: {  	v33 =	vmax.f32 v42, v33;
	v37 =	vmul.f32 $1.442695020e+00, v46;
	v38 =	vmax.f32 v43, v38;
	v10 =	vpop (erf)  }
.Ltmp6:
0x265: {  	v33 =	vmax.f32 v33, v30;
	v42 =	vmax.f32 v26, v34;
	v30 =	vmax.f32 v39, v32;
	v26 =	vpop (erf);
	(pc) =	sbr.rel @p0 .LBB2_11-.Ltmp6, $4  }
0x266: {  	v43 =	vmax.f32 v24, v40;
	v40 =	vmax.f32 v38, v19;
	(erf) = vpow2.f32 v41  }
0x267: {  	v38 =	vmax.f32 v40, v22;
	(erf) = vpow2.f32 v36;
	v24 =	vpop (erf)  }
0x268: {  	v27 =	vmax.f32 v33, v27;
	v36 =	vmax.f32 v43, v35;
	(erf) = vpow2.f32 v47;
	v39 =	vpop (erf)  }
0x269: {  	s2 =	sadd.s32 $0x190, s2;
	s4 =	sadd.s32 $0x10, s4;
	s10 =	smov.u32 s26;
	v33 =	vmax.f32 v36, v27;
	v36 =	vmax.f32 v38, v42;
	v27 =	vadd.f32 v39, v45  }
0x26a: {  	v28 =	vmul.f32 $1.442695020e+00, v28  }
0x26b: {  	(erf) = vpow2.f32 v37;
	v35 =	vmul.f32 $1.442695020e+00, v35  }
0x26c: {  	(erf) = vpow2.f32 v21;
	v21 =	vmul.f32 $1.442695020e+00, v34  }
0x26d: {  	(erf) = vpow2.f32 v28;
	v28 =	vmul.f32 $1.442695020e+00, v29  }
0x26e: {  	v25 =	vmul.f32 $1.442695020e+00, v25;
	(erf) = vpow2.f32 v35  }
0x26f: {  	v29 =	vpop (erf);
	(erf) = vpow2.f32 v21  }
0x270: {  	v32 =	vmul.f32 $1.442695020e+00, v32;
	v21 =	vpop (erf);
	(erf) = vpow2.f32 v28  }
0x271: {  	v13 =	vmul.f32 $1.442695020e+00, v13;
	v28 =	vpop (erf);
	(erf) = vpow2.f32 v25  }
0x272: {  	v25 =	vpop (erf);
	(erf) = vpow2.f32 v32  }
0x273: {  	v50 =	vpop (erf);
	(erf) = vpow2.f32 v23  }
0x274: {  	v23 =	vpop (erf);
	(erf) = vpow2.f32 v13  }
0x275: {  	v13 =	vpop (erf);
	(erf) = vpow2.f32 v11;
	v11 =	vmul.f32 $1.442695020e+00, v22;
	_ =	sdelay $0x1  }
0x276: {  	v22 =	vpop (erf);
	(erf) = vpow2.f32 v12;
	v12 =	vmul.f32 $1.442695020e+00, v19  }
0x277: {  	v19 =	vpop (erf);
	(erf) = vpow2.f32 v11  }
0x278: {  	v11 =	vpop (erf);
	(erf) = vpow2.f32 v12  }
0x279: {  	v51 =	vpop (erf)  }
0x27a: {  	v52 =	vpop (erf)  }
0x27b: {  	v53 =	vpop (erf)  }
0x27c: {  	v38 =	vpop (erf)  }
0x27d: {  	v12 =	vmax.f32 v36, v30;
	v39 =	vpop (erf)  }
0x27e: {  	v40 =	vpop (erf)  }
0x27f: {  	v30 =	vpop (erf)  }
0x280: {  	s0 =	sand.u32 $0x1F0, s0;
	v33 =	vmax.f32 v33, v12;
	v12 =	vpop (erf)  }
0x281: {  	[tilespmem:s0+$0x18F00] =	vst v33;
	v54 =	vpop (erf)  }
0x282: {  	_ =	swait.ge [sflag:s20], $0x3200  }
0x283: {  	s2 =	sadd.s32 $0x15E00, s31;
	[sflag:s20] =	ssyncset.done $0x0  }
0x284: {  	s4 =	simm.s32 $0x0;
	s1 =	simm.s32 $0x0;
	[sflag:s20] =	ssyncadd.s32 $0xFFFFCE00  }
0x285: {  	v14 =	vadd.f32 v28, v14;
	[tilespmem:s25], [sflag:$0x2] =	stream.strided.gather [hbm4b:s2+s14], $0x2880, s15, s14, $0x38;
	[tilespmem:$0x1A800] =	vst v63  }
0x286: {  	s2 =	sand.u32 $0x3FF0, s4;
	v41 =	vld [tilespmem:s1+$0xFB50]  }
0x287: {  	v15 =	vadd.f32 v25, v15;
	v14 =	vadd.f32 v21, v14;
	v42 =	vld [tilespmem:s2+$0xFB00]  }
0x288: {  	v17 =	vadd.f32 v23, v17;
	v28 =	vld [tilespmem:s1+$0xFAB0]  }
0x289: {  	v15 =	vadd.f32 v29, v15;
	v14 =	vadd.f32 v26, v14;
	v23 =	vld [tilespmem:s1+$0xFB20]  }
0x28a: {  	v17 =	vadd.f32 v50, v17;
	v21 =	vld [tilespmem:s1+$0xFB30]  }
0x28b: {  	v15 =	vadd.f32 v22, v15;
	v14 =	vadd.f32 v24, v14;
	v29 =	vld [tilespmem:s1+$0xFAC0]  }
0x28c: {  	v27 =	vadd.f32 v31, v27;
	v17 =	vadd.f32 v20, v17;
	v26 =	vld [tilespmem:s1+$0xFAF0]  }
0x28d: {  	v15 =	vadd.f32 v18, v15;
	v18 =	vadd.f32 v11, v14;
	v25 =	vmin.f32 v8, v33;
	v20 =	vld [tilespmem:s1+$0xFAA0]  }
0x28e: {  	v13 =	vadd.f32 v13, v17;
	v8 =	vmax.f32 v8, v33;
	v43 =	vmin.f32 v5, v25;
	v24 =	vld [tilespmem:s1+$0xFA60]  }
0x28f: {  	v27 =	vadd.f32 v51, v27;
	v11 =	vadd.f32 v52, v16;
	v31 =	vmin.f32 v4, v43;
	v17 =	vld [tilespmem:s1+$0xFAD0]  }
0x290: {  	v5 =	vmax.f32 v5, v25;
	v4 =	vmax.f32 v4, v43;
	v22 =	vmin.f32 v6, v31;
	v16 =	vld [tilespmem:s2+$0xFA80]  }
0x291: {  	v13 =	vadd.f32 v19, v13;
	v7 =	vmax.f32 v7, v22;
	v22 =	vadd.f32 v39, v11;
	v25 =	vld [tilespmem:s1+$0xFA70]  }
0x292: {  	v6 =	vmax.f32 v6, v31;
	v27 =	vadd.f32 v38, v27;
	v56 =	vld [tilespmem:s1+$0xFA30];
	v14 =	vmul.f32 $1.442695020e+00, v41  }
0x293: {  	v9 =	vadd.f32 v9, v22;
	v19 =	vld [tilespmem:s1+$0xFA50];
	v11 =	vmul.f32 $1.442695020e+00, v42;
	v31 =	vmul.f32 $1.442695020e+00, v28  }
0x294: {  	v10 =	vadd.f32 v10, v27;
	v59 =	vld [tilespmem:s1+$0xFA90];
	v55 =	vmul.f32 $1.442695020e+00, v29;
	v22 =	vmul.f32 $1.442695020e+00, v26  }
0x295: {  	v9 =	vadd.f32 v30, v9;
	v60 =	vld [tilespmem:s1+$0xFA10];
	v57 =	vmul.f32 $1.442695020e+00, v21;
	v30 =	vmul.f32 $1.442695020e+00, v17  }
0x296: {  	v15 =	vadd.f32 v53, v15;
	v27 =	vmul.f32 $1.442695020e+00, v16;
	v62 =	vmul.f32 $1.442695020e+00, v23  }
0x297: {  	v10 =	vadd.f32 v54, v10;
	v58 =	vld [tilespmem:s1+$0xFA40];
	v63 =	vmul.f32 $1.442695020e+00, v25;
	v33 =	vmul.f32 $1.442695020e+00, v56  }
0x298: {  	v9 =	vadd.f32 v40, v9;
	v61 =	vld [tilespmem:s1+$0xFAE0];
	(erf) = vpow2.f32 v31;
	v31 =	vmul.f32 $1.442695020e+00, v20  }
0x299: {  	v50 =	vld [tilespmem:s1+$0xFB70];
	v16 =	vmax.f32 v56, v16;
	v48 =	vmul.f32 $1.442695020e+00, v19;
	(erf) = vpow2.f32 v57  }
0x29a: {  	v49 =	vmul.f32 $1.442695020e+00, v59;
	v51 =	vmax.f32 v60, v24;
	(erf) = vpow2.f32 v31;
	v31 =	vld [tilespmem:s2+$0xFA00]  }
0x29b: {  	v52 =	vld [tilespmem:s2+$0xFB80];
	v24 =	vmul.f32 $1.442695020e+00, v24;
	v17 =	vmax.f32 v16, v17;
	(erf) = vpow2.f32 v55  }
0x29c: {  	v16 =	vmax.f32 v58, v59;
	v28 =	vmax.f32 v51, v28;
	(erf) = vpow2.f32 v30;
	v30 =	vld [tilespmem:s1+$0xFA20]  }
0x29d: {  	v44 =	vmax.f32 v16, v61;
	v16 =	vld [tilespmem:s1+$0xFB10];
	v17 =	vmax.f32 v17, v23;
	v28 =	vmax.f32 v28, v42  }
0x29e: {  	v23 =	vld [tilespmem:s1+$0xFB40];
	v21 =	vmax.f32 v44, v21;
	v17 =	vmax.f32 v17, v50;
	(erf) = vpow2.f32 v62  }
0x29f: {  	v53 =	vld [tilespmem:s1+$0xFB60];
	v28 =	vmax.f32 v28, v41;
	(erf) = vpow2.f32 v49;
	v19 =	vmax.f32 v31, v19  }
0x2a0: {  	v21 =	vmax.f32 v21, v52;
	(erf) = vpow2.f32 v27;
	v19 =	vmax.f32 v19, v20  }
0x2a1: {  	v20 =	vmul.f32 $1.442695020e+00, v58;
	(erf) = vpow2.f32 v33;
	v25 =	vmax.f32 v30, v25  }
0x2a2: {  	v27 =	vmul.f32 $1.442695020e+00, v31;
	v19 =	vmax.f32 v19, v26;
	v25 =	vmax.f32 v25, v29;
	v29 =	vpop (erf)  }
0x2a3: {  	(erf) = vpow2.f32 v20;
	v19 =	vmax.f32 v19, v23;
	v31 =	vpop (erf);
	v25 =	vmax.f32 v25, v16  }
0x2a4: {  	v23 =	vmul.f32 $1.442695020e+00, v23;
	(erf) = vpow2.f32 v48;
	v26 =	vpop (erf);
	v25 =	vmax.f32 v25, v53  }
0x2a5: {  	v19 =	vmax.f32 v19, v28;
	v16 =	vmul.f32 $1.442695020e+00, v16;
	v20 =	vpop (erf);
	v17 =	vmax.f32 v25, v17  }
0x2a6: {  	(erf) = vpow2.f32 v27;
	v25 =	vmul.f32 $1.442695020e+00, v61;
	v28 =	vpop (erf);
	v17 =	vmax.f32 v17, v21  }
0x2a7: {  	s9 =	sand.u32 $0x1F0, s4;
	(erf) = vpow2.f32 v22;
	v22 =	vmul.f32 $1.442695020e+00, v50;
	v54 =	vpop (erf);
	v17 =	vmax.f32 v19, v17  }
0x2a8: {  	s26 =	simm.s32 $0x190;
	(erf) = vpow2.f32 v25;
	v25 =	vmul.f32 $1.442695020e+00, v30;
	v19 =	vadd.f32 v12, v10;
	v21 =	vpop (erf);
	[tilespmem:s9+$0x19100] =	vst v17  }
0x2a9: {  	v12 =	vmul.f32 $1.442695020e+00, v60;
	(erf) = vpow2.f32 v23;
	v23 =	vmin.f32 v8, v17;
	v10 =	vpop (erf);
	v27 =	vld [tilespmem:s26+$0xFB50]  }
0x2aa: {  	v8 =	vmax.f32 v8, v17;
	(erf) = vpow2.f32 v22;
	v22 =	vmul.f32 $1.442695020e+00, v52;
	v58 =	vld [tilespmem:s26+$0xFAC0];
	v30 =	vpop (erf)  }
0x2ab: {  	v55 =	vmin.f32 v5, v23;
	v59 =	vld [tilespmem:s26+$0xFAA0];
	(erf) = vpow2.f32 v25;
	v18 =	vadd.f32 v30, v18  }
0x2ac: {  	v5 =	vmax.f32 v5, v23;
	v60 =	vld [tilespmem:s26+$0xFAD0];
	v25 =	vmin.f32 v4, v55;
	(erf) = vpow2.f32 v12  }
0x2ad: {  	v4 =	vmax.f32 v4, v55;
	v12 =	vpop (erf);
	v30 =	vld [tilespmem:s26+$0xFAB0];
	(erf) = vpow2.f32 v22;
	v10 =	vadd.f32 v10, v18  }
0x2ae: {  	v49 =	vld [tilespmem:s26+$0xFA30];
	v56 =	vmin.f32 v6, v25;
	v57 =	vpop (erf);
	v12 =	vadd.f32 v12, v15;
	(erf) = vpow2.f32 v63  }
0x2af: {  	v62 =	vld [tilespmem:s26+$0xFA50];
	v6 =	vmax.f32 v6, v25;
	v15 =	vpop (erf);
	(erf) = vpow2.f32 v24;
	v18 =	vadd.f32 v28, v10  }
0x2b0: {  	s10 =	simm.s32 $0x190;
	v38 =	vld [tilespmem:s26+$0xFB30];
	v13 =	vadd.f32 v15, v13;
	v12 =	vadd.f32 v21, v12;
	v15 =	vpop (erf);
	v61 =	vmul.f32 $1.442695020e+00, v58  }
0x2b1: {  	s31 =	sand.u32 $0x3FF0, s10;
	v51 =	vld [tilespmem:s26+$0xFA40];
	v50 =	vmul.f32 $1.442695020e+00, v59;
	v52 =	vmul.f32 $1.442695020e+00, v60;
	v17 =	vpop (erf);
	v18 =	vadd.f32 v54, v18  }
0x2b2: {  	v36 =	vld [tilespmem:s31+$0xFB00];
	(erf) = vpow2.f32 v14;
	v25 =	vmul.f32 $1.442695020e+00, v30;
	v17 =	vadd.f32 v17, v12;
	v23 =	vpop (erf)  }
0x2b3: {  	v46 =	vld [tilespmem:s26+$0xFA90];
	v42 =	vmul.f32 $1.442695020e+00, v49;
	v21 =	vadd.f32 v57, v13;
	(erf) = vpow2.f32 v11;
	v14 =	vpop (erf)  }
0x2b4: {  	v24 =	vld [tilespmem:s26+$0xFAF0];
	v55 =	vmul.f32 $1.442695020e+00, v62;
	v10 =	vmul.f32 $1.442695020e+00, v27;
	v17 =	vadd.f32 v31, v17;
	v31 =	vpop (erf)  }
0x2b5: {  	v22 =	vld [tilespmem:s26+$0xFB20];
	v28 =	vmul.f32 $1.442695020e+00, v38;
	v26 =	vadd.f32 v26, v21;
	v14 =	vadd.f32 v14, v18;
	v18 =	vpop (erf)  }
0x2b6: {  	v7 =	vmax.f32 v7, v56;
	v63 =	vld [tilespmem:s26+$0xFA70];
	v57 =	vmul.f32 $1.442695020e+00, v51;
	(erf) = vpow2.f32 v25;
	v25 =	vpop (erf)  }
0x2b7: {  	v11 =	vld [tilespmem:s31+$0xFA80];
	v12 =	vmul.f32 $1.442695020e+00, v36;
	v26 =	vadd.f32 v15, v26;
	v9 =	vadd.f32 v18, v9;
	v48 =	vpop (erf)  }
0x2b8: {  	v13 =	vld [tilespmem:s26+$0xFA60];
	v18 =	vmul.f32 $1.442695020e+00, v53;
	v15 =	vadd.f32 v25, v17;
	(erf) = vpow2.f32 v28;
	v17 =	vpop (erf)  }
0x2b9: {  	v21 =	vmul.f32 $1.442695020e+00, v24;
	v53 =	vld [tilespmem:s31+$0xFA00];
	(erf) = vpow2.f32 v50;
	v9 =	vadd.f32 v17, v9  }
0x2ba: {  	v28 =	vld [tilespmem:s26+$0xFAE0];
	v17 =	vadd.f32 v23, v26;
	(erf) = vpow2.f32 v18;
	v18 =	vadd.f32 v31, v19  }
0x2bb: {  	v25 =	vld [tilespmem:s26+$0xFA10];
	v26 =	vmul.f32 $1.442695020e+00, v22;
	v19 =	vpop (erf);
	(erf) = vpow2.f32 v61;
	v9 =	vadd.f32 v29, v9  }
0x2bc: {  	v45 =	vmul.f32 $1.442695020e+00, v11;
	v31 =	vpop (erf);
	(erf) = vpow2.f32 v52;
	v29 =	vld [tilespmem:s26+$0xFA20];
	v54 =	vadd.f32 v48, v18  }
0x2bd: {  	(erf) = vpow2.f32 v26;
	v18 =	vadd.f32 v31, v9;
	v9 =	vmax.f32 v51, v46  }
0x2be: {  	v34 =	vld [tilespmem:s26+$0xFB70];
	v11 =	vmax.f32 v49, v11;
	v26 =	vmul.f32 $1.442695020e+00, v46;
	(erf) = vpow2.f32 v16  }
0x2bf: {  	v32 =	vld [tilespmem:s31+$0xFB80];
	v11 =	vmax.f32 v11, v60;
	v23 =	vmul.f32 $1.442695020e+00, v63;
	v37 =	vmax.f32 v53, v62  }
0x2c0: {  	v35 =	vld [tilespmem:s26+$0xFB40];
	v56 =	vmax.f32 v25, v13;
	v31 =	vmax.f32 v9, v28;
	(erf) = vpow2.f32 v26;
	v9 =	vpop (erf)  }
0x2c1: {  	v26 =	vmax.f32 v11, v22;
	v16 =	vadd.f32 v19, v18;
	v19 =	vld [tilespmem:s26+$0xFB10];
	v11 =	vmax.f32 v29, v63;
	v18 =	vpop (erf)  }
0x2c2: {  	v40 =	vmax.f32 v37, v59;
	v43 =	vadd.f32 v20, v54;
	v22 =	vld [tilespmem:s26+$0xFB60];
	(erf) = vpow2.f32 v45;
	v20 =	vpop (erf)  }
0x2c3: {  	v37 =	vmul.f32 $1.442695020e+00, v53;
	v30 =	vmax.f32 v56, v30;
	v38 =	vmax.f32 v31, v38;
	v31 =	vpop (erf)  }
0x2c4: {  	v60 =	vmax.f32 v40, v24;
	v36 =	vmax.f32 v30, v36;
	v58 =	vmax.f32 v11, v58;
	v11 =	vpop (erf)  }
0x2c5: {  	v62 =	vmax.f32 v60, v35;
	v59 =	vmax.f32 v26, v34;
	v27 =	vmax.f32 v36, v27;
	v26 =	vpop (erf)  }
0x2c6: {  	v30 =	vmax.f32 v38, v32;
	v33 =	vmax.f32 v58, v19;
	(erf) = vpow2.f32 v42;
	v24 =	vpop (erf)  }
0x2c7: {  	s10 =	simm.s32 $0xC80;
	v61 =	vmax.f32 v33, v22;
	v33 =	vmax.f32 v62, v27;
	(erf) = vpow2.f32 v57;
	v63 =	vpop (erf)  }
0x2c8: {  	s0 =	simm.s32 $0x10;
	s4 =	simm.s32 $0x20;
	s2 =	simm.s32 $0x320;
	v36 =	vmax.f32 v61, v59;
	(erf) = vpow2.f32 v55;
	v27 =	vadd.f32 v63, v43  }
.LBB2_13:
0x2c9: {  	s26 =	smov.u32 s10  }
0x2ca: {  	s9 =	sand.u32 $0x3FF0, s2;
	s1 =	sshra.s32 s10, $0x2;
	v28 =	vmul.f32 $1.442695020e+00, v28;
	(erf) = vpow2.f32 v37;
	v37 =	vpop (erf);
	s26 =	sadd.s32 $0x640, s10  }
0x2cb: {  	p0 =	sne.s32 s10, $0xC1C0;
	v35 =	vmul.f32 $1.442695020e+00, v35;
	v31 =	vadd.f32 v31, v27;
	v38 =	vpop (erf);
	(erf) = vpow2.f32 v21  }
0x2cc: {  	v27 =	vmax.f32 v36, v30;
	v21 =	vmul.f32 $1.442695020e+00, v34;
	(erf) = vpow2.f32 v28  }
0x2cd: {  	v30 =	vmul.f32 $1.442695020e+00, v29;
	s10 =	sand.u32 $0x1F0, s0;
	s0 =	smov.u32 s4;
	v29 =	vmax.f32 v33, v27;
	(erf) = vpow2.f32 v35  }
0x2ce: {  	v33 =	vmul.f32 $1.442695020e+00, v25;
	v34 =	vmin.f32 v8, v29;
	[tilespmem:s10+$0x19100] =	vst v29;
	(erf) = vpow2.f32 v21  }
0x2cf: {  	v21 =	vmul.f32 $1.442695020e+00, v32;
	v32 =	vmin.f32 v5, v34;
	v27 =	vld [tilespmem:s1+$0xFB50];
	(erf) = vpow2.f32 v30;
	v28 =	vpop (erf)  }
0x2d0: {  	v30 =	vld [tilespmem:s9+$0xFB00];
	v14 =	vadd.f32 v28, v14;
	v28 =	vmin.f32 v4, v32;
	(erf) = vpow2.f32 v33;
	v25 =	vpop (erf)  }
0x2d1: {  	v4 =	vmax.f32 v4, v32;
	v33 =	vld [tilespmem:s1+$0xFAB0];
	v32 =	vmin.f32 v6, v28;
	v35 =	vpop (erf);
	(erf) = vpow2.f32 v21  }
0x2d2: {  	v15 =	vadd.f32 v25, v15;
	v25 =	vmul.f32 $1.442695020e+00, v13;
	v36 =	vld [tilespmem:s1+$0xFB20];
	(erf) = vpow2.f32 v23  }
0x2d3: {  	v6 =	vmax.f32 v6, v28;
	v14 =	vadd.f32 v38, v14;
	v7 =	vmax.f32 v7, v32;
	v39 =	vld [tilespmem:s1+$0xFB30];
	v21 =	vpop (erf)  }
0x2d4: {  	v15 =	vadd.f32 v37, v15;
	v38 =	vld [tilespmem:s1+$0xFAC0];
	v17 =	vadd.f32 v21, v17;
	(erf) = vpow2.f32 v25;
	v23 =	vpop (erf)  }
0x2d5: {  	v8 =	vmax.f32 v8, v29;
	v5 =	vmax.f32 v5, v34;
	v14 =	vadd.f32 v26, v14;
	v40 =	vld [tilespmem:s1+$0xFAF0];
	v13 =	vpop (erf)  }
0x2d6: {  	v25 =	vmul.f32 $1.442695020e+00, v27;
	v26 =	vld [tilespmem:s1+$0xFAA0];
	v21 =	vadd.f32 v35, v17;
	v15 =	vadd.f32 v13, v15;
	v28 =	vpop (erf)  }
0x2d7: {  	v29 =	vmul.f32 $1.442695020e+00, v30;
	v14 =	vadd.f32 v24, v14;
	v13 =	vld [tilespmem:s1+$0xFA60];
	(erf) = vpow2.f32 v10;
	v10 =	vpop (erf)  }
0x2d8: {  	v37 =	vmul.f32 $1.442695020e+00, v33;
	v32 =	vld [tilespmem:s1+$0xFAD0];
	v15 =	vadd.f32 v18, v15;
	v18 =	vpop (erf);
	(erf) = vpow2.f32 v12  }
0x2d9: {  	v43 =	vadd.f32 v20, v21;
	v14 =	vadd.f32 v10, v14;
	v34 =	vld [tilespmem:s9+$0xFA80];
	v35 =	vmul.f32 $1.442695020e+00, v38;
	v17 =	vpop (erf)  }
0x2da: {  	v10 =	vmov v25;
	v20 =	vld [tilespmem:s1+$0xFA50];
	v21 =	vmul.f32 $1.442695020e+00, v40;
	(erf) = vpow2.f32 v37;
	v24 =	vpop (erf)  }
0x2db: {  	v25 =	vmul.f32 $1.442695020e+00, v39;
	v44 =	vadd.f32 v23, v43;
	v37 =	vld [tilespmem:s1+$0xFA70];
	v15 =	vadd.f32 v24, v15;
	v24 =	vpop (erf)  }
0x2dc: {  	v22 =	vmul.f32 $1.442695020e+00, v22;
	v12 =	vmovc v29;
	v16 =	vadd.f32 v17, v16;
	v42 =	vmul.f32 $1.442695020e+00, v26;
	v41 =	vld [tilespmem:s1+$0xFA30]  }
0x2dd: {  	v17 =	vadd.f32 v28, v44;
	v43 =	vld [tilespmem:s1+$0xFA40];
	v29 =	vmul.f32 $1.442695020e+00, v32;
	(erf) = vpow2.f32 v25;
	v23 =	vpop (erf)  }
0x2de: {  	v44 =	vmul.f32 $1.442695020e+00, v34;
	v45 =	vld [tilespmem:s1+$0xFA90];
	(erf) = vpow2.f32 v42;
	v16 =	vadd.f32 v23, v16  }
0x2df: {  	v18 =	vadd.f32 v18, v31;
	v42 =	vmul.f32 $1.442695020e+00, v36;
	v28 =	vld [tilespmem:s1+$0xFAE0];
	(erf) = vpow2.f32 v22  }
0x2e0: {  	v19 =	vmul.f32 $1.442695020e+00, v19;
	v25 =	vld [tilespmem:s1+$0xFA10];
	(erf) = vpow2.f32 v35;
	v16 =	vadd.f32 v9, v16;
	v22 =	vpop (erf)  }
0x2e1: {  	v23 =	vmul.f32 $1.442695020e+00, v37;
	v46 =	vld [tilespmem:s9+$0xFA00];
	v34 =	vmax.f32 v41, v34;
	(erf) = vpow2.f32 v29;
	v31 =	vpop (erf)  }
0x2e2: {  	v24 =	vadd.f32 v24, v18;
	v41 =	vmul.f32 $1.442695020e+00, v41;
	v29 =	vld [tilespmem:s1+$0xFA20];
	v35 =	vmax.f32 v34, v32  }
0x2e3: {  	v47 =	vmul.f32 $1.442695020e+00, v20;
	v16 =	vadd.f32 v31, v16;
	v9 =	vpop (erf);
	(erf) = vpow2.f32 v42  }
0x2e4: {  	v48 =	vmul.f32 $1.442695020e+00, v45;
	v31 =	vmax.f32 v43, v45;
	v34 =	vld [tilespmem:s1+$0xFB70];
	(erf) = vpow2.f32 v19  }
0x2e5: {  	v31 =	vmax.f32 v31, v28;
	v16 =	vadd.f32 v22, v16;
	v42 =	vmax.f32 v25, v13;
	v32 =	vld [tilespmem:s9+$0xFB80]  }
0x2e6: {  	v45 =	vadd.f32 v11, v24;
	v49 =	vmax.f32 v46, v20;
	v19 =	vld [tilespmem:s1+$0xFB10];
	(erf) = vpow2.f32 v48;
	v18 =	vpop (erf)  }
0x2e7: {  	v24 =	vmax.f32 v49, v26;
	v26 =	vmax.f32 v35, v36;
	v22 =	vld [tilespmem:s1+$0xFB60];
	(erf) = vpow2.f32 v44;
	v20 =	vpop (erf)  }
0x2e8: {  	v39 =	vmax.f32 v31, v39;
	v36 =	vmul.f32 $1.442695020e+00, v43;
	v43 =	vmax.f32 v29, v37;
	v35 =	vld [tilespmem:s1+$0xFB40];
	v31 =	vpop (erf)  }
0x2e9: {  	v33 =	vmax.f32 v42, v33;
	v37 =	vmul.f32 $1.442695020e+00, v46;
	v38 =	vmax.f32 v43, v38;
	v11 =	vpop (erf)  }
.Ltmp7:
0x2ea: {  	v33 =	vmax.f32 v33, v30;
	v42 =	vmax.f32 v26, v34;
	v30 =	vmax.f32 v39, v32;
	v26 =	vpop (erf);
	(pc) =	sbr.rel @p0 .LBB2_13-.Ltmp7, $4  }
0x2eb: {  	v43 =	vmax.f32 v24, v40;
	v40 =	vmax.f32 v38, v19;
	(erf) = vpow2.f32 v41  }
0x2ec: {  	v38 =	vmax.f32 v40, v22;
	(erf) = vpow2.f32 v36;
	v24 =	vpop (erf)  }
0x2ed: {  	v27 =	vmax.f32 v33, v27;
	v36 =	vmax.f32 v43, v35;
	(erf) = vpow2.f32 v47;
	v39 =	vpop (erf)  }
0x2ee: {  	s2 =	sadd.s32 $0x190, s2;
	s4 =	sadd.s32 $0x10, s4;
	s10 =	smov.u32 s26;
	v33 =	vmax.f32 v36, v27;
	v36 =	vmax.f32 v38, v42;
	v27 =	vadd.f32 v39, v45  }
0x2ef: {  	v28 =	vmul.f32 $1.442695020e+00, v28  }
0x2f0: {  	(erf) = vpow2.f32 v37;
	v35 =	vmul.f32 $1.442695020e+00, v35  }
0x2f1: {  	(erf) = vpow2.f32 v21;
	v21 =	vmul.f32 $1.442695020e+00, v34  }
0x2f2: {  	(erf) = vpow2.f32 v28;
	v28 =	vmul.f32 $1.442695020e+00, v29  }
0x2f3: {  	v25 =	vmul.f32 $1.442695020e+00, v25;
	(erf) = vpow2.f32 v35  }
0x2f4: {  	v29 =	vpop (erf);
	(erf) = vpow2.f32 v21  }
0x2f5: {  	v32 =	vmul.f32 $1.442695020e+00, v32;
	v21 =	vpop (erf);
	(erf) = vpow2.f32 v28  }
0x2f6: {  	v13 =	vmul.f32 $1.442695020e+00, v13;
	v28 =	vpop (erf);
	(erf) = vpow2.f32 v25  }
0x2f7: {  	v25 =	vpop (erf);
	(erf) = vpow2.f32 v32  }
0x2f8: {  	v46 =	vpop (erf);
	(erf) = vpow2.f32 v23  }
0x2f9: {  	v23 =	vpop (erf);
	(erf) = vpow2.f32 v13  }
0x2fa: {  	v13 =	vpop (erf);
	(erf) = vpow2.f32 v10;
	v10 =	vmul.f32 $1.442695020e+00, v22  }
0x2fb: {  	v22 =	vpop (erf);
	(erf) = vpow2.f32 v12;
	v12 =	vmul.f32 $1.442695020e+00, v19;
	_ =	sdelay $0x1  }
0x2fc: {  	v19 =	vpop (erf);
	(erf) = vpow2.f32 v10  }
0x2fd: {  	v47 =	vpop (erf);
	(erf) = vpow2.f32 v12  }
0x2fe: {  	v12 =	vpop (erf)  }
0x2ff: {  	v48 =	vpop (erf)  }
0x300: {  	v49 =	vpop (erf)  }
0x301: {  	v38 =	vpop (erf)  }
0x302: {  	v10 =	vmax.f32 v36, v30;
	v39 =	vpop (erf)  }
0x303: {  	v40 =	vpop (erf)  }
0x304: {  	v30 =	vpop (erf)  }
0x305: {  	s0 =	sand.u32 $0x1F0, s0;
	v33 =	vmax.f32 v33, v10;
	v10 =	vpop (erf)  }
0x306: {  	[tilespmem:s0+$0x19100] =	vst v33;
	v50 =	vpop (erf)  }
0x307: {  	_ =	swait.ge [sflag:s18], $0x3200  }
0x308: {  	[sflag:s18] =	ssyncset.done $0x0  }
0x309: {  	s4 =	simm.s32 $0x0;
	s1 =	simm.s32 $0x0;
	[sflag:s18] =	ssyncadd.s32 $0xFFFFCE00  }
0x30a: {  	s2 =	sand.u32 $0x3FF0, s4;
	v14 =	vadd.f32 v28, v14;
	v41 =	vld [tilespmem:s1+$0x12D50]  }
0x30b: {  	v15 =	vadd.f32 v25, v15;
	v42 =	vld [tilespmem:s2+$0x12D00]  }
0x30c: {  	v14 =	vadd.f32 v21, v14;
	v28 =	vld [tilespmem:s1+$0x12CB0]  }
0x30d: {  	v17 =	vadd.f32 v23, v17;
	v15 =	vadd.f32 v29, v15;
	v23 =	vld [tilespmem:s1+$0x12D20]  }
0x30e: {  	v14 =	vadd.f32 v26, v14;
	v21 =	vld [tilespmem:s1+$0x12D30]  }
0x30f: {  	v17 =	vadd.f32 v46, v17;
	v15 =	vadd.f32 v22, v15;
	v29 =	vld [tilespmem:s1+$0x12CC0]  }
0x310: {  	v27 =	vadd.f32 v31, v27;
	v14 =	vadd.f32 v24, v14;
	v25 =	vmin.f32 v8, v33;
	v26 =	vld [tilespmem:s1+$0x12CF0]  }
0x311: {  	v17 =	vadd.f32 v20, v17;
	v15 =	vadd.f32 v18, v15;
	v43 =	vmin.f32 v5, v25;
	v20 =	vld [tilespmem:s1+$0x12CA0]  }
0x312: {  	v18 =	vadd.f32 v47, v14;
	v5 =	vmax.f32 v5, v25;
	v31 =	vmin.f32 v4, v43;
	v24 =	vld [tilespmem:s1+$0x12C60]  }
0x313: {  	v13 =	vadd.f32 v13, v17;
	v22 =	vmin.f32 v6, v31;
	v14 =	vadd.f32 v48, v16;
	v17 =	vld [tilespmem:s1+$0x12CD0]  }
0x314: {  	v12 =	vadd.f32 v12, v27;
	v7 =	vmax.f32 v7, v22;
	v22 =	vadd.f32 v49, v15;
	v16 =	vld [tilespmem:s2+$0x12C80]  }
0x315: {  	v6 =	vmax.f32 v6, v31;
	v13 =	vadd.f32 v19, v13;
	v25 =	vadd.f32 v39, v14;
	v19 =	vld [tilespmem:s1+$0x12C50]  }
0x316: {  	v12 =	vadd.f32 v38, v12;
	v31 =	vld [tilespmem:s1+$0x12C70];
	v15 =	vmul.f32 $1.442695020e+00, v41;
	v14 =	vmul.f32 $1.442695020e+00, v42  }
0x317: {  	v9 =	vadd.f32 v9, v25;
	v52 =	vld [tilespmem:s1+$0x12C30];
	v27 =	vmul.f32 $1.442695020e+00, v28;
	v51 =	vmul.f32 $1.442695020e+00, v29  }
0x318: {  	v11 =	vadd.f32 v11, v12;
	v54 =	vld [tilespmem:s1+$0x12C40];
	v25 =	vmul.f32 $1.442695020e+00, v26;
	v53 =	vmul.f32 $1.442695020e+00, v21  }
0x319: {  	v9 =	vadd.f32 v30, v9;
	v55 =	vld [tilespmem:s1+$0x12C90];
	v30 =	vmul.f32 $1.442695020e+00, v17;
	v12 =	vmul.f32 $1.442695020e+00, v16  }
0x31a: {  	v8 =	vmax.f32 v8, v33;
	v56 =	vld [tilespmem:s1+$0x12C10];
	(erf) = vpow2.f32 v27;
	v27 =	vmul.f32 $1.442695020e+00, v20  }
0x31b: {  	v4 =	vmax.f32 v4, v43;
	v57 =	vld [tilespmem:s1+$0x12CE0];
	v58 =	vmul.f32 $1.442695020e+00, v23;
	(erf) = vpow2.f32 v53  }
0x31c: {  	v59 =	vadd.f32 v50, v11;
	v60 =	vmul.f32 $1.442695020e+00, v31;
	(erf) = vpow2.f32 v27;
	v27 =	vld [tilespmem:s2+$0x12C00]  }
0x31d: {  	v11 =	vmax.f32 v52, v16;
	v33 =	vmul.f32 $1.442695020e+00, v52;
	(erf) = vpow2.f32 v51  }
0x31e: {  	v61 =	vmul.f32 $1.442695020e+00, v19;
	v16 =	vmax.f32 v54, v55;
	(erf) = vpow2.f32 v30;
	v30 =	vld [tilespmem:s1+$0x12C20]  }
0x31f: {  	v62 =	vld [tilespmem:s1+$0x12D70];
	v63 =	vmax.f32 v56, v24;
	v24 =	vmul.f32 $1.442695020e+00, v24;
	v11 =	vmax.f32 v11, v17  }
0x320: {  	v48 =	vld [tilespmem:s2+$0x12D80];
	v17 =	vmul.f32 $1.442695020e+00, v55;
	v44 =	vmax.f32 v16, v57;
	v28 =	vmax.f32 v63, v28  }
0x321: {  	v16 =	vld [tilespmem:s1+$0x12D10];
	v11 =	vmax.f32 v11, v23;
	(erf) = vpow2.f32 v58;
	v19 =	vmax.f32 v27, v19  }
0x322: {  	v21 =	vmax.f32 v44, v21;
	(erf) = vpow2.f32 v17;
	v17 =	vmax.f32 v19, v20;
	v19 =	vld [tilespmem:s1+$0x12D40]  }
0x323: {  	v28 =	vmax.f32 v28, v42;
	(erf) = vpow2.f32 v12;
	v20 =	vld [tilespmem:s1+$0x12D60];
	v23 =	vmax.f32 v30, v31  }
0x324: {  	v12 =	vmul.f32 $1.442695020e+00, v54;
	(erf) = vpow2.f32 v33;
	v23 =	vmax.f32 v23, v29  }
0x325: {  	v21 =	vmax.f32 v21, v48;
	v31 =	vmax.f32 v11, v62;
	v11 =	vmax.f32 v17, v26;
	v29 =	vpop (erf)  }
0x326: {  	v27 =	vmul.f32 $1.442695020e+00, v27;
	v26 =	vmax.f32 v28, v41;
	(erf) = vpow2.f32 v12;
	v49 =	vpop (erf)  }
0x327: {  	v30 =	vmul.f32 $1.442695020e+00, v30;
	v17 =	vmax.f32 v23, v16;
	(erf) = vpow2.f32 v61;
	v23 =	vpop (erf)  }
0x328: {  	v16 =	vmul.f32 $1.442695020e+00, v16;
	v12 =	vmax.f32 v11, v19;
	v17 =	vmax.f32 v17, v20;
	v11 =	vpop (erf)  }
0x329: {  	(erf) = vpow2.f32 v27;
	v12 =	vmax.f32 v12, v26;
	v17 =	vmax.f32 v17, v31;
	v26 =	vpop (erf)  }
0x32a: {  	v27 =	vmul.f32 $1.442695020e+00, v57;
	v19 =	vmul.f32 $1.442695020e+00, v19;
	v17 =	vmax.f32 v17, v21;
	v28 =	vpop (erf)  }
0x32b: {  	s9 =	sand.u32 $0x1F0, s4;
	(erf) = vpow2.f32 v25;
	v25 =	vmul.f32 $1.442695020e+00, v62;
	v12 =	vmax.f32 v12, v17;
	v21 =	vpop (erf)  }
0x32c: {  	s26 =	simm.s32 $0x190;
	v31 =	vadd.f32 v10, v59;
	(erf) = vpow2.f32 v27;
	v17 =	vmul.f32 $1.442695020e+00, v56;
	[tilespmem:s9+$0x19300] =	vst v12;
	v10 =	vpop (erf)  }
0x32d: {  	s10 =	simm.s32 $0x190;
	v9 =	vadd.f32 v40, v9;
	v20 =	vmul.f32 $1.442695020e+00, v20;
	(erf) = vpow2.f32 v19;
	v27 =	vld [tilespmem:s26+$0x12D50];
	v50 =	vpop (erf)  }
0x32e: {  	s31 =	sand.u32 $0x3FF0, s10;
	v19 =	vmin.f32 v8, v12;
	(erf) = vpow2.f32 v25;
	v55 =	vld [tilespmem:s26+$0x12CD0];
	v18 =	vadd.f32 v50, v18  }
0x32f: {  	v25 =	vmul.f32 $1.442695020e+00, v48;
	v51 =	vmin.f32 v5, v19;
	(erf) = vpow2.f32 v30;
	v57 =	vld [tilespmem:s31+$0x12C80]  }
0x330: {  	v8 =	vmax.f32 v8, v12;
	v30 =	vld [tilespmem:s31+$0x12D00];
	v52 =	vmin.f32 v4, v51;
	(erf) = vpow2.f32 v17;
	v17 =	vpop (erf)  }
0x331: {  	v38 =	vld [tilespmem:s26+$0x12CB0];
	v5 =	vmax.f32 v5, v19;
	v53 =	vmin.f32 v6, v52;
	(erf) = vpow2.f32 v25;
	v54 =	vpop (erf)  }
0x332: {  	v36 =	vld [tilespmem:s26+$0x12D30];
	v17 =	vadd.f32 v17, v22;
	(erf) = vpow2.f32 v60;
	v10 =	vadd.f32 v10, v18;
	v18 =	vpop (erf)  }
0x333: {  	v6 =	vmax.f32 v6, v52;
	v22 =	vld [tilespmem:s26+$0x12CA0];
	(erf) = vpow2.f32 v24;
	v13 =	vadd.f32 v18, v13  }
0x334: {  	v60 =	vld [tilespmem:s26+$0x12C30];
	v17 =	vadd.f32 v21, v17;
	v62 =	vmul.f32 $1.442695020e+00, v55;
	v63 =	vmul.f32 $1.442695020e+00, v57;
	v18 =	vpop (erf)  }
0x335: {  	v39 =	vld [tilespmem:s26+$0x12CC0];
	v21 =	vadd.f32 v26, v10;
	v10 =	vmul.f32 $1.442695020e+00, v27;
	v12 =	vpop (erf);
	v19 =	vadd.f32 v54, v13  }
0x336: {  	v26 =	vmul.f32 $1.442695020e+00, v38;
	(erf) = vpow2.f32 v15;
	v17 =	vadd.f32 v12, v17;
	v25 =	vpop (erf)  }
0x337: {  	v24 =	vld [tilespmem:s26+$0x12CF0];
	v21 =	vadd.f32 v28, v21;
	(erf) = vpow2.f32 v14;
	v15 =	vpop (erf);
	v19 =	vadd.f32 v23, v19  }
0x338: {  	v37 =	vld [tilespmem:s26+$0x12D20];
	v28 =	vmul.f32 $1.442695020e+00, v36;
	v61 =	vmul.f32 $1.442695020e+00, v22;
	v17 =	vadd.f32 v49, v17;
	v56 =	vpop (erf)  }
0x339: {  	v58 =	vld [tilespmem:s26+$0x12C50];
	v41 =	vmul.f32 $1.442695020e+00, v60;
	v12 =	vmul.f32 $1.442695020e+00, v30;
	v14 =	vadd.f32 v15, v21;
	v15 =	vpop (erf)  }
0x33a: {  	v59 =	vld [tilespmem:s26+$0x12C70];
	v7 =	vmax.f32 v7, v53;
	(erf) = vpow2.f32 v26;
	v23 =	vmul.f32 $1.442695020e+00, v39;
	v26 =	vpop (erf)  }
0x33b: {  	v45 =	vld [tilespmem:s26+$0x12C90];
	v18 =	vadd.f32 v18, v19;
	v9 =	vadd.f32 v15, v9;
	v19 =	vpop (erf);
	(erf) = vpow2.f32 v28  }
0x33c: {  	v21 =	vmul.f32 $1.442695020e+00, v24;
	v15 =	vadd.f32 v26, v17;
	v26 =	vld [tilespmem:s26+$0x12C40];
	v17 =	vpop (erf);
	(erf) = vpow2.f32 v61  }
0x33d: {  	v34 =	vld [tilespmem:s26+$0x12D70];
	v9 =	vadd.f32 v17, v9;
	v17 =	vadd.f32 v25, v18;
	v18 =	vmul.f32 $1.442695020e+00, v37  }
0x33e: {  	v52 =	vld [tilespmem:s31+$0x12C00];
	(erf) = vpow2.f32 v20;
	v20 =	vadd.f32 v56, v31;
	v56 =	vmul.f32 $1.442695020e+00, v58  }
0x33f: {  	v28 =	vld [tilespmem:s26+$0x12CE0];
	v31 =	vpop (erf);
	(erf) = vpow2.f32 v23;
	v9 =	vadd.f32 v29, v9;
	v29 =	vmax.f32 v60, v57  }
0x340: {  	v53 =	vpop (erf);
	(erf) = vpow2.f32 v62;
	v20 =	vadd.f32 v19, v20;
	v54 =	vmax.f32 v29, v55;
	v29 =	vld [tilespmem:s26+$0x12C20]  }
0x341: {  	v13 =	vld [tilespmem:s26+$0x12C60];
	(erf) = vpow2.f32 v18;
	v18 =	vadd.f32 v53, v9;
	v9 =	vmax.f32 v26, v45  }
0x342: {  	v4 =	vmax.f32 v4, v51;
	v25 =	vld [tilespmem:s26+$0x12C10];
	v23 =	vmul.f32 $1.442695020e+00, v59;
	(erf) = vpow2.f32 v16  }
0x343: {  	v32 =	vld [tilespmem:s31+$0x12D80];
	v55 =	vmul.f32 $1.442695020e+00, v45;
	v57 =	vadd.f32 v11, v20;
	v42 =	vmax.f32 v54, v37  }
0x344: {  	v35 =	vld [tilespmem:s26+$0x12D40];
	v47 =	vmax.f32 v9, v28;
	v16 =	vadd.f32 v31, v18;
	v31 =	vmax.f32 v52, v58;
	v9 =	vpop (erf)  }
0x345: {  	v19 =	vld [tilespmem:s26+$0x12D10];
	(erf) = vpow2.f32 v55;
	v58 =	vmul.f32 $1.442695020e+00, v26;
	v18 =	vpop (erf);
	v11 =	vmax.f32 v29, v59  }
0x346: {  	v26 =	vmax.f32 v47, v36;
	v48 =	vmax.f32 v31, v22;
	v22 =	vld [tilespmem:s26+$0x12D60];
	(erf) = vpow2.f32 v63;
	v20 =	vpop (erf)  }
0x347: {  	v37 =	vmul.f32 $1.442695020e+00, v52;
	v46 =	vmax.f32 v25, v13;
	v61 =	vmax.f32 v42, v34;
	v31 =	vpop (erf)  }
0x348: {  	v59 =	vmax.f32 v46, v38;
	v62 =	vmax.f32 v48, v24;
	v60 =	vmax.f32 v11, v39;
	v11 =	vpop (erf)  }
0x349: {  	v33 =	vmax.f32 v59, v30;
	v30 =	vmax.f32 v26, v32;
	v39 =	vmax.f32 v62, v35;
	v26 =	vpop (erf)  }
0x34a: {  	v36 =	vmax.f32 v60, v19;
	v27 =	vmax.f32 v33, v27;
	(erf) = vpow2.f32 v41;
	v24 =	vpop (erf)  }
0x34b: {  	s10 =	simm.s32 $0xC80;
	v33 =	vmax.f32 v39, v27;
	v36 =	vmax.f32 v36, v22;
	(erf) = vpow2.f32 v58;
	v63 =	vpop (erf)  }
0x34c: {  	s4 =	simm.s32 $0x20;
	s0 =	simm.s32 $0x10;
	s2 =	simm.s32 $0x320;
	v36 =	vmax.f32 v36, v61;
	(erf) = vpow2.f32 v56;
	v27 =	vadd.f32 v63, v57  }
.LBB2_15:
0x34d: {  	s26 =	smov.u32 s10  }
0x34e: {  	s9 =	sand.u32 $0x3FF0, s2;
	s1 =	sshra.s32 s10, $0x2;
	v28 =	vmul.f32 $1.442695020e+00, v28;
	(erf) = vpow2.f32 v37;
	v37 =	vpop (erf);
	s26 =	sadd.s32 $0x640, s10  }
0x34f: {  	p0 =	sne.s32 s10, $0xC1C0;
	v35 =	vmul.f32 $1.442695020e+00, v35;
	v31 =	vadd.f32 v31, v27;
	v38 =	vpop (erf);
	(erf) = vpow2.f32 v21  }
0x350: {  	v27 =	vmax.f32 v36, v30;
	v21 =	vmul.f32 $1.442695020e+00, v34;
	(erf) = vpow2.f32 v28  }
0x351: {  	v30 =	vmul.f32 $1.442695020e+00, v29;
	s10 =	sand.u32 $0x1F0, s0;
	s0 =	smov.u32 s4;
	v29 =	vmax.f32 v33, v27;
	(erf) = vpow2.f32 v35  }
0x352: {  	v33 =	vmul.f32 $1.442695020e+00, v25;
	v34 =	vmin.f32 v8, v29;
	[tilespmem:s10+$0x19300] =	vst v29;
	(erf) = vpow2.f32 v21  }
0x353: {  	v21 =	vmul.f32 $1.442695020e+00, v32;
	v32 =	vmin.f32 v5, v34;
	v27 =	vld [tilespmem:s1+$0x12D50];
	(erf) = vpow2.f32 v30;
	v28 =	vpop (erf)  }
0x354: {  	v30 =	vld [tilespmem:s9+$0x12D00];
	v14 =	vadd.f32 v28, v14;
	v28 =	vmin.f32 v4, v32;
	(erf) = vpow2.f32 v33;
	v25 =	vpop (erf)  }
0x355: {  	v4 =	vmax.f32 v4, v32;
	v33 =	vld [tilespmem:s1+$0x12CB0];
	v32 =	vmin.f32 v6, v28;
	v35 =	vpop (erf);
	(erf) = vpow2.f32 v21  }
0x356: {  	v15 =	vadd.f32 v25, v15;
	v25 =	vmul.f32 $1.442695020e+00, v13;
	v36 =	vld [tilespmem:s1+$0x12D20];
	(erf) = vpow2.f32 v23  }
0x357: {  	v6 =	vmax.f32 v6, v28;
	v14 =	vadd.f32 v38, v14;
	v7 =	vmax.f32 v7, v32;
	v39 =	vld [tilespmem:s1+$0x12D30];
	v21 =	vpop (erf)  }
0x358: {  	v15 =	vadd.f32 v37, v15;
	v38 =	vld [tilespmem:s1+$0x12CC0];
	v17 =	vadd.f32 v21, v17;
	(erf) = vpow2.f32 v25;
	v23 =	vpop (erf)  }
0x359: {  	v8 =	vmax.f32 v8, v29;
	v5 =	vmax.f32 v5, v34;
	v14 =	vadd.f32 v26, v14;
	v40 =	vld [tilespmem:s1+$0x12CF0];
	v13 =	vpop (erf)  }
0x35a: {  	v25 =	vmul.f32 $1.442695020e+00, v27;
	v26 =	vld [tilespmem:s1+$0x12CA0];
	v21 =	vadd.f32 v35, v17;
	v15 =	vadd.f32 v13, v15;
	v28 =	vpop (erf)  }
0x35b: {  	v29 =	vmul.f32 $1.442695020e+00, v30;
	v14 =	vadd.f32 v24, v14;
	v13 =	vld [tilespmem:s1+$0x12C60];
	(erf) = vpow2.f32 v10;
	v10 =	vpop (erf)  }
0x35c: {  	v37 =	vmul.f32 $1.442695020e+00, v33;
	v32 =	vld [tilespmem:s1+$0x12CD0];
	v15 =	vadd.f32 v18, v15;
	v18 =	vpop (erf);
	(erf) = vpow2.f32 v12  }
0x35d: {  	v43 =	vadd.f32 v20, v21;
	v14 =	vadd.f32 v10, v14;
	v34 =	vld [tilespmem:s9+$0x12C80];
	v35 =	vmul.f32 $1.442695020e+00, v38;
	v17 =	vpop (erf)  }
0x35e: {  	v10 =	vmov v25;
	v20 =	vld [tilespmem:s1+$0x12C50];
	v21 =	vmul.f32 $1.442695020e+00, v40;
	(erf) = vpow2.f32 v37;
	v24 =	vpop (erf)  }
0x35f: {  	v25 =	vmul.f32 $1.442695020e+00, v39;
	v44 =	vadd.f32 v23, v43;
	v37 =	vld [tilespmem:s1+$0x12C70];
	v15 =	vadd.f32 v24, v15;
	v24 =	vpop (erf)  }
0x360: {  	v22 =	vmul.f32 $1.442695020e+00, v22;
	v12 =	vmovc v29;
	v16 =	vadd.f32 v17, v16;
	v42 =	vmul.f32 $1.442695020e+00, v26;
	v41 =	vld [tilespmem:s1+$0x12C30]  }
0x361: {  	v17 =	vadd.f32 v28, v44;
	v43 =	vld [tilespmem:s1+$0x12C40];
	v29 =	vmul.f32 $1.442695020e+00, v32;
	(erf) = vpow2.f32 v25;
	v23 =	vpop (erf)  }
0x362: {  	v44 =	vmul.f32 $1.442695020e+00, v34;
	v45 =	vld [tilespmem:s1+$0x12C90];
	(erf) = vpow2.f32 v42;
	v16 =	vadd.f32 v23, v16  }
0x363: {  	v18 =	vadd.f32 v18, v31;
	v42 =	vmul.f32 $1.442695020e+00, v36;
	v28 =	vld [tilespmem:s1+$0x12CE0];
	(erf) = vpow2.f32 v22  }
0x364: {  	v19 =	vmul.f32 $1.442695020e+00, v19;
	v25 =	vld [tilespmem:s1+$0x12C10];
	(erf) = vpow2.f32 v35;
	v16 =	vadd.f32 v9, v16;
	v22 =	vpop (erf)  }
0x365: {  	v23 =	vmul.f32 $1.442695020e+00, v37;
	v46 =	vld [tilespmem:s9+$0x12C00];
	v34 =	vmax.f32 v41, v34;
	(erf) = vpow2.f32 v29;
	v31 =	vpop (erf)  }
0x366: {  	v24 =	vadd.f32 v24, v18;
	v41 =	vmul.f32 $1.442695020e+00, v41;
	v29 =	vld [tilespmem:s1+$0x12C20];
	v35 =	vmax.f32 v34, v32  }
0x367: {  	v47 =	vmul.f32 $1.442695020e+00, v20;
	v16 =	vadd.f32 v31, v16;
	v9 =	vpop (erf);
	(erf) = vpow2.f32 v42  }
0x368: {  	v48 =	vmul.f32 $1.442695020e+00, v45;
	v31 =	vmax.f32 v43, v45;
	v34 =	vld [tilespmem:s1+$0x12D70];
	(erf) = vpow2.f32 v19  }
0x369: {  	v31 =	vmax.f32 v31, v28;
	v16 =	vadd.f32 v22, v16;
	v42 =	vmax.f32 v25, v13;
	v32 =	vld [tilespmem:s9+$0x12D80]  }
0x36a: {  	v45 =	vadd.f32 v11, v24;
	v49 =	vmax.f32 v46, v20;
	v19 =	vld [tilespmem:s1+$0x12D10];
	(erf) = vpow2.f32 v48;
	v18 =	vpop (erf)  }
0x36b: {  	v24 =	vmax.f32 v49, v26;
	v26 =	vmax.f32 v35, v36;
	v22 =	vld [tilespmem:s1+$0x12D60];
	(erf) = vpow2.f32 v44;
	v20 =	vpop (erf)  }
0x36c: {  	v39 =	vmax.f32 v31, v39;
	v36 =	vmul.f32 $1.442695020e+00, v43;
	v43 =	vmax.f32 v29, v37;
	v35 =	vld [tilespmem:s1+$0x12D40];
	v31 =	vpop (erf)  }
0x36d: {  	v33 =	vmax.f32 v42, v33;
	v37 =	vmul.f32 $1.442695020e+00, v46;
	v38 =	vmax.f32 v43, v38;
	v11 =	vpop (erf)  }
.Ltmp8:
0x36e: {  	v33 =	vmax.f32 v33, v30;
	v42 =	vmax.f32 v26, v34;
	v30 =	vmax.f32 v39, v32;
	v26 =	vpop (erf);
	(pc) =	sbr.rel @p0 .LBB2_15-.Ltmp8, $4  }
0x36f: {  	v43 =	vmax.f32 v24, v40;
	v40 =	vmax.f32 v38, v19;
	(erf) = vpow2.f32 v41  }
0x370: {  	v38 =	vmax.f32 v40, v22;
	(erf) = vpow2.f32 v36;
	v24 =	vpop (erf)  }
0x371: {  	v27 =	vmax.f32 v33, v27;
	v36 =	vmax.f32 v43, v35;
	(erf) = vpow2.f32 v47;
	v39 =	vpop (erf)  }
0x372: {  	s2 =	sadd.s32 $0x190, s2;
	s4 =	sadd.s32 $0x10, s4;
	s10 =	smov.u32 s26;
	v33 =	vmax.f32 v36, v27;
	v36 =	vmax.f32 v38, v42;
	v27 =	vadd.f32 v39, v45  }
0x373: {  	v28 =	vmul.f32 $1.442695020e+00, v28;
	(erf) = vpow2.f32 v37  }
0x374: {  	v35 =	vmul.f32 $1.442695020e+00, v35;
	(erf) = vpow2.f32 v21  }
0x375: {  	v48 =	vmul.f32 $1.442695020e+00, v34;
	(erf) = vpow2.f32 v28  }
0x376: {  	v49 =	vmul.f32 $1.442695020e+00, v29;
	(erf) = vpow2.f32 v35  }
0x377: {  	v50 =	vpop (erf);
	v25 =	vmul.f32 $1.442695020e+00, v25;
	(erf) = vpow2.f32 v48  }
0x378: {  	v32 =	vmul.f32 $1.442695020e+00, v32;
	v51 =	vpop (erf);
	(erf) = vpow2.f32 v49  }
0x379: {  	v13 =	vmul.f32 $1.442695020e+00, v13;
	v52 =	vpop (erf);
	(erf) = vpow2.f32 v25  }
0x37a: {  	v53 =	vpop (erf);
	(erf) = vpow2.f32 v32  }
0x37b: {  	v54 =	vpop (erf);
	(erf) = vpow2.f32 v23  }
0x37c: {  	v55 =	vpop (erf);
	(erf) = vpow2.f32 v13  }
0x37d: {  	v13 =	vpop (erf);
	(erf) = vpow2.f32 v10;
	v10 =	vmul.f32 $1.442695020e+00, v22  }
0x37e: {  	v56 =	vpop (erf);
	(erf) = vpow2.f32 v12;
	v12 =	vmul.f32 $1.442695020e+00, v19  }
0x37f: {  	v57 =	vpop (erf);
	(erf) = vpow2.f32 v10  }
0x380: {  	v58 =	vpop (erf);
	(erf) = vpow2.f32 v12  }
0x381: {  	v59 =	vpop (erf)  }
0x382: {  	v12 =	vpop (erf)  }
0x383: {  	v38 =	vpop (erf)  }
0x384: {  	v39 =	vpop (erf)  }
0x385: {  	v40 =	vpop (erf)  }
0x386: {  	v41 =	vpop (erf)  }
0x387: {  	v10 =	vmax.f32 v36, v30;
	v60 =	vpop (erf)  }
0x388: {  	s0 =	sand.u32 $0x1F0, s0;
	v33 =	vmax.f32 v33, v10;
	v19 =	vpop (erf)  }
0x389: {  	[tilespmem:s0+$0x19300] =	vst v33;
	v61 =	vpop (erf)  }
0x38a: {  	_ =	swait.ge [sflag:s20], $0x2880  }
0x38b: {  	[sflag:s20] =	ssyncset.done $0x0  }
0x38c: {  	s4 =	simm.s32 $0x0;
	s1 =	simm.s32 $0x0;
	[sflag:s20] =	ssyncadd.s32 $0xFFFFD780  }
0x38d: {  	s2 =	sand.u32 $0x3FF0, s4;
	v42 =	vld [tilespmem:s1+$0x15F50]  }
0x38e: {  	v15 =	vadd.f32 v53, v15;
	v43 =	vld [tilespmem:s2+$0x15F00]  }
0x38f: {  	v17 =	vadd.f32 v55, v17;
	v10 =	vadd.f32 v52, v14;
	v14 =	vld [tilespmem:s1+$0x15EB0]  }
0x390: {  	v15 =	vadd.f32 v50, v15;
	v23 =	vld [tilespmem:s1+$0x15F20]  }
0x391: {  	v17 =	vadd.f32 v54, v17;
	v62 =	vmin.f32 v8, v33;
	v21 =	vld [tilespmem:s1+$0x15F30]  }
0x392: {  	v27 =	vadd.f32 v31, v27;
	v15 =	vadd.f32 v56, v15;
	v63 =	vmin.f32 v5, v62;
	v29 =	vld [tilespmem:s1+$0x15EC0]  }
0x393: {  	v17 =	vadd.f32 v20, v17;
	v10 =	vadd.f32 v51, v10;
	v44 =	vmin.f32 v4, v63;
	v32 =	vld [tilespmem:s1+$0x15EF0]  }
0x394: {  	v48 =	vadd.f32 v59, v27;
	v28 =	vmax.f32 v4, v63;
	v4 =	vmin.f32 v6, v44;
	v20 =	vld [tilespmem:s1+$0x15EA0]  }
0x395: {  	v13 =	vadd.f32 v13, v17;
	v4 =	vmax.f32 v7, v4;
	v7 =	vadd.f32 v18, v15;
	v15 =	vld [tilespmem:s1+$0x15ED0]  }
0x396: {  	v12 =	vadd.f32 v12, v16;
	v26 =	vadd.f32 v26, v10;
	v10 =	vmax.f32 v6, v44;
	v46 =	vld [tilespmem:s2+$0x15E80]  }
0x397: {  	v6 =	vmax.f32 v8, v33;
	v8 =	vmax.f32 v5, v62;
	v5 =	vadd.f32 v38, v7;
	v7 =	vld [tilespmem:s1+$0x15E50]  }
0x398: {  	v18 =	vadd.f32 v57, v13;
	v45 =	vadd.f32 v24, v26;
	v25 =	vld [tilespmem:s1+$0x15E70]  }
0x399: {  	v47 =	vadd.f32 v40, v12;
	v26 =	vadd.f32 v39, v48;
	v51 =	vld [tilespmem:s1+$0x15E30];
	v13 =	vmul.f32 $1.442695020e+00, v42  }
0x39a: {  	v17 =	vadd.f32 v58, v45;
	v53 =	vld [tilespmem:s1+$0x15E40];
	v12 =	vmul.f32 $1.442695020e+00, v43;
	v49 =	vmul.f32 $1.442695020e+00, v14  }
0x39b: {  	v9 =	vadd.f32 v9, v47;
	v55 =	vld [tilespmem:s1+$0x15E90];
	v50 =	vmul.f32 $1.442695020e+00, v29;
	v22 =	vmul.f32 $1.442695020e+00, v32  }
0x39c: {  	v11 =	vadd.f32 v11, v26;
	v58 =	vld [tilespmem:s2+$0x15E00];
	v52 =	vmul.f32 $1.442695020e+00, v21;
	v54 =	vmul.f32 $1.442695020e+00, v20  }
0x39d: {  	v9 =	vadd.f32 v60, v9;
	v59 =	vld [tilespmem:s1+$0x15EE0];
	v56 =	vmul.f32 $1.442695020e+00, v15;
	v57 =	vmul.f32 $1.442695020e+00, v46  }
0x39e: {  	v31 =	vadd.f32 v61, v11;
	v16 =	vld [tilespmem:s1+$0x15E20];
	v60 =	vmul.f32 $1.442695020e+00, v23;
	v36 =	vmul.f32 $1.442695020e+00, v25  }
0x39f: {  	v9 =	vadd.f32 v41, v9;
	v24 =	vld [tilespmem:s1+$0x15E60];
	v61 =	vmul.f32 $1.442695020e+00, v51;
	v62 =	vmul.f32 $1.442695020e+00, v7  }
0x3a0: {  	v34 =	vld [tilespmem:s1+$0x15E10];
	v11 =	vmax.f32 v51, v46;
	v63 =	vmul.f32 $1.442695020e+00, v55;
	(erf) = vpow2.f32 v49  }
0x3a1: {  	v7 =	vmax.f32 v58, v7;
	v51 =	vmul.f32 $1.442695020e+00, v53;
	(erf) = vpow2.f32 v52  }
0x3a2: {  	v48 =	vld [tilespmem:s1+$0x15F70];
	v11 =	vmax.f32 v11, v15;
	v15 =	vmax.f32 v53, v55;
	(erf) = vpow2.f32 v54  }
0x3a3: {  	v25 =	vmax.f32 v16, v25;
	v44 =	vmax.f32 v15, v59;
	v15 =	vld [tilespmem:s1+$0x15F10];
	(erf) = vpow2.f32 v50  }
0x3a4: {  	v27 =	vmul.f32 $1.442695020e+00, v58;
	v7 =	vmax.f32 v7, v20;
	v52 =	vld [tilespmem:s1+$0x15F40];
	(erf) = vpow2.f32 v56  }
0x3a5: {  	v26 =	vld [tilespmem:s1+$0x15F60];
	v25 =	vmax.f32 v25, v29;
	v49 =	vmax.f32 v34, v24;
	(erf) = vpow2.f32 v60  }
0x3a6: {  	v11 =	vmax.f32 v11, v23;
	v7 =	vmax.f32 v7, v32;
	v50 =	vld [tilespmem:s2+$0x15F80];
	(erf) = vpow2.f32 v63  }
0x3a7: {  	v21 =	vmax.f32 v44, v21;
	v14 =	vmax.f32 v49, v14;
	(erf) = vpow2.f32 v57  }
0x3a8: {  	v53 =	vmax.f32 v11, v48;
	v14 =	vmax.f32 v14, v43;
	(erf) = vpow2.f32 v61  }
0x3a9: {  	v14 =	vmax.f32 v14, v42;
	v25 =	vmax.f32 v25, v15;
	v7 =	vmax.f32 v7, v52;
	v29 =	vpop (erf)  }
0x3aa: {  	v25 =	vmax.f32 v25, v26;
	v7 =	vmax.f32 v7, v14;
	(erf) = vpow2.f32 v51;
	v54 =	vpop (erf)  }
0x3ab: {  	v14 =	vmax.f32 v25, v53;
	v21 =	vmax.f32 v21, v50;
	(erf) = vpow2.f32 v62;
	v55 =	vpop (erf)  }
0x3ac: {  	v57 =	vmul.f32 $1.442695020e+00, v59;
	v14 =	vmax.f32 v14, v21;
	(erf) = vpow2.f32 v27;
	v11 =	vpop (erf)  }
0x3ad: {  	s9 =	sand.u32 $0x1F0, s4;
	v23 =	vmul.f32 $1.442695020e+00, v52;
	v61 =	vmax.f32 v7, v14;
	(erf) = vpow2.f32 v22;
	v56 =	vpop (erf)  }
0x3ae: {  	s26 =	simm.s32 $0x190;
	v19 =	vadd.f32 v19, v31;
	v59 =	vmul.f32 $1.442695020e+00, v48;
	[tilespmem:s9+$0x19500] =	vst v61;
	(erf) = vpow2.f32 v57;
	v58 =	vpop (erf)  }
0x3af: {  	v16 =	vmul.f32 $1.442695020e+00, v16;
	v63 =	vmin.f32 v6, v61;
	v14 =	vld [tilespmem:s26+$0x15F50];
	(erf) = vpow2.f32 v23;
	v60 =	vpop (erf)  }
0x3b0: {  	v24 =	vmul.f32 $1.442695020e+00, v24;
	v42 =	vmin.f32 v8, v63;
	v32 =	vld [tilespmem:s26+$0x15EC0];
	(erf) = vpow2.f32 v59;
	v62 =	vpop (erf)  }
0x3b1: {  	v7 =	vmul.f32 $1.442695020e+00, v34;
	v49 =	vld [tilespmem:s26+$0x15EB0];
	v43 =	vmin.f32 v28, v42;
	v41 =	vpop (erf);
	(erf) = vpow2.f32 v16  }
0x3b2: {  	v15 =	vmul.f32 $1.442695020e+00, v15;
	v40 =	vmul.f32 $1.442695020e+00, v50;
	v50 =	vld [tilespmem:s26+$0x15F30];
	v45 =	vmin.f32 v10, v43  }
0x3b3: {  	s10 =	simm.s32 $0x190;
	v37 =	vmax.f32 v6, v61;
	v33 =	vld [tilespmem:s26+$0x15E70];
	v4 =	vmax.f32 v4, v45;
	(erf) = vpow2.f32 v7;
	v44 =	vpop (erf)  }
0x3b4: {  	s31 =	sand.u32 $0x3FF0, s10;
	v30 =	vld [tilespmem:s26+$0x15ED0];
	v6 =	vmul.f32 $1.442695020e+00, v14;
	v17 =	vadd.f32 v41, v17;
	v46 =	vpop (erf);
	(erf) = vpow2.f32 v40  }
0x3b5: {  	v16 =	vld [tilespmem:s31+$0x15F00];
	v59 =	vmul.f32 $1.442695020e+00, v32;
	v34 =	vadd.f32 v44, v5;
	(erf) = vpow2.f32 v36;
	v47 =	vpop (erf)  }
0x3b6: {  	v23 =	vld [tilespmem:s26+$0x15EA0];
	v5 =	vmax.f32 v10, v43;
	v17 =	vadd.f32 v62, v17;
	(erf) = vpow2.f32 v24;
	v51 =	vpop (erf)  }
0x3b7: {  	v36 =	vmax.f32 v8, v63;
	v63 =	vld [tilespmem:s26+$0x15E30];
	v10 =	vadd.f32 v47, v18;
	v48 =	vadd.f32 v60, v34;
	v8 =	vpop (erf)  }
0x3b8: {  	v61 =	vmul.f32 $1.442695020e+00, v50;
	v24 =	vld [tilespmem:s26+$0x15EF0];
	v47 =	vmul.f32 $1.442695020e+00, v33;
	v17 =	vadd.f32 v56, v17;
	v53 =	vpop (erf)  }
0x3b9: {  	(erf) = vpow2.f32 v13;
	v52 =	vadd.f32 v46, v10;
	v18 =	vadd.f32 v8, v48;
	v13 =	vpop (erf)  }
0x3ba: {  	v22 =	vld [tilespmem:s26+$0x15F20];
	v8 =	vmul.f32 $1.442695020e+00, v16;
	v17 =	vadd.f32 v58, v17;
	v31 =	vpop (erf);
	(erf) = vpow2.f32 v12  }
0x3bb: {  	v57 =	vld [tilespmem:s26+$0x15E90];
	v58 =	vmul.f32 $1.442695020e+00, v49;
	v18 =	vadd.f32 v54, v18;
	v20 =	vadd.f32 v55, v52  }
0x3bc: {  	v54 =	vmul.f32 $1.442695020e+00, v23;
	v55 =	vmul.f32 $1.442695020e+00, v30;
	v12 =	vld [tilespmem:s31+$0x15E80];
	v38 =	vadd.f32 v13, v17;
	v13 =	vpop (erf)  }
0x3bd: {  	v7 =	vmax.f32 v28, v42;
	v10 =	vld [tilespmem:s26+$0x15E60];
	v27 =	vmul.f32 $1.442695020e+00, v63;
	v46 =	vmul.f32 $1.442695020e+00, v24;
	v60 =	vpop (erf)  }
0x3be: {  	v48 =	vld [tilespmem:s26+$0x15E10];
	(erf) = vpow2.f32 v58;
	v20 =	vadd.f32 v51, v20;
	v9 =	vadd.f32 v13, v9;
	v62 =	vpop (erf)  }
0x3bf: {  	v13 =	vmul.f32 $1.442695020e+00, v26;
	v41 =	vadd.f32 v60, v18;
	v18 =	vld [tilespmem:s26+$0x15E40];
	(erf) = vpow2.f32 v61;
	v56 =	vpop (erf)  }
0x3c0: {  	v25 =	vld [tilespmem:s31+$0x15E00];
	v58 =	vmul.f32 $1.442695020e+00, v22;
	(erf) = vpow2.f32 v54;
	v9 =	vadd.f32 v56, v9  }
0x3c1: {  	v17 =	vld [tilespmem:s26+$0x15E50];
	v42 =	vadd.f32 v53, v20;
	v34 =	vmul.f32 $1.442695020e+00, v12;
	(erf) = vpow2.f32 v13  }
0x3c2: {  	v51 =	vld [tilespmem:s26+$0x15EE0];
	v13 =	vadd.f32 v31, v19;
	(erf) = vpow2.f32 v59;
	v59 =	vpop (erf);
	v9 =	vadd.f32 v29, v9  }
0x3c3: {  	v52 =	vld [tilespmem:s26+$0x15E20];
	v12 =	vmax.f32 v63, v12;
	v63 =	vmax.f32 v48, v10;
	(erf) = vpow2.f32 v55;
	v60 =	vpop (erf)  }
0x3c4: {  	(erf) = vpow2.f32 v58;
	v61 =	vadd.f32 v60, v9;
	v9 =	vmax.f32 v18, v57  }
0x3c5: {  	v45 =	vld [tilespmem:s26+$0x15F60];
	v12 =	vmax.f32 v12, v30;
	v13 =	vadd.f32 v62, v13;
	(erf) = vpow2.f32 v15  }
0x3c6: {  	v62 =	vmul.f32 $1.442695020e+00, v57;
	v55 =	vld [tilespmem:s26+$0x15F70];
	v12 =	vmax.f32 v12, v22;
	v58 =	vmul.f32 $1.442695020e+00, v25  }
0x3c7: {  	v40 =	vld [tilespmem:s26+$0x15F10];
	v15 =	vmul.f32 $1.442695020e+00, v17;
	v17 =	vmax.f32 v25, v17;
	v35 =	vmax.f32 v9, v51;
	v9 =	vpop (erf)  }
0x3c8: {  	v53 =	vld [tilespmem:s31+$0x15F80];
	(erf) = vpow2.f32 v62;
	v60 =	vadd.f32 v11, v13;
	v11 =	vmax.f32 v52, v33;
	v43 =	vpop (erf)  }
0x3c9: {  	v56 =	vld [tilespmem:s26+$0x15F40];
	v17 =	vmax.f32 v17, v23;
	v18 =	vmul.f32 $1.442695020e+00, v18;
	(erf) = vpow2.f32 v34;
	v44 =	vpop (erf)  }
0x3ca: {  	v62 =	vmax.f32 v11, v32;
	v17 =	vmax.f32 v17, v24;
	v39 =	vadd.f32 v59, v61;
	v54 =	vpop (erf)  }
0x3cb: {  	v13 =	vmax.f32 v35, v50;
	v61 =	vmax.f32 v63, v49;
	v63 =	vmax.f32 v12, v55;
	v11 =	vpop (erf)  }
0x3cc: {  	v12 =	vmax.f32 v62, v40;
	v16 =	vmax.f32 v61, v16;
	(erf) = vpow2.f32 v27;
	v50 =	vpop (erf)  }
0x3cd: {  	v13 =	vmax.f32 v13, v53;
	v21 =	vmax.f32 v12, v45;
	(erf) = vpow2.f32 v18;
	v49 =	vpop (erf)  }
0x3ce: {  	s10 =	simm.s32 $0xC80;
	v12 =	vmax.f32 v17, v56;
	v14 =	vmax.f32 v16, v14;
	(erf) = vpow2.f32 v15;
	v15 =	vpop (erf)  }
0x3cf: {  	s4 =	simm.s32 $0x20;
	s0 =	simm.s32 $0x10;
	s2 =	simm.s32 $0x320;
	v12 =	vmax.f32 v12, v14;
	v14 =	vmax.f32 v21, v63;
	v57 =	vadd.f32 v15, v60  }
.LBB2_17:
0x3d0: {  	s26 =	smov.u32 s10  }
0x3d1: {  	s9 =	sand.u32 $0x3FF0, s2;
	s1 =	sshra.s32 s10, $0x2;
	v15 =	vmul.f32 $1.442695020e+00, v51;
	(erf) = vpow2.f32 v58;
	v16 =	vpop (erf);
	s26 =	sadd.s32 $0x640, s10  }
0x3d2: {  	p0 =	sne.s32 s10, $0x9600;
	v17 =	vmul.f32 $1.442695020e+00, v56;
	v19 =	vadd.f32 v54, v57;
	v18 =	vpop (erf);
	(erf) = vpow2.f32 v46  }
0x3d3: {  	v20 =	vmul.f32 $1.442695020e+00, v55;
	v13 =	vmax.f32 v14, v13;
	(erf) = vpow2.f32 v15  }
0x3d4: {  	v23 =	vmul.f32 $1.442695020e+00, v52;
	s10 =	sand.u32 $0x1F0, s0;
	s0 =	smov.u32 s4;
	v15 =	vmax.f32 v12, v13;
	(erf) = vpow2.f32 v17  }
0x3d5: {  	v26 =	vmul.f32 $1.442695020e+00, v48;
	v21 =	vmin.f32 v37, v15;
	[tilespmem:s10+$0x19500] =	vst v15;
	(erf) = vpow2.f32 v20  }
0x3d6: {  	v20 =	vmul.f32 $1.442695020e+00, v53;
	v22 =	vmin.f32 v36, v21;
	v12 =	vld [tilespmem:s1+$0x15F50];
	(erf) = vpow2.f32 v23;
	v14 =	vpop (erf)  }
0x3d7: {  	v24 =	vmin.f32 v7, v22;
	v13 =	vld [tilespmem:s9+$0x15F00];
	v23 =	vadd.f32 v14, v38;
	(erf) = vpow2.f32 v26;
	v17 =	vpop (erf)  }
0x3d8: {  	v7 =	vmax.f32 v7, v22;
	v27 =	vmin.f32 v5, v24;
	v14 =	vld [tilespmem:s1+$0x15EB0];
	v25 =	vpop (erf);
	(erf) = vpow2.f32 v20  }
0x3d9: {  	v29 =	vmul.f32 $1.442695020e+00, v10;
	v28 =	vadd.f32 v17, v41;
	v20 =	vld [tilespmem:s1+$0x15F20];
	(erf) = vpow2.f32 v47  }
0x3da: {  	v5 =	vmax.f32 v5, v24;
	v4 =	vmax.f32 v4, v27;
	v18 =	vadd.f32 v18, v23;
	v26 =	vld [tilespmem:s1+$0x15F30];
	v22 =	vpop (erf)  }
0x3db: {  	v16 =	vadd.f32 v16, v28;
	v23 =	vld [tilespmem:s1+$0x15EC0];
	v22 =	vadd.f32 v22, v42;
	(erf) = vpow2.f32 v29;
	v17 =	vpop (erf)  }
0x3dc: {  	v37 =	vmax.f32 v37, v15;
	v36 =	vmax.f32 v36, v21;
	v18 =	vadd.f32 v50, v18;
	v24 =	vld [tilespmem:s1+$0x15EF0];
	v10 =	vpop (erf)  }
0x3dd: {  	v21 =	vmul.f32 $1.442695020e+00, v12;
	v15 =	vld [tilespmem:s1+$0x15EA0];
	v22 =	vadd.f32 v25, v22;
	v16 =	vadd.f32 v10, v16;
	v25 =	vpop (erf)  }
0x3de: {  	v27 =	vmul.f32 $1.442695020e+00, v13;
	v33 =	vadd.f32 v49, v18;
	v10 =	vld [tilespmem:s1+$0x15E60];
	(erf) = vpow2.f32 v6;
	v6 =	vpop (erf)  }
0x3df: {  	v34 =	vmul.f32 $1.442695020e+00, v14;
	v29 =	vld [tilespmem:s1+$0x15ED0];
	v35 =	vadd.f32 v43, v16;
	v30 =	vpop (erf);
	(erf) = vpow2.f32 v8  }
0x3e0: {  	v42 =	vadd.f32 v44, v22;
	v38 =	vadd.f32 v6, v33;
	v31 =	vld [tilespmem:s9+$0x15E80];
	v32 =	vmul.f32 $1.442695020e+00, v23;
	v18 =	vpop (erf)  }
0x3e1: {  	v6 =	vmov v21;
	v22 =	vld [tilespmem:s1+$0x15E50];
	v46 =	vmul.f32 $1.442695020e+00, v24;
	(erf) = vpow2.f32 v34;
	v28 =	vpop (erf)  }
0x3e2: {  	v33 =	vmul.f32 $1.442695020e+00, v26;
	v43 =	vadd.f32 v17, v42;
	v21 =	vld [tilespmem:s1+$0x15E70];
	v41 =	vadd.f32 v28, v35;
	v16 =	vpop (erf)  }
0x3e3: {  	v8 =	vmovc v27;
	v18 =	vadd.f32 v18, v39;
	v34 =	vmul.f32 $1.442695020e+00, v15;
	v35 =	vmul.f32 $1.442695020e+00, v45;
	v28 =	vld [tilespmem:s1+$0x15E30]  }
0x3e4: {  	v42 =	vadd.f32 v25, v43;
	v27 =	vld [tilespmem:s1+$0x15E40];
	v39 =	vmul.f32 $1.442695020e+00, v29;
	(erf) = vpow2.f32 v33;
	v17 =	vpop (erf)  }
0x3e5: {  	v25 =	vmul.f32 $1.442695020e+00, v31;
	v33 =	vld [tilespmem:s1+$0x15E90];
	(erf) = vpow2.f32 v34;
	v17 =	vadd.f32 v17, v18  }
0x3e6: {  	v19 =	vadd.f32 v30, v19;
	v18 =	vmul.f32 $1.442695020e+00, v20;
	v51 =	vld [tilespmem:s1+$0x15EE0];
	(erf) = vpow2.f32 v35  }
0x3e7: {  	v30 =	vmul.f32 $1.442695020e+00, v40;
	v48 =	vld [tilespmem:s1+$0x15E10];
	(erf) = vpow2.f32 v32;
	v17 =	vadd.f32 v9, v17;
	v32 =	vpop (erf)  }
0x3e8: {  	v47 =	vmul.f32 $1.442695020e+00, v21;
	v34 =	vld [tilespmem:s9+$0x15E00];
	v35 =	vmax.f32 v28, v31;
	(erf) = vpow2.f32 v39;
	v31 =	vpop (erf)  }
0x3e9: {  	v16 =	vadd.f32 v16, v19;
	v28 =	vmul.f32 $1.442695020e+00, v28;
	v52 =	vld [tilespmem:s1+$0x15E20];
	v29 =	vmax.f32 v35, v29  }
0x3ea: {  	v19 =	vmul.f32 $1.442695020e+00, v22;
	v17 =	vadd.f32 v31, v17;
	v9 =	vpop (erf);
	(erf) = vpow2.f32 v18  }
0x3eb: {  	v18 =	vmul.f32 $1.442695020e+00, v33;
	v31 =	vmax.f32 v27, v33;
	v55 =	vld [tilespmem:s1+$0x15F70];
	(erf) = vpow2.f32 v30  }
0x3ec: {  	v31 =	vmax.f32 v31, v51;
	v39 =	vadd.f32 v32, v17;
	v30 =	vmax.f32 v48, v10;
	v53 =	vld [tilespmem:s9+$0x15F80]  }
0x3ed: {  	v16 =	vadd.f32 v11, v16;
	v17 =	vmax.f32 v34, v22;
	v40 =	vld [tilespmem:s1+$0x15F10];
	(erf) = vpow2.f32 v18;
	v43 =	vpop (erf)  }
0x3ee: {  	v15 =	vmax.f32 v17, v15;
	v17 =	vmax.f32 v29, v20;
	v45 =	vld [tilespmem:s1+$0x15F60];
	(erf) = vpow2.f32 v25;
	v44 =	vpop (erf)  }
0x3ef: {  	v18 =	vmul.f32 $1.442695020e+00, v27;
	v22 =	vmax.f32 v52, v21;
	v20 =	vmax.f32 v31, v26;
	v56 =	vld [tilespmem:s1+$0x15F40];
	v54 =	vpop (erf)  }
0x3f0: {  	v58 =	vmul.f32 $1.442695020e+00, v34;
	v14 =	vmax.f32 v30, v14;
	v21 =	vmax.f32 v22, v23;
	v11 =	vpop (erf)  }
.Ltmp9:
0x3f1: {  	v14 =	vmax.f32 v14, v13;
	v17 =	vmax.f32 v17, v55;
	v13 =	vmax.f32 v20, v53;
	v50 =	vpop (erf);
	(pc) =	sbr.rel @p0 .LBB2_17-.Ltmp9, $4  }
0x3f2: {  	v15 =	vmax.f32 v15, v24;
	v20 =	vmax.f32 v21, v40;
	(erf) = vpow2.f32 v28  }
0x3f3: {  	v20 =	vmax.f32 v20, v45;
	(erf) = vpow2.f32 v18;
	v49 =	vpop (erf)  }
0x3f4: {  	v12 =	vmax.f32 v14, v12;
	v15 =	vmax.f32 v15, v56;
	(erf) = vpow2.f32 v19;
	v18 =	vpop (erf)  }
0x3f5: {  	s2 =	sadd.s32 $0x190, s2;
	s4 =	sadd.s32 $0x10, s4;
	s10 =	smov.u32 s26;
	v14 =	vmax.f32 v20, v17;
	v12 =	vmax.f32 v15, v12;
	v57 =	vadd.f32 v18, v16  }
0x3f6: {  	v13 =	vmax.f32 v14, v13  }
0x3f7: {  	s0 =	sand.u32 $0x1F0, s0;
	v59 =	vmax.f32 v12, v13  }
0x3f8: {  	[tilespmem:s0+$0x19500] =	vst v59  }
0x3f9: {  	v33 =	vld [tilespmem:$0x18510]  }
0x3fa: {  	v34 =	vld [tilespmem:$0x18520]  }
0x3fb: {  	v32 =	vld [tilespmem:$0x18530]  }
0x3fc: {  	v31 =	vld [tilespmem:$0x18540]  }
0x3fd: {  	v30 =	vld [tilespmem:$0x18550]  }
0x3fe: {  	v29 =	vld [tilespmem:$0x18560]  }
0x3ff: {  	v28 =	vld [tilespmem:$0x18570]  }
0x400: {  	v26 =	vld [tilespmem:$0x18580]  }
0x401: {  	v27 =	vld [tilespmem:$0x18590]  }
0x402: {  	v25 =	vld [tilespmem:$0x185A0]  }
0x403: {  	v24 =	vld [tilespmem:$0x185B0]  }
0x404: {  	v23 =	vld [tilespmem:$0x185C0]  }
0x405: {  	v22 =	vld [tilespmem:$0x185D0]  }
0x406: {  	v21 =	vld [tilespmem:$0x185E0]  }
0x407: {  	v20 =	vld [tilespmem:$0x185F0]  }
0x408: {  	v19 =	vld [tilespmem:$0x18600]  }
0x409: {  	v18 =	vld [tilespmem:$0x18610]  }
0x40a: {  	v17 =	vld [tilespmem:$0x18620]  }
0x40b: {  	v16 =	vld [tilespmem:$0x18630]  }
0x40c: {  	v14 =	vld [tilespmem:$0x18640]  }
0x40d: {  	v13 =	vld [tilespmem:$0x18650]  }
0x40e: {  	v12 =	vld [tilespmem:$0x18670];
	v35 =	vmax.f32 v33, v29  }
0x40f: {  	v15 =	vld [tilespmem:$0x18660];
	v60 =	vmax.f32 v34, v28;
	v61 =	vmax.f32 v32, v26;
	v62 =	vmax.f32 v31, v27  }
0x410: {  	v63 =	vmax.f32 v30, v25;
	v35 =	vmax.f32 v35, v24;
	v60 =	vmax.f32 v60, v23  }
0x411: {  	v61 =	vmax.f32 v61, v22;
	v62 =	vmax.f32 v62, v21;
	v63 =	vmax.f32 v63, v20  }
0x412: {  	v35 =	vmax.f32 v35, v19;
	v60 =	vmax.f32 v60, v18;
	v61 =	vmax.f32 v61, v17  }
0x413: {  	v62 =	vmax.f32 v62, v16;
	v63 =	vmax.f32 v63, v14;
	v61 =	vmax.f32 v61, v12  }
0x414: {  	v35 =	vmax.f32 v35, v13;
	v60 =	vmax.f32 v60, v15;
	v61 =	vmax.f32 v61, v62  }
0x415: {  	v35 =	vmax.f32 v35, v60;
	v60 =	vmax.f32 v61, v63  }
0x416: {  	v61 =	vmax.f32 v37, v59;
	v35 =	vmax.f32 v35, v60  }
0x417: {  	v60 =	vmax.f32 v61, v35  }
0x418: {  	(xrf0) =	vmax.scan.msk.f32 $0xffff, v60;
	_ =	sdelay $0x5  }
0x419: {  	v62, _, _ =	vpop (xrf0)  }
0x41a: {  	v62 =	vbroadcast v62, $0xF;
	_ =	sdelay $0x1  }
0x41b: {  	vm0 =	veq.f32 v60, v62  }
0x41c: {  	v62 =	vsel vm0, $0x1, v1  }
0x41d: {  	(xrf0) =	vadd.scan.msk.s32 $0xffff, v62;
	_ =	sdelay $0x5  }
0x41e: {  	v37 =	vmin.f32 v37, v59;
	v59, _, _ =	vpop (xrf0)  }
0x41f: {  	v61 =	vmin.f32 v61, v35;
	v62 =	vmax.f32 v36, v37;
	vm1 =	veq.s32 v59, $0x1  }
0x420: {  	v59 =	vmax.f32 v62, v61;
	vm0 =	vmand vm0, vm1  }
0x421: {  	v60 =	vsel vm0, v59, v60  }
0x422: {  	(xrf0) =	vmax.scan.msk.f32 $0xffff, v60;
	_ =	sdelay $0x5  }
0x423: {  	v63, _, _ =	vpop (xrf0)  }
0x424: {  	v63 =	vbroadcast v63, $0xF;
	_ =	sdelay $0x1  }
0x425: {  	vm12 =	veq.f32 v60, v63  }
0x426: {  	v63 =	vsel vm12, $0x1, v1  }
0x427: {  	(xrf0) =	vadd.scan.msk.s32 $0xffff, v63;
	_ =	sdelay $0x4  }
0x428: {  	v36 =	vmin.f32 v36, v37  }
0x429: {  	v37 =	vmax.f32 v7, v36;
	v61 =	vmin.f32 v62, v61;
	v62, _, _ =	vpop (xrf0)  }
0x42a: {  	v63 =	vmax.f32 v37, v61;
	vm2 =	veq.s32 v62, $0x1  }
0x42b: {  	v59 =	vsel vm0, v63, v59;
	vm1 =	vmand vm12, vm2  }
0x42c: {  	v60 =	vsel vm1, v59, v60  }
0x42d: {  	(xrf0) =	vmax.scan.msk.f32 $0xffff, v60;
	_ =	sdelay $0x5  }
0x42e: {  	v62, _, _ =	vpop (xrf0)  }
0x42f: {  	v62 =	vbroadcast v62, $0xF;
	_ =	sdelay $0x1  }
0x430: {  	vm13 =	veq.f32 v60, v62  }
0x431: {  	v62 =	vsel vm13, $0x1, v1  }
0x432: {  	(xrf0) =	vadd.scan.msk.s32 $0xffff, v62;
	_ =	sdelay $0x3  }
0x433: {  	v7 =	vmin.f32 v7, v36  }
0x434: {  	v36 =	vmax.f32 v5, v7;
	v37 =	vmin.f32 v37, v61  }
0x435: {  	v61 =	vmax.f32 v36, v37;
	v62, _, _ =	vpop (xrf0)  }
0x436: {  	vm3 =	veq.s32 v62, $0x1;
	v62 =	vsel vm0, v61, v63  }
0x437: {  	vm2 =	vmand vm13, vm3;
	v59 =	vsel vm1, v62, v59  }
0x438: {  	(erf) = vpow2.f32 v58;
	v51 =	vmul.f32 $1.442695020e+00, v51;
	v60 =	vsel vm2, v59, v60  }
0x439: {  	v58 =	vmul.f32 $1.442695020e+00, v56;
	(erf) = vpow2.f32 v46;
	(xrf0) =	vmax.scan.msk.f32 $0xffff, v60  }
0x43a: {  	(erf) = vpow2.f32 v51;
	v63 =	vmul.f32 $1.442695020e+00, v55  }
0x43b: {  	v52 =	vmul.f32 $1.442695020e+00, v52;
	v46 =	vpop (erf);
	(erf) = vpow2.f32 v58  }
0x43c: {  	v48 =	vmul.f32 $1.442695020e+00, v48;
	v51 =	vpop (erf);
	(erf) = vpow2.f32 v63  }
0x43d: {  	v53 =	vmul.f32 $1.442695020e+00, v53;
	v56 =	vpop (erf);
	(erf) = vpow2.f32 v52  }
0x43e: {  	v10 =	vmul.f32 $1.442695020e+00, v10;
	(erf) = vpow2.f32 v48;
	v63 =	vpop (erf)  }
0x43f: {  	(erf) = vpow2.f32 v53;
	v58, _, _ =	vpop (xrf0)  }
0x440: {  	v5 =	vmin.f32 v5, v7;
	v48 =	vpop (erf);
	(erf) = vpow2.f32 v47;
	v7 =	vbroadcast v58, $0xF  }
0x441: {  	v45 =	vmul.f32 $1.442695020e+00, v45;
	v38 =	vadd.f32 v56, v38;
	v56 =	vmax.f32 v4, v5;
	v4 =	vpop (erf)  }
0x442: {  	v40 =	vmul.f32 $1.442695020e+00, v40;
	(erf) = vpow2.f32 v10;
	v10 =	vpop (erf);
	vm14 =	veq.f32 v60, v7  }
0x443: {  	v38 =	vadd.f32 v51, v38;
	v7 =	vadd.f32 v4, v42;
	v42 =	vpop (erf);
	v4 =	vsel vm14, $0x1, v1  }
0x444: {  	v36 =	vmin.f32 v36, v37;
	(erf) = vpow2.f32 v6;
	v6 =	vmov s30;
	v51 =	vpop (erf);
	(xrf0) =	vadd.scan.msk.s32 $0xffff, v4  }
0x445: {  	v5 =	vand.u32 $0x7FFFFF80, v6;
	(erf) = vpow2.f32 v8;
	v4 =	vand.u32 $0x7F, v6;
	v8 =	vpop (erf)  }
0x446: {  	v41 =	vadd.f32 v63, v41;
	v63 =	vor.u32 $0x800, v0;
	v58 =	vor.u32 v4, v5;
	v52 =	vpop (erf)  }
0x447: {  	v38 =	vadd.f32 v50, v38;
	v36 =	vmax.f32 v56, v36;
	v37 =	vadd.s32 v0, v58;
	v56 =	vpop (erf)  }
0x448: {  	v41 =	vadd.f32 v46, v41;
	(erf) = vpow2.f32 v45;
	v55 =	vadd.s32 v63, v58;
	v46 =	vpop (erf)  }
0x449: {  	(erf) = vpow2.f32 v40;
	v58 =	vadd.f32 v54, v57;
	v63 =	vpop (erf)  }
0x44a: {  	v38 =	vadd.f32 v49, v38;
	v36 =	vsel vm0, v36, v61;
	v39 =	vadd.f32 v56, v39;
	v61, _, _ =	vpop (xrf0)  }
0x44b: {  	[tilespmem:$0x19690] =	vst v35;
	v36 =	vsel vm1, v36, v62;
	v50 =	vadd.f32 v52, v58;
	v52 =	vpop (erf);
	vm15 =	veq.s32 v61, $0x1  }
0x44c: {  	v62 =	vsel vm2, v36, v59;
	v39 =	vadd.f32 v52, v39;
	v36 =	vld.idx.msk [tilespmem:v37+s13+$0x0], $0xffff;
	vm0 =	vmand vm14, vm15  }
0x44d: {  	v41 =	vadd.f32 v42, v41;
	v7 =	vadd.f32 v48, v7;
	v37 =	vld.idx.msk [tilespmem:v55+s13+$0x0], $0xffff;
	v45 =	vsel vm0, v62, v60  }
0x44e: {  	v54 =	vadd.f32 v63, v50;
	v55 =	vpop (erf);
	v9 =	vadd.f32 v9, v39;
	(xrf0) =	vmax.scan.msk.f32 $0xffff, v45  }
0x44f: {  	v56 =	vadd.f32 v44, v7;
	v7 =	vadd.f32 v8, v38;
	v57 =	vpop (erf)  }
0x450: {  	v8 =	vadd.f32 v11, v54;
	v11 =	vadd.f32 v57, v9  }
.Ltmp10:
0x451: {  	v53 =	vadd.f32 v43, v41;
	v10 =	vadd.f32 v10, v56;
	v58 =	vpop (erf);
	(pc) =	sbr.rel .LBB2_19-.Ltmp10, $4  }
0x452: {  	v9 =	vpop (erf);
	v60 =	vmin.f32 v36, $-Inf;
	v61 =	vmin.f32 v36, v37;
	v11 =	vadd.f32 v55, v11  }
0x453: {  	v43 =	vmax.f32 v36, v37;
	v59 =	vadd.f32 v9, v8;
	v62 =	vmin.f32 v60, v61  }
0x454: {  	v8 =	vadd.f32 v46, v53;
	v9 =	vadd.f32 v51, v10;
	v39 =	vmax.f32 v60, v62;
	v63, _, _ =	vpop (xrf0)  }
0x455: {  	s31 =	simm.s32 $0x18700;
	s4 =	simm.s32 $0xC0;
	s0 =	simm.s32 $0x0;
	v42 =	vmax.f32 v60, v61;
	v10 =	vadd.f32 v58, v59;
	v40 =	vmovc v39;
	v41 =	vmovc v39;
	v38 =	vbroadcast v63, $0xF  }
.LBB2_21:
0x456: {  	s0 =	sadd.s32 $0x190, s0  }
0x457: {  	p0 =	sne.s32 s0, $0x18510  }
.Ltmp11:
0x458: {  	_ = 	snop;
	(pc) =	sbr.rel @!p0 .LBB2_22-.Ltmp11, $2  }
0x459: {  	_ =	sdelay $0x2  }
0x45a: {  	s31 =	sadd.s32 $0x10, s31;
	s4 =	sadd.s32 $0x190, s4  }
.LBB2_19:
0x45b: {  	v44 =	vld [tilespmem:s31+$0x0];
	_ =	sdelay $0x4  }
0x45c: {  	vm0 =	vge.f32 v44, v38  }
0x45d: {  	v44 =	vsel vm0, $0x1, v1  }
0x45e: {  	v44 =	vor.u32 $0x80000000, v44  }
0x45f: {  	(xrf0) =	vmax.scan.msk.u32 $0xffff, v44;
	_ =	sdelay $0x5  }
0x460: {  	v44, _, _ =	vpop (xrf0)  }
0x461: {  	(v2sf) =	vpush v44, $0xF;
	_ =	sdelay $0xe  }
0x462: {  	s1 =	spop (v2sf)  }
0x463: {  	p0 =	slt.u32 s1, $0x80000001  }
.Ltmp12:
0x464: {  	_ = 	snop;
	(pc) =	sbr.rel @p0 .LBB2_21-.Ltmp12, $1  }
0x465: {  	_ =	sdelay $0x3  }
0x466: {  	v44 =	vld [tilespmem:s4+$0xFFFFFF40];
	_ =	sdelay $0x1  }
0x467: {  	v45 =	vld [tilespmem:s4+$0xFFFFFF50];
	_ =	sdelay $0x1  }
0x468: {  	v47 =	vld [tilespmem:s4+$0xFFFFFF60]  }
0x469: {  	v46 =	vmin.f32 v43, v44  }
0x46a: {  	v58 =	vmax.f32 v43, v44;
	v59 =	vmin.f32 v42, v46  }
0x46b: {  	v60 =	vmax.f32 v42, v46;
	v48 =	vmin.f32 v58, v45;
	v49 =	vmax.f32 v58, v45  }
0x46c: {  	v51 =	vld [tilespmem:s4+$0xFFFFFF70];
	v61 =	vmax.f32 v41, v59;
	v62 =	vmin.f32 v41, v59;
	v50 =	vmin.f32 v60, v48  }
0x46d: {  	v41 =	vmax.f32 v60, v48;
	v53 =	vmin.f32 v49, v47;
	v44 =	vmax.f32 v40, v62  }
0x46e: {  	v63 =	vmin.f32 v40, v62;
	v52 =	vmax.f32 v61, v50;
	v43 =	vmin.f32 v61, v50  }
0x46f: {  	v55 =	vld [tilespmem:s4+$0xFFFFFF80];
	v40 =	vmax.f32 v49, v47;
	v54 =	vmin.f32 v41, v53;
	v41 =	vmax.f32 v41, v53  }
0x470: {  	v39 =	vmax.f32 v39, v63;
	v46 =	vmax.f32 v44, v43;
	v43 =	vmin.f32 v44, v43  }
0x471: {  	v56 =	vmax.f32 v52, v54;
	v42 =	vmin.f32 v52, v54;
	v57 =	vmin.f32 v40, v51  }
0x472: {  	v59 =	vld [tilespmem:s4+$0xFFFFFF90];
	v40 =	vmax.f32 v40, v51;
	v39 =	vmax.f32 v39, v43;
	v43 =	vmax.f32 v46, v42  }
0x473: {  	v42 =	vmin.f32 v46, v42;
	v58 =	vmin.f32 v41, v57;
	v41 =	vmax.f32 v41, v57  }
0x474: {  	v61 =	vmin.f32 v40, v55;
	v40 =	vmax.f32 v40, v55;
	v39 =	vmax.f32 v39, v42  }
0x475: {  	v63 =	vld [tilespmem:s4+$0xFFFFFFA0];
	v60 =	vmax.f32 v56, v58;
	v42 =	vmin.f32 v56, v58;
	v62 =	vmin.f32 v41, v61  }
0x476: {  	v41 =	vmax.f32 v41, v61;
	v44 =	vmax.f32 v43, v42;
	v42 =	vmin.f32 v43, v42  }
0x477: {  	v51 =	vld [tilespmem:s4+$0xFFFFFFB0];
	v48 =	vmax.f32 v60, v62;
	v49 =	vmin.f32 v40, v59;
	v40 =	vmax.f32 v40, v59  }
0x478: {  	s1 =	sand.u32 $0x1FFF0, s0;
	v39 =	vmax.f32 v39, v42;
	v42 =	vmin.f32 v60, v62;
	v50 =	vmin.f32 v41, v49  }
0x479: {  	v55 =	vld [tilespmem:s1+$0x80];
	v41 =	vmax.f32 v41, v49;
	v46 =	vmax.f32 v44, v42;
	v42 =	vmin.f32 v44, v42  }
0x47a: {  	v52 =	vmax.f32 v48, v50;
	v53 =	vmin.f32 v40, v63;
	v40 =	vmax.f32 v40, v63  }
0x47b: {  	v39 =	vmax.f32 v39, v42;
	v42 =	vmin.f32 v48, v50;
	v54 =	vmin.f32 v41, v53  }
0x47c: {  	v59 =	vld [tilespmem:s4+$0xFFFFFFD0];
	v41 =	vmax.f32 v41, v53;
	v57 =	vmin.f32 v40, v51;
	v40 =	vmax.f32 v40, v51  }
0x47d: {  	v43 =	vmax.f32 v46, v42;
	v42 =	vmin.f32 v46, v42;
	v56 =	vmax.f32 v52, v54  }
0x47e: {  	v58 =	vmin.f32 v41, v57;
	v41 =	vmax.f32 v41, v57;
	v61 =	vmin.f32 v40, v55  }
0x47f: {  	v63 =	vld [tilespmem:s4+$0xFFFFFFE0];
	v40 =	vmax.f32 v40, v55;
	v39 =	vmax.f32 v39, v42;
	v42 =	vmin.f32 v52, v54  }
0x480: {  	v60 =	vmax.f32 v56, v58;
	v62 =	vmin.f32 v41, v61;
	v41 =	vmax.f32 v41, v61  }
0x481: {  	v51 =	vld [tilespmem:s4+$0xFFFFFFF0];
	v49 =	vmin.f32 v40, v59;
	v40 =	vmax.f32 v40, v59;
	v44 =	vmax.f32 v43, v42  }
0x482: {  	v42 =	vmin.f32 v43, v42;
	v48 =	vmax.f32 v60, v62;
	v50 =	vmin.f32 v41, v49  }
0x483: {  	v55 =	vld [tilespmem:s4+$0x0];
	v41 =	vmax.f32 v41, v49;
	v39 =	vmax.f32 v39, v42;
	v42 =	vmin.f32 v56, v58  }
0x484: {  	v52 =	vmax.f32 v48, v50;
	v53 =	vmin.f32 v40, v63;
	v40 =	vmax.f32 v40, v63  }
0x485: {  	v46 =	vmax.f32 v44, v42;
	v42 =	vmin.f32 v44, v42;
	v54 =	vmin.f32 v41, v53  }
0x486: {  	v59 =	vld [tilespmem:s4+$0x10];
	v41 =	vmax.f32 v41, v53;
	v57 =	vmin.f32 v40, v51;
	v40 =	vmax.f32 v40, v51  }
0x487: {  	v39 =	vmax.f32 v39, v42;
	v42 =	vmin.f32 v60, v62;
	v56 =	vmax.f32 v52, v54  }
0x488: {  	v58 =	vmin.f32 v41, v57;
	v41 =	vmax.f32 v41, v57;
	v61 =	vmin.f32 v40, v55  }
0x489: {  	v63 =	vld [tilespmem:s4+$0x20];
	v40 =	vmax.f32 v40, v55;
	v43 =	vmax.f32 v46, v42;
	v42 =	vmin.f32 v46, v42  }
0x48a: {  	v60 =	vmax.f32 v56, v58;
	v62 =	vmin.f32 v41, v61;
	v41 =	vmax.f32 v41, v61  }
0x48b: {  	v51 =	vld [tilespmem:s4+$0x30];
	v49 =	vmin.f32 v40, v59;
	v40 =	vmax.f32 v40, v59;
	v39 =	vmax.f32 v39, v42  }
0x48c: {  	v55 =	vld [tilespmem:s1+$0x100];
	v42 =	vmin.f32 v48, v50;
	v48 =	vmax.f32 v60, v62;
	v50 =	vmin.f32 v41, v49  }
0x48d: {  	v41 =	vmax.f32 v41, v49;
	v44 =	vmax.f32 v43, v42;
	v42 =	vmin.f32 v43, v42  }
0x48e: {  	v53 =	vmin.f32 v40, v63;
	v40 =	vmax.f32 v40, v63;
	v39 =	vmax.f32 v39, v42  }
0x48f: {  	v59 =	vld [tilespmem:s4+$0x50];
	v42 =	vmin.f32 v52, v54;
	v52 =	vmax.f32 v48, v50;
	v54 =	vmin.f32 v41, v53  }
0x490: {  	v41 =	vmax.f32 v41, v53;
	v57 =	vmin.f32 v40, v51;
	v40 =	vmax.f32 v40, v51  }
0x491: {  	v46 =	vmax.f32 v44, v42;
	v42 =	vmin.f32 v44, v42;
	v61 =	vmin.f32 v40, v55  }
0x492: {  	v63 =	vld [tilespmem:s4+$0x60];
	v40 =	vmax.f32 v40, v55;
	v39 =	vmax.f32 v39, v42;
	v42 =	vmin.f32 v56, v58  }
0x493: {  	v51 =	vld [tilespmem:s4+$0x70];
	v56 =	vmax.f32 v52, v54;
	v58 =	vmin.f32 v41, v57;
	v41 =	vmax.f32 v41, v57  }
0x494: {  	v49 =	vmin.f32 v40, v59;
	v43 =	vmax.f32 v46, v42;
	v42 =	vmin.f32 v46, v42  }
0x495: {  	v55 =	vld [tilespmem:s4+$0x80];
	v40 =	vmax.f32 v40, v59;
	v39 =	vmax.f32 v39, v42;
	v42 =	vmin.f32 v60, v62  }
0x496: {  	v60 =	vmax.f32 v56, v58;
	v62 =	vmin.f32 v41, v61;
	v41 =	vmax.f32 v41, v61  }
0x497: {  	v53 =	vmin.f32 v40, v63;
	v40 =	vmax.f32 v40, v63;
	v44 =	vmax.f32 v43, v42  }
0x498: {  	v42 =	vmin.f32 v43, v42;
	v57 =	vmin.f32 v40, v51;
	v40 =	vmax.f32 v40, v51  }
0x499: {  	v39 =	vmax.f32 v39, v42;
	v42 =	vmin.f32 v48, v50;
	v48 =	vmax.f32 v60, v62  }
0x49a: {  	v50 =	vmin.f32 v41, v49;
	v41 =	vmax.f32 v41, v49;
	v61 =	vmin.f32 v40, v55  }
0x49b: {  	v40 =	vmax.f32 v40, v55;
	v46 =	vmax.f32 v44, v42;
	v42 =	vmin.f32 v44, v42  }
0x49c: {  	v39 =	vmax.f32 v39, v42;
	v42 =	vmin.f32 v52, v54;
	v52 =	vmax.f32 v48, v50  }
0x49d: {  	v54 =	vmin.f32 v41, v53;
	v43 =	vmax.f32 v46, v42;
	v42 =	vmin.f32 v46, v42  }
0x49e: {  	v41 =	vmax.f32 v41, v53;
	v39 =	vmax.f32 v39, v42;
	v42 =	vmin.f32 v56, v58  }
0x49f: {  	v59 =	vld [tilespmem:s4+$0x90];
	v56 =	vmax.f32 v52, v54;
	v44 =	vmax.f32 v43, v42;
	v42 =	vmin.f32 v43, v42  }
0x4a0: {  	v58 =	vmin.f32 v41, v57;
	v41 =	vmax.f32 v41, v57;
	v39 =	vmax.f32 v39, v42  }
0x4a1: {  	v42 =	vmin.f32 v60, v62;
	v60 =	vmax.f32 v56, v58;
	v62 =	vmin.f32 v41, v61  }
0x4a2: {  	v63 =	vld [tilespmem:s4+$0xA0];
	v41 =	vmax.f32 v41, v61;
	v46 =	vmax.f32 v44, v42;
	v42 =	vmin.f32 v44, v42  }
0x4a3: {  	v49 =	vmax.f32 v60, v62;
	v39 =	vmax.f32 v39, v42;
	v42 =	vmin.f32 v48, v50  }
0x4a4: {  	v50 =	vmin.f32 v40, v59;
	v40 =	vmax.f32 v40, v59;
	v43 =	vmax.f32 v46, v42  }
0x4a5: {  	v42 =	vmin.f32 v46, v42;
	v51 =	vmin.f32 v41, v50;
	v41 =	vmax.f32 v41, v50  }
0x4a6: {  	v39 =	vmax.f32 v39, v42;
	v42 =	vmin.f32 v52, v54;
	v53 =	vmax.f32 v49, v51  }
0x4a7: {  	v52 =	vld [tilespmem:s4+$0xB0];
	v54 =	vmin.f32 v40, v63;
	v44 =	vmax.f32 v43, v42;
	v42 =	vmin.f32 v43, v42  }
0x4a8: {  	v40 =	vmax.f32 v40, v63;
	v39 =	vmax.f32 v39, v42;
	v42 =	vmin.f32 v56, v58  }
0x4a9: {  	v48 =	vld [tilespmem:s1+$0x180];
	v55 =	vmin.f32 v41, v54;
	v46 =	vmax.f32 v44, v42;
	v42 =	vmin.f32 v44, v42  }
0x4aa: {  	v41 =	vmax.f32 v41, v54;
	v39 =	vmax.f32 v39, v42;
	v42 =	vmin.f32 v60, v62  }
0x4ab: {  	v56 =	vmax.f32 v53, v55;
	v43 =	vmax.f32 v46, v42;
	v42 =	vmin.f32 v46, v42  }
0x4ac: {  	v57 =	vmin.f32 v40, v52;
	v40 =	vmax.f32 v40, v52;
	v39 =	vmax.f32 v39, v42  }
0x4ad: {  	v42 =	vmin.f32 v49, v51;
	v58 =	vmin.f32 v41, v57;
	v41 =	vmax.f32 v41, v57  }
0x4ae: {  	v45 =	vmin.f32 v40, v48;
	v44 =	vmax.f32 v43, v42;
	v42 =	vmin.f32 v43, v42  }
0x4af: {  	v59 =	vmin.f32 v56, v58;
	v60 =	vmax.f32 v56, v58;
	v49 =	vmin.f32 v41, v45  }
.Ltmp13:
0x4b0: {  	v43 =	vmax.f32 v40, v48;
	v39 =	vmax.f32 v39, v42;
	v42 =	vmin.f32 v53, v55;
	(pc) =	sbr.rel .LBB2_21-.Ltmp13, $4  }
0x4b1: {  	v62 =	vmin.f32 v60, v49;
	v46 =	vmax.f32 v44, v42;
	v42 =	vmin.f32 v44, v42  }
0x4b2: {  	v39 =	vmax.f32 v39, v42;
	v61 =	vmin.f32 v46, v59;
	v44 =	vmax.f32 v46, v59  }
0x4b3: {  	v42 =	vmax.f32 v41, v45;
	v39 =	vmax.f32 v39, v61;
	v63 =	vmin.f32 v44, v62  }
0x4b4: {  	v41 =	vmax.f32 v60, v49;
	v40 =	vmax.f32 v44, v62;
	v39 =	vmax.f32 v39, v63  }
.LBB2_22:
0x4b5: {  	v33 =	vmul.f32 $1.442695020e+00, v33  }
0x4b6: {  	v34 =	vmul.f32 $1.442695020e+00, v34  }
0x4b7: {  	v32 =	vmul.f32 $1.442695020e+00, v32;
	(erf) = vpow2.f32 v33  }
0x4b8: {  	v31 =	vmul.f32 $1.442695020e+00, v31;
	(erf) = vpow2.f32 v34  }
0x4b9: {  	v30 =	vmul.f32 $1.442695020e+00, v30;
	(erf) = vpow2.f32 v32  }
0x4ba: {  	(erf) = vpow2.f32 v31  }
0x4bb: {  	v29 =	vmul.f32 $1.442695020e+00, v29;
	(erf) = vpow2.f32 v30  }
0x4bc: {  	v28 =	vmul.f32 $1.442695020e+00, v28  }
0x4bd: {  	v26 =	vmul.f32 $1.442695020e+00, v26;
	(erf) = vpow2.f32 v29  }
0x4be: {  	v27 =	vmul.f32 $1.442695020e+00, v27;
	(erf) = vpow2.f32 v28  }
0x4bf: {  	vm0 =	vge.f32 v35, v38;
	(erf) = vpow2.f32 v26;
	v26 =	vmul.f32 $1.442695020e+00, v25  }
0x4c0: {  	v28 =	vsel vm0, $0x1, v1;
	v25 =	vpop (erf);
	(erf) = vpow2.f32 v27;
	v27 =	vmul.f32 $1.442695020e+00, v24  }
0x4c1: {  	v28 =	vor.u32 $0x80000000, v28;
	v24 =	vpop (erf);
	(erf) = vpow2.f32 v26;
	v26 =	vmul.f32 $1.442695020e+00, v23  }
0x4c2: {  	(xrf0) =	vmax.scan.msk.u32 $0xffff, v28;
	v23 =	vpop (erf);
	(erf) = vpow2.f32 v27;
	v27 =	vmul.f32 $1.442695020e+00, v22  }
0x4c3: {  	v22 =	vpop (erf);
	(erf) = vpow2.f32 v26;
	v26 =	vmul.f32 $1.442695020e+00, v21  }
0x4c4: {  	v21 =	vpop (erf);
	(erf) = vpow2.f32 v27;
	v27 =	vmul.f32 $1.442695020e+00, v20;
	_ =	sdelay $0x1  }
0x4c5: {  	v20 =	vpop (erf)  }
0x4c6: {  	(erf) = vpow2.f32 v26;
	v26 =	vmul.f32 $1.442695020e+00, v19;
	v19 =	vpop (erf)  }
0x4c7: {  	(erf) = vpow2.f32 v27;
	v27, _, _ =	vpop (xrf0)  }
0x4c8: {  	(v2sf) =	vpush v27, $0xF  }
0x4c9: {  	v18 =	vmul.f32 $1.442695020e+00, v18  }
0x4ca: {  	(erf) = vpow2.f32 v26;
	v26 =	vmul.f32 $1.442695020e+00, v17  }
0x4cb: {  	v17 =	vpop (erf);
	(erf) = vpow2.f32 v18;
	v18 =	vmul.f32 $1.442695020e+00, v16  }
0x4cc: {  	v13 =	vmul.f32 $1.442695020e+00, v13  }
0x4cd: {  	v16 =	vpop (erf);
	(erf) = vpow2.f32 v26;
	v26 =	vmul.f32 $1.442695020e+00, v14  }
0x4ce: {  	v27 =	vmul.f32 $1.442695020e+00, v15;
	v14 =	vpop (erf);
	(erf) = vpow2.f32 v18  }
0x4cf: {  	v12 =	vmul.f32 $1.442695020e+00, v12;
	v18 =	vpop (erf);
	(erf) = vpow2.f32 v26  }
0x4d0: {  	v15 =	vpop (erf);
	(erf) = vpow2.f32 v13  }
0x4d1: {  	v13 =	vmul.f32 $1.442695020e+00, v36;
	v26 =	vpop (erf);
	(erf) = vpow2.f32 v27  }
0x4d2: {  	v28 =	vmul.f32 $1.442695020e+00, v37;
	v27 =	vpop (erf);
	(erf) = vpow2.f32 v12  }
0x4d3: {  	v12 =	vpop (erf);
	(erf) = vpow2.f32 v13  }
0x4d4: {  	v29 =	vpop (erf);
	(erf) = vpow2.f32 v28  }
0x4d5: {  	v30 =	vpop (erf)  }
0x4d6: {  	v31 =	vpop (erf)  }
0x4d7: {  	v28 =	vpop (erf);
	s0 =	spop (v2sf)  }
0x4d8: {  	v13 =	vpop (erf);
	p0 =	slt.u32 s0, $0x80000001  }
.Ltmp14:
0x4d9: {  	v36 =	vpop (erf);
	(pc) =	sbr.rel @p0 .LBB2_24-.Ltmp14, $4  }
0x4da: {  	v33 =	vpop (erf)  }
0x4db: {  	v32 =	vpop (erf)  }
0x4dc: {  	v34 =	vpop (erf)  }
0x4dd: {  	v35 =	vpop (erf)  }
0x4de: {  	v37 =	vld [tilespmem:$0x18510];
	_ =	sdelay $0x1  }
0x4df: {  	v38 =	vld [tilespmem:$0x18520];
	_ =	sdelay $0x1  }
0x4e0: {  	v45 =	vld [tilespmem:$0x18530]  }
0x4e1: {  	v44 =	vmin.f32 v43, v37  }
0x4e2: {  	v37 =	vmax.f32 v43, v37;
	v52 =	vmin.f32 v42, v44  }
0x4e3: {  	v59 =	vld [tilespmem:$0x18540];
	v53 =	vmax.f32 v42, v44;
	v57 =	vmin.f32 v37, v38;
	v37 =	vmax.f32 v37, v38  }
0x4e4: {  	v54 =	vmax.f32 v41, v52;
	v55 =	vmin.f32 v41, v52;
	v58 =	vmin.f32 v53, v57  }
0x4e5: {  	v63 =	vld [tilespmem:$0x18550];
	v41 =	vmax.f32 v53, v57;
	v61 =	vmin.f32 v37, v45;
	v37 =	vmax.f32 v37, v45  }
0x4e6: {  	v43 =	vmax.f32 v40, v55;
	v56 =	vmin.f32 v40, v55;
	v60 =	vmax.f32 v54, v58  }
0x4e7: {  	v38 =	vmin.f32 v54, v58;
	v62 =	vmin.f32 v41, v61;
	v41 =	vmax.f32 v41, v61  }
0x4e8: {  	v51 =	vld [tilespmem:$0x18560];
	v49 =	vmin.f32 v37, v59;
	v37 =	vmax.f32 v37, v59;
	v39 =	vmax.f32 v39, v56  }
0x4e9: {  	v44 =	vmax.f32 v43, v38;
	v38 =	vmin.f32 v43, v38;
	v48 =	vmax.f32 v60, v62  }
0x4ea: {  	v50 =	vmin.f32 v41, v49;
	v41 =	vmax.f32 v41, v49;
	v53 =	vmin.f32 v37, v63  }
0x4eb: {  	v37 =	vmax.f32 v37, v63;
	v38 =	vmax.f32 v39, v38;
	v39 =	vmin.f32 v60, v62  }
0x4ec: {  	v55 =	vld [tilespmem:$0x18570];
	v52 =	vmax.f32 v48, v50;
	v54 =	vmin.f32 v41, v53;
	v41 =	vmax.f32 v41, v53  }
0x4ed: {  	v57 =	vmin.f32 v37, v51;
	v37 =	vmax.f32 v37, v51;
	v42 =	vmax.f32 v44, v39  }
0x4ee: {  	v59 =	vld [tilespmem:$0x18580];
	v39 =	vmin.f32 v44, v39;
	v56 =	vmax.f32 v52, v54;
	v58 =	vmin.f32 v41, v57  }
0x4ef: {  	v41 =	vmax.f32 v41, v57;
	v38 =	vmax.f32 v38, v39;
	v39 =	vmin.f32 v48, v50  }
0x4f0: {  	v63 =	vld [tilespmem:$0x18590];
	v60 =	vmax.f32 v56, v58;
	v43 =	vmax.f32 v42, v39;
	v39 =	vmin.f32 v42, v39  }
0x4f1: {  	v61 =	vmin.f32 v37, v55;
	v37 =	vmax.f32 v37, v55;
	v38 =	vmax.f32 v38, v39  }
0x4f2: {  	v51 =	vld [tilespmem:$0x185A0];
	v39 =	vmin.f32 v52, v54;
	v62 =	vmin.f32 v41, v61;
	v41 =	vmax.f32 v41, v61  }
0x4f3: {  	v49 =	vmin.f32 v37, v59;
	v37 =	vmax.f32 v37, v59;
	v44 =	vmax.f32 v43, v39  }
0x4f4: {  	v39 =	vmin.f32 v43, v39;
	v48 =	vmax.f32 v60, v62;
	v50 =	vmin.f32 v41, v49  }
0x4f5: {  	v41 =	vmax.f32 v41, v49;
	v53 =	vmin.f32 v37, v63;
	v37 =	vmax.f32 v37, v63  }
0x4f6: {  	v55 =	vld [tilespmem:$0x185B0];
	v38 =	vmax.f32 v38, v39;
	v39 =	vmin.f32 v56, v58;
	v52 =	vmax.f32 v48, v50  }
0x4f7: {  	v54 =	vmin.f32 v41, v53;
	v41 =	vmax.f32 v41, v53;
	v57 =	vmin.f32 v37, v51  }
0x4f8: {  	v59 =	vld [tilespmem:$0x185C0];
	v37 =	vmax.f32 v37, v51;
	v42 =	vmax.f32 v44, v39;
	v39 =	vmin.f32 v44, v39  }
0x4f9: {  	v56 =	vmax.f32 v52, v54;
	v58 =	vmin.f32 v41, v57;
	v41 =	vmax.f32 v41, v57  }
0x4fa: {  	v63 =	vld [tilespmem:$0x185D0];
	v38 =	vmax.f32 v38, v39;
	v39 =	vmin.f32 v60, v62;
	v60 =	vmax.f32 v56, v58  }
0x4fb: {  	v51 =	vld [tilespmem:$0x185E0];
	v61 =	vmin.f32 v37, v55;
	v37 =	vmax.f32 v37, v55;
	v43 =	vmax.f32 v42, v39  }
0x4fc: {  	v39 =	vmin.f32 v42, v39;
	v62 =	vmin.f32 v41, v61;
	v41 =	vmax.f32 v41, v61  }
0x4fd: {  	v49 =	vmin.f32 v37, v59;
	v37 =	vmax.f32 v37, v59;
	v38 =	vmax.f32 v38, v39  }
0x4fe: {  	v55 =	vld [tilespmem:$0x185F0];
	v39 =	vmin.f32 v48, v50;
	v48 =	vmax.f32 v60, v62;
	v50 =	vmin.f32 v41, v49  }
0x4ff: {  	v41 =	vmax.f32 v41, v49;
	v53 =	vmin.f32 v37, v63;
	v37 =	vmax.f32 v37, v63  }
0x500: {  	v44 =	vmax.f32 v43, v39;
	v39 =	vmin.f32 v43, v39;
	v57 =	vmin.f32 v37, v51  }
0x501: {  	v59 =	vld [tilespmem:$0x18600];
	v37 =	vmax.f32 v37, v51;
	v38 =	vmax.f32 v38, v39;
	v39 =	vmin.f32 v52, v54  }
0x502: {  	v63 =	vld [tilespmem:$0x18610];
	v52 =	vmax.f32 v48, v50;
	v54 =	vmin.f32 v41, v53;
	v41 =	vmax.f32 v41, v53  }
0x503: {  	v42 =	vmax.f32 v44, v39;
	v39 =	vmin.f32 v44, v39;
	v61 =	vmin.f32 v37, v55  }
0x504: {  	v51 =	vld [tilespmem:$0x18620];
	v37 =	vmax.f32 v37, v55;
	v38 =	vmax.f32 v38, v39;
	v39 =	vmin.f32 v56, v58  }
0x505: {  	v56 =	vmax.f32 v52, v54;
	v58 =	vmin.f32 v41, v57;
	v41 =	vmax.f32 v41, v57  }
0x506: {  	v49 =	vmin.f32 v37, v59;
	v37 =	vmax.f32 v37, v59;
	v43 =	vmax.f32 v42, v39  }
0x507: {  	v55 =	vld [tilespmem:$0x18630];
	v39 =	vmin.f32 v42, v39;
	v53 =	vmin.f32 v37, v63;
	v37 =	vmax.f32 v37, v63  }
0x508: {  	v38 =	vmax.f32 v38, v39;
	v39 =	vmin.f32 v60, v62;
	v60 =	vmax.f32 v56, v58  }
0x509: {  	v59 =	vld [tilespmem:$0x18640];
	v62 =	vmin.f32 v41, v61;
	v41 =	vmax.f32 v41, v61;
	v57 =	vmin.f32 v37, v51  }
0x50a: {  	v37 =	vmax.f32 v37, v51;
	v44 =	vmax.f32 v43, v39;
	v39 =	vmin.f32 v43, v39  }
0x50b: {  	v38 =	vmax.f32 v38, v39;
	v39 =	vmin.f32 v48, v50;
	v48 =	vmax.f32 v60, v62  }
0x50c: {  	v63 =	vld [tilespmem:$0x18650];
	v50 =	vmin.f32 v41, v49;
	v41 =	vmax.f32 v41, v49;
	v61 =	vmin.f32 v37, v55  }
0x50d: {  	v37 =	vmax.f32 v37, v55;
	v42 =	vmax.f32 v44, v39;
	v39 =	vmin.f32 v44, v39  }
0x50e: {  	v49 =	vmin.f32 v37, v59;
	v37 =	vmax.f32 v37, v59;
	v38 =	vmax.f32 v38, v39  }
0x50f: {  	v39 =	vmin.f32 v52, v54;
	v52 =	vmax.f32 v48, v50;
	v54 =	vmin.f32 v41, v53  }
0x510: {  	v41 =	vmax.f32 v41, v53;
	v43 =	vmax.f32 v42, v39;
	v39 =	vmin.f32 v42, v39  }
0x511: {  	v53 =	vmin.f32 v37, v63;
	v37 =	vmax.f32 v37, v63;
	v38 =	vmax.f32 v38, v39  }
0x512: {  	v39 =	vmin.f32 v56, v58;
	v56 =	vmax.f32 v52, v54;
	v58 =	vmin.f32 v41, v57  }
0x513: {  	v41 =	vmax.f32 v41, v57;
	v44 =	vmax.f32 v43, v39;
	v39 =	vmin.f32 v43, v39  }
0x514: {  	v38 =	vmax.f32 v38, v39;
	v39 =	vmin.f32 v60, v62;
	v60 =	vmax.f32 v56, v58  }
0x515: {  	v62 =	vmin.f32 v41, v61;
	v42 =	vmax.f32 v44, v39;
	v39 =	vmin.f32 v44, v39  }
0x516: {  	v41 =	vmax.f32 v41, v61;
	v38 =	vmax.f32 v38, v39;
	v39 =	vmin.f32 v48, v50  }
0x517: {  	v51 =	vld [tilespmem:$0x18660];
	v48 =	vmax.f32 v60, v62;
	v43 =	vmax.f32 v42, v39;
	v39 =	vmin.f32 v42, v39  }
0x518: {  	v50 =	vmin.f32 v41, v49;
	v41 =	vmax.f32 v41, v49;
	v38 =	vmax.f32 v38, v39  }
0x519: {  	v39 =	vmin.f32 v52, v54;
	v52 =	vmax.f32 v48, v50;
	v54 =	vmin.f32 v41, v53  }
0x51a: {  	v41 =	vmax.f32 v41, v53;
	v44 =	vmax.f32 v43, v39;
	v39 =	vmin.f32 v43, v39  }
0x51b: {  	v55 =	vmax.f32 v52, v54;
	v38 =	vmax.f32 v38, v39;
	v39 =	vmin.f32 v56, v58  }
0x51c: {  	v46 =	vld [tilespmem:$0x18670];
	v56 =	vmin.f32 v37, v51;
	v42 =	vmax.f32 v44, v39;
	v39 =	vmin.f32 v44, v39  }
0x51d: {  	v37 =	vmax.f32 v37, v51;
	v38 =	vmax.f32 v38, v39;
	v39 =	vmin.f32 v60, v62  }
0x51e: {  	v57 =	vmin.f32 v41, v56;
	v43 =	vmax.f32 v42, v39;
	v39 =	vmin.f32 v42, v39  }
0x51f: {  	v58 =	vmax.f32 v41, v56;
	v38 =	vmax.f32 v38, v39;
	v39 =	vmin.f32 v48, v50  }
0x520: {  	v59 =	vmin.f32 v55, v57;
	v44 =	vmax.f32 v43, v39;
	v39 =	vmin.f32 v43, v39  }
0x521: {  	v60 =	vmin.f32 v37, v46;
	v38 =	vmax.f32 v38, v39;
	v39 =	vmin.f32 v52, v54  }
0x522: {  	v62 =	vmin.f32 v58, v60;
	v42 =	vmax.f32 v44, v39;
	v39 =	vmin.f32 v44, v39  }
0x523: {  	v43 =	vmax.f32 v37, v46;
	v38 =	vmax.f32 v38, v39;
	v39 =	vmax.f32 v55, v57  }
0x524: {  	v61 =	vmin.f32 v42, v59;
	v47 =	vmax.f32 v42, v59;
	v48 =	vmin.f32 v39, v62  }
0x525: {  	v42 =	vmax.f32 v58, v60;
	v38 =	vmax.f32 v38, v61;
	v63 =	vmin.f32 v47, v48  }
0x526: {  	v41 =	vmax.f32 v39, v62;
	v40 =	vmax.f32 v47, v48;
	v39 =	vmax.f32 v38, v63  }
.LBB2_24:
0x527: {  	(xrf0) =	vmax.scan.msk.f32 $0xffff, v43;
	_ =	sdelay $0x5  }
0x528: {  	v37, _, _ =	vpop (xrf0)  }
0x529: {  	v37 =	vbroadcast v37, $0xF;
	_ =	sdelay $0x1  }
0x52a: {  	vm0 =	veq.f32 v43, v37  }
0x52b: {  	v38 =	vsel vm0, $0x1, v1  }
0x52c: {  	(xrf0) =	vadd.scan.msk.s32 $0xffff, v38;
	_ =	sdelay $0x5  }
0x52d: {  	v38, _, _ =	vpop (xrf0)  }
0x52e: {  	vm1 =	veq.s32 v38, $0x1  }
0x52f: {  	vm0 =	vmand vm0, vm1  }
0x530: {  	v62 =	vsel vm0, v42, v43  }
0x531: {  	(xrf0) =	vmax.scan.msk.f32 $0xffff, v62;
	_ =	sdelay $0x5  }
0x532: {  	v63, _, _ =	vpop (xrf0)  }
0x533: {  	v9 =	vadd.f32 v25, v9;
	v43 =	vbroadcast v63, $0xF  }
0x534: {  	v11 =	vadd.f32 v24, v11;
	v10 =	vadd.f32 v23, v10  }
0x535: {  	v7 =	vadd.f32 v22, v7;
	v8 =	vadd.f32 v21, v8;
	vm10 =	veq.f32 v62, v43  }
0x536: {  	v9 =	vadd.f32 v20, v9;
	v11 =	vadd.f32 v19, v11;
	v25 =	vsel vm10, $0x1, v1  }
0x537: {  	v10 =	vadd.f32 v17, v10;
	v7 =	vadd.f32 v16, v7;
	(xrf0) =	vadd.scan.msk.s32 $0xffff, v25  }
0x538: {  	v9 =	vadd.f32 v18, v9;
	v11 =	vadd.f32 v15, v11  }
0x539: {  	v8 =	vadd.f32 v14, v8;
	v10 =	vadd.f32 v26, v10  }
0x53a: {  	v9 =	vadd.f32 v29, v9;
	v11 =	vadd.f32 v30, v11  }
0x53b: {  	v7 =	vadd.f32 v27, v7;
	v10 =	vadd.f32 v31, v10  }
0x53c: {  	v9 =	vadd.f32 v36, v9;
	v11 =	vadd.f32 v33, v11  }
0x53d: {  	v7 =	vadd.f32 v28, v7;
	v10 =	vadd.f32 v32, v10;
	v31, _, _ =	vpop (xrf0)  }
0x53e: {  	v9 =	vadd.f32 v34, v9;
	v11 =	vadd.f32 v35, v11;
	vm2 =	veq.s32 v31, $0x1  }
0x53f: {  	v8 =	vadd.f32 v12, v8;
	v32 =	vsel vm0, v41, v42;
	vm1 =	vmand vm10, vm2  }
0x540: {  	v7 =	vadd.f32 v10, v7;
	v9 =	vadd.f32 v11, v9;
	v33 =	vsel vm1, v32, v62  }
0x541: {  	(xrf0) =	vmax.scan.msk.f32 $0xffff, v33  }
0x542: {  	v8 =	vadd.f32 v13, v8;
	v7 =	vadd.f32 v9, v7;
	_ =	sdelay $0x1  }
0x543: {  	v7 =	vadd.f32 v7, v8;
	_ =	sdelay $0x1  }
0x544: {  	(xrf2) =	vadd.scan.msk.f32 $0xffff, v7  }
0x545: {  	v34, _, _ =	vpop (xrf0)  }
0x546: {  	v7 =	vbroadcast v34, $0xF;
	_ =	sdelay $0x1  }
0x547: {  	vm11 =	veq.f32 v33, v7  }
0x548: {  	v35 =	vsel vm11, $0x1, v1  }
0x549: {  	(xrf0) =	vadd.scan.msk.s32 $0xffff, v35;
	_ =	sdelay $0x3  }
0x54a: {  	v36, _, _ =	vpop (xrf2)  }
0x54b: {  	v8 =	vbroadcast v36, $0xF  }
0x54c: {  	v38, _, _ =	vpop (xrf0)  }
0x54d: {  	v42 =	vsel vm0, v40, v41;
	v45 =	vand.u32 $0x7FFFFF, v8;
	vm3 =	veq.s32 v38, $0x1  }
0x54e: {  	v11 =	vor.u32 $0x3F800000, v45;
	v44 =	vsel vm1, v42, v32;
	vm3 =	vmand vm11, vm3  }
0x54f: {  	v46 =	vmul.f32 $5.000000000e-01, v11;
	v12 =	vsel vm3, v44, v33  }
0x550: {  	vm12 =	vgt.f32 v11, $1.414213540e+00;
	(xrf0) =	vmax.scan.msk.f32 $0xffff, v12  }
0x551: {  	v11 =	vsel vm12, v46, v11  }
0x552: {  	v13 =	vadd.f32 $1.000000000e+00, v11;
	_ =	sdelay $0x1  }
0x553: {  	(erf) = vrcp.f32 v13;
	_ =	sdelay $0x1  }
0x554: {  	v47, _, _ =	vpop (xrf0)  }
0x555: {  	v13 =	vbroadcast v47, $0xF;
	_ =	sdelay $0x1  }
0x556: {  	vm4 =	veq.f32 v12, v13  }
0x557: {  	v48 =	vsel vm4, $0x1, v1  }
0x558: {  	v6 =	vld.idx.msk [tilespmem:v6+s11+$0x0], $0xffff;
	(xrf0) =	vadd.scan.msk.s32 $0xffff, v48  }
0x559: {  	v11 =	vadd.f32 $-1.000000000e+00, v11  }
0x55a: {  	v49 =	vpop (erf)  }
0x55b: {  	v11 =	vmul.f32 v49, v11;
	_ =	sdelay $0x1  }
0x55c: {  	v53 =	vadd.s32 $0xFFFE7980, v6;
	v52 =	vmul.f32 v11, v11  }
0x55d: {  	vm14 =	vgt.s32 v53, $0x0;
	v50 =	vsel vm0, v39, v40;
	v51, _, _ =	vpop (xrf0)  }
0x55e: {  	v10 =	vsel vm1, v50, v42;
	v54 =	vmul.f32 $1.428571490e-01, v52;
	vm13 =	veq.s32 v51, $0x1  }
0x55f: {  	v9 =	vsel vm3, v10, v44;
	v10 =	vnsel vm14, $0x0, v53;
	vm0 =	vmand vm4, vm13  }
0x560: {  	v56 =	vadd.f32 $2.000000030e-01, v54;
	v55 =	vmin.u32 v10, $0x1F;
	v9 =	vsel vm0, v9, v12  }
0x561: {  	v57 =	vadd.f32 $0.0e+00, v37;
	(xrf0) =	vmax.scan.msk.f32 $0xffff, v9;
	v9 =	vshll.u32 v55, $0x7  }
0x562: {  	v58 =	vmul.f32 v56, v52;
	v5 =	vadd.s32 v5, v9  }
0x563: {  	v59 =	vadd.f32 v43, v57;
	v4 =	vor.u32 v4, v5  }
0x564: {  	v8 =	vshra.s32 v8, $0x17;
	v60 =	vsel vm12, $0x1, v1;
	v5 =	vadd.f32 $3.333333430e-01, v58  }
0x565: {  	v8 =	vadd.s32 v60, v8  }
0x566: {  	v8 =	vadd.s32 $0xFFFFFF81, v8;
	v7 =	vadd.f32 v7, v59;
	v5 =	vmul.f32 v5, v52  }
0x567: {  	v63 =	vld.idx.msk [tilespmem:v6+s3+$0x0], $0xffff;
	v8 =	vcvt.s32.f32 v8;
	v11 =	vadd.f32 v11, v11;
	v61, _, _ =	vpop (xrf0)  }
0x568: {  	v7 =	vadd.f32 v13, v7;
	v5 =	vadd.f32 $1.000000000e+00, v5;
	v62 =	vbroadcast v61, $0xF;
	v4 =	vld.idx.msk [tilespmem:v4+s13+$0x0], $0xffff;
	_ =	sdelay $0x1  }
0x569: {  	v8 =	vmul.f32 $6.931471820e-01, v8;
	v5 =	vmul.f32 v5, v11;
	v7 =	vadd.f32 v62, v7;
	_ =	sdelay $0x1  }
0x56a: {  	vm15 =	vlt.s32 v6, $0x18680;
	v5 =	vadd.f32 v5, v8;
	v6 =	vmul.f32 $-1.999999960e-02, v7  }
0x56b: {  	p0 =	seq.s32 s29, $0x3;
	v4 =	vsel vm15, v63, v4  }
.Ltmp15:
0x56c: {  	v5 =	vadd.f32 v6, v5;
	v4 =	vmul.f32 $-8.999999760e-01, v4;
	(pc) =	sbr.rel @p0 .LBB2_26-.Ltmp15, $3  }
0x56d: {  	_ = 	snop  }
0x56e: {  	v5 =	vadd.f32 v4, v5;
	_ =	sdelay $0x1  }
0x56f: {  	v4 =	vadd.f32 v5, v3  }
0x570: {  	s0 =	sadd.s32 $0x1, s30  }
0x571: {  	s1 =	sshrl.u32 s0, $0x3  }
0x572: {  	s0 =	sshll.u32 s0, $0x7;
	s1 =	smul.u32 $0xC3800, s1  }
0x573: {  	s0 =	sand.u32 $0x380, s0  }
0x574: {  	s0 =	sor.u32 s0, s1  }
.Ltmp16:
0x575: {  	s0 =	sshrl.u32 s0, $0x3;
	(pc) =	sbr.rel .LBB2_2-.Ltmp16, $4  }
0x576: {  	s0 =	sadd.s32 s5, s0  }
0x577: {  	[tilespmem:s3], [sflag:$0x1] =	stream.strided.gather [hbm4b:s0+s14], $0x3200, s15, s14, $0x38;
	[tilespmem:$0x1A800] =	vst v63  }
0x578: {  	s29 =	sadd.s32 $0x1, s29;
	s0 =	sadd.s32 $0x3200, s0  }
0x579: {  	v3 =	vmov v4;
	[tilespmem:s17], [sflag:$0x2] =	stream.strided.gather [hbm4b:s0+s14], $0x3200, s15, s14, $0x38;
	[tilespmem:$0x1A800] =	vst v63  }
.LBB2_27:
0x57a: {  	_ =	sfence.sel $0x180000  }
0x57b: {  	[bflag:$0x0] =	sbarrier.arrive $0xFFFF  }
0x57c: {  	_ =	strace $0x90000047  }
0x57d: {  	s0 =	stileid.u32;
	[bflag:$0x2] =	sbarrier.arrive $0xFFFF  }
0x57e: {  	p0 =	sne.s32 s0, $0x0;
	s0 =	rddreg [dreg:$0x2]  }
0x57f: {  	s0 =	sadd.s32 @!p0 $0x100000, s0  }
0x580: {  	[sflag:s0] =	ssyncadd.tile.s32 @!p0 $0x1;
	_ =	shalt  }
.Lfunc_end2:
_tile_overlayer_lowered:
.L_overlay_start_2:
0x581: {  	(tag) =	ssettag $0x2  }
0x582: {  	s0 =	rddreg [dreg:$0x0];
	s2 =	stileid.u32  }
0x583: {  	s1 =	rddreg [dreg:$0x1];
	p0 =	sne.s32 s2, $0x0  }
0x584: {  	s3 =	rddreg [dreg:$0x2];
	[bflag:$0x3] =	sbarrier.arrive $0xFFFF;
	s2 =	simm.s32 @!p0 $0x1C03  }
0x585: {  	[timem:s3], [sflag:s2] =	dma.local @!p0 [hbm:s0], s1  }
0x586: {  	s0 =	simm.s32 @!p0 $0x3  }
0x587: {  	_ =	swait.ge @!p0 [sflag:s0], s1  }
0x588: {  	s1 =	ssub.s32 @!p0 $0x0, s1;
	[sflag:s0] =	ssyncset.done @!p0 $0x0  }
0x589: {  	[sflag:s0] =	ssyncadd.s32 @!p0 s1  }
0x58a: {  	[bflag:$0x3] =	sbarrier.arrive $0xFFFF  }
0x58b: {  	_ =	shalt  }

</sc_bundles>
